<compile_context>
chip_gen: v7x
topology: tpu7x:2x2x1
jax: 0.10.2.dev20260603
libtpu: 0.0.44.dev20260713+nightly
codegen_flags: <defaults>
</compile_context>

<pallas_src>
import functools

import jax
import jax.numpy as jnp
from jax import lax
from jax.experimental import pallas as pl
from jax.experimental.pallas import tpu as pltpu
from jax.experimental.pallas import tpu_sc as plsc

N_NODES = 100000
D = 128
S = 256
B = 128
NW = 32
MAXNB = 25
NB31 = 6
TAIL = 32
TAIL_BASE = N_NODES - TAIL

_mesh = plsc.VectorSubcoreMesh(core_axis_name="c", subcore_axis_name="s")


@functools.partial(
    pl.kernel,
    out_type=jax.ShapeDtypeStruct((2, S, D), jnp.float32),
    mesh=_mesh,
    scratch_types=[
        pltpu.VMEM((6, B), jnp.int32),
        pltpu.VMEM((B, D), jnp.float32),
        pltpu.VMEM((B, D), jnp.float32),
        pltpu.VMEM((B, D), jnp.float32),
        pltpu.VMEM((B, D), jnp.float32),
        pltpu.VMEM((B, D), jnp.float32),
        pltpu.VMEM((B, D), jnp.float32),
        pltpu.VMEM((TAIL,), jnp.int32),
        pltpu.VMEM((TAIL, D), jnp.float32),
        pltpu.VMEM((16, D), jnp.float32),
        pltpu.VMEM_SHARED((S, D), jnp.float32),
        pltpu.SemaphoreType.DMA,
        pltpu.SemaphoreType.DMA,
        pltpu.SemaphoreType.DMA,
        pltpu.SemaphoreType.DMA,
        pltpu.SemaphoreType.DMA,
        pltpu.SemaphoreType.DMA,
        pltpu.SemaphoreType.DMA,
        pltpu.SemaphoreType.DMA,
        pltpu.SemaphoreType.DMA,
        pltpu.SemaphoreType.DMA,
        pltpu.SemaphoreType.DMA,
        pltpu.SemaphoreType.DMA,
        pltpu.SemaphoreType.DMA,
    ],
)
def _sc_segsum(feat_hbm, ids_hbm, out_hbm, idxb,
               rows0, rows1, rows2, rows3, rows4, rows5,
               tidx_v, trows_v, stage_v, acc_sh,
               dsem0, dsem1, dsem2, dsem3, dsem4, dsem5,
               ssem0, ssem1, ssem2, ssem3, ssem4, ssem5, tsem):
    cid = lax.axis_index("c")
    sid = lax.axis_index("s")
    wid = sid * 2 + cid

    rows = (rows0, rows1, rows2, rows3, rows4, rows5)
    dsem = (dsem0, dsem1, dsem2, dsem3, dsem4, dsem5)
    ssem = (ssem0, ssem1, ssem2, ssem3, ssem4, ssem5)
    NBUF = 6

    row0 = wid * MAXNB * B

    def guard(j):
        return (wid < NW - 1) | (j < NB31)

    def start(j):
        pltpu.async_copy(ids_hbm.at[pl.ds(row0 + j * B, B)],
                         idxb.at[j % NBUF], dsem[j % NBUF])
        pltpu.async_copy(feat_hbm.at[pl.ds(row0 + j * B, B)], rows[j % NBUF],
                         dsem[j % NBUF])

    def maybe(j, fn):
        if j < NB31:
            fn(j)
        else:
            pl.when(guard(j))(lambda: fn(j))

    for j in range(3):
        maybe(j, start)

    @pl.when(wid == NW - 1)
    def _():
        pltpu.async_copy(ids_hbm.at[pl.ds(TAIL_BASE, TAIL)], tidx_v, tsem)
        pltpu.async_copy(feat_hbm.at[pl.ds(TAIL_BASE, TAIL)], trows_v, tsem)

    zeros16 = jnp.zeros((16,), jnp.float32)
    for r in range(16):
        for c in range(D // 16):
            stage_v[r, pl.ds(c * 16, 16)] = zeros16
    pltpu.sync_copy(stage_v, acc_sh.at[pl.ds(sid * 16, 16)])
    plsc.subcore_barrier()

    def wait_rows(j):
        pltpu.make_async_copy(ids_hbm.at[pl.ds(row0 + j * B, B)],
                              idxb.at[j % NBUF], dsem[j % NBUF]).wait()
        pltpu.make_async_copy(feat_hbm.at[pl.ds(row0 + j * B, B)],
                              rows[j % NBUF], dsem[j % NBUF]).wait()

    def scat(j):
        pltpu.async_copy(rows[j % NBUF], acc_sh.at[idxb.at[j % NBUF]],
                         ssem[j % NBUF], add=True)

    def wait_scat(j):
        pltpu.make_async_copy(rows[j % NBUF], acc_sh.at[idxb.at[j % NBUF]],
                              ssem[j % NBUF]).wait()

    for i in range(MAXNB):
        if i + 3 < MAXNB:
            if i - 3 >= 0:
                maybe(i - 3, wait_scat)
            maybe(i + 3, start)
        maybe(i, wait_rows)
        maybe(i, scat)
    for j in range(MAXNB - 6, MAXNB):
        maybe(j, wait_scat)

    @pl.when(wid == NW - 1)
    def _():
        pltpu.make_async_copy(ids_hbm.at[pl.ds(TAIL_BASE, TAIL)], tidx_v,
                              tsem).wait()
        pltpu.make_async_copy(feat_hbm.at[pl.ds(TAIL_BASE, TAIL)], trows_v,
                              tsem).wait()
        pltpu.sync_copy(trows_v, acc_sh.at[tidx_v], add=True)

    plsc.subcore_barrier()

    pltpu.sync_copy(acc_sh.at[pl.ds(sid * 16, 16)],
                    out_hbm.at[cid, pl.ds(sid * 16, 16)])


def _combine_body(p_ref, o_ref):
    o_ref[...] = p_ref[0] + p_ref[1]


def kernel(features, segment_ids):
    ids = segment_ids.astype(jnp.int32)
    partials = _sc_segsum(features, ids)
    return pl.pallas_call(
        _combine_body,
        out_shape=jax.ShapeDtypeStruct((S, D), jnp.float32),
    )(partials)

# --- scband reference (transcript-rebuilt; emitter-appended) ---
"""Pipeline reference for scband-sum-pooling-54700703482382 (READ-ONLY COPY).

The authoritative reference and input builder live on the scoring server;
editing this copy changes nothing except your own understanding.
"""

import jax, jax.numpy as jnp
import numpy as np

N_NODES = 100000
D_FEAT = 128
NUM_SEGMENTS = 256

def setup_inputs(seed: int = 0) -> dict:
    key = jax.random.key(seed)
    k1, k2 = jax.random.split(key)
    features = jax.random.normal(k1, (N_NODES, D_FEAT), dtype=jnp.float32)
    segment_ids = jnp.sort(jax.random.randint(k2, (N_NODES,), 0, NUM_SEGMENTS, dtype=jnp.int64))
    return {"features": features, "segment_ids": segment_ids}

def reference(features, segment_ids):
    # Faithful translation of DGL-style SumPooling: for each graph in the batch,
    # sum its node features. torch.split over batch_num_nodes + per-chunk sum + stack
    # is exactly a segment_sum over sorted segment ids (graph membership).
    out = jax.ops.segment_sum(features, segment_ids, num_segments=NUM_SEGMENTS)
    return out

if __name__ == "__main__":
    import jax
    _d = setup_inputs()
    print(jax.jit(kernel)(*tuple(_d.values())))

</pallas_src>

<mosaic_0001>
#map = affine_map<(d0, d1) -> (0, 0)>
#map1 = affine_map<(d0, d1) -> (0)>
#map2 = affine_map<(d0, d1) -> (0, 0, 0)>
module attributes {stable_mosaic.version = 14 : i64} {
  func.func @_sc_segsum(%arg0: i32, %arg1: i32, %arg2: memref<100000x128xf32, #tpu.memory_space<hbm>>, %arg3: memref<100000xi32, #tpu.memory_space<hbm>>, %arg4: memref<2x256x128xf32, #tpu.memory_space<hbm>>, %arg5: memref<6x128xi32, #tpu.memory_space<vmem>>, %arg6: memref<128x128xf32, #tpu.memory_space<vmem>>, %arg7: memref<128x128xf32, #tpu.memory_space<vmem>>, %arg8: memref<128x128xf32, #tpu.memory_space<vmem>>, %arg9: memref<128x128xf32, #tpu.memory_space<vmem>>, %arg10: memref<128x128xf32, #tpu.memory_space<vmem>>, %arg11: memref<128x128xf32, #tpu.memory_space<vmem>>, %arg12: memref<32xi32, #tpu.memory_space<vmem>>, %arg13: memref<32x128xf32, #tpu.memory_space<vmem>>, %arg14: memref<16x128xf32, #tpu.memory_space<vmem>>, %arg15: memref<256x128xf32, #tpu.memory_space<vmem_shared>>, %arg16: memref<!tpu.dma_semaphore, #tpu.memory_space<semaphore_mem>>, %arg17: memref<!tpu.dma_semaphore, #tpu.memory_space<semaphore_mem>>, %arg18: memref<!tpu.dma_semaphore, #tpu.memory_space<semaphore_mem>>, %arg19: memref<!tpu.dma_semaphore, #tpu.memory_space<semaphore_mem>>, %arg20: memref<!tpu.dma_semaphore, #tpu.memory_space<semaphore_mem>>, %arg21: memref<!tpu.dma_semaphore, #tpu.memory_space<semaphore_mem>>, %arg22: memref<!tpu.dma_semaphore, #tpu.memory_space<semaphore_mem>>, %arg23: memref<!tpu.dma_semaphore, #tpu.memory_space<semaphore_mem>>, %arg24: memref<!tpu.dma_semaphore, #tpu.memory_space<semaphore_mem>>, %arg25: memref<!tpu.dma_semaphore, #tpu.memory_space<semaphore_mem>>, %arg26: memref<!tpu.dma_semaphore, #tpu.memory_space<semaphore_mem>>, %arg27: memref<!tpu.dma_semaphore, #tpu.memory_space<semaphore_mem>>, %arg28: memref<!tpu.dma_semaphore, #tpu.memory_space<semaphore_mem>>) attributes {dimension_semantics = [#tpu.dimension_semantics<core_parallel>, #tpu.dimension_semantics<subcore_parallel>], iteration_bounds = array<i64: 2, 16>, scalar_prefetch = 0 : i64, scratch_operands = 24 : i64, tpu.core_type = #tpu.core_type<sc_vector_subcore>, window_params = [{transform_indices = #map}, {transform_indices = #map1}, {transform_indices = #map2}]} {
    %mul3A = arith.constant 2 : i32
    %mul3A_0 = arith.muli %arg1, %mul3A : i32
    %add3A = arith.addi %mul3A_0, %arg0 : i32
    %mul3A_1 = arith.constant 25 : i32
    %mul3A_2 = arith.muli %add3A, %mul3A_1 : i32
    %mul3A_3 = arith.constant 128 : i32
    %mul3A_4 = arith.muli %mul3A_2, %mul3A_3 : i32
    %add3A_5 = arith.constant 0 : i32
    %add3A_6 = arith.addi %mul3A_4, %add3A_5 : i32
    %dma_start3A = arith.constant 0 : i32
    %dma_start3A_7 = arith.constant 0 : i32
    %dma_start3A_8 = tpu.memref_slice %arg5[%dma_start3A, %dma_start3A_7] : memref<6x128xi32, #tpu.memory_space<vmem>> -> memref<1x128xi32, #tpu.memory_space<vmem>>
    %dma_start3A_9 = tpu.memref_squeeze %dma_start3A_8 : memref<1x128xi32, #tpu.memory_space<vmem>> -> memref<128xi32, #tpu.memory_space<vmem>>
    %dma_start3A_10 = tpu.memref_slice %arg3[%add3A_6] : memref<100000xi32, #tpu.memory_space<hbm>> -> memref<128xi32, #tpu.memory_space<hbm>>
    %dma_start3A_11 = arith.constant 0 : i32
    %dma_start3A_12 = tpu.memref_slice %arg5[%dma_start3A, %dma_start3A_11] : memref<6x128xi32, #tpu.memory_space<vmem>> -> memref<1x128xi32, #tpu.memory_space<vmem>>
    %dma_start3A_13 = tpu.memref_squeeze %dma_start3A_12 : memref<1x128xi32, #tpu.memory_space<vmem>> -> memref<128xi32, #tpu.memory_space<vmem>>
    %dma_start3A_14 = tpu.memref_slice %arg3[%add3A_6] : memref<100000xi32, #tpu.memory_space<hbm>> -> memref<128xi32, #tpu.memory_space<hbm>>
    tpu.enqueue_dma source(%dma_start3A_14 : memref<128xi32, #tpu.memory_space<hbm>>) target(%dma_start3A_13 : memref<128xi32, #tpu.memory_space<vmem>>) target_semaphore(%arg16 : memref<!tpu.dma_semaphore, #tpu.memory_space<semaphore_mem>>)
    %add3A_15 = arith.constant 0 : i32
    %add3A_16 = arith.addi %mul3A_4, %add3A_15 : i32
    %dma_start3A_17 = arith.constant 0 : i32
    %dma_start3A_18 = tpu.memref_slice %arg2[%add3A_16, %dma_start3A_17] : memref<100000x128xf32, #tpu.memory_space<hbm>> -> memref<128x128xf32, #tpu.memory_space<hbm>>
    %dma_start3A_19 = arith.constant 0 : i32
    %dma_start3A_20 = tpu.memref_slice %arg2[%add3A_16, %dma_start3A_19] : memref<100000x128xf32, #tpu.memory_space<hbm>> -> memref<128x128xf32, #tpu.memory_space<hbm>>
    tpu.enqueue_dma source(%dma_start3A_20 : memref<128x128xf32, #tpu.memory_space<hbm>>) target(%arg6 : memref<128x128xf32, #tpu.memory_space<vmem>>) target_semaphore(%arg16 : memref<!tpu.dma_semaphore, #tpu.memory_space<semaphore_mem>>)
    %add3A_21 = arith.constant 128 : i32
    %add3A_22 = arith.addi %mul3A_4, %add3A_21 : i32
    %dma_start3A_23 = arith.constant 1 : i32
    %dma_start3A_24 = arith.constant 0 : i32
    %dma_start3A_25 = tpu.memref_slice %arg5[%dma_start3A_23, %dma_start3A_24] : memref<6x128xi32, #tpu.memory_space<vmem>> -> memref<1x128xi32, #tpu.memory_space<vmem>>
    %dma_start3A_26 = tpu.memref_squeeze %dma_start3A_25 : memref<1x128xi32, #tpu.memory_space<vmem>> -> memref<128xi32, #tpu.memory_space<vmem>>
    %dma_start3A_27 = tpu.memref_slice %arg3[%add3A_22] : memref<100000xi32, #tpu.memory_space<hbm>> -> memref<128xi32, #tpu.memory_space<hbm>>
    %dma_start3A_28 = arith.constant 0 : i32
    %dma_start3A_29 = tpu.memref_slice %arg5[%dma_start3A_23, %dma_start3A_28] : memref<6x128xi32, #tpu.memory_space<vmem>> -> memref<1x128xi32, #tpu.memory_space<vmem>>
    %dma_start3A_30 = tpu.memref_squeeze %dma_start3A_29 : memref<1x128xi32, #tpu.memory_space<vmem>> -> memref<128xi32, #tpu.memory_space<vmem>>
    %dma_start3A_31 = tpu.memref_slice %arg3[%add3A_22] : memref<100000xi32, #tpu.memory_space<hbm>> -> memref<128xi32, #tpu.memory_space<hbm>>
    tpu.enqueue_dma source(%dma_start3A_31 : memref<128xi32, #tpu.memory_space<hbm>>) target(%dma_start3A_30 : memref<128xi32, #tpu.memory_space<vmem>>) target_semaphore(%arg17 : memref<!tpu.dma_semaphore, #tpu.memory_space<semaphore_mem>>)
    %add3A_32 = arith.constant 128 : i32
    %add3A_33 = arith.addi %mul3A_4, %add3A_32 : i32
    %dma_start3A_34 = arith.constant 0 : i32
    %dma_start3A_35 = tpu.memref_slice %arg2[%add3A_33, %dma_start3A_34] : memref<100000x128xf32, #tpu.memory_space<hbm>> -> memref<128x128xf32, #tpu.memory_space<hbm>>
    %dma_start3A_36 = arith.constant 0 : i32
    %dma_start3A_37 = tpu.memref_slice %arg2[%add3A_33, %dma_start3A_36] : memref<100000x128xf32, #tpu.memory_space<hbm>> -> memref<128x128xf32, #tpu.memory_space<hbm>>
    tpu.enqueue_dma source(%dma_start3A_37 : memref<128x128xf32, #tpu.memory_space<hbm>>) target(%arg7 : memref<128x128xf32, #tpu.memory_space<vmem>>) target_semaphore(%arg17 : memref<!tpu.dma_semaphore, #tpu.memory_space<semaphore_mem>>)
    %add3A_38 = arith.constant 256 : i32
    %add3A_39 = arith.addi %mul3A_4, %add3A_38 : i32
    %dma_start3A_40 = arith.constant 2 : i32
    %dma_start3A_41 = arith.constant 0 : i32
    %dma_start3A_42 = tpu.memref_slice %arg5[%dma_start3A_40, %dma_start3A_41] : memref<6x128xi32, #tpu.memory_space<vmem>> -> memref<1x128xi32, #tpu.memory_space<vmem>>
    %dma_start3A_43 = tpu.memref_squeeze %dma_start3A_42 : memref<1x128xi32, #tpu.memory_space<vmem>> -> memref<128xi32, #tpu.memory_space<vmem>>
    %dma_start3A_44 = tpu.memref_slice %arg3[%add3A_39] : memref<100000xi32, #tpu.memory_space<hbm>> -> memref<128xi32, #tpu.memory_space<hbm>>
    %dma_start3A_45 = arith.constant 0 : i32
    %dma_start3A_46 = tpu.memref_slice %arg5[%dma_start3A_40, %dma_start3A_45] : memref<6x128xi32, #tpu.memory_space<vmem>> -> memref<1x128xi32, #tpu.memory_space<vmem>>
    %dma_start3A_47 = tpu.memref_squeeze %dma_start3A_46 : memref<1x128xi32, #tpu.memory_space<vmem>> -> memref<128xi32, #tpu.memory_space<vmem>>
    %dma_start3A_48 = tpu.memref_slice %arg3[%add3A_39] : memref<100000xi32, #tpu.memory_space<hbm>> -> memref<128xi32, #tpu.memory_space<hbm>>
    tpu.enqueue_dma source(%dma_start3A_48 : memref<128xi32, #tpu.memory_space<hbm>>) target(%dma_start3A_47 : memref<128xi32, #tpu.memory_space<vmem>>) target_semaphore(%arg18 : memref<!tpu.dma_semaphore, #tpu.memory_space<semaphore_mem>>)
    %add3A_49 = arith.constant 256 : i32
    %add3A_50 = arith.addi %mul3A_4, %add3A_49 : i32
    %dma_start3A_51 = arith.constant 0 : i32
    %dma_start3A_52 = tpu.memref_slice %arg2[%add3A_50, %dma_start3A_51] : memref<100000x128xf32, #tpu.memory_space<hbm>> -> memref<128x128xf32, #tpu.memory_space<hbm>>
    %dma_start3A_53 = arith.constant 0 : i32
    %dma_start3A_54 = tpu.memref_slice %arg2[%add3A_50, %dma_start3A_53] : memref<100000x128xf32, #tpu.memory_space<hbm>> -> memref<128x128xf32, #tpu.memory_space<hbm>>
    tpu.enqueue_dma source(%dma_start3A_54 : memref<128x128xf32, #tpu.memory_space<hbm>>) target(%arg8 : memref<128x128xf32, #tpu.memory_space<vmem>>) target_semaphore(%arg18 : memref<!tpu.dma_semaphore, #tpu.memory_space<semaphore_mem>>)
    %eq3A = arith.constant 31 : i32
    %eq3A_55 = arith.cmpi eq, %add3A, %eq3A : i32
    %convert_element_type3A = arith.extui %eq3A_55 : i1 to i32
    %cond3A = arith.constant 0 : i32
    %cond3A_56 = arith.cmpi ne, %convert_element_type3A, %cond3A : i32
    scf.if %cond3A_56 {
      %dma_start3A_1603 = arith.constant 99968 : i32
      %dma_start3A_1604 = tpu.memref_slice %arg3[%dma_start3A_1603] : memref<100000xi32, #tpu.memory_space<hbm>> -> memref<32xi32, #tpu.memory_space<hbm>>
      %dma_start3A_1605 = arith.constant 99968 : i32
      %dma_start3A_1606 = tpu.memref_slice %arg3[%dma_start3A_1605] : memref<100000xi32, #tpu.memory_space<hbm>> -> memref<32xi32, #tpu.memory_space<hbm>>
      tpu.enqueue_dma source(%dma_start3A_1606 : memref<32xi32, #tpu.memory_space<hbm>>) target(%arg12 : memref<32xi32, #tpu.memory_space<vmem>>) target_semaphore(%arg28 : memref<!tpu.dma_semaphore, #tpu.memory_space<semaphore_mem>>)
      %dma_start3A_1607 = arith.constant 99968 : i32
      %dma_start3A_1608 = arith.constant 0 : i32
      %dma_start3A_1609 = tpu.memref_slice %arg2[%dma_start3A_1607, %dma_start3A_1608] : memref<100000x128xf32, #tpu.memory_space<hbm>> -> memref<32x128xf32, #tpu.memory_space<hbm>>
      %dma_start3A_1610 = arith.constant 99968 : i32
      %dma_start3A_1611 = arith.constant 0 : i32
      %dma_start3A_1612 = tpu.memref_slice %arg2[%dma_start3A_1610, %dma_start3A_1611] : memref<100000x128xf32, #tpu.memory_space<hbm>> -> memref<32x128xf32, #tpu.memory_space<hbm>>
      tpu.enqueue_dma source(%dma_start3A_1612 : memref<32x128xf32, #tpu.memory_space<hbm>>) target(%arg13 : memref<32x128xf32, #tpu.memory_space<vmem>>) target_semaphore(%arg28 : memref<!tpu.dma_semaphore, #tpu.memory_space<semaphore_mem>>)
    } else {
    }
    %broadcast_in_dim3A = arith.constant 0.000000e+00 : f32
    %broadcast_in_dim3A_57 = vector.broadcast %broadcast_in_dim3A : f32 to vector<16xf32>
    %swap3A = arith.constant 0 : i32
    %swap3A_58 = arith.index_cast %swap3A : i32 to index
    %swap3A_59 = arith.constant 0 : index
    %swap3A_60 = tpu.vector_load %arg14[%swap3A_58, %swap3A_59] {strides = array<i32>} : memref<16x128xf32, #tpu.memory_space<vmem>>, vector<1x16xf32>,
    %swap3A_61 = vector.shape_cast %swap3A_60 : vector<1x16xf32> to vector<16xf32>
    %swap3A_62 = vector.shape_cast %broadcast_in_dim3A_57 : vector<16xf32> to vector<1x16xf32>
    tpu.vector_store %arg14[%swap3A_58, %swap3A_59], %swap3A_62 {strides = array<i32>} : memref<16x128xf32, #tpu.memory_space<vmem>>, vector<1x16xf32>,
    %swap3A_63 = arith.constant 0 : i32
    %swap3A_64 = arith.index_cast %swap3A_63 : i32 to index
    %swap3A_65 = arith.constant 16 : index
    %swap3A_66 = tpu.vector_load %arg14[%swap3A_64, %swap3A_65] {strides = array<i32>} : memref<16x128xf32, #tpu.memory_space<vmem>>, vector<1x16xf32>,
    %swap3A_67 = vector.shape_cast %swap3A_66 : vector<1x16xf32> to vector<16xf32>
    %swap3A_68 = vector.shape_cast %broadcast_in_dim3A_57 : vector<16xf32> to vector<1x16xf32>
    tpu.vector_store %arg14[%swap3A_64, %swap3A_65], %swap3A_68 {strides = array<i32>} : memref<16x128xf32, #tpu.memory_space<vmem>>, vector<1x16xf32>,
    %swap3A_69 = arith.constant 0 : i32
    %swap3A_70 = arith.index_cast %swap3A_69 : i32 to index
    %swap3A_71 = arith.constant 32 : index
    %swap3A_72 = tpu.vector_load %arg14[%swap3A_70, %swap3A_71] {strides = array<i32>} : memref<16x128xf32, #tpu.memory_space<vmem>>, vector<1x16xf32>,
    %swap3A_73 = vector.shape_cast %swap3A_72 : vector<1x16xf32> to vector<16xf32>
    %swap3A_74 = vector.shape_cast %broadcast_in_dim3A_57 : vector<16xf32> to vector<1x16xf32>
    tpu.vector_store %arg14[%swap3A_70, %swap3A_71], %swap3A_74 {strides = array<i32>} : memref<16x128xf32, #tpu.memory_space<vmem>>, vector<1x16xf32>,
    %swap3A_75 = arith.constant 0 : i32
    %swap3A_76 = arith.index_cast %swap3A_75 : i32 to index
    %swap3A_77 = arith.constant 48 : index
    %swap3A_78 = tpu.vector_load %arg14[%swap3A_76, %swap3A_77] {strides = array<i32>} : memref<16x128xf32, #tpu.memory_space<vmem>>, vector<1x16xf32>,
    %swap3A_79 = vector.shape_cast %swap3A_78 : vector<1x16xf32> to vector<16xf32>
    %swap3A_80 = vector.shape_cast %broadcast_in_dim3A_57 : vector<16xf32> to vector<1x16xf32>
    tpu.vector_store %arg14[%swap3A_76, %swap3A_77], %swap3A_80 {strides = array<i32>} : memref<16x128xf32, #tpu.memory_space<vmem>>, vector<1x16xf32>,
    %swap3A_81 = arith.constant 0 : i32
    %swap3A_82 = arith.index_cast %swap3A_81 : i32 to index
    %swap3A_83 = arith.constant 64 : index
    %swap3A_84 = tpu.vector_load %arg14[%swap3A_82, %swap3A_83] {strides = array<i32>} : memref<16x128xf32, #tpu.memory_space<vmem>>, vector<1x16xf32>,
    %swap3A_85 = vector.shape_cast %swap3A_84 : vector<1x16xf32> to vector<16xf32>
    %swap3A_86 = vector.shape_cast %broadcast_in_dim3A_57 : vector<16xf32> to vector<1x16xf32>
    tpu.vector_store %arg14[%swap3A_82, %swap3A_83], %swap3A_86 {strides = array<i32>} : memref<16x128xf32, #tpu.memory_space<vmem>>, vector<1x16xf32>,
    %swap3A_87 = arith.constant 0 : i32
    %swap3A_88 = arith.index_cast %swap3A_87 : i32 to index
    %swap3A_89 = arith.constant 80 : index
    %swap3A_90 = tpu.vector_load %arg14[%swap3A_88, %swap3A_89] {strides = array<i32>} : memref<16x128xf32, #tpu.memory_space<vmem>>, vector<1x16xf32>,
    %swap3A_91 = vector.shape_cast %swap3A_90 : vector<1x16xf32> to vector<16xf32>
    %swap3A_92 = vector.shape_cast %broadcast_in_dim3A_57 : vector<16xf32> to vector<1x16xf32>
    tpu.vector_store %arg14[%swap3A_88, %swap3A_89], %swap3A_92 {strides = array<i32>} : memref<16x128xf32, #tpu.memory_space<vmem>>, vector<1x16xf32>,
    %swap3A_93 = arith.constant 0 : i32
    %swap3A_94 = arith.index_cast %swap3A_93 : i32 to index
    %swap3A_95 = arith.constant 96 : index
    %swap3A_96 = tpu.vector_load %arg14[%swap3A_94, %swap3A_95] {strides = array<i32>} : memref<16x128xf32, #tpu.memory_space<vmem>>, vector<1x16xf32>,
    %swap3A_97 = vector.shape_cast %swap3A_96 : vector<1x16xf32> to vector<16xf32>
    %swap3A_98 = vector.shape_cast %broadcast_in_dim3A_57 : vector<16xf32> to vector<1x16xf32>
    tpu.vector_store %arg14[%swap3A_94, %swap3A_95], %swap3A_98 {strides = array<i32>} : memref<16x128xf32, #tpu.memory_space<vmem>>, vector<1x16xf32>,
    %swap3A_99 = arith.constant 0 : i32
    %swap3A_100 = arith.index_cast %swap3A_99 : i32 to index
    %swap3A_101 = arith.constant 112 : index
    %swap3A_102 = tpu.vector_load %arg14[%swap3A_100, %swap3A_101] {strides = array<i32>} : memref<16x128xf32, #tpu.memory_space<vmem>>, vector<1x16xf32>,
    %swap3A_103 = vector.shape_cast %swap3A_102 : vector<1x16xf32> to vector<16xf32>
    %swap3A_104 = vector.shape_cast %broadcast_in_dim3A_57 : vector<16xf32> to vector<1x16xf32>
    tpu.vector_store %arg14[%swap3A_100, %swap3A_101], %swap3A_104 {strides = array<i32>} : memref<16x128xf32, #tpu.memory_space<vmem>>, vector<1x16xf32>,
    %swap3A_105 = arith.constant 1 : i32
    %swap3A_106 = arith.index_cast %swap3A_105 : i32 to index
    %swap3A_107 = arith.constant 0 : index
    %swap3A_108 = tpu.vector_load %arg14[%swap3A_106, %swap3A_107] {strides = array<i32>} : memref<16x128xf32, #tpu.memory_space<vmem>>, vector<1x16xf32>,
    %swap3A_109 = vector.shape_cast %swap3A_108 : vector<1x16xf32> to vector<16xf32>
    %swap3A_110 = vector.shape_cast %broadcast_in_dim3A_57 : vector<16xf32> to vector<1x16xf32>
    tpu.vector_store %arg14[%swap3A_106, %swap3A_107], %swap3A_110 {strides = array<i32>} : memref<16x128xf32, #tpu.memory_space<vmem>>, vector<1x16xf32>,
    %swap3A_111 = arith.constant 1 : i32
    %swap3A_112 = arith.index_cast %swap3A_111 : i32 to index
    %swap3A_113 = arith.constant 16 : index
    %swap3A_114 = tpu.vector_load %arg14[%swap3A_112, %swap3A_113] {strides = array<i32>} : memref<16x128xf32, #tpu.memory_space<vmem>>, vector<1x16xf32>,
    %swap3A_115 = vector.shape_cast %swap3A_114 : vector<1x16xf32> to vector<16xf32>
    %swap3A_116 = vector.shape_cast %broadcast_in_dim3A_57 : vector<16xf32> to vector<1x16xf32>
    tpu.vector_store %arg14[%swap3A_112, %swap3A_113], %swap3A_116 {strides = array<i32>} : memref<16x128xf32, #tpu.memory_space<vmem>>, vector<1x16xf32>,
    %swap3A_117 = arith.constant 1 : i32
    %swap3A_118 = arith.index_cast %swap3A_117 : i32 to index
    %swap3A_119 = arith.constant 32 : index
    %swap3A_120 = tpu.vector_load %arg14[%swap3A_118, %swap3A_119] {strides = array<i32>} : memref<16x128xf32, #tpu.memory_space<vmem>>, vector<1x16xf32>,
    %swap3A_121 = vector.shape_cast %swap3A_120 : vector<1x16xf32> to vector<16xf32>
    %swap3A_122 = vector.shape_cast %broadcast_in_dim3A_57 : vector<16xf32> to vector<1x16xf32>
    tpu.vector_store %arg14[%swap3A_118, %swap3A_119], %swap3A_122 {strides = array<i32>} : memref<16x128xf32, #tpu.memory_space<vmem>>, vector<1x16xf32>,
    %swap3A_123 = arith.constant 1 : i32
    %swap3A_124 = arith.index_cast %swap3A_123 : i32 to index
    %swap3A_125 = arith.constant 48 : index
    %swap3A_126 = tpu.vector_load %arg14[%swap3A_124, %swap3A_125] {strides = array<i32>} : memref<16x128xf32, #tpu.memory_space<vmem>>, vector<1x16xf32>,
    %swap3A_127 = vector.shape_cast %swap3A_126 : vector<1x16xf32> to vector<16xf32>
    %swap3A_128 = vector.shape_cast %broadcast_in_dim3A_57 : vector<16xf32> to vector<1x16xf32>
    tpu.vector_store %arg14[%swap3A_124, %swap3A_125], %swap3A_128 {strides = array<i32>} : memref<16x128xf32, #tpu.memory_space<vmem>>, vector<1x16xf32>,
    %swap3A_129 = arith.constant 1 : i32
    %swap3A_130 = arith.index_cast %swap3A_129 : i32 to index
    %swap3A_131 = arith.constant 64 : index
    %swap3A_132 = tpu.vector_load %arg14[%swap3A_130, %swap3A_131] {strides = array<i32>} : memref<16x128xf32, #tpu.memory_space<vmem>>, vector<1x16xf32>,
    %swap3A_133 = vector.shape_cast %swap3A_132 : vector<1x16xf32> to vector<16xf32>
    %swap3A_134 = vector.shape_cast %broadcast_in_dim3A_57 : vector<16xf32> to vector<1x16xf32>
    tpu.vector_store %arg14[%swap3A_130, %swap3A_131], %swap3A_134 {strides = array<i32>} : memref<16x128xf32, #tpu.memory_space<vmem>>, vector<1x16xf32>,
    %swap3A_135 = arith.constant 1 : i32
    %swap3A_136 = arith.index_cast %swap3A_135 : i32 to index
    %swap3A_137 = arith.constant 80 : index
    %swap3A_138 = tpu.vector_load %arg14[%swap3A_136, %swap3A_137] {strides = array<i32>} : memref<16x128xf32, #tpu.memory_space<vmem>>, vector<1x16xf32>,
    %swap3A_139 = vector.shape_cast %swap3A_138 : vector<1x16xf32> to vector<16xf32>
    %swap3A_140 = vector.shape_cast %broadcast_in_dim3A_57 : vector<16xf32> to vector<1x16xf32>
    tpu.vector_store %arg14[%swap3A_136, %swap3A_137], %swap3A_140 {strides = array<i32>} : memref<16x128xf32, #tpu.memory_space<vmem>>, vector<1x16xf32>,
    %swap3A_141 = arith.constant 1 : i32
    %swap3A_142 = arith.index_cast %swap3A_141 : i32 to index
    %swap3A_143 = arith.constant 96 : index
    %swap3A_144 = tpu.vector_load %arg14[%swap3A_142, %swap3A_143] {strides = array<i32>} : memref<16x128xf32, #tpu.memory_space<vmem>>, vector<1x16xf32>,
    %swap3A_145 = vector.shape_cast %swap3A_144 : vector<1x16xf32> to vector<16xf32>
    %swap3A_146 = vector.shape_cast %broadcast_in_dim3A_57 : vector<16xf32> to vector<1x16xf32>
    tpu.vector_store %arg14[%swap3A_142, %swap3A_143], %swap3A_146 {strides = array<i32>} : memref<16x128xf32, #tpu.memory_space<vmem>>, vector<1x16xf32>,
    %swap3A_147 = arith.constant 1 : i32
    %swap3A_148 = arith.index_cast %swap3A_147 : i32 to index
    %swap3A_149 = arith.constant 112 : index
    %swap3A_150 = tpu.vector_load %arg14[%swap3A_148, %swap3A_149] {strides = array<i32>} : memref<16x128xf32, #tpu.memory_space<vmem>>, vector<1x16xf32>,
    %swap3A_151 = vector.shape_cast %swap3A_150 : vector<1x16xf32> to vector<16xf32>
    %swap3A_152 = vector.shape_cast %broadcast_in_dim3A_57 : vector<16xf32> to vector<1x16xf32>
    tpu.vector_store %arg14[%swap3A_148, %swap3A_149], %swap3A_152 {strides = array<i32>} : memref<16x128xf32, #tpu.memory_space<vmem>>, vector<1x16xf32>,
    %swap3A_153 = arith.constant 2 : i32
    %swap3A_154 = arith.index_cast %swap3A_153 : i32 to index
    %swap3A_155 = arith.constant 0 : index
    %swap3A_156 = tpu.vector_load %arg14[%swap3A_154, %swap3A_155] {strides = array<i32>} : memref<16x128xf32, #tpu.memory_space<vmem>>, vector<1x16xf32>,
    %swap3A_157 = vector.shape_cast %swap3A_156 : vector<1x16xf32> to vector<16xf32>
    %swap3A_158 = vector.shape_cast %broadcast_in_dim3A_57 : vector<16xf32> to vector<1x16xf32>
    tpu.vector_store %arg14[%swap3A_154, %swap3A_155], %swap3A_158 {strides = array<i32>} : memref<16x128xf32, #tpu.memory_space<vmem>>, vector<1x16xf32>,
    %swap3A_159 = arith.constant 2 : i32
    %swap3A_160 = arith.index_cast %swap3A_159 : i32 to index
    %swap3A_161 = arith.constant 16 : index
    %swap3A_162 = tpu.vector_load %arg14[%swap3A_160, %swap3A_161] {strides = array<i32>} : memref<16x128xf32, #tpu.memory_space<vmem>>, vector<1x16xf32>,
    %swap3A_163 = vector.shape_cast %swap3A_162 : vector<1x16xf32> to vector<16xf32>
    %swap3A_164 = vector.shape_cast %broadcast_in_dim3A_57 : vector<16xf32> to vector<1x16xf32>
    tpu.vector_store %arg14[%swap3A_160, %swap3A_161], %swap3A_164 {strides = array<i32>} : memref<16x128xf32, #tpu.memory_space<vmem>>, vector<1x16xf32>,
    %swap3A_165 = arith.constant 2 : i32
    %swap3A_166 = arith.index_cast %swap3A_165 : i32 to index
    %swap3A_167 = arith.constant 32 : index
    %swap3A_168 = tpu.vector_load %arg14[%swap3A_166, %swap3A_167] {strides = array<i32>} : memref<16x128xf32, #tpu.memory_space<vmem>>, vector<1x16xf32>,
    %swap3A_169 = vector.shape_cast %swap3A_168 : vector<1x16xf32> to vector<16xf32>
    %swap3A_170 = vector.shape_cast %broadcast_in_dim3A_57 : vector<16xf32> to vector<1x16xf32>
    tpu.vector_store %arg14[%swap3A_166, %swap3A_167], %swap3A_170 {strides = array<i32>} : memref<16x128xf32, #tpu.memory_space<vmem>>, vector<1x16xf32>,
    %swap3A_171 = arith.constant 2 : i32
    %swap3A_172 = arith.index_cast %swap3A_171 : i32 to index
    %swap3A_173 = arith.constant 48 : index
    %swap3A_174 = tpu.vector_load %arg14[%swap3A_172, %swap3A_173] {strides = array<i32>} : memref<16x128xf32, #tpu.memory_space<vmem>>, vector<1x16xf32>,
    %swap3A_175 = vector.shape_cast %swap3A_174 : vector<1x16xf32> to vector<16xf32>
    %swap3A_176 = vector.shape_cast %broadcast_in_dim3A_57 : vector<16xf32> to vector<1x16xf32>
    tpu.vector_store %arg14[%swap3A_172, %swap3A_173], %swap3A_176 {strides = array<i32>} : memref<16x128xf32, #tpu.memory_space<vmem>>, vector<1x16xf32>,
    %swap3A_177 = arith.constant 2 : i32
    %swap3A_178 = arith.index_cast %swap3A_177 : i32 to index
    %swap3A_179 = arith.constant 64 : index
    %swap3A_180 = tpu.vector_load %arg14[%swap3A_178, %swap3A_179] {strides = array<i32>} : memref<16x128xf32, #tpu.memory_space<vmem>>, vector<1x16xf32>,
    %swap3A_181 = vector.shape_cast %swap3A_180 : vector<1x16xf32> to vector<16xf32>
    %swap3A_182 = vector.shape_cast %broadcast_in_dim3A_57 : vector<16xf32> to vector<1x16xf32>
    tpu.vector_store %arg14[%swap3A_178, %swap3A_179], %swap3A_182 {strides = array<i32>} : memref<16x128xf32, #tpu.memory_space<vmem>>, vector<1x16xf32>,
    %swap3A_183 = arith.constant 2 : i32
    %swap3A_184 = arith.index_cast %swap3A_183 : i32 to index
    %swap3A_185 = arith.constant 80 : index
    %swap3A_186 = tpu.vector_load %arg14[%swap3A_184, %swap3A_185] {strides = array<i32>} : memref<16x128xf32, #tpu.memory_space<vmem>>, vector<1x16xf32>,
    %swap3A_187 = vector.shape_cast %swap3A_186 : vector<1x16xf32> to vector<16xf32>
    %swap3A_188 = vector.shape_cast %broadcast_in_dim3A_57 : vector<16xf32> to vector<1x16xf32>
    tpu.vector_store %arg14[%swap3A_184, %swap3A_185], %swap3A_188 {strides = array<i32>} : memref<16x128xf32, #tpu.memory_space<vmem>>, vector<1x16xf32>,
    %swap3A_189 = arith.constant 2 : i32
    %swap3A_190 = arith.index_cast %swap3A_189 : i32 to index
    %swap3A_191 = arith.constant 96 : index
    %swap3A_192 = tpu.vector_load %arg14[%swap3A_190, %swap3A_191] {strides = array<i32>} : memref<16x128xf32, #tpu.memory_space<vmem>>, vector<1x16xf32>,
    %swap3A_193 = vector.shape_cast %swap3A_192 : vector<1x16xf32> to vector<16xf32>
    %swap3A_194 = vector.shape_cast %broadcast_in_dim3A_57 : vector<16xf32> to vector<1x16xf32>
    tpu.vector_store %arg14[%swap3A_190, %swap3A_191], %swap3A_194 {strides = array<i32>} : memref<16x128xf32, #tpu.memory_space<vmem>>, vector<1x16xf32>,
    %swap3A_195 = arith.constant 2 : i32
    %swap3A_196 = arith.index_cast %swap3A_195 : i32 to index
    %swap3A_197 = arith.constant 112 : index
    %swap3A_198 = tpu.vector_load %arg14[%swap3A_196, %swap3A_197] {strides = array<i32>} : memref<16x128xf32, #tpu.memory_space<vmem>>, vector<1x16xf32>,
    %swap3A_199 = vector.shape_cast %swap3A_198 : vector<1x16xf32> to vector<16xf32>
    %swap3A_200 = vector.shape_cast %broadcast_in_dim3A_57 : vector<16xf32> to vector<1x16xf32>
    tpu.vector_store %arg14[%swap3A_196, %swap3A_197], %swap3A_200 {strides = array<i32>} : memref<16x128xf32, #tpu.memory_space<vmem>>, vector<1x16xf32>,
    %swap3A_201 = arith.constant 3 : i32
    %swap3A_202 = arith.index_cast %swap3A_201 : i32 to index
    %swap3A_203 = arith.constant 0 : index
    %swap3A_204 = tpu.vector_load %arg14[%swap3A_202, %swap3A_203] {strides = array<i32>} : memref<16x128xf32, #tpu.memory_space<vmem>>, vector<1x16xf32>,
    %swap3A_205 = vector.shape_cast %swap3A_204 : vector<1x16xf32> to vector<16xf32>
    %swap3A_206 = vector.shape_cast %broadcast_in_dim3A_57 : vector<16xf32> to vector<1x16xf32>
    tpu.vector_store %arg14[%swap3A_202, %swap3A_203], %swap3A_206 {strides = array<i32>} : memref<16x128xf32, #tpu.memory_space<vmem>>, vector<1x16xf32>,
    %swap3A_207 = arith.constant 3 : i32
    %swap3A_208 = arith.index_cast %swap3A_207 : i32 to index
    %swap3A_209 = arith.constant 16 : index
    %swap3A_210 = tpu.vector_load %arg14[%swap3A_208, %swap3A_209] {strides = array<i32>} : memref<16x128xf32, #tpu.memory_space<vmem>>, vector<1x16xf32>,
    %swap3A_211 = vector.shape_cast %swap3A_210 : vector<1x16xf32> to vector<16xf32>
    %swap3A_212 = vector.shape_cast %broadcast_in_dim3A_57 : vector<16xf32> to vector<1x16xf32>
    tpu.vector_store %arg14[%swap3A_208, %swap3A_209], %swap3A_212 {strides = array<i32>} : memref<16x128xf32, #tpu.memory_space<vmem>>, vector<1x16xf32>,
    %swap3A_213 = arith.constant 3 : i32
    %swap3A_214 = arith.index_cast %swap3A_213 : i32 to index
    %swap3A_215 = arith.constant 32 : index
    %swap3A_216 = tpu.vector_load %arg14[%swap3A_214, %swap3A_215] {strides = array<i32>} : memref<16x128xf32, #tpu.memory_space<vmem>>, vector<1x16xf32>,
    %swap3A_217 = vector.shape_cast %swap3A_216 : vector<1x16xf32> to vector<16xf32>
    %swap3A_218 = vector.shape_cast %broadcast_in_dim3A_57 : vector<16xf32> to vector<1x16xf32>
    tpu.vector_store %arg14[%swap3A_214, %swap3A_215], %swap3A_218 {strides = array<i32>} : memref<16x128xf32, #tpu.memory_space<vmem>>, vector<1x16xf32>,
    %swap3A_219 = arith.constant 3 : i32
    %swap3A_220 = arith.index_cast %swap3A_219 : i32 to index
    %swap3A_221 = arith.constant 48 : index
    %swap3A_222 = tpu.vector_load %arg14[%swap3A_220, %swap3A_221] {strides = array<i32>} : memref<16x128xf32, #tpu.memory_space<vmem>>, vector<1x16xf32>,
    %swap3A_223 = vector.shape_cast %swap3A_222 : vector<1x16xf32> to vector<16xf32>
    %swap3A_224 = vector.shape_cast %broadcast_in_dim3A_57 : vector<16xf32> to vector<1x16xf32>
    tpu.vector_store %arg14[%swap3A_220, %swap3A_221], %swap3A_224 {strides = array<i32>} : memref<16x128xf32, #tpu.memory_space<vmem>>, vector<1x16xf32>,
    %swap3A_225 = arith.constant 3 : i32
    %swap3A_226 = arith.index_cast %swap3A_225 : i32 to index
    %swap3A_227 = arith.constant 64 : index
    %swap3A_228 = tpu.vector_load %arg14[%swap3A_226, %swap3A_227] {strides = array<i32>} : memref<16x128xf32, #tpu.memory_space<vmem>>, vector<1x16xf32>,
    %swap3A_229 = vector.shape_cast %swap3A_228 : vector<1x16xf32> to vector<16xf32>
    %swap3A_230 = vector.shape_cast %broadcast_in_dim3A_57 : vector<16xf32> to vector<1x16xf32>
    tpu.vector_store %arg14[%swap3A_226, %swap3A_227], %swap3A_230 {strides = array<i32>} : memref<16x128xf32, #tpu.memory_space<vmem>>, vector<1x16xf32>,
    %swap3A_231 = arith.constant 3 : i32
    %swap3A_232 = arith.index_cast %swap3A_231 : i32 to index
    %swap3A_233 = arith.constant 80 : index
    %swap3A_234 = tpu.vector_load %arg14[%swap3A_232, %swap3A_233] {strides = array<i32>} : memref<16x128xf32, #tpu.memory_space<vmem>>, vector<1x16xf32>,
    %swap3A_235 = vector.shape_cast %swap3A_234 : vector<1x16xf32> to vector<16xf32>
    %swap3A_236 = vector.shape_cast %broadcast_in_dim3A_57 : vector<16xf32> to vector<1x16xf32>
    tpu.vector_store %arg14[%swap3A_232, %swap3A_233], %swap3A_236 {strides = array<i32>} : memref<16x128xf32, #tpu.memory_space<vmem>>, vector<1x16xf32>,
    %swap3A_237 = arith.constant 3 : i32
    %swap3A_238 = arith.index_cast %swap3A_237 : i32 to index
    %swap3A_239 = arith.constant 96 : index
    %swap3A_240 = tpu.vector_load %arg14[%swap3A_238, %swap3A_239] {strides = array<i32>} : memref<16x128xf32, #tpu.memory_space<vmem>>, vector<1x16xf32>,
    %swap3A_241 = vector.shape_cast %swap3A_240 : vector<1x16xf32> to vector<16xf32>
    %swap3A_242 = vector.shape_cast %broadcast_in_dim3A_57 : vector<16xf32> to vector<1x16xf32>
    tpu.vector_store %arg14[%swap3A_238, %swap3A_239], %swap3A_242 {strides = array<i32>} : memref<16x128xf32, #tpu.memory_space<vmem>>, vector<1x16xf32>,
    %swap3A_243 = arith.constant 3 : i32
    %swap3A_244 = arith.index_cast %swap3A_243 : i32 to index
    %swap3A_245 = arith.constant 112 : index
    %swap3A_246 = tpu.vector_load %arg14[%swap3A_244, %swap3A_245] {strides = array<i32>} : memref<16x128xf32, #tpu.memory_space<vmem>>, vector<1x16xf32>,
    %swap3A_247 = vector.shape_cast %swap3A_246 : vector<1x16xf32> to vector<16xf32>
    %swap3A_248 = vector.shape_cast %broadcast_in_dim3A_57 : vector<16xf32> to vector<1x16xf32>
    tpu.vector_store %arg14[%swap3A_244, %swap3A_245], %swap3A_248 {strides = array<i32>} : memref<16x128xf32, #tpu.memory_space<vmem>>, vector<1x16xf32>,
    %swap3A_249 = arith.constant 4 : i32
    %swap3A_250 = arith.index_cast %swap3A_249 : i32 to index
    %swap3A_251 = arith.constant 0 : index
    %swap3A_252 = tpu.vector_load %arg14[%swap3A_250, %swap3A_251] {strides = array<i32>} : memref<16x128xf32, #tpu.memory_space<vmem>>, vector<1x16xf32>,
    %swap3A_253 = vector.shape_cast %swap3A_252 : vector<1x16xf32> to vector<16xf32>
    %swap3A_254 = vector.shape_cast %broadcast_in_dim3A_57 : vector<16xf32> to vector<1x16xf32>
    tpu.vector_store %arg14[%swap3A_250, %swap3A_251], %swap3A_254 {strides = array<i32>} : memref<16x128xf32, #tpu.memory_space<vmem>>, vector<1x16xf32>,
    %swap3A_255 = arith.constant 4 : i32
    %swap3A_256 = arith.index_cast %swap3A_255 : i32 to index
    %swap3A_257 = arith.constant 16 : index
    %swap3A_258 = tpu.vector_load %arg14[%swap3A_256, %swap3A_257] {strides = array<i32>} : memref<16x128xf32, #tpu.memory_space<vmem>>, vector<1x16xf32>,
    %swap3A_259 = vector.shape_cast %swap3A_258 : vector<1x16xf32> to vector<16xf32>
    %swap3A_260 = vector.shape_cast %broadcast_in_dim3A_57 : vector<16xf32> to vector<1x16xf32>
    tpu.vector_store %arg14[%swap3A_256, %swap3A_257], %swap3A_260 {strides = array<i32>} : memref<16x128xf32, #tpu.memory_space<vmem>>, vector<1x16xf32>,
    %swap3A_261 = arith.constant 4 : i32
    %swap3A_262 = arith.index_cast %swap3A_261 : i32 to index
    %swap3A_263 = arith.constant 32 : index
    %swap3A_264 = tpu.vector_load %arg14[%swap3A_262, %swap3A_263] {strides = array<i32>} : memref<16x128xf32, #tpu.memory_space<vmem>>, vector<1x16xf32>,
    %swap3A_265 = vector.shape_cast %swap3A_264 : vector<1x16xf32> to vector<16xf32>
    %swap3A_266 = vector.shape_cast %broadcast_in_dim3A_57 : vector<16xf32> to vector<1x16xf32>
    tpu.vector_store %arg14[%swap3A_262, %swap3A_263], %swap3A_266 {strides = array<i32>} : memref<16x128xf32, #tpu.memory_space<vmem>>, vector<1x16xf32>,
    %swap3A_267 = arith.constant 4 : i32
    %swap3A_268 = arith.index_cast %swap3A_267 : i32 to index
    %swap3A_269 = arith.constant 48 : index
    %swap3A_270 = tpu.vector_load %arg14[%swap3A_268, %swap3A_269] {strides = array<i32>} : memref<16x128xf32, #tpu.memory_space<vmem>>, vector<1x16xf32>,
    %swap3A_271 = vector.shape_cast %swap3A_270 : vector<1x16xf32> to vector<16xf32>
    %swap3A_272 = vector.shape_cast %broadcast_in_dim3A_57 : vector<16xf32> to vector<1x16xf32>
    tpu.vector_store %arg14[%swap3A_268, %swap3A_269], %swap3A_272 {strides = array<i32>} : memref<16x128xf32, #tpu.memory_space<vmem>>, vector<1x16xf32>,
    %swap3A_273 = arith.constant 4 : i32
    %swap3A_274 = arith.index_cast %swap3A_273 : i32 to index
    %swap3A_275 = arith.constant 64 : index
    %swap3A_276 = tpu.vector_load %arg14[%swap3A_274, %swap3A_275] {strides = array<i32>} : memref<16x128xf32, #tpu.memory_space<vmem>>, vector<1x16xf32>,
    %swap3A_277 = vector.shape_cast %swap3A_276 : vector<1x16xf32> to vector<16xf32>
    %swap3A_278 = vector.shape_cast %broadcast_in_dim3A_57 : vector<16xf32> to vector<1x16xf32>
    tpu.vector_store %arg14[%swap3A_274, %swap3A_275], %swap3A_278 {strides = array<i32>} : memref<16x128xf32, #tpu.memory_space<vmem>>, vector<1x16xf32>,
    %swap3A_279 = arith.constant 4 : i32
    %swap3A_280 = arith.index_cast %swap3A_279 : i32 to index
    %swap3A_281 = arith.constant 80 : index
    %swap3A_282 = tpu.vector_load %arg14[%swap3A_280, %swap3A_281] {strides = array<i32>} : memref<16x128xf32, #tpu.memory_space<vmem>>, vector<1x16xf32>,
    %swap3A_283 = vector.shape_cast %swap3A_282 : vector<1x16xf32> to vector<16xf32>
    %swap3A_284 = vector.shape_cast %broadcast_in_dim3A_57 : vector<16xf32> to vector<1x16xf32>
    tpu.vector_store %arg14[%swap3A_280, %swap3A_281], %swap3A_284 {strides = array<i32>} : memref<16x128xf32, #tpu.memory_space<vmem>>, vector<1x16xf32>,
    %swap3A_285 = arith.constant 4 : i32
    %swap3A_286 = arith.index_cast %swap3A_285 : i32 to index
    %swap3A_287 = arith.constant 96 : index
    %swap3A_288 = tpu.vector_load %arg14[%swap3A_286, %swap3A_287] {strides = array<i32>} : memref<16x128xf32, #tpu.memory_space<vmem>>, vector<1x16xf32>,
    %swap3A_289 = vector.shape_cast %swap3A_288 : vector<1x16xf32> to vector<16xf32>
    %swap3A_290 = vector.shape_cast %broadcast_in_dim3A_57 : vector<16xf32> to vector<1x16xf32>
    tpu.vector_store %arg14[%swap3A_286, %swap3A_287], %swap3A_290 {strides = array<i32>} : memref<16x128xf32, #tpu.memory_space<vmem>>, vector<1x16xf32>,
    %swap3A_291 = arith.constant 4 : i32
    %swap3A_292 = arith.index_cast %swap3A_291 : i32 to index
    %swap3A_293 = arith.constant 112 : index
    %swap3A_294 = tpu.vector_load %arg14[%swap3A_292, %swap3A_293] {strides = array<i32>} : memref<16x128xf32, #tpu.memory_space<vmem>>, vector<1x16xf32>,
    %swap3A_295 = vector.shape_cast %swap3A_294 : vector<1x16xf32> to vector<16xf32>
    %swap3A_296 = vector.shape_cast %broadcast_in_dim3A_57 : vector<16xf32> to vector<1x16xf32>
    tpu.vector_store %arg14[%swap3A_292, %swap3A_293], %swap3A_296 {strides = array<i32>} : memref<16x128xf32, #tpu.memory_space<vmem>>, vector<1x16xf32>,
    %swap3A_297 = arith.constant 5 : i32
    %swap3A_298 = arith.index_cast %swap3A_297 : i32 to index
    %swap3A_299 = arith.constant 0 : index
    %swap3A_300 = tpu.vector_load %arg14[%swap3A_298, %swap3A_299] {strides = array<i32>} : memref<16x128xf32, #tpu.memory_space<vmem>>, vector<1x16xf32>,
    %swap3A_301 = vector.shape_cast %swap3A_300 : vector<1x16xf32> to vector<16xf32>
    %swap3A_302 = vector.shape_cast %broadcast_in_dim3A_57 : vector<16xf32> to vector<1x16xf32>
    tpu.vector_store %arg14[%swap3A_298, %swap3A_299], %swap3A_302 {strides = array<i32>} : memref<16x128xf32, #tpu.memory_space<vmem>>, vector<1x16xf32>,
    %swap3A_303 = arith.constant 5 : i32
    %swap3A_304 = arith.index_cast %swap3A_303 : i32 to index
    %swap3A_305 = arith.constant 16 : index
    %swap3A_306 = tpu.vector_load %arg14[%swap3A_304, %swap3A_305] {strides = array<i32>} : memref<16x128xf32, #tpu.memory_space<vmem>>, vector<1x16xf32>,
    %swap3A_307 = vector.shape_cast %swap3A_306 : vector<1x16xf32> to vector<16xf32>
    %swap3A_308 = vector.shape_cast %broadcast_in_dim3A_57 : vector<16xf32> to vector<1x16xf32>
    tpu.vector_store %arg14[%swap3A_304, %swap3A_305], %swap3A_308 {strides = array<i32>} : memref<16x128xf32, #tpu.memory_space<vmem>>, vector<1x16xf32>,
    %swap3A_309 = arith.constant 5 : i32
    %swap3A_310 = arith.index_cast %swap3A_309 : i32 to index
    %swap3A_311 = arith.constant 32 : index
    %swap3A_312 = tpu.vector_load %arg14[%swap3A_310, %swap3A_311] {strides = array<i32>} : memref<16x128xf32, #tpu.memory_space<vmem>>, vector<1x16xf32>,
    %swap3A_313 = vector.shape_cast %swap3A_312 : vector<1x16xf32> to vector<16xf32>
    %swap3A_314 = vector.shape_cast %broadcast_in_dim3A_57 : vector<16xf32> to vector<1x16xf32>
    tpu.vector_store %arg14[%swap3A_310, %swap3A_311], %swap3A_314 {strides = array<i32>} : memref<16x128xf32, #tpu.memory_space<vmem>>, vector<1x16xf32>,
    %swap3A_315 = arith.constant 5 : i32
    %swap3A_316 = arith.index_cast %swap3A_315 : i32 to index
    %swap3A_317 = arith.constant 48 : index
    %swap3A_318 = tpu.vector_load %arg14[%swap3A_316, %swap3A_317] {strides = array<i32>} : memref<16x128xf32, #tpu.memory_space<vmem>>, vector<1x16xf32>,
    %swap3A_319 = vector.shape_cast %swap3A_318 : vector<1x16xf32> to vector<16xf32>
    %swap3A_320 = vector.shape_cast %broadcast_in_dim3A_57 : vector<16xf32> to vector<1x16xf32>
    tpu.vector_store %arg14[%swap3A_316, %swap3A_317], %swap3A_320 {strides = array<i32>} : memref<16x128xf32, #tpu.memory_space<vmem>>, vector<1x16xf32>,
    %swap3A_321 = arith.constant 5 : i32
    %swap3A_322 = arith.index_cast %swap3A_321 : i32 to index
    %swap3A_323 = arith.constant 64 : index
    %swap3A_324 = tpu.vector_load %arg14[%swap3A_322, %swap3A_323] {strides = array<i32>} : memref<16x128xf32, #tpu.memory_space<vmem>>, vector<1x16xf32>,
    %swap3A_325 = vector.shape_cast %swap3A_324 : vector<1x16xf32> to vector<16xf32>
    %swap3A_326 = vector.shape_cast %broadcast_in_dim3A_57 : vector<16xf32> to vector<1x16xf32>
    tpu.vector_store %arg14[%swap3A_322, %swap3A_323], %swap3A_326 {strides = array<i32>} : memref<16x128xf32, #tpu.memory_space<vmem>>, vector<1x16xf32>,
    %swap3A_327 = arith.constant 5 : i32
    %swap3A_328 = arith.index_cast %swap3A_327 : i32 to index
    %swap3A_329 = arith.constant 80 : index
    %swap3A_330 = tpu.vector_load %arg14[%swap3A_328, %swap3A_329] {strides = array<i32>} : memref<16x128xf32, #tpu.memory_space<vmem>>, vector<1x16xf32>,
    %swap3A_331 = vector.shape_cast %swap3A_330 : vector<1x16xf32> to vector<16xf32>
    %swap3A_332 = vector.shape_cast %broadcast_in_dim3A_57 : vector<16xf32> to vector<1x16xf32>
    tpu.vector_store %arg14[%swap3A_328, %swap3A_329], %swap3A_332 {strides = array<i32>} : memref<16x128xf32, #tpu.memory_space<vmem>>, vector<1x16xf32>,
    %swap3A_333 = arith.constant 5 : i32
    %swap3A_334 = arith.index_cast %swap3A_333 : i32 to index
    %swap3A_335 = arith.constant 96 : index
    %swap3A_336 = tpu.vector_load %arg14[%swap3A_334, %swap3A_335] {strides = array<i32>} : memref<16x128xf32, #tpu.memory_space<vmem>>, vector<1x16xf32>,
    %swap3A_337 = vector.shape_cast %swap3A_336 : vector<1x16xf32> to vector<16xf32>
    %swap3A_338 = vector.shape_cast %broadcast_in_dim3A_57 : vector<16xf32> to vector<1x16xf32>
    tpu.vector_store %arg14[%swap3A_334, %swap3A_335], %swap3A_338 {strides = array<i32>} : memref<16x128xf32, #tpu.memory_space<vmem>>, vector<1x16xf32>,
    %swap3A_339 = arith.constant 5 : i32
    %swap3A_340 = arith.index_cast %swap3A_339 : i32 to index
    %swap3A_341 = arith.constant 112 : index
    %swap3A_342 = tpu.vector_load %arg14[%swap3A_340, %swap3A_341] {strides = array<i32>} : memref<16x128xf32, #tpu.memory_space<vmem>>, vector<1x16xf32>,
    %swap3A_343 = vector.shape_cast %swap3A_342 : vector<1x16xf32> to vector<16xf32>
    %swap3A_344 = vector.shape_cast %broadcast_in_dim3A_57 : vector<16xf32> to vector<1x16xf32>
    tpu.vector_store %arg14[%swap3A_340, %swap3A_341], %swap3A_344 {strides = array<i32>} : memref<16x128xf32, #tpu.memory_space<vmem>>, vector<1x16xf32>,
    %swap3A_345 = arith.constant 6 : i32
    %swap3A_346 = arith.index_cast %swap3A_345 : i32 to index
    %swap3A_347 = arith.constant 0 : index
    %swap3A_348 = tpu.vector_load %arg14[%swap3A_346, %swap3A_347] {strides = array<i32>} : memref<16x128xf32, #tpu.memory_space<vmem>>, vector<1x16xf32>,
    %swap3A_349 = vector.shape_cast %swap3A_348 : vector<1x16xf32> to vector<16xf32>
    %swap3A_350 = vector.shape_cast %broadcast_in_dim3A_57 : vector<16xf32> to vector<1x16xf32>
    tpu.vector_store %arg14[%swap3A_346, %swap3A_347], %swap3A_350 {strides = array<i32>} : memref<16x128xf32, #tpu.memory_space<vmem>>, vector<1x16xf32>,
    %swap3A_351 = arith.constant 6 : i32
    %swap3A_352 = arith.index_cast %swap3A_351 : i32 to index
    %swap3A_353 = arith.constant 16 : index
    %swap3A_354 = tpu.vector_load %arg14[%swap3A_352, %swap3A_353] {strides = array<i32>} : memref<16x128xf32, #tpu.memory_space<vmem>>, vector<1x16xf32>,
    %swap3A_355 = vector.shape_cast %swap3A_354 : vector<1x16xf32> to vector<16xf32>
    %swap3A_356 = vector.shape_cast %broadcast_in_dim3A_57 : vector<16xf32> to vector<1x16xf32>
    tpu.vector_store %arg14[%swap3A_352, %swap3A_353], %swap3A_356 {strides = array<i32>} : memref<16x128xf32, #tpu.memory_space<vmem>>, vector<1x16xf32>,
    %swap3A_357 = arith.constant 6 : i32
    %swap3A_358 = arith.index_cast %swap3A_357 : i32 to index
    %swap3A_359 = arith.constant 32 : index
    %swap3A_360 = tpu.vector_load %arg14[%swap3A_358, %swap3A_359] {strides = array<i32>} : memref<16x128xf32, #tpu.memory_space<vmem>>, vector<1x16xf32>,
    %swap3A_361 = vector.shape_cast %swap3A_360 : vector<1x16xf32> to vector<16xf32>
    %swap3A_362 = vector.shape_cast %broadcast_in_dim3A_57 : vector<16xf32> to vector<1x16xf32>
    tpu.vector_store %arg14[%swap3A_358, %swap3A_359], %swap3A_362 {strides = array<i32>} : memref<16x128xf32, #tpu.memory_space<vmem>>, vector<1x16xf32>,
    %swap3A_363 = arith.constant 6 : i32
    %swap3A_364 = arith.index_cast %swap3A_363 : i32 to index
    %swap3A_365 = arith.constant 48 : index
    %swap3A_366 = tpu.vector_load %arg14[%swap3A_364, %swap3A_365] {strides = array<i32>} : memref<16x128xf32, #tpu.memory_space<vmem>>, vector<1x16xf32>,
    %swap3A_367 = vector.shape_cast %swap3A_366 : vector<1x16xf32> to vector<16xf32>
    %swap3A_368 = vector.shape_cast %broadcast_in_dim3A_57 : vector<16xf32> to vector<1x16xf32>
    tpu.vector_store %arg14[%swap3A_364, %swap3A_365], %swap3A_368 {strides = array<i32>} : memref<16x128xf32, #tpu.memory_space<vmem>>, vector<1x16xf32>,
    %swap3A_369 = arith.constant 6 : i32
    %swap3A_370 = arith.index_cast %swap3A_369 : i32 to index
    %swap3A_371 = arith.constant 64 : index
    %swap3A_372 = tpu.vector_load %arg14[%swap3A_370, %swap3A_371] {strides = array<i32>} : memref<16x128xf32, #tpu.memory_space<vmem>>, vector<1x16xf32>,
    %swap3A_373 = vector.shape_cast %swap3A_372 : vector<1x16xf32> to vector<16xf32>
    %swap3A_374 = vector.shape_cast %broadcast_in_dim3A_57 : vector<16xf32> to vector<1x16xf32>
    tpu.vector_store %arg14[%swap3A_370, %swap3A_371], %swap3A_374 {strides = array<i32>} : memref<16x128xf32, #tpu.memory_space<vmem>>, vector<1x16xf32>,
    %swap3A_375 = arith.constant 6 : i32
    %swap3A_376 = arith.index_cast %swap3A_375 : i32 to index
    %swap3A_377 = arith.constant 80 : index
    %swap3A_378 = tpu.vector_load %arg14[%swap3A_376, %swap3A_377] {strides = array<i32>} : memref<16x128xf32, #tpu.memory_space<vmem>>, vector<1x16xf32>,
    %swap3A_379 = vector.shape_cast %swap3A_378 : vector<1x16xf32> to vector<16xf32>
    %swap3A_380 = vector.shape_cast %broadcast_in_dim3A_57 : vector<16xf32> to vector<1x16xf32>
    tpu.vector_store %arg14[%swap3A_376, %swap3A_377], %swap3A_380 {strides = array<i32>} : memref<16x128xf32, #tpu.memory_space<vmem>>, vector<1x16xf32>,
    %swap3A_381 = arith.constant 6 : i32
    %swap3A_382 = arith.index_cast %swap3A_381 : i32 to index
    %swap3A_383 = arith.constant 96 : index
    %swap3A_384 = tpu.vector_load %arg14[%swap3A_382, %swap3A_383] {strides = array<i32>} : memref<16x128xf32, #tpu.memory_space<vmem>>, vector<1x16xf32>,
    %swap3A_385 = vector.shape_cast %swap3A_384 : vector<1x16xf32> to vector<16xf32>
    %swap3A_386 = vector.shape_cast %broadcast_in_dim3A_57 : vector<16xf32> to vector<1x16xf32>
    tpu.vector_store %arg14[%swap3A_382, %swap3A_383], %swap3A_386 {strides = array<i32>} : memref<16x128xf32, #tpu.memory_space<vmem>>, vector<1x16xf32>,
    %swap3A_387 = arith.constant 6 : i32
    %swap3A_388 = arith.index_cast %swap3A_387 : i32 to index
    %swap3A_389 = arith.constant 112 : index
    %swap3A_390 = tpu.vector_load %arg14[%swap3A_388, %swap3A_389] {strides = array<i32>} : memref<16x128xf32, #tpu.memory_space<vmem>>, vector<1x16xf32>,
    %swap3A_391 = vector.shape_cast %swap3A_390 : vector<1x16xf32> to vector<16xf32>
    %swap3A_392 = vector.shape_cast %broadcast_in_dim3A_57 : vector<16xf32> to vector<1x16xf32>
    tpu.vector_store %arg14[%swap3A_388, %swap3A_389], %swap3A_392 {strides = array<i32>} : memref<16x128xf32, #tpu.memory_space<vmem>>, vector<1x16xf32>,
    %swap3A_393 = arith.constant 7 : i32
    %swap3A_394 = arith.index_cast %swap3A_393 : i32 to index
    %swap3A_395 = arith.constant 0 : index
    %swap3A_396 = tpu.vector_load %arg14[%swap3A_394, %swap3A_395] {strides = array<i32>} : memref<16x128xf32, #tpu.memory_space<vmem>>, vector<1x16xf32>,
    %swap3A_397 = vector.shape_cast %swap3A_396 : vector<1x16xf32> to vector<16xf32>
    %swap3A_398 = vector.shape_cast %broadcast_in_dim3A_57 : vector<16xf32> to vector<1x16xf32>
    tpu.vector_store %arg14[%swap3A_394, %swap3A_395], %swap3A_398 {strides = array<i32>} : memref<16x128xf32, #tpu.memory_space<vmem>>, vector<1x16xf32>,
    %swap3A_399 = arith.constant 7 : i32
    %swap3A_400 = arith.index_cast %swap3A_399 : i32 to index
    %swap3A_401 = arith.constant 16 : index
    %swap3A_402 = tpu.vector_load %arg14[%swap3A_400, %swap3A_401] {strides = array<i32>} : memref<16x128xf32, #tpu.memory_space<vmem>>, vector<1x16xf32>,
    %swap3A_403 = vector.shape_cast %swap3A_402 : vector<1x16xf32> to vector<16xf32>
    %swap3A_404 = vector.shape_cast %broadcast_in_dim3A_57 : vector<16xf32> to vector<1x16xf32>
    tpu.vector_store %arg14[%swap3A_400, %swap3A_401], %swap3A_404 {strides = array<i32>} : memref<16x128xf32, #tpu.memory_space<vmem>>, vector<1x16xf32>,
    %swap3A_405 = arith.constant 7 : i32
    %swap3A_406 = arith.index_cast %swap3A_405 : i32 to index
    %swap3A_407 = arith.constant 32 : index
    %swap3A_408 = tpu.vector_load %arg14[%swap3A_406, %swap3A_407] {strides = array<i32>} : memref<16x128xf32, #tpu.memory_space<vmem>>, vector<1x16xf32>,
    %swap3A_409 = vector.shape_cast %swap3A_408 : vector<1x16xf32> to vector<16xf32>
    %swap3A_410 = vector.shape_cast %broadcast_in_dim3A_57 : vector<16xf32> to vector<1x16xf32>
    tpu.vector_store %arg14[%swap3A_406, %swap3A_407], %swap3A_410 {strides = array<i32>} : memref<16x128xf32, #tpu.memory_space<vmem>>, vector<1x16xf32>,
    %swap3A_411 = arith.constant 7 : i32
    %swap3A_412 = arith.index_cast %swap3A_411 : i32 to index
    %swap3A_413 = arith.constant 48 : index
    %swap3A_414 = tpu.vector_load %arg14[%swap3A_412, %swap3A_413] {strides = array<i32>} : memref<16x128xf32, #tpu.memory_space<vmem>>, vector<1x16xf32>,
    %swap3A_415 = vector.shape_cast %swap3A_414 : vector<1x16xf32> to vector<16xf32>
    %swap3A_416 = vector.shape_cast %broadcast_in_dim3A_57 : vector<16xf32> to vector<1x16xf32>
    tpu.vector_store %arg14[%swap3A_412, %swap3A_413], %swap3A_416 {strides = array<i32>} : memref<16x128xf32, #tpu.memory_space<vmem>>, vector<1x16xf32>,
    %swap3A_417 = arith.constant 7 : i32
    %swap3A_418 = arith.index_cast %swap3A_417 : i32 to index
    %swap3A_419 = arith.constant 64 : index
    %swap3A_420 = tpu.vector_load %arg14[%swap3A_418, %swap3A_419] {strides = array<i32>} : memref<16x128xf32, #tpu.memory_space<vmem>>, vector<1x16xf32>,
    %swap3A_421 = vector.shape_cast %swap3A_420 : vector<1x16xf32> to vector<16xf32>
    %swap3A_422 = vector.shape_cast %broadcast_in_dim3A_57 : vector<16xf32> to vector<1x16xf32>
    tpu.vector_store %arg14[%swap3A_418, %swap3A_419], %swap3A_422 {strides = array<i32>} : memref<16x128xf32, #tpu.memory_space<vmem>>, vector<1x16xf32>,
    %swap3A_423 = arith.constant 7 : i32
    %swap3A_424 = arith.index_cast %swap3A_423 : i32 to index
    %swap3A_425 = arith.constant 80 : index
    %swap3A_426 = tpu.vector_load %arg14[%swap3A_424, %swap3A_425] {strides = array<i32>} : memref<16x128xf32, #tpu.memory_space<vmem>>, vector<1x16xf32>,
    %swap3A_427 = vector.shape_cast %swap3A_426 : vector<1x16xf32> to vector<16xf32>
    %swap3A_428 = vector.shape_cast %broadcast_in_dim3A_57 : vector<16xf32> to vector<1x16xf32>
    tpu.vector_store %arg14[%swap3A_424, %swap3A_425], %swap3A_428 {strides = array<i32>} : memref<16x128xf32, #tpu.memory_space<vmem>>, vector<1x16xf32>,
    %swap3A_429 = arith.constant 7 : i32
    %swap3A_430 = arith.index_cast %swap3A_429 : i32 to index
    %swap3A_431 = arith.constant 96 : index
    %swap3A_432 = tpu.vector_load %arg14[%swap3A_430, %swap3A_431] {strides = array<i32>} : memref<16x128xf32, #tpu.memory_space<vmem>>, vector<1x16xf32>,
    %swap3A_433 = vector.shape_cast %swap3A_432 : vector<1x16xf32> to vector<16xf32>
    %swap3A_434 = vector.shape_cast %broadcast_in_dim3A_57 : vector<16xf32> to vector<1x16xf32>
    tpu.vector_store %arg14[%swap3A_430, %swap3A_431], %swap3A_434 {strides = array<i32>} : memref<16x128xf32, #tpu.memory_space<vmem>>, vector<1x16xf32>,
    %swap3A_435 = arith.constant 7 : i32
    %swap3A_436 = arith.index_cast %swap3A_435 : i32 to index
    %swap3A_437 = arith.constant 112 : index
    %swap3A_438 = tpu.vector_load %arg14[%swap3A_436, %swap3A_437] {strides = array<i32>} : memref<16x128xf32, #tpu.memory_space<vmem>>, vector<1x16xf32>,
    %swap3A_439 = vector.shape_cast %swap3A_438 : vector<1x16xf32> to vector<16xf32>
    %swap3A_440 = vector.shape_cast %broadcast_in_dim3A_57 : vector<16xf32> to vector<1x16xf32>
    tpu.vector_store %arg14[%swap3A_436, %swap3A_437], %swap3A_440 {strides = array<i32>} : memref<16x128xf32, #tpu.memory_space<vmem>>, vector<1x16xf32>,
    %swap3A_441 = arith.constant 8 : i32
    %swap3A_442 = arith.index_cast %swap3A_441 : i32 to index
    %swap3A_443 = arith.constant 0 : index
    %swap3A_444 = tpu.vector_load %arg14[%swap3A_442, %swap3A_443] {strides = array<i32>} : memref<16x128xf32, #tpu.memory_space<vmem>>, vector<1x16xf32>,
    %swap3A_445 = vector.shape_cast %swap3A_444 : vector<1x16xf32> to vector<16xf32>
    %swap3A_446 = vector.shape_cast %broadcast_in_dim3A_57 : vector<16xf32> to vector<1x16xf32>
    tpu.vector_store %arg14[%swap3A_442, %swap3A_443], %swap3A_446 {strides = array<i32>} : memref<16x128xf32, #tpu.memory_space<vmem>>, vector<1x16xf32>,
    %swap3A_447 = arith.constant 8 : i32
    %swap3A_448 = arith.index_cast %swap3A_447 : i32 to index
    %swap3A_449 = arith.constant 16 : index
    %swap3A_450 = tpu.vector_load %arg14[%swap3A_448, %swap3A_449] {strides = array<i32>} : memref<16x128xf32, #tpu.memory_space<vmem>>, vector<1x16xf32>,
    %swap3A_451 = vector.shape_cast %swap3A_450 : vector<1x16xf32> to vector<16xf32>
    %swap3A_452 = vector.shape_cast %broadcast_in_dim3A_57 : vector<16xf32> to vector<1x16xf32>
    tpu.vector_store %arg14[%swap3A_448, %swap3A_449], %swap3A_452 {strides = array<i32>} : memref<16x128xf32, #tpu.memory_space<vmem>>, vector<1x16xf32>,
    %swap3A_453 = arith.constant 8 : i32
    %swap3A_454 = arith.index_cast %swap3A_453 : i32 to index
    %swap3A_455 = arith.constant 32 : index
    %swap3A_456 = tpu.vector_load %arg14[%swap3A_454, %swap3A_455] {strides = array<i32>} : memref<16x128xf32, #tpu.memory_space<vmem>>, vector<1x16xf32>,
    %swap3A_457 = vector.shape_cast %swap3A_456 : vector<1x16xf32> to vector<16xf32>
    %swap3A_458 = vector.shape_cast %broadcast_in_dim3A_57 : vector<16xf32> to vector<1x16xf32>
    tpu.vector_store %arg14[%swap3A_454, %swap3A_455], %swap3A_458 {strides = array<i32>} : memref<16x128xf32, #tpu.memory_space<vmem>>, vector<1x16xf32>,
    %swap3A_459 = arith.constant 8 : i32
    %swap3A_460 = arith.index_cast %swap3A_459 : i32 to index
    %swap3A_461 = arith.constant 48 : index
    %swap3A_462 = tpu.vector_load %arg14[%swap3A_460, %swap3A_461] {strides = array<i32>} : memref<16x128xf32, #tpu.memory_space<vmem>>, vector<1x16xf32>,
    %swap3A_463 = vector.shape_cast %swap3A_462 : vector<1x16xf32> to vector<16xf32>
    %swap3A_464 = vector.shape_cast %broadcast_in_dim3A_57 : vector<16xf32> to vector<1x16xf32>
    tpu.vector_store %arg14[%swap3A_460, %swap3A_461], %swap3A_464 {strides = array<i32>} : memref<16x128xf32, #tpu.memory_space<vmem>>, vector<1x16xf32>,
    %swap3A_465 = arith.constant 8 : i32
    %swap3A_466 = arith.index_cast %swap3A_465 : i32 to index
    %swap3A_467 = arith.constant 64 : index
    %swap3A_468 = tpu.vector_load %arg14[%swap3A_466, %swap3A_467] {strides = array<i32>} : memref<16x128xf32, #tpu.memory_space<vmem>>, vector<1x16xf32>,
    %swap3A_469 = vector.shape_cast %swap3A_468 : vector<1x16xf32> to vector<16xf32>
    %swap3A_470 = vector.shape_cast %broadcast_in_dim3A_57 : vector<16xf32> to vector<1x16xf32>
    tpu.vector_store %arg14[%swap3A_466, %swap3A_467], %swap3A_470 {strides = array<i32>} : memref<16x128xf32, #tpu.memory_space<vmem>>, vector<1x16xf32>,
    %swap3A_471 = arith.constant 8 : i32
    %swap3A_472 = arith.index_cast %swap3A_471 : i32 to index
    %swap3A_473 = arith.constant 80 : index
    %swap3A_474 = tpu.vector_load %arg14[%swap3A_472, %swap3A_473] {strides = array<i32>} : memref<16x128xf32, #tpu.memory_space<vmem>>, vector<1x16xf32>,
    %swap3A_475 = vector.shape_cast %swap3A_474 : vector<1x16xf32> to vector<16xf32>
    %swap3A_476 = vector.shape_cast %broadcast_in_dim3A_57 : vector<16xf32> to vector<1x16xf32>
    tpu.vector_store %arg14[%swap3A_472, %swap3A_473], %swap3A_476 {strides = array<i32>} : memref<16x128xf32, #tpu.memory_space<vmem>>, vector<1x16xf32>,
    %swap3A_477 = arith.constant 8 : i32
    %swap3A_478 = arith.index_cast %swap3A_477 : i32 to index
    %swap3A_479 = arith.constant 96 : index
    %swap3A_480 = tpu.vector_load %arg14[%swap3A_478, %swap3A_479] {strides = array<i32>} : memref<16x128xf32, #tpu.memory_space<vmem>>, vector<1x16xf32>,
    %swap3A_481 = vector.shape_cast %swap3A_480 : vector<1x16xf32> to vector<16xf32>
    %swap3A_482 = vector.shape_cast %broadcast_in_dim3A_57 : vector<16xf32> to vector<1x16xf32>
    tpu.vector_store %arg14[%swap3A_478, %swap3A_479], %swap3A_482 {strides = array<i32>} : memref<16x128xf32, #tpu.memory_space<vmem>>, vector<1x16xf32>,
    %swap3A_483 = arith.constant 8 : i32
    %swap3A_484 = arith.index_cast %swap3A_483 : i32 to index
    %swap3A_485 = arith.constant 112 : index
    %swap3A_486 = tpu.vector_load %arg14[%swap3A_484, %swap3A_485] {strides = array<i32>} : memref<16x128xf32, #tpu.memory_space<vmem>>, vector<1x16xf32>,
    %swap3A_487 = vector.shape_cast %swap3A_486 : vector<1x16xf32> to vector<16xf32>
    %swap3A_488 = vector.shape_cast %broadcast_in_dim3A_57 : vector<16xf32> to vector<1x16xf32>
    tpu.vector_store %arg14[%swap3A_484, %swap3A_485], %swap3A_488 {strides = array<i32>} : memref<16x128xf32, #tpu.memory_space<vmem>>, vector<1x16xf32>,
    %swap3A_489 = arith.constant 9 : i32
    %swap3A_490 = arith.index_cast %swap3A_489 : i32 to index
    %swap3A_491 = arith.constant 0 : index
    %swap3A_492 = tpu.vector_load %arg14[%swap3A_490, %swap3A_491] {strides = array<i32>} : memref<16x128xf32, #tpu.memory_space<vmem>>, vector<1x16xf32>,
    %swap3A_493 = vector.shape_cast %swap3A_492 : vector<1x16xf32> to vector<16xf32>
    %swap3A_494 = vector.shape_cast %broadcast_in_dim3A_57 : vector<16xf32> to vector<1x16xf32>
    tpu.vector_store %arg14[%swap3A_490, %swap3A_491], %swap3A_494 {strides = array<i32>} : memref<16x128xf32, #tpu.memory_space<vmem>>, vector<1x16xf32>,
    %swap3A_495 = arith.constant 9 : i32
    %swap3A_496 = arith.index_cast %swap3A_495 : i32 to index
    %swap3A_497 = arith.constant 16 : index
    %swap3A_498 = tpu.vector_load %arg14[%swap3A_496, %swap3A_497] {strides = array<i32>} : memref<16x128xf32, #tpu.memory_space<vmem>>, vector<1x16xf32>,
    %swap3A_499 = vector.shape_cast %swap3A_498 : vector<1x16xf32> to vector<16xf32>
    %swap3A_500 = vector.shape_cast %broadcast_in_dim3A_57 : vector<16xf32> to vector<1x16xf32>
    tpu.vector_store %arg14[%swap3A_496, %swap3A_497], %swap3A_500 {strides = array<i32>} : memref<16x128xf32, #tpu.memory_space<vmem>>, vector<1x16xf32>,
    %swap3A_501 = arith.constant 9 : i32
    %swap3A_502 = arith.index_cast %swap3A_501 : i32 to index
    %swap3A_503 = arith.constant 32 : index
    %swap3A_504 = tpu.vector_load %arg14[%swap3A_502, %swap3A_503] {strides = array<i32>} : memref<16x128xf32, #tpu.memory_space<vmem>>, vector<1x16xf32>,
    %swap3A_505 = vector.shape_cast %swap3A_504 : vector<1x16xf32> to vector<16xf32>
    %swap3A_506 = vector.shape_cast %broadcast_in_dim3A_57 : vector<16xf32> to vector<1x16xf32>
    tpu.vector_store %arg14[%swap3A_502, %swap3A_503], %swap3A_506 {strides = array<i32>} : memref<16x128xf32, #tpu.memory_space<vmem>>, vector<1x16xf32>,
    %swap3A_507 = arith.constant 9 : i32
    %swap3A_508 = arith.index_cast %swap3A_507 : i32 to index
    %swap3A_509 = arith.constant 48 : index
    %swap3A_510 = tpu.vector_load %arg14[%swap3A_508, %swap3A_509] {strides = array<i32>} : memref<16x128xf32, #tpu.memory_space<vmem>>, vector<1x16xf32>,
    %swap3A_511 = vector.shape_cast %swap3A_510 : vector<1x16xf32> to vector<16xf32>
    %swap3A_512 = vector.shape_cast %broadcast_in_dim3A_57 : vector<16xf32> to vector<1x16xf32>
    tpu.vector_store %arg14[%swap3A_508, %swap3A_509], %swap3A_512 {strides = array<i32>} : memref<16x128xf32, #tpu.memory_space<vmem>>, vector<1x16xf32>,
    %swap3A_513 = arith.constant 9 : i32
    %swap3A_514 = arith.index_cast %swap3A_513 : i32 to index
    %swap3A_515 = arith.constant 64 : index
    %swap3A_516 = tpu.vector_load %arg14[%swap3A_514, %swap3A_515] {strides = array<i32>} : memref<16x128xf32, #tpu.memory_space<vmem>>, vector<1x16xf32>,
    %swap3A_517 = vector.shape_cast %swap3A_516 : vector<1x16xf32> to vector<16xf32>
    %swap3A_518 = vector.shape_cast %broadcast_in_dim3A_57 : vector<16xf32> to vector<1x16xf32>
    tpu.vector_store %arg14[%swap3A_514, %swap3A_515], %swap3A_518 {strides = array<i32>} : memref<16x128xf32, #tpu.memory_space<vmem>>, vector<1x16xf32>,
    %swap3A_519 = arith.constant 9 : i32
    %swap3A_520 = arith.index_cast %swap3A_519 : i32 to index
    %swap3A_521 = arith.constant 80 : index
    %swap3A_522 = tpu.vector_load %arg14[%swap3A_520, %swap3A_521] {strides = array<i32>} : memref<16x128xf32, #tpu.memory_space<vmem>>, vector<1x16xf32>,
    %swap3A_523 = vector.shape_cast %swap3A_522 : vector<1x16xf32> to vector<16xf32>
    %swap3A_524 = vector.shape_cast %broadcast_in_dim3A_57 : vector<16xf32> to vector<1x16xf32>
    tpu.vector_store %arg14[%swap3A_520, %swap3A_521], %swap3A_524 {strides = array<i32>} : memref<16x128xf32, #tpu.memory_space<vmem>>, vector<1x16xf32>,
    %swap3A_525 = arith.constant 9 : i32
    %swap3A_526 = arith.index_cast %swap3A_525 : i32 to index
    %swap3A_527 = arith.constant 96 : index
    %swap3A_528 = tpu.vector_load %arg14[%swap3A_526, %swap3A_527] {strides = array<i32>} : memref<16x128xf32, #tpu.memory_space<vmem>>, vector<1x16xf32>,
    %swap3A_529 = vector.shape_cast %swap3A_528 : vector<1x16xf32> to vector<16xf32>
    %swap3A_530 = vector.shape_cast %broadcast_in_dim3A_57 : vector<16xf32> to vector<1x16xf32>
    tpu.vector_store %arg14[%swap3A_526, %swap3A_527], %swap3A_530 {strides = array<i32>} : memref<16x128xf32, #tpu.memory_space<vmem>>, vector<1x16xf32>,
    %swap3A_531 = arith.constant 9 : i32
    %swap3A_532 = arith.index_cast %swap3A_531 : i32 to index
    %swap3A_533 = arith.constant 112 : index
    %swap3A_534 = tpu.vector_load %arg14[%swap3A_532, %swap3A_533] {strides = array<i32>} : memref<16x128xf32, #tpu.memory_space<vmem>>, vector<1x16xf32>,
    %swap3A_535 = vector.shape_cast %swap3A_534 : vector<1x16xf32> to vector<16xf32>
    %swap3A_536 = vector.shape_cast %broadcast_in_dim3A_57 : vector<16xf32> to vector<1x16xf32>
    tpu.vector_store %arg14[%swap3A_532, %swap3A_533], %swap3A_536 {strides = array<i32>} : memref<16x128xf32, #tpu.memory_space<vmem>>, vector<1x16xf32>,
    %swap3A_537 = arith.constant 10 : i32
    %swap3A_538 = arith.index_cast %swap3A_537 : i32 to index
    %swap3A_539 = arith.constant 0 : index
    %swap3A_540 = tpu.vector_load %arg14[%swap3A_538, %swap3A_539] {strides = array<i32>} : memref<16x128xf32, #tpu.memory_space<vmem>>, vector<1x16xf32>,
    %swap3A_541 = vector.shape_cast %swap3A_540 : vector<1x16xf32> to vector<16xf32>
    %swap3A_542 = vector.shape_cast %broadcast_in_dim3A_57 : vector<16xf32> to vector<1x16xf32>
    tpu.vector_store %arg14[%swap3A_538, %swap3A_539], %swap3A_542 {strides = array<i32>} : memref<16x128xf32, #tpu.memory_space<vmem>>, vector<1x16xf32>,
    %swap3A_543 = arith.constant 10 : i32
    %swap3A_544 = arith.index_cast %swap3A_543 : i32 to index
    %swap3A_545 = arith.constant 16 : index
    %swap3A_546 = tpu.vector_load %arg14[%swap3A_544, %swap3A_545] {strides = array<i32>} : memref<16x128xf32, #tpu.memory_space<vmem>>, vector<1x16xf32>,
    %swap3A_547 = vector.shape_cast %swap3A_546 : vector<1x16xf32> to vector<16xf32>
    %swap3A_548 = vector.shape_cast %broadcast_in_dim3A_57 : vector<16xf32> to vector<1x16xf32>
    tpu.vector_store %arg14[%swap3A_544, %swap3A_545], %swap3A_548 {strides = array<i32>} : memref<16x128xf32, #tpu.memory_space<vmem>>, vector<1x16xf32>,
    %swap3A_549 = arith.constant 10 : i32
    %swap3A_550 = arith.index_cast %swap3A_549 : i32 to index
    %swap3A_551 = arith.constant 32 : index
    %swap3A_552 = tpu.vector_load %arg14[%swap3A_550, %swap3A_551] {strides = array<i32>} : memref<16x128xf32, #tpu.memory_space<vmem>>, vector<1x16xf32>,
    %swap3A_553 = vector.shape_cast %swap3A_552 : vector<1x16xf32> to vector<16xf32>
    %swap3A_554 = vector.shape_cast %broadcast_in_dim3A_57 : vector<16xf32> to vector<1x16xf32>
    tpu.vector_store %arg14[%swap3A_550, %swap3A_551], %swap3A_554 {strides = array<i32>} : memref<16x128xf32, #tpu.memory_space<vmem>>, vector<1x16xf32>,
    %swap3A_555 = arith.constant 10 : i32
    %swap3A_556 = arith.index_cast %swap3A_555 : i32 to index
    %swap3A_557 = arith.constant 48 : index
    %swap3A_558 = tpu.vector_load %arg14[%swap3A_556, %swap3A_557] {strides = array<i32>} : memref<16x128xf32, #tpu.memory_space<vmem>>, vector<1x16xf32>,
    %swap3A_559 = vector.shape_cast %swap3A_558 : vector<1x16xf32> to vector<16xf32>
    %swap3A_560 = vector.shape_cast %broadcast_in_dim3A_57 : vector<16xf32> to vector<1x16xf32>
    tpu.vector_store %arg14[%swap3A_556, %swap3A_557], %swap3A_560 {strides = array<i32>} : memref<16x128xf32, #tpu.memory_space<vmem>>, vector<1x16xf32>,
    %swap3A_561 = arith.constant 10 : i32
    %swap3A_562 = arith.index_cast %swap3A_561 : i32 to index
    %swap3A_563 = arith.constant 64 : index
    %swap3A_564 = tpu.vector_load %arg14[%swap3A_562, %swap3A_563] {strides = array<i32>} : memref<16x128xf32, #tpu.memory_space<vmem>>, vector<1x16xf32>,
    %swap3A_565 = vector.shape_cast %swap3A_564 : vector<1x16xf32> to vector<16xf32>
    %swap3A_566 = vector.shape_cast %broadcast_in_dim3A_57 : vector<16xf32> to vector<1x16xf32>
    tpu.vector_store %arg14[%swap3A_562, %swap3A_563], %swap3A_566 {strides = array<i32>} : memref<16x128xf32, #tpu.memory_space<vmem>>, vector<1x16xf32>,
    %swap3A_567 = arith.constant 10 : i32
    %swap3A_568 = arith.index_cast %swap3A_567 : i32 to index
    %swap3A_569 = arith.constant 80 : index
    %swap3A_570 = tpu.vector_load %arg14[%swap3A_568, %swap3A_569] {strides = array<i32>} : memref<16x128xf32, #tpu.memory_space<vmem>>, vector<1x16xf32>,
    %swap3A_571 = vector.shape_cast %swap3A_570 : vector<1x16xf32> to vector<16xf32>
    %swap3A_572 = vector.shape_cast %broadcast_in_dim3A_57 : vector<16xf32> to vector<1x16xf32>
    tpu.vector_store %arg14[%swap3A_568, %swap3A_569], %swap3A_572 {strides = array<i32>} : memref<16x128xf32, #tpu.memory_space<vmem>>, vector<1x16xf32>,
    %swap3A_573 = arith.constant 10 : i32
    %swap3A_574 = arith.index_cast %swap3A_573 : i32 to index
    %swap3A_575 = arith.constant 96 : index
    %swap3A_576 = tpu.vector_load %arg14[%swap3A_574, %swap3A_575] {strides = array<i32>} : memref<16x128xf32, #tpu.memory_space<vmem>>, vector<1x16xf32>,
    %swap3A_577 = vector.shape_cast %swap3A_576 : vector<1x16xf32> to vector<16xf32>
    %swap3A_578 = vector.shape_cast %broadcast_in_dim3A_57 : vector<16xf32> to vector<1x16xf32>
    tpu.vector_store %arg14[%swap3A_574, %swap3A_575], %swap3A_578 {strides = array<i32>} : memref<16x128xf32, #tpu.memory_space<vmem>>, vector<1x16xf32>,
    %swap3A_579 = arith.constant 10 : i32
    %swap3A_580 = arith.index_cast %swap3A_579 : i32 to index
    %swap3A_581 = arith.constant 112 : index
    %swap3A_582 = tpu.vector_load %arg14[%swap3A_580, %swap3A_581] {strides = array<i32>} : memref<16x128xf32, #tpu.memory_space<vmem>>, vector<1x16xf32>,
    %swap3A_583 = vector.shape_cast %swap3A_582 : vector<1x16xf32> to vector<16xf32>
    %swap3A_584 = vector.shape_cast %broadcast_in_dim3A_57 : vector<16xf32> to vector<1x16xf32>
    tpu.vector_store %arg14[%swap3A_580, %swap3A_581], %swap3A_584 {strides = array<i32>} : memref<16x128xf32, #tpu.memory_space<vmem>>, vector<1x16xf32>,
    %swap3A_585 = arith.constant 11 : i32
    %swap3A_586 = arith.index_cast %swap3A_585 : i32 to index
    %swap3A_587 = arith.constant 0 : index
    %swap3A_588 = tpu.vector_load %arg14[%swap3A_586, %swap3A_587] {strides = array<i32>} : memref<16x128xf32, #tpu.memory_space<vmem>>, vector<1x16xf32>,
    %swap3A_589 = vector.shape_cast %swap3A_588 : vector<1x16xf32> to vector<16xf32>
    %swap3A_590 = vector.shape_cast %broadcast_in_dim3A_57 : vector<16xf32> to vector<1x16xf32>
    tpu.vector_store %arg14[%swap3A_586, %swap3A_587], %swap3A_590 {strides = array<i32>} : memref<16x128xf32, #tpu.memory_space<vmem>>, vector<1x16xf32>,
    %swap3A_591 = arith.constant 11 : i32
    %swap3A_592 = arith.index_cast %swap3A_591 : i32 to index
    %swap3A_593 = arith.constant 16 : index
    %swap3A_594 = tpu.vector_load %arg14[%swap3A_592, %swap3A_593] {strides = array<i32>} : memref<16x128xf32, #tpu.memory_space<vmem>>, vector<1x16xf32>,
    %swap3A_595 = vector.shape_cast %swap3A_594 : vector<1x16xf32> to vector<16xf32>
    %swap3A_596 = vector.shape_cast %broadcast_in_dim3A_57 : vector<16xf32> to vector<1x16xf32>
    tpu.vector_store %arg14[%swap3A_592, %swap3A_593], %swap3A_596 {strides = array<i32>} : memref<16x128xf32, #tpu.memory_space<vmem>>, vector<1x16xf32>,
    %swap3A_597 = arith.constant 11 : i32
    %swap3A_598 = arith.index_cast %swap3A_597 : i32 to index
    %swap3A_599 = arith.constant 32 : index
    %swap3A_600 = tpu.vector_load %arg14[%swap3A_598, %swap3A_599] {strides = array<i32>} : memref<16x128xf32, #tpu.memory_space<vmem>>, vector<1x16xf32>,
    %swap3A_601 = vector.shape_cast %swap3A_600 : vector<1x16xf32> to vector<16xf32>
    %swap3A_602 = vector.shape_cast %broadcast_in_dim3A_57 : vector<16xf32> to vector<1x16xf32>
    tpu.vector_store %arg14[%swap3A_598, %swap3A_599], %swap3A_602 {strides = array<i32>} : memref<16x128xf32, #tpu.memory_space<vmem>>, vector<1x16xf32>,
    %swap3A_603 = arith.constant 11 : i32
    %swap3A_604 = arith.index_cast %swap3A_603 : i32 to index
    %swap3A_605 = arith.constant 48 : index
    %swap3A_606 = tpu.vector_load %arg14[%swap3A_604, %swap3A_605] {strides = array<i32>} : memref<16x128xf32, #tpu.memory_space<vmem>>, vector<1x16xf32>,
    %swap3A_607 = vector.shape_cast %swap3A_606 : vector<1x16xf32> to vector<16xf32>
    %swap3A_608 = vector.shape_cast %broadcast_in_dim3A_57 : vector<16xf32> to vector<1x16xf32>
    tpu.vector_store %arg14[%swap3A_604, %swap3A_605], %swap3A_608 {strides = array<i32>} : memref<16x128xf32, #tpu.memory_space<vmem>>, vector<1x16xf32>,
    %swap3A_609 = arith.constant 11 : i32
    %swap3A_610 = arith.index_cast %swap3A_609 : i32 to index
    %swap3A_611 = arith.constant 64 : index
    %swap3A_612 = tpu.vector_load %arg14[%swap3A_610, %swap3A_611] {strides = array<i32>} : memref<16x128xf32, #tpu.memory_space<vmem>>, vector<1x16xf32>,
    %swap3A_613 = vector.shape_cast %swap3A_612 : vector<1x16xf32> to vector<16xf32>
    %swap3A_614 = vector.shape_cast %broadcast_in_dim3A_57 : vector<16xf32> to vector<1x16xf32>
    tpu.vector_store %arg14[%swap3A_610, %swap3A_611], %swap3A_614 {strides = array<i32>} : memref<16x128xf32, #tpu.memory_space<vmem>>, vector<1x16xf32>,
    %swap3A_615 = arith.constant 11 : i32
    %swap3A_616 = arith.index_cast %swap3A_615 : i32 to index
    %swap3A_617 = arith.constant 80 : index
    %swap3A_618 = tpu.vector_load %arg14[%swap3A_616, %swap3A_617] {strides = array<i32>} : memref<16x128xf32, #tpu.memory_space<vmem>>, vector<1x16xf32>,
    %swap3A_619 = vector.shape_cast %swap3A_618 : vector<1x16xf32> to vector<16xf32>
    %swap3A_620 = vector.shape_cast %broadcast_in_dim3A_57 : vector<16xf32> to vector<1x16xf32>
    tpu.vector_store %arg14[%swap3A_616, %swap3A_617], %swap3A_620 {strides = array<i32>} : memref<16x128xf32, #tpu.memory_space<vmem>>, vector<1x16xf32>,
    %swap3A_621 = arith.constant 11 : i32
    %swap3A_622 = arith.index_cast %swap3A_621 : i32 to index
    %swap3A_623 = arith.constant 96 : index
    %swap3A_624 = tpu.vector_load %arg14[%swap3A_622, %swap3A_623] {strides = array<i32>} : memref<16x128xf32, #tpu.memory_space<vmem>>, vector<1x16xf32>,
    %swap3A_625 = vector.shape_cast %swap3A_624 : vector<1x16xf32> to vector<16xf32>
    %swap3A_626 = vector.shape_cast %broadcast_in_dim3A_57 : vector<16xf32> to vector<1x16xf32>
    tpu.vector_store %arg14[%swap3A_622, %swap3A_623], %swap3A_626 {strides = array<i32>} : memref<16x128xf32, #tpu.memory_space<vmem>>, vector<1x16xf32>,
    %swap3A_627 = arith.constant 11 : i32
    %swap3A_628 = arith.index_cast %swap3A_627 : i32 to index
    %swap3A_629 = arith.constant 112 : index
    %swap3A_630 = tpu.vector_load %arg14[%swap3A_628, %swap3A_629] {strides = array<i32>} : memref<16x128xf32, #tpu.memory_space<vmem>>, vector<1x16xf32>,
    %swap3A_631 = vector.shape_cast %swap3A_630 : vector<1x16xf32> to vector<16xf32>
    %swap3A_632 = vector.shape_cast %broadcast_in_dim3A_57 : vector<16xf32> to vector<1x16xf32>
    tpu.vector_store %arg14[%swap3A_628, %swap3A_629], %swap3A_632 {strides = array<i32>} : memref<16x128xf32, #tpu.memory_space<vmem>>, vector<1x16xf32>,
    %swap3A_633 = arith.constant 12 : i32
    %swap3A_634 = arith.index_cast %swap3A_633 : i32 to index
    %swap3A_635 = arith.constant 0 : index
    %swap3A_636 = tpu.vector_load %arg14[%swap3A_634, %swap3A_635] {strides = array<i32>} : memref<16x128xf32, #tpu.memory_space<vmem>>, vector<1x16xf32>,
    %swap3A_637 = vector.shape_cast %swap3A_636 : vector<1x16xf32> to vector<16xf32>
    %swap3A_638 = vector.shape_cast %broadcast_in_dim3A_57 : vector<16xf32> to vector<1x16xf32>
    tpu.vector_store %arg14[%swap3A_634, %swap3A_635], %swap3A_638 {strides = array<i32>} : memref<16x128xf32, #tpu.memory_space<vmem>>, vector<1x16xf32>,
    %swap3A_639 = arith.constant 12 : i32
    %swap3A_640 = arith.index_cast %swap3A_639 : i32 to index
    %swap3A_641 = arith.constant 16 : index
    %swap3A_642 = tpu.vector_load %arg14[%swap3A_640, %swap3A_641] {strides = array<i32>} : memref<16x128xf32, #tpu.memory_space<vmem>>, vector<1x16xf32>,
    %swap3A_643 = vector.shape_cast %swap3A_642 : vector<1x16xf32> to vector<16xf32>
    %swap3A_644 = vector.shape_cast %broadcast_in_dim3A_57 : vector<16xf32> to vector<1x16xf32>
    tpu.vector_store %arg14[%swap3A_640, %swap3A_641], %swap3A_644 {strides = array<i32>} : memref<16x128xf32, #tpu.memory_space<vmem>>, vector<1x16xf32>,
    %swap3A_645 = arith.constant 12 : i32
    %swap3A_646 = arith.index_cast %swap3A_645 : i32 to index
    %swap3A_647 = arith.constant 32 : index
    %swap3A_648 = tpu.vector_load %arg14[%swap3A_646, %swap3A_647] {strides = array<i32>} : memref<16x128xf32, #tpu.memory_space<vmem>>, vector<1x16xf32>,
    %swap3A_649 = vector.shape_cast %swap3A_648 : vector<1x16xf32> to vector<16xf32>
    %swap3A_650 = vector.shape_cast %broadcast_in_dim3A_57 : vector<16xf32> to vector<1x16xf32>
    tpu.vector_store %arg14[%swap3A_646, %swap3A_647], %swap3A_650 {strides = array<i32>} : memref<16x128xf32, #tpu.memory_space<vmem>>, vector<1x16xf32>,
    %swap3A_651 = arith.constant 12 : i32
    %swap3A_652 = arith.index_cast %swap3A_651 : i32 to index
    %swap3A_653 = arith.constant 48 : index
    %swap3A_654 = tpu.vector_load %arg14[%swap3A_652, %swap3A_653] {strides = array<i32>} : memref<16x128xf32, #tpu.memory_space<vmem>>, vector<1x16xf32>,
    %swap3A_655 = vector.shape_cast %swap3A_654 : vector<1x16xf32> to vector<16xf32>
    %swap3A_656 = vector.shape_cast %broadcast_in_dim3A_57 : vector<16xf32> to vector<1x16xf32>
    tpu.vector_store %arg14[%swap3A_652, %swap3A_653], %swap3A_656 {strides = array<i32>} : memref<16x128xf32, #tpu.memory_space<vmem>>, vector<1x16xf32>,
    %swap3A_657 = arith.constant 12 : i32
    %swap3A_658 = arith.index_cast %swap3A_657 : i32 to index
    %swap3A_659 = arith.constant 64 : index
    %swap3A_660 = tpu.vector_load %arg14[%swap3A_658, %swap3A_659] {strides = array<i32>} : memref<16x128xf32, #tpu.memory_space<vmem>>, vector<1x16xf32>,
    %swap3A_661 = vector.shape_cast %swap3A_660 : vector<1x16xf32> to vector<16xf32>
    %swap3A_662 = vector.shape_cast %broadcast_in_dim3A_57 : vector<16xf32> to vector<1x16xf32>
    tpu.vector_store %arg14[%swap3A_658, %swap3A_659], %swap3A_662 {strides = array<i32>} : memref<16x128xf32, #tpu.memory_space<vmem>>, vector<1x16xf32>,
    %swap3A_663 = arith.constant 12 : i32
    %swap3A_664 = arith.index_cast %swap3A_663 : i32 to index
    %swap3A_665 = arith.constant 80 : index
    %swap3A_666 = tpu.vector_load %arg14[%swap3A_664, %swap3A_665] {strides = array<i32>} : memref<16x128xf32, #tpu.memory_space<vmem>>, vector<1x16xf32>,
    %swap3A_667 = vector.shape_cast %swap3A_666 : vector<1x16xf32> to vector<16xf32>
    %swap3A_668 = vector.shape_cast %broadcast_in_dim3A_57 : vector<16xf32> to vector<1x16xf32>
    tpu.vector_store %arg14[%swap3A_664, %swap3A_665], %swap3A_668 {strides = array<i32>} : memref<16x128xf32, #tpu.memory_space<vmem>>, vector<1x16xf32>,
    %swap3A_669 = arith.constant 12 : i32
    %swap3A_670 = arith.index_cast %swap3A_669 : i32 to index
    %swap3A_671 = arith.constant 96 : index
    %swap3A_672 = tpu.vector_load %arg14[%swap3A_670, %swap3A_671] {strides = array<i32>} : memref<16x128xf32, #tpu.memory_space<vmem>>, vector<1x16xf32>,
    %swap3A_673 = vector.shape_cast %swap3A_672 : vector<1x16xf32> to vector<16xf32>
    %swap3A_674 = vector.shape_cast %broadcast_in_dim3A_57 : vector<16xf32> to vector<1x16xf32>
    tpu.vector_store %arg14[%swap3A_670, %swap3A_671], %swap3A_674 {strides = array<i32>} : memref<16x128xf32, #tpu.memory_space<vmem>>, vector<1x16xf32>,
    %swap3A_675 = arith.constant 12 : i32
    %swap3A_676 = arith.index_cast %swap3A_675 : i32 to index
    %swap3A_677 = arith.constant 112 : index
    %swap3A_678 = tpu.vector_load %arg14[%swap3A_676, %swap3A_677] {strides = array<i32>} : memref<16x128xf32, #tpu.memory_space<vmem>>, vector<1x16xf32>,
    %swap3A_679 = vector.shape_cast %swap3A_678 : vector<1x16xf32> to vector<16xf32>
    %swap3A_680 = vector.shape_cast %broadcast_in_dim3A_57 : vector<16xf32> to vector<1x16xf32>
    tpu.vector_store %arg14[%swap3A_676, %swap3A_677], %swap3A_680 {strides = array<i32>} : memref<16x128xf32, #tpu.memory_space<vmem>>, vector<1x16xf32>,
    %swap3A_681 = arith.constant 13 : i32
    %swap3A_682 = arith.index_cast %swap3A_681 : i32 to index
    %swap3A_683 = arith.constant 0 : index
    %swap3A_684 = tpu.vector_load %arg14[%swap3A_682, %swap3A_683] {strides = array<i32>} : memref<16x128xf32, #tpu.memory_space<vmem>>, vector<1x16xf32>,
    %swap3A_685 = vector.shape_cast %swap3A_684 : vector<1x16xf32> to vector<16xf32>
    %swap3A_686 = vector.shape_cast %broadcast_in_dim3A_57 : vector<16xf32> to vector<1x16xf32>
    tpu.vector_store %arg14[%swap3A_682, %swap3A_683], %swap3A_686 {strides = array<i32>} : memref<16x128xf32, #tpu.memory_space<vmem>>, vector<1x16xf32>,
    %swap3A_687 = arith.constant 13 : i32
    %swap3A_688 = arith.index_cast %swap3A_687 : i32 to index
    %swap3A_689 = arith.constant 16 : index
    %swap3A_690 = tpu.vector_load %arg14[%swap3A_688, %swap3A_689] {strides = array<i32>} : memref<16x128xf32, #tpu.memory_space<vmem>>, vector<1x16xf32>,
    %swap3A_691 = vector.shape_cast %swap3A_690 : vector<1x16xf32> to vector<16xf32>
    %swap3A_692 = vector.shape_cast %broadcast_in_dim3A_57 : vector<16xf32> to vector<1x16xf32>
    tpu.vector_store %arg14[%swap3A_688, %swap3A_689], %swap3A_692 {strides = array<i32>} : memref<16x128xf32, #tpu.memory_space<vmem>>, vector<1x16xf32>,
    %swap3A_693 = arith.constant 13 : i32
    %swap3A_694 = arith.index_cast %swap3A_693 : i32 to index
    %swap3A_695 = arith.constant 32 : index
    %swap3A_696 = tpu.vector_load %arg14[%swap3A_694, %swap3A_695] {strides = array<i32>} : memref<16x128xf32, #tpu.memory_space<vmem>>, vector<1x16xf32>,
    %swap3A_697 = vector.shape_cast %swap3A_696 : vector<1x16xf32> to vector<16xf32>
    %swap3A_698 = vector.shape_cast %broadcast_in_dim3A_57 : vector<16xf32> to vector<1x16xf32>
    tpu.vector_store %arg14[%swap3A_694, %swap3A_695], %swap3A_698 {strides = array<i32>} : memref<16x128xf32, #tpu.memory_space<vmem>>, vector<1x16xf32>,
    %swap3A_699 = arith.constant 13 : i32
    %swap3A_700 = arith.index_cast %swap3A_699 : i32 to index
    %swap3A_701 = arith.constant 48 : index
    %swap3A_702 = tpu.vector_load %arg14[%swap3A_700, %swap3A_701] {strides = array<i32>} : memref<16x128xf32, #tpu.memory_space<vmem>>, vector<1x16xf32>,
    %swap3A_703 = vector.shape_cast %swap3A_702 : vector<1x16xf32> to vector<16xf32>
    %swap3A_704 = vector.shape_cast %broadcast_in_dim3A_57 : vector<16xf32> to vector<1x16xf32>
    tpu.vector_store %arg14[%swap3A_700, %swap3A_701], %swap3A_704 {strides = array<i32>} : memref<16x128xf32, #tpu.memory_space<vmem>>, vector<1x16xf32>,
    %swap3A_705 = arith.constant 13 : i32
    %swap3A_706 = arith.index_cast %swap3A_705 : i32 to index
    %swap3A_707 = arith.constant 64 : index
    %swap3A_708 = tpu.vector_load %arg14[%swap3A_706, %swap3A_707] {strides = array<i32>} : memref<16x128xf32, #tpu.memory_space<vmem>>, vector<1x16xf32>,
    %swap3A_709 = vector.shape_cast %swap3A_708 : vector<1x16xf32> to vector<16xf32>
    %swap3A_710 = vector.shape_cast %broadcast_in_dim3A_57 : vector<16xf32> to vector<1x16xf32>
    tpu.vector_store %arg14[%swap3A_706, %swap3A_707], %swap3A_710 {strides = array<i32>} : memref<16x128xf32, #tpu.memory_space<vmem>>, vector<1x16xf32>,
    %swap3A_711 = arith.constant 13 : i32
    %swap3A_712 = arith.index_cast %swap3A_711 : i32 to index
    %swap3A_713 = arith.constant 80 : index
    %swap3A_714 = tpu.vector_load %arg14[%swap3A_712, %swap3A_713] {strides = array<i32>} : memref<16x128xf32, #tpu.memory_space<vmem>>, vector<1x16xf32>,
    %swap3A_715 = vector.shape_cast %swap3A_714 : vector<1x16xf32> to vector<16xf32>
    %swap3A_716 = vector.shape_cast %broadcast_in_dim3A_57 : vector<16xf32> to vector<1x16xf32>
    tpu.vector_store %arg14[%swap3A_712, %swap3A_713], %swap3A_716 {strides = array<i32>} : memref<16x128xf32, #tpu.memory_space<vmem>>, vector<1x16xf32>,
    %swap3A_717 = arith.constant 13 : i32
    %swap3A_718 = arith.index_cast %swap3A_717 : i32 to index
    %swap3A_719 = arith.constant 96 : index
    %swap3A_720 = tpu.vector_load %arg14[%swap3A_718, %swap3A_719] {strides = array<i32>} : memref<16x128xf32, #tpu.memory_space<vmem>>, vector<1x16xf32>,
    %swap3A_721 = vector.shape_cast %swap3A_720 : vector<1x16xf32> to vector<16xf32>
    %swap3A_722 = vector.shape_cast %broadcast_in_dim3A_57 : vector<16xf32> to vector<1x16xf32>
    tpu.vector_store %arg14[%swap3A_718, %swap3A_719], %swap3A_722 {strides = array<i32>} : memref<16x128xf32, #tpu.memory_space<vmem>>, vector<1x16xf32>,
    %swap3A_723 = arith.constant 13 : i32
    %swap3A_724 = arith.index_cast %swap3A_723 : i32 to index
    %swap3A_725 = arith.constant 112 : index
    %swap3A_726 = tpu.vector_load %arg14[%swap3A_724, %swap3A_725] {strides = array<i32>} : memref<16x128xf32, #tpu.memory_space<vmem>>, vector<1x16xf32>,
    %swap3A_727 = vector.shape_cast %swap3A_726 : vector<1x16xf32> to vector<16xf32>
    %swap3A_728 = vector.shape_cast %broadcast_in_dim3A_57 : vector<16xf32> to vector<1x16xf32>
    tpu.vector_store %arg14[%swap3A_724, %swap3A_725], %swap3A_728 {strides = array<i32>} : memref<16x128xf32, #tpu.memory_space<vmem>>, vector<1x16xf32>,
    %swap3A_729 = arith.constant 14 : i32
    %swap3A_730 = arith.index_cast %swap3A_729 : i32 to index
    %swap3A_731 = arith.constant 0 : index
    %swap3A_732 = tpu.vector_load %arg14[%swap3A_730, %swap3A_731] {strides = array<i32>} : memref<16x128xf32, #tpu.memory_space<vmem>>, vector<1x16xf32>,
    %swap3A_733 = vector.shape_cast %swap3A_732 : vector<1x16xf32> to vector<16xf32>
    %swap3A_734 = vector.shape_cast %broadcast_in_dim3A_57 : vector<16xf32> to vector<1x16xf32>
    tpu.vector_store %arg14[%swap3A_730, %swap3A_731], %swap3A_734 {strides = array<i32>} : memref<16x128xf32, #tpu.memory_space<vmem>>, vector<1x16xf32>,
    %swap3A_735 = arith.constant 14 : i32
    %swap3A_736 = arith.index_cast %swap3A_735 : i32 to index
    %swap3A_737 = arith.constant 16 : index
    %swap3A_738 = tpu.vector_load %arg14[%swap3A_736, %swap3A_737] {strides = array<i32>} : memref<16x128xf32, #tpu.memory_space<vmem>>, vector<1x16xf32>,
    %swap3A_739 = vector.shape_cast %swap3A_738 : vector<1x16xf32> to vector<16xf32>
    %swap3A_740 = vector.shape_cast %broadcast_in_dim3A_57 : vector<16xf32> to vector<1x16xf32>
    tpu.vector_store %arg14[%swap3A_736, %swap3A_737], %swap3A_740 {strides = array<i32>} : memref<16x128xf32, #tpu.memory_space<vmem>>, vector<1x16xf32>,
    %swap3A_741 = arith.constant 14 : i32
    %swap3A_742 = arith.index_cast %swap3A_741 : i32 to index
    %swap3A_743 = arith.constant 32 : index
    %swap3A_744 = tpu.vector_load %arg14[%swap3A_742, %swap3A_743] {strides = array<i32>} : memref<16x128xf32, #tpu.memory_space<vmem>>, vector<1x16xf32>,
    %swap3A_745 = vector.shape_cast %swap3A_744 : vector<1x16xf32> to vector<16xf32>
    %swap3A_746 = vector.shape_cast %broadcast_in_dim3A_57 : vector<16xf32> to vector<1x16xf32>
    tpu.vector_store %arg14[%swap3A_742, %swap3A_743], %swap3A_746 {strides = array<i32>} : memref<16x128xf32, #tpu.memory_space<vmem>>, vector<1x16xf32>,
    %swap3A_747 = arith.constant 14 : i32
    %swap3A_748 = arith.index_cast %swap3A_747 : i32 to index
    %swap3A_749 = arith.constant 48 : index
    %swap3A_750 = tpu.vector_load %arg14[%swap3A_748, %swap3A_749] {strides = array<i32>} : memref<16x128xf32, #tpu.memory_space<vmem>>, vector<1x16xf32>,
    %swap3A_751 = vector.shape_cast %swap3A_750 : vector<1x16xf32> to vector<16xf32>
    %swap3A_752 = vector.shape_cast %broadcast_in_dim3A_57 : vector<16xf32> to vector<1x16xf32>
    tpu.vector_store %arg14[%swap3A_748, %swap3A_749], %swap3A_752 {strides = array<i32>} : memref<16x128xf32, #tpu.memory_space<vmem>>, vector<1x16xf32>,
    %swap3A_753 = arith.constant 14 : i32
    %swap3A_754 = arith.index_cast %swap3A_753 : i32 to index
    %swap3A_755 = arith.constant 64 : index
    %swap3A_756 = tpu.vector_load %arg14[%swap3A_754, %swap3A_755] {strides = array<i32>} : memref<16x128xf32, #tpu.memory_space<vmem>>, vector<1x16xf32>,
    %swap3A_757 = vector.shape_cast %swap3A_756 : vector<1x16xf32> to vector<16xf32>
    %swap3A_758 = vector.shape_cast %broadcast_in_dim3A_57 : vector<16xf32> to vector<1x16xf32>
    tpu.vector_store %arg14[%swap3A_754, %swap3A_755], %swap3A_758 {strides = array<i32>} : memref<16x128xf32, #tpu.memory_space<vmem>>, vector<1x16xf32>,
    %swap3A_759 = arith.constant 14 : i32
    %swap3A_760 = arith.index_cast %swap3A_759 : i32 to index
    %swap3A_761 = arith.constant 80 : index
    %swap3A_762 = tpu.vector_load %arg14[%swap3A_760, %swap3A_761] {strides = array<i32>} : memref<16x128xf32, #tpu.memory_space<vmem>>, vector<1x16xf32>,
    %swap3A_763 = vector.shape_cast %swap3A_762 : vector<1x16xf32> to vector<16xf32>
    %swap3A_764 = vector.shape_cast %broadcast_in_dim3A_57 : vector<16xf32> to vector<1x16xf32>
    tpu.vector_store %arg14[%swap3A_760, %swap3A_761], %swap3A_764 {strides = array<i32>} : memref<16x128xf32, #tpu.memory_space<vmem>>, vector<1x16xf32>,
    %swap3A_765 = arith.constant 14 : i32
    %swap3A_766 = arith.index_cast %swap3A_765 : i32 to index
    %swap3A_767 = arith.constant 96 : index
    %swap3A_768 = tpu.vector_load %arg14[%swap3A_766, %swap3A_767] {strides = array<i32>} : memref<16x128xf32, #tpu.memory_space<vmem>>, vector<1x16xf32>,
    %swap3A_769 = vector.shape_cast %swap3A_768 : vector<1x16xf32> to vector<16xf32>
    %swap3A_770 = vector.shape_cast %broadcast_in_dim3A_57 : vector<16xf32> to vector<1x16xf32>
    tpu.vector_store %arg14[%swap3A_766, %swap3A_767], %swap3A_770 {strides = array<i32>} : memref<16x128xf32, #tpu.memory_space<vmem>>, vector<1x16xf32>,
    %swap3A_771 = arith.constant 14 : i32
    %swap3A_772 = arith.index_cast %swap3A_771 : i32 to index
    %swap3A_773 = arith.constant 112 : index
    %swap3A_774 = tpu.vector_load %arg14[%swap3A_772, %swap3A_773] {strides = array<i32>} : memref<16x128xf32, #tpu.memory_space<vmem>>, vector<1x16xf32>,
    %swap3A_775 = vector.shape_cast %swap3A_774 : vector<1x16xf32> to vector<16xf32>
    %swap3A_776 = vector.shape_cast %broadcast_in_dim3A_57 : vector<16xf32> to vector<1x16xf32>
    tpu.vector_store %arg14[%swap3A_772, %swap3A_773], %swap3A_776 {strides = array<i32>} : memref<16x128xf32, #tpu.memory_space<vmem>>, vector<1x16xf32>,
    %swap3A_777 = arith.constant 15 : i32
    %swap3A_778 = arith.index_cast %swap3A_777 : i32 to index
    %swap3A_779 = arith.constant 0 : index
    %swap3A_780 = tpu.vector_load %arg14[%swap3A_778, %swap3A_779] {strides = array<i32>} : memref<16x128xf32, #tpu.memory_space<vmem>>, vector<1x16xf32>,
    %swap3A_781 = vector.shape_cast %swap3A_780 : vector<1x16xf32> to vector<16xf32>
    %swap3A_782 = vector.shape_cast %broadcast_in_dim3A_57 : vector<16xf32> to vector<1x16xf32>
    tpu.vector_store %arg14[%swap3A_778, %swap3A_779], %swap3A_782 {strides = array<i32>} : memref<16x128xf32, #tpu.memory_space<vmem>>, vector<1x16xf32>,
    %swap3A_783 = arith.constant 15 : i32
    %swap3A_784 = arith.index_cast %swap3A_783 : i32 to index
    %swap3A_785 = arith.constant 16 : index
    %swap3A_786 = tpu.vector_load %arg14[%swap3A_784, %swap3A_785] {strides = array<i32>} : memref<16x128xf32, #tpu.memory_space<vmem>>, vector<1x16xf32>,
    %swap3A_787 = vector.shape_cast %swap3A_786 : vector<1x16xf32> to vector<16xf32>
    %swap3A_788 = vector.shape_cast %broadcast_in_dim3A_57 : vector<16xf32> to vector<1x16xf32>
    tpu.vector_store %arg14[%swap3A_784, %swap3A_785], %swap3A_788 {strides = array<i32>} : memref<16x128xf32, #tpu.memory_space<vmem>>, vector<1x16xf32>,
    %swap3A_789 = arith.constant 15 : i32
    %swap3A_790 = arith.index_cast %swap3A_789 : i32 to index
    %swap3A_791 = arith.constant 32 : index
    %swap3A_792 = tpu.vector_load %arg14[%swap3A_790, %swap3A_791] {strides = array<i32>} : memref<16x128xf32, #tpu.memory_space<vmem>>, vector<1x16xf32>,
    %swap3A_793 = vector.shape_cast %swap3A_792 : vector<1x16xf32> to vector<16xf32>
    %swap3A_794 = vector.shape_cast %broadcast_in_dim3A_57 : vector<16xf32> to vector<1x16xf32>
    tpu.vector_store %arg14[%swap3A_790, %swap3A_791], %swap3A_794 {strides = array<i32>} : memref<16x128xf32, #tpu.memory_space<vmem>>, vector<1x16xf32>,
    %swap3A_795 = arith.constant 15 : i32
    %swap3A_796 = arith.index_cast %swap3A_795 : i32 to index
    %swap3A_797 = arith.constant 48 : index
    %swap3A_798 = tpu.vector_load %arg14[%swap3A_796, %swap3A_797] {strides = array<i32>} : memref<16x128xf32, #tpu.memory_space<vmem>>, vector<1x16xf32>,
    %swap3A_799 = vector.shape_cast %swap3A_798 : vector<1x16xf32> to vector<16xf32>
    %swap3A_800 = vector.shape_cast %broadcast_in_dim3A_57 : vector<16xf32> to vector<1x16xf32>
    tpu.vector_store %arg14[%swap3A_796, %swap3A_797], %swap3A_800 {strides = array<i32>} : memref<16x128xf32, #tpu.memory_space<vmem>>, vector<1x16xf32>,
    %swap3A_801 = arith.constant 15 : i32
    %swap3A_802 = arith.index_cast %swap3A_801 : i32 to index
    %swap3A_803 = arith.constant 64 : index
    %swap3A_804 = tpu.vector_load %arg14[%swap3A_802, %swap3A_803] {strides = array<i32>} : memref<16x128xf32, #tpu.memory_space<vmem>>, vector<1x16xf32>,
    %swap3A_805 = vector.shape_cast %swap3A_804 : vector<1x16xf32> to vector<16xf32>
    %swap3A_806 = vector.shape_cast %broadcast_in_dim3A_57 : vector<16xf32> to vector<1x16xf32>
    tpu.vector_store %arg14[%swap3A_802, %swap3A_803], %swap3A_806 {strides = array<i32>} : memref<16x128xf32, #tpu.memory_space<vmem>>, vector<1x16xf32>,
    %swap3A_807 = arith.constant 15 : i32
    %swap3A_808 = arith.index_cast %swap3A_807 : i32 to index
    %swap3A_809 = arith.constant 80 : index
    %swap3A_810 = tpu.vector_load %arg14[%swap3A_808, %swap3A_809] {strides = array<i32>} : memref<16x128xf32, #tpu.memory_space<vmem>>, vector<1x16xf32>,
    %swap3A_811 = vector.shape_cast %swap3A_810 : vector<1x16xf32> to vector<16xf32>
    %swap3A_812 = vector.shape_cast %broadcast_in_dim3A_57 : vector<16xf32> to vector<1x16xf32>
    tpu.vector_store %arg14[%swap3A_808, %swap3A_809], %swap3A_812 {strides = array<i32>} : memref<16x128xf32, #tpu.memory_space<vmem>>, vector<1x16xf32>,
    %swap3A_813 = arith.constant 15 : i32
    %swap3A_814 = arith.index_cast %swap3A_813 : i32 to index
    %swap3A_815 = arith.constant 96 : index
    %swap3A_816 = tpu.vector_load %arg14[%swap3A_814, %swap3A_815] {strides = array<i32>} : memref<16x128xf32, #tpu.memory_space<vmem>>, vector<1x16xf32>,
    %swap3A_817 = vector.shape_cast %swap3A_816 : vector<1x16xf32> to vector<16xf32>
    %swap3A_818 = vector.shape_cast %broadcast_in_dim3A_57 : vector<16xf32> to vector<1x16xf32>
    tpu.vector_store %arg14[%swap3A_814, %swap3A_815], %swap3A_818 {strides = array<i32>} : memref<16x128xf32, #tpu.memory_space<vmem>>, vector<1x16xf32>,
    %swap3A_819 = arith.constant 15 : i32
    %swap3A_820 = arith.index_cast %swap3A_819 : i32 to index
    %swap3A_821 = arith.constant 112 : index
    %swap3A_822 = tpu.vector_load %arg14[%swap3A_820, %swap3A_821] {strides = array<i32>} : memref<16x128xf32, #tpu.memory_space<vmem>>, vector<1x16xf32>,
    %swap3A_823 = vector.shape_cast %swap3A_822 : vector<1x16xf32> to vector<16xf32>
    %swap3A_824 = vector.shape_cast %broadcast_in_dim3A_57 : vector<16xf32> to vector<1x16xf32>
    tpu.vector_store %arg14[%swap3A_820, %swap3A_821], %swap3A_824 {strides = array<i32>} : memref<16x128xf32, #tpu.memory_space<vmem>>, vector<1x16xf32>,
    %mul3A_825 = arith.constant 16 : i32
    %mul3A_826 = arith.muli %arg1, %mul3A_825 : i32
    "tpu.region"() ({
      %run_scoped3A = tpu.sem_alloc : memref<!tpu.dma_semaphore, #tpu.memory_space<semaphore_mem>>
      %dma_start3A_1603 = arith.constant 0 : i32
      %dma_start3A_1604 = tpu.memref_slice %arg15[%mul3A_826, %dma_start3A_1603] : memref<256x128xf32, #tpu.memory_space<vmem_shared>> -> memref<16x128xf32, #tpu.memory_space<vmem_shared>>
      %dma_start3A_1605 = arith.constant 0 : i32
      %dma_start3A_1606 = tpu.memref_slice %arg15[%mul3A_826, %dma_start3A_1605] : memref<256x128xf32, #tpu.memory_space<vmem_shared>> -> memref<16x128xf32, #tpu.memory_space<vmem_shared>>
      tpu.enqueue_dma source(%arg14 : memref<16x128xf32, #tpu.memory_space<vmem>>) target(%dma_start3A_1606 : memref<16x128xf32, #tpu.memory_space<vmem_shared>>) target_semaphore(%run_scoped3A : memref<!tpu.dma_semaphore, #tpu.memory_space<semaphore_mem>>)
      %dma_wait3A_1607 = arith.constant 0 : i32
      %dma_wait3A_1608 = tpu.memref_slice %arg15[%mul3A_826, %dma_wait3A_1607] : memref<256x128xf32, #tpu.memory_space<vmem_shared>> -> memref<16x128xf32, #tpu.memory_space<vmem_shared>>
      %dma_wait3A_1609 = arith.constant 0 : i32
      %dma_wait3A_1610 = tpu.memref_slice %arg15[%mul3A_826, %dma_wait3A_1609] : memref<256x128xf32, #tpu.memory_space<vmem_shared>> -> memref<16x128xf32, #tpu.memory_space<vmem_shared>>
      tpu.wait_dma2 semaphore(%run_scoped3A : memref<!tpu.dma_semaphore, #tpu.memory_space<semaphore_mem>>) src(%arg14 : memref<16x128xf32, #tpu.memory_space<vmem>>) dst(%dma_wait3A_1610 : memref<16x128xf32, #tpu.memory_space<vmem_shared>>)
      tpu.yield
    }) : () -> ()
    %barrier3A = arith.constant 0 : index
    tpu.barrier barrier_id(%barrier3A)
    %add3A_827 = arith.constant 384 : i32
    %add3A_828 = arith.addi %mul3A_4, %add3A_827 : i32
    %dma_start3A_829 = arith.constant 3 : i32
    %dma_start3A_830 = arith.constant 0 : i32
    %dma_start3A_831 = tpu.memref_slice %arg5[%dma_start3A_829, %dma_start3A_830] : memref<6x128xi32, #tpu.memory_space<vmem>> -> memref<1x128xi32, #tpu.memory_space<vmem>>
    %dma_start3A_832 = tpu.memref_squeeze %dma_start3A_831 : memref<1x128xi32, #tpu.memory_space<vmem>> -> memref<128xi32, #tpu.memory_space<vmem>>
    %dma_start3A_833 = tpu.memref_slice %arg3[%add3A_828] : memref<100000xi32, #tpu.memory_space<hbm>> -> memref<128xi32, #tpu.memory_space<hbm>>
    %dma_start3A_834 = arith.constant 0 : i32
    %dma_start3A_835 = tpu.memref_slice %arg5[%dma_start3A_829, %dma_start3A_834] : memref<6x128xi32, #tpu.memory_space<vmem>> -> memref<1x128xi32, #tpu.memory_space<vmem>>
    %dma_start3A_836 = tpu.memref_squeeze %dma_start3A_835 : memref<1x128xi32, #tpu.memory_space<vmem>> -> memref<128xi32, #tpu.memory_space<vmem>>
    %dma_start3A_837 = tpu.memref_slice %arg3[%add3A_828] : memref<100000xi32, #tpu.memory_space<hbm>> -> memref<128xi32, #tpu.memory_space<hbm>>
    tpu.enqueue_dma source(%dma_start3A_837 : memref<128xi32, #tpu.memory_space<hbm>>) target(%dma_start3A_836 : memref<128xi32, #tpu.memory_space<vmem>>) target_semaphore(%arg19 : memref<!tpu.dma_semaphore, #tpu.memory_space<semaphore_mem>>)
    %add3A_838 = arith.constant 384 : i32
    %add3A_839 = arith.addi %mul3A_4, %add3A_838 : i32
    %dma_start3A_840 = arith.constant 0 : i32
    %dma_start3A_841 = tpu.memref_slice %arg2[%add3A_839, %dma_start3A_840] : memref<100000x128xf32, #tpu.memory_space<hbm>> -> memref<128x128xf32, #tpu.memory_space<hbm>>
    %dma_start3A_842 = arith.constant 0 : i32
    %dma_start3A_843 = tpu.memref_slice %arg2[%add3A_839, %dma_start3A_842] : memref<100000x128xf32, #tpu.memory_space<hbm>> -> memref<128x128xf32, #tpu.memory_space<hbm>>
    tpu.enqueue_dma source(%dma_start3A_843 : memref<128x128xf32, #tpu.memory_space<hbm>>) target(%arg9 : memref<128x128xf32, #tpu.memory_space<vmem>>) target_semaphore(%arg19 : memref<!tpu.dma_semaphore, #tpu.memory_space<semaphore_mem>>)
    %add3A_844 = arith.constant 0 : i32
    %add3A_845 = arith.addi %mul3A_4, %add3A_844 : i32
    %dma_wait3A = arith.constant 0 : i32
    %dma_wait3A_846 = arith.constant 0 : i32
    %dma_wait3A_847 = tpu.memref_slice %arg5[%dma_wait3A, %dma_wait3A_846] : memref<6x128xi32, #tpu.memory_space<vmem>> -> memref<1x128xi32, #tpu.memory_space<vmem>>
    %dma_wait3A_848 = tpu.memref_squeeze %dma_wait3A_847 : memref<1x128xi32, #tpu.memory_space<vmem>> -> memref<128xi32, #tpu.memory_space<vmem>>
    %dma_wait3A_849 = tpu.memref_slice %arg3[%add3A_845] : memref<100000xi32, #tpu.memory_space<hbm>> -> memref<128xi32, #tpu.memory_space<hbm>>
    %dma_wait3A_850 = arith.constant 0 : i32
    %dma_wait3A_851 = tpu.memref_slice %arg5[%dma_wait3A, %dma_wait3A_850] : memref<6x128xi32, #tpu.memory_space<vmem>> -> memref<1x128xi32, #tpu.memory_space<vmem>>
    %dma_wait3A_852 = tpu.memref_squeeze %dma_wait3A_851 : memref<1x128xi32, #tpu.memory_space<vmem>> -> memref<128xi32, #tpu.memory_space<vmem>>
    %dma_wait3A_853 = tpu.memref_slice %arg3[%add3A_845] : memref<100000xi32, #tpu.memory_space<hbm>> -> memref<128xi32, #tpu.memory_space<hbm>>
    tpu.wait_dma2 semaphore(%arg16 : memref<!tpu.dma_semaphore, #tpu.memory_space<semaphore_mem>>) src(%dma_wait3A_853 : memref<128xi32, #tpu.memory_space<hbm>>) dst(%dma_wait3A_852 : memref<128xi32, #tpu.memory_space<vmem>>)
    %add3A_854 = arith.constant 0 : i32
    %add3A_855 = arith.addi %mul3A_4, %add3A_854 : i32
    %dma_wait3A_856 = arith.constant 0 : i32
    %dma_wait3A_857 = tpu.memref_slice %arg2[%add3A_855, %dma_wait3A_856] : memref<100000x128xf32, #tpu.memory_space<hbm>> -> memref<128x128xf32, #tpu.memory_space<hbm>>
    %dma_wait3A_858 = arith.constant 0 : i32
    %dma_wait3A_859 = tpu.memref_slice %arg2[%add3A_855, %dma_wait3A_858] : memref<100000x128xf32, #tpu.memory_space<hbm>> -> memref<128x128xf32, #tpu.memory_space<hbm>>
    tpu.wait_dma2 semaphore(%arg16 : memref<!tpu.dma_semaphore, #tpu.memory_space<semaphore_mem>>) src(%dma_wait3A_859 : memref<128x128xf32, #tpu.memory_space<hbm>>) dst(%arg6 : memref<128x128xf32, #tpu.memory_space<vmem>>)
    %dma_start3A_860 = arith.constant 0 : i32
    %dma_start3A_861 = arith.constant 0 : i32
    %dma_start3A_862 = tpu.memref_slice %arg5[%dma_start3A_860, %dma_start3A_861] : memref<6x128xi32, #tpu.memory_space<vmem>> -> memref<1x128xi32, #tpu.memory_space<vmem>>
    %dma_start3A_863 = tpu.memref_squeeze %dma_start3A_862 : memref<1x128xi32, #tpu.memory_space<vmem>> -> memref<128xi32, #tpu.memory_space<vmem>>
    %dma_start3A_864 = arith.constant 0 : i32
    %dma_start3A_865 = arith.constant 0 : i32
    %dma_start3A_866 = tpu.memref_slice %arg15[%dma_start3A_864, %dma_start3A_865] : memref<256x128xf32, #tpu.memory_space<vmem_shared>> -> memref<256x128xf32, #tpu.memory_space<vmem_shared>>
    tpu.enqueue_indirect_dma source(%arg6 : memref<128x128xf32, #tpu.memory_space<vmem>>) target(%dma_start3A_866 : memref<256x128xf32, #tpu.memory_space<vmem_shared>>) offsets(%dma_start3A_863 : memref<128xi32, #tpu.memory_space<vmem>>) semaphore(%arg22 : memref<!tpu.dma_semaphore, #tpu.memory_space<semaphore_mem>>) {add = true}
    %add3A_867 = arith.constant 512 : i32
    %add3A_868 = arith.addi %mul3A_4, %add3A_867 : i32
    %dma_start3A_869 = arith.constant 4 : i32
    %dma_start3A_870 = arith.constant 0 : i32
    %dma_start3A_871 = tpu.memref_slice %arg5[%dma_start3A_869, %dma_start3A_870] : memref<6x128xi32, #tpu.memory_space<vmem>> -> memref<1x128xi32, #tpu.memory_space<vmem>>
    %dma_start3A_872 = tpu.memref_squeeze %dma_start3A_871 : memref<1x128xi32, #tpu.memory_space<vmem>> -> memref<128xi32, #tpu.memory_space<vmem>>
    %dma_start3A_873 = tpu.memref_slice %arg3[%add3A_868] : memref<100000xi32, #tpu.memory_space<hbm>> -> memref<128xi32, #tpu.memory_space<hbm>>
    %dma_start3A_874 = arith.constant 0 : i32
    %dma_start3A_875 = tpu.memref_slice %arg5[%dma_start3A_869, %dma_start3A_874] : memref<6x128xi32, #tpu.memory_space<vmem>> -> memref<1x128xi32, #tpu.memory_space<vmem>>
    %dma_start3A_876 = tpu.memref_squeeze %dma_start3A_875 : memref<1x128xi32, #tpu.memory_space<vmem>> -> memref<128xi32, #tpu.memory_space<vmem>>
    %dma_start3A_877 = tpu.memref_slice %arg3[%add3A_868] : memref<100000xi32, #tpu.memory_space<hbm>> -> memref<128xi32, #tpu.memory_space<hbm>>
    tpu.enqueue_dma source(%dma_start3A_877 : memref<128xi32, #tpu.memory_space<hbm>>) target(%dma_start3A_876 : memref<128xi32, #tpu.memory_space<vmem>>) target_semaphore(%arg20 : memref<!tpu.dma_semaphore, #tpu.memory_space<semaphore_mem>>)
    %add3A_878 = arith.constant 512 : i32
    %add3A_879 = arith.addi %mul3A_4, %add3A_878 : i32
    %dma_start3A_880 = arith.constant 0 : i32
    %dma_start3A_881 = tpu.memref_slice %arg2[%add3A_879, %dma_start3A_880] : memref<100000x128xf32, #tpu.memory_space<hbm>> -> memref<128x128xf32, #tpu.memory_space<hbm>>
    %dma_start3A_882 = arith.constant 0 : i32
    %dma_start3A_883 = tpu.memref_slice %arg2[%add3A_879, %dma_start3A_882] : memref<100000x128xf32, #tpu.memory_space<hbm>> -> memref<128x128xf32, #tpu.memory_space<hbm>>
    tpu.enqueue_dma source(%dma_start3A_883 : memref<128x128xf32, #tpu.memory_space<hbm>>) target(%arg10 : memref<128x128xf32, #tpu.memory_space<vmem>>) target_semaphore(%arg20 : memref<!tpu.dma_semaphore, #tpu.memory_space<semaphore_mem>>)
    %add3A_884 = arith.constant 128 : i32
    %add3A_885 = arith.addi %mul3A_4, %add3A_884 : i32
    %dma_wait3A_886 = arith.constant 1 : i32
    %dma_wait3A_887 = arith.constant 0 : i32
    %dma_wait3A_888 = tpu.memref_slice %arg5[%dma_wait3A_886, %dma_wait3A_887] : memref<6x128xi32, #tpu.memory_space<vmem>> -> memref<1x128xi32, #tpu.memory_space<vmem>>
    %dma_wait3A_889 = tpu.memref_squeeze %dma_wait3A_888 : memref<1x128xi32, #tpu.memory_space<vmem>> -> memref<128xi32, #tpu.memory_space<vmem>>
    %dma_wait3A_890 = tpu.memref_slice %arg3[%add3A_885] : memref<100000xi32, #tpu.memory_space<hbm>> -> memref<128xi32, #tpu.memory_space<hbm>>
    %dma_wait3A_891 = arith.constant 0 : i32
    %dma_wait3A_892 = tpu.memref_slice %arg5[%dma_wait3A_886, %dma_wait3A_891] : memref<6x128xi32, #tpu.memory_space<vmem>> -> memref<1x128xi32, #tpu.memory_space<vmem>>
    %dma_wait3A_893 = tpu.memref_squeeze %dma_wait3A_892 : memref<1x128xi32, #tpu.memory_space<vmem>> -> memref<128xi32, #tpu.memory_space<vmem>>
    %dma_wait3A_894 = tpu.memref_slice %arg3[%add3A_885] : memref<100000xi32, #tpu.memory_space<hbm>> -> memref<128xi32, #tpu.memory_space<hbm>>
    tpu.wait_dma2 semaphore(%arg17 : memref<!tpu.dma_semaphore, #tpu.memory_space<semaphore_mem>>) src(%dma_wait3A_894 : memref<128xi32, #tpu.memory_space<hbm>>) dst(%dma_wait3A_893 : memref<128xi32, #tpu.memory_space<vmem>>)
    %add3A_895 = arith.constant 128 : i32
    %add3A_896 = arith.addi %mul3A_4, %add3A_895 : i32
    %dma_wait3A_897 = arith.constant 0 : i32
    %dma_wait3A_898 = tpu.memref_slice %arg2[%add3A_896, %dma_wait3A_897] : memref<100000x128xf32, #tpu.memory_space<hbm>> -> memref<128x128xf32, #tpu.memory_space<hbm>>
    %dma_wait3A_899 = arith.constant 0 : i32
    %dma_wait3A_900 = tpu.memref_slice %arg2[%add3A_896, %dma_wait3A_899] : memref<100000x128xf32, #tpu.memory_space<hbm>> -> memref<128x128xf32, #tpu.memory_space<hbm>>
    tpu.wait_dma2 semaphore(%arg17 : memref<!tpu.dma_semaphore, #tpu.memory_space<semaphore_mem>>) src(%dma_wait3A_900 : memref<128x128xf32, #tpu.memory_space<hbm>>) dst(%arg7 : memref<128x128xf32, #tpu.memory_space<vmem>>)
    %dma_start3A_901 = arith.constant 1 : i32
    %dma_start3A_902 = arith.constant 0 : i32
    %dma_start3A_903 = tpu.memref_slice %arg5[%dma_start3A_901, %dma_start3A_902] : memref<6x128xi32, #tpu.memory_space<vmem>> -> memref<1x128xi32, #tpu.memory_space<vmem>>
    %dma_start3A_904 = tpu.memref_squeeze %dma_start3A_903 : memref<1x128xi32, #tpu.memory_space<vmem>> -> memref<128xi32, #tpu.memory_space<vmem>>
    %dma_start3A_905 = arith.constant 0 : i32
    %dma_start3A_906 = arith.constant 0 : i32
    %dma_start3A_907 = tpu.memref_slice %arg15[%dma_start3A_905, %dma_start3A_906] : memref<256x128xf32, #tpu.memory_space<vmem_shared>> -> memref<256x128xf32, #tpu.memory_space<vmem_shared>>
    tpu.enqueue_indirect_dma source(%arg7 : memref<128x128xf32, #tpu.memory_space<vmem>>) target(%dma_start3A_907 : memref<256x128xf32, #tpu.memory_space<vmem_shared>>) offsets(%dma_start3A_904 : memref<128xi32, #tpu.memory_space<vmem>>) semaphore(%arg23 : memref<!tpu.dma_semaphore, #tpu.memory_space<semaphore_mem>>) {add = true}
    %add3A_908 = arith.constant 640 : i32
    %add3A_909 = arith.addi %mul3A_4, %add3A_908 : i32
    %dma_start3A_910 = arith.constant 5 : i32
    %dma_start3A_911 = arith.constant 0 : i32
    %dma_start3A_912 = tpu.memref_slice %arg5[%dma_start3A_910, %dma_start3A_911] : memref<6x128xi32, #tpu.memory_space<vmem>> -> memref<1x128xi32, #tpu.memory_space<vmem>>
    %dma_start3A_913 = tpu.memref_squeeze %dma_start3A_912 : memref<1x128xi32, #tpu.memory_space<vmem>> -> memref<128xi32, #tpu.memory_space<vmem>>
    %dma_start3A_914 = tpu.memref_slice %arg3[%add3A_909] : memref<100000xi32, #tpu.memory_space<hbm>> -> memref<128xi32, #tpu.memory_space<hbm>>
    %dma_start3A_915 = arith.constant 0 : i32
    %dma_start3A_916 = tpu.memref_slice %arg5[%dma_start3A_910, %dma_start3A_915] : memref<6x128xi32, #tpu.memory_space<vmem>> -> memref<1x128xi32, #tpu.memory_space<vmem>>
    %dma_start3A_917 = tpu.memref_squeeze %dma_start3A_916 : memref<1x128xi32, #tpu.memory_space<vmem>> -> memref<128xi32, #tpu.memory_space<vmem>>
    %dma_start3A_918 = tpu.memref_slice %arg3[%add3A_909] : memref<100000xi32, #tpu.memory_space<hbm>> -> memref<128xi32, #tpu.memory_space<hbm>>
    tpu.enqueue_dma source(%dma_start3A_918 : memref<128xi32, #tpu.memory_space<hbm>>) target(%dma_start3A_917 : memref<128xi32, #tpu.memory_space<vmem>>) target_semaphore(%arg21 : memref<!tpu.dma_semaphore, #tpu.memory_space<semaphore_mem>>)
    %add3A_919 = arith.constant 640 : i32
    %add3A_920 = arith.addi %mul3A_4, %add3A_919 : i32
    %dma_start3A_921 = arith.constant 0 : i32
    %dma_start3A_922 = tpu.memref_slice %arg2[%add3A_920, %dma_start3A_921] : memref<100000x128xf32, #tpu.memory_space<hbm>> -> memref<128x128xf32, #tpu.memory_space<hbm>>
    %dma_start3A_923 = arith.constant 0 : i32
    %dma_start3A_924 = tpu.memref_slice %arg2[%add3A_920, %dma_start3A_923] : memref<100000x128xf32, #tpu.memory_space<hbm>> -> memref<128x128xf32, #tpu.memory_space<hbm>>
    tpu.enqueue_dma source(%dma_start3A_924 : memref<128x128xf32, #tpu.memory_space<hbm>>) target(%arg11 : memref<128x128xf32, #tpu.memory_space<vmem>>) target_semaphore(%arg21 : memref<!tpu.dma_semaphore, #tpu.memory_space<semaphore_mem>>)
    %add3A_925 = arith.constant 256 : i32
    %add3A_926 = arith.addi %mul3A_4, %add3A_925 : i32
    %dma_wait3A_927 = arith.constant 2 : i32
    %dma_wait3A_928 = arith.constant 0 : i32
    %dma_wait3A_929 = tpu.memref_slice %arg5[%dma_wait3A_927, %dma_wait3A_928] : memref<6x128xi32, #tpu.memory_space<vmem>> -> memref<1x128xi32, #tpu.memory_space<vmem>>
    %dma_wait3A_930 = tpu.memref_squeeze %dma_wait3A_929 : memref<1x128xi32, #tpu.memory_space<vmem>> -> memref<128xi32, #tpu.memory_space<vmem>>
    %dma_wait3A_931 = tpu.memref_slice %arg3[%add3A_926] : memref<100000xi32, #tpu.memory_space<hbm>> -> memref<128xi32, #tpu.memory_space<hbm>>
    %dma_wait3A_932 = arith.constant 0 : i32
    %dma_wait3A_933 = tpu.memref_slice %arg5[%dma_wait3A_927, %dma_wait3A_932] : memref<6x128xi32, #tpu.memory_space<vmem>> -> memref<1x128xi32, #tpu.memory_space<vmem>>
    %dma_wait3A_934 = tpu.memref_squeeze %dma_wait3A_933 : memref<1x128xi32, #tpu.memory_space<vmem>> -> memref<128xi32, #tpu.memory_space<vmem>>
    %dma_wait3A_935 = tpu.memref_slice %arg3[%add3A_926] : memref<100000xi32, #tpu.memory_space<hbm>> -> memref<128xi32, #tpu.memory_space<hbm>>
    tpu.wait_dma2 semaphore(%arg18 : memref<!tpu.dma_semaphore, #tpu.memory_space<semaphore_mem>>) src(%dma_wait3A_935 : memref<128xi32, #tpu.memory_space<hbm>>) dst(%dma_wait3A_934 : memref<128xi32, #tpu.memory_space<vmem>>)
    %add3A_936 = arith.constant 256 : i32
    %add3A_937 = arith.addi %mul3A_4, %add3A_936 : i32
    %dma_wait3A_938 = arith.constant 0 : i32
    %dma_wait3A_939 = tpu.memref_slice %arg2[%add3A_937, %dma_wait3A_938] : memref<100000x128xf32, #tpu.memory_space<hbm>> -> memref<128x128xf32, #tpu.memory_space<hbm>>
    %dma_wait3A_940 = arith.constant 0 : i32
    %dma_wait3A_941 = tpu.memref_slice %arg2[%add3A_937, %dma_wait3A_940] : memref<100000x128xf32, #tpu.memory_space<hbm>> -> memref<128x128xf32, #tpu.memory_space<hbm>>
    tpu.wait_dma2 semaphore(%arg18 : memref<!tpu.dma_semaphore, #tpu.memory_space<semaphore_mem>>) src(%dma_wait3A_941 : memref<128x128xf32, #tpu.memory_space<hbm>>) dst(%arg8 : memref<128x128xf32, #tpu.memory_space<vmem>>)
    %dma_start3A_942 = arith.constant 2 : i32
    %dma_start3A_943 = arith.constant 0 : i32
    %dma_start3A_944 = tpu.memref_slice %arg5[%dma_start3A_942, %dma_start3A_943] : memref<6x128xi32, #tpu.memory_space<vmem>> -> memref<1x128xi32, #tpu.memory_space<vmem>>
    %dma_start3A_945 = tpu.memref_squeeze %dma_start3A_944 : memref<1x128xi32, #tpu.memory_space<vmem>> -> memref<128xi32, #tpu.memory_space<vmem>>
    %dma_start3A_946 = arith.constant 0 : i32
    %dma_start3A_947 = arith.constant 0 : i32
    %dma_start3A_948 = tpu.memref_slice %arg15[%dma_start3A_946, %dma_start3A_947] : memref<256x128xf32, #tpu.memory_space<vmem_shared>> -> memref<256x128xf32, #tpu.memory_space<vmem_shared>>
    tpu.enqueue_indirect_dma source(%arg8 : memref<128x128xf32, #tpu.memory_space<vmem>>) target(%dma_start3A_948 : memref<256x128xf32, #tpu.memory_space<vmem_shared>>) offsets(%dma_start3A_945 : memref<128xi32, #tpu.memory_space<vmem>>) semaphore(%arg24 : memref<!tpu.dma_semaphore, #tpu.memory_space<semaphore_mem>>) {add = true}
    %dma_wait3A_949 = arith.constant 0 : i32
    %dma_wait3A_950 = arith.constant 0 : i32
    %dma_wait3A_951 = tpu.memref_slice %arg5[%dma_wait3A_949, %dma_wait3A_950] : memref<6x128xi32, #tpu.memory_space<vmem>> -> memref<1x128xi32, #tpu.memory_space<vmem>>
    %dma_wait3A_952 = tpu.memref_squeeze %dma_wait3A_951 : memref<1x128xi32, #tpu.memory_space<vmem>> -> memref<128xi32, #tpu.memory_space<vmem>>
    %dma_wait3A_953 = arith.constant 0 : i32
    %dma_wait3A_954 = arith.constant 0 : i32
    %dma_wait3A_955 = tpu.memref_slice %arg15[%dma_wait3A_953, %dma_wait3A_954] : memref<256x128xf32, #tpu.memory_space<vmem_shared>> -> memref<256x128xf32, #tpu.memory_space<vmem_shared>>
    tpu.wait_indirect_dma semaphore(%arg22 : memref<!tpu.dma_semaphore, #tpu.memory_space<semaphore_mem>>) src(%arg6 : memref<128x128xf32, #tpu.memory_space<vmem>>) dst(%dma_wait3A_955 : memref<256x128xf32, #tpu.memory_space<vmem_shared>>)
    %lt3A = arith.constant 31 : i32
    %lt3A_956 = arith.cmpi slt, %add3A, %lt3A : i32
    %or3A = arith.constant false
    %or3A_957 = arith.ori %lt3A_956, %or3A : i1
    %convert_element_type3A_958 = arith.extui %or3A_957 : i1 to i32
    %cond3A_959 = arith.constant 0 : i32
    %cond3A_960 = arith.cmpi ne, %convert_element_type3A_958, %cond3A_959 : i32
    scf.if %cond3A_960 {
      %add3A_1603 = arith.constant 768 : i32
      %add3A_1604 = arith.addi %mul3A_4, %add3A_1603 : i32
      %dma_start3A_1605 = arith.constant 0 : i32
      %dma_start3A_1606 = arith.constant 0 : i32
      %dma_start3A_1607 = tpu.memref_slice %arg5[%dma_start3A_1605, %dma_start3A_1606] : memref<6x128xi32, #tpu.memory_space<vmem>> -> memref<1x128xi32, #tpu.memory_space<vmem>>
      %dma_start3A_1608 = tpu.memref_squeeze %dma_start3A_1607 : memref<1x128xi32, #tpu.memory_space<vmem>> -> memref<128xi32, #tpu.memory_space<vmem>>
      %dma_start3A_1609 = tpu.memref_slice %arg3[%add3A_1604] : memref<100000xi32, #tpu.memory_space<hbm>> -> memref<128xi32, #tpu.memory_space<hbm>>
      %dma_start3A_1610 = arith.constant 0 : i32
      %dma_start3A_1611 = tpu.memref_slice %arg5[%dma_start3A_1605, %dma_start3A_1610] : memref<6x128xi32, #tpu.memory_space<vmem>> -> memref<1x128xi32, #tpu.memory_space<vmem>>
      %dma_start3A_1612 = tpu.memref_squeeze %dma_start3A_1611 : memref<1x128xi32, #tpu.memory_space<vmem>> -> memref<128xi32, #tpu.memory_space<vmem>>
      %dma_start3A_1613 = tpu.memref_slice %arg3[%add3A_1604] : memref<100000xi32, #tpu.memory_space<hbm>> -> memref<128xi32, #tpu.memory_space<hbm>>
      tpu.enqueue_dma source(%dma_start3A_1613 : memref<128xi32, #tpu.memory_space<hbm>>) target(%dma_start3A_1612 : memref<128xi32, #tpu.memory_space<vmem>>) target_semaphore(%arg16 : memref<!tpu.dma_semaphore, #tpu.memory_space<semaphore_mem>>)
      %add3A_1614 = arith.constant 768 : i32
      %add3A_1615 = arith.addi %mul3A_4, %add3A_1614 : i32
      %dma_start3A_1616 = arith.constant 0 : i32
      %dma_start3A_1617 = tpu.memref_slice %arg2[%add3A_1615, %dma_start3A_1616] : memref<100000x128xf32, #tpu.memory_space<hbm>> -> memref<128x128xf32, #tpu.memory_space<hbm>>
      %dma_start3A_1618 = arith.constant 0 : i32
      %dma_start3A_1619 = tpu.memref_slice %arg2[%add3A_1615, %dma_start3A_1618] : memref<100000x128xf32, #tpu.memory_space<hbm>> -> memref<128x128xf32, #tpu.memory_space<hbm>>
      tpu.enqueue_dma source(%dma_start3A_1619 : memref<128x128xf32, #tpu.memory_space<hbm>>) target(%arg6 : memref<128x128xf32, #tpu.memory_space<vmem>>) target_semaphore(%arg16 : memref<!tpu.dma_semaphore, #tpu.memory_space<semaphore_mem>>)
    } else {
    }
    %add3A_961 = arith.constant 384 : i32
    %add3A_962 = arith.addi %mul3A_4, %add3A_961 : i32
    %dma_wait3A_963 = arith.constant 3 : i32
    %dma_wait3A_964 = arith.constant 0 : i32
    %dma_wait3A_965 = tpu.memref_slice %arg5[%dma_wait3A_963, %dma_wait3A_964] : memref<6x128xi32, #tpu.memory_space<vmem>> -> memref<1x128xi32, #tpu.memory_space<vmem>>
    %dma_wait3A_966 = tpu.memref_squeeze %dma_wait3A_965 : memref<1x128xi32, #tpu.memory_space<vmem>> -> memref<128xi32, #tpu.memory_space<vmem>>
    %dma_wait3A_967 = tpu.memref_slice %arg3[%add3A_962] : memref<100000xi32, #tpu.memory_space<hbm>> -> memref<128xi32, #tpu.memory_space<hbm>>
    %dma_wait3A_968 = arith.constant 0 : i32
    %dma_wait3A_969 = tpu.memref_slice %arg5[%dma_wait3A_963, %dma_wait3A_968] : memref<6x128xi32, #tpu.memory_space<vmem>> -> memref<1x128xi32, #tpu.memory_space<vmem>>
    %dma_wait3A_970 = tpu.memref_squeeze %dma_wait3A_969 : memref<1x128xi32, #tpu.memory_space<vmem>> -> memref<128xi32, #tpu.memory_space<vmem>>
    %dma_wait3A_971 = tpu.memref_slice %arg3[%add3A_962] : memref<100000xi32, #tpu.memory_space<hbm>> -> memref<128xi32, #tpu.memory_space<hbm>>
    tpu.wait_dma2 semaphore(%arg19 : memref<!tpu.dma_semaphore, #tpu.memory_space<semaphore_mem>>) src(%dma_wait3A_971 : memref<128xi32, #tpu.memory_space<hbm>>) dst(%dma_wait3A_970 : memref<128xi32, #tpu.memory_space<vmem>>)
    %add3A_972 = arith.constant 384 : i32
    %add3A_973 = arith.addi %mul3A_4, %add3A_972 : i32
    %dma_wait3A_974 = arith.constant 0 : i32
    %dma_wait3A_975 = tpu.memref_slice %arg2[%add3A_973, %dma_wait3A_974] : memref<100000x128xf32, #tpu.memory_space<hbm>> -> memref<128x128xf32, #tpu.memory_space<hbm>>
    %dma_wait3A_976 = arith.constant 0 : i32
    %dma_wait3A_977 = tpu.memref_slice %arg2[%add3A_973, %dma_wait3A_976] : memref<100000x128xf32, #tpu.memory_space<hbm>> -> memref<128x128xf32, #tpu.memory_space<hbm>>
    tpu.wait_dma2 semaphore(%arg19 : memref<!tpu.dma_semaphore, #tpu.memory_space<semaphore_mem>>) src(%dma_wait3A_977 : memref<128x128xf32, #tpu.memory_space<hbm>>) dst(%arg9 : memref<128x128xf32, #tpu.memory_space<vmem>>)
    %dma_start3A_978 = arith.constant 3 : i32
    %dma_start3A_979 = arith.constant 0 : i32
    %dma_start3A_980 = tpu.memref_slice %arg5[%dma_start3A_978, %dma_start3A_979] : memref<6x128xi32, #tpu.memory_space<vmem>> -> memref<1x128xi32, #tpu.memory_space<vmem>>
    %dma_start3A_981 = tpu.memref_squeeze %dma_start3A_980 : memref<1x128xi32, #tpu.memory_space<vmem>> -> memref<128xi32, #tpu.memory_space<vmem>>
    %dma_start3A_982 = arith.constant 0 : i32
    %dma_start3A_983 = arith.constant 0 : i32
    %dma_start3A_984 = tpu.memref_slice %arg15[%dma_start3A_982, %dma_start3A_983] : memref<256x128xf32, #tpu.memory_space<vmem_shared>> -> memref<256x128xf32, #tpu.memory_space<vmem_shared>>
    tpu.enqueue_indirect_dma source(%arg9 : memref<128x128xf32, #tpu.memory_space<vmem>>) target(%dma_start3A_984 : memref<256x128xf32, #tpu.memory_space<vmem_shared>>) offsets(%dma_start3A_981 : memref<128xi32, #tpu.memory_space<vmem>>) semaphore(%arg25 : memref<!tpu.dma_semaphore, #tpu.memory_space<semaphore_mem>>) {add = true}
    %dma_wait3A_985 = arith.constant 1 : i32
    %dma_wait3A_986 = arith.constant 0 : i32
    %dma_wait3A_987 = tpu.memref_slice %arg5[%dma_wait3A_985, %dma_wait3A_986] : memref<6x128xi32, #tpu.memory_space<vmem>> -> memref<1x128xi32, #tpu.memory_space<vmem>>
    %dma_wait3A_988 = tpu.memref_squeeze %dma_wait3A_987 : memref<1x128xi32, #tpu.memory_space<vmem>> -> memref<128xi32, #tpu.memory_space<vmem>>
    %dma_wait3A_989 = arith.constant 0 : i32
    %dma_wait3A_990 = arith.constant 0 : i32
    %dma_wait3A_991 = tpu.memref_slice %arg15[%dma_wait3A_989, %dma_wait3A_990] : memref<256x128xf32, #tpu.memory_space<vmem_shared>> -> memref<256x128xf32, #tpu.memory_space<vmem_shared>>
    tpu.wait_indirect_dma semaphore(%arg23 : memref<!tpu.dma_semaphore, #tpu.memory_space<semaphore_mem>>) src(%arg7 : memref<128x128xf32, #tpu.memory_space<vmem>>) dst(%dma_wait3A_991 : memref<256x128xf32, #tpu.memory_space<vmem_shared>>)
    %lt3A_992 = arith.constant 31 : i32
    %lt3A_993 = arith.cmpi slt, %add3A, %lt3A_992 : i32
    %or3A_994 = arith.constant false
    %or3A_995 = arith.ori %lt3A_993, %or3A_994 : i1
    %convert_element_type3A_996 = arith.extui %or3A_995 : i1 to i32
    %cond3A_997 = arith.constant 0 : i32
    %cond3A_998 = arith.cmpi ne, %convert_element_type3A_996, %cond3A_997 : i32
    scf.if %cond3A_998 {
      %add3A_1603 = arith.constant 896 : i32
      %add3A_1604 = arith.addi %mul3A_4, %add3A_1603 : i32
      %dma_start3A_1605 = arith.constant 1 : i32
      %dma_start3A_1606 = arith.constant 0 : i32
      %dma_start3A_1607 = tpu.memref_slice %arg5[%dma_start3A_1605, %dma_start3A_1606] : memref<6x128xi32, #tpu.memory_space<vmem>> -> memref<1x128xi32, #tpu.memory_space<vmem>>
      %dma_start3A_1608 = tpu.memref_squeeze %dma_start3A_1607 : memref<1x128xi32, #tpu.memory_space<vmem>> -> memref<128xi32, #tpu.memory_space<vmem>>
      %dma_start3A_1609 = tpu.memref_slice %arg3[%add3A_1604] : memref<100000xi32, #tpu.memory_space<hbm>> -> memref<128xi32, #tpu.memory_space<hbm>>
      %dma_start3A_1610 = arith.constant 0 : i32
      %dma_start3A_1611 = tpu.memref_slice %arg5[%dma_start3A_1605, %dma_start3A_1610] : memref<6x128xi32, #tpu.memory_space<vmem>> -> memref<1x128xi32, #tpu.memory_space<vmem>>
      %dma_start3A_1612 = tpu.memref_squeeze %dma_start3A_1611 : memref<1x128xi32, #tpu.memory_space<vmem>> -> memref<128xi32, #tpu.memory_space<vmem>>
      %dma_start3A_1613 = tpu.memref_slice %arg3[%add3A_1604] : memref<100000xi32, #tpu.memory_space<hbm>> -> memref<128xi32, #tpu.memory_space<hbm>>
      tpu.enqueue_dma source(%dma_start3A_1613 : memref<128xi32, #tpu.memory_space<hbm>>) target(%dma_start3A_1612 : memref<128xi32, #tpu.memory_space<vmem>>) target_semaphore(%arg17 : memref<!tpu.dma_semaphore, #tpu.memory_space<semaphore_mem>>)
      %add3A_1614 = arith.constant 896 : i32
      %add3A_1615 = arith.addi %mul3A_4, %add3A_1614 : i32
      %dma_start3A_1616 = arith.constant 0 : i32
      %dma_start3A_1617 = tpu.memref_slice %arg2[%add3A_1615, %dma_start3A_1616] : memref<100000x128xf32, #tpu.memory_space<hbm>> -> memref<128x128xf32, #tpu.memory_space<hbm>>
      %dma_start3A_1618 = arith.constant 0 : i32
      %dma_start3A_1619 = tpu.memref_slice %arg2[%add3A_1615, %dma_start3A_1618] : memref<100000x128xf32, #tpu.memory_space<hbm>> -> memref<128x128xf32, #tpu.memory_space<hbm>>
      tpu.enqueue_dma source(%dma_start3A_1619 : memref<128x128xf32, #tpu.memory_space<hbm>>) target(%arg7 : memref<128x128xf32, #tpu.memory_space<vmem>>) target_semaphore(%arg17 : memref<!tpu.dma_semaphore, #tpu.memory_space<semaphore_mem>>)
    } else {
    }
    %add3A_999 = arith.constant 512 : i32
    %add3A_1000 = arith.addi %mul3A_4, %add3A_999 : i32
    %dma_wait3A_1001 = arith.constant 4 : i32
    %dma_wait3A_1002 = arith.constant 0 : i32
    %dma_wait3A_1003 = tpu.memref_slice %arg5[%dma_wait3A_1001, %dma_wait3A_1002] : memref<6x128xi32, #tpu.memory_space<vmem>> -> memref<1x128xi32, #tpu.memory_space<vmem>>
    %dma_wait3A_1004 = tpu.memref_squeeze %dma_wait3A_1003 : memref<1x128xi32, #tpu.memory_space<vmem>> -> memref<128xi32, #tpu.memory_space<vmem>>
    %dma_wait3A_1005 = tpu.memref_slice %arg3[%add3A_1000] : memref<100000xi32, #tpu.memory_space<hbm>> -> memref<128xi32, #tpu.memory_space<hbm>>
    %dma_wait3A_1006 = arith.constant 0 : i32
    %dma_wait3A_1007 = tpu.memref_slice %arg5[%dma_wait3A_1001, %dma_wait3A_1006] : memref<6x128xi32, #tpu.memory_space<vmem>> -> memref<1x128xi32, #tpu.memory_space<vmem>>
    %dma_wait3A_1008 = tpu.memref_squeeze %dma_wait3A_1007 : memref<1x128xi32, #tpu.memory_space<vmem>> -> memref<128xi32, #tpu.memory_space<vmem>>
    %dma_wait3A_1009 = tpu.memref_slice %arg3[%add3A_1000] : memref<100000xi32, #tpu.memory_space<hbm>> -> memref<128xi32, #tpu.memory_space<hbm>>
    tpu.wait_dma2 semaphore(%arg20 : memref<!tpu.dma_semaphore, #tpu.memory_space<semaphore_mem>>) src(%dma_wait3A_1009 : memref<128xi32, #tpu.memory_space<hbm>>) dst(%dma_wait3A_1008 : memref<128xi32, #tpu.memory_space<vmem>>)
    %add3A_1010 = arith.constant 512 : i32
    %add3A_1011 = arith.addi %mul3A_4, %add3A_1010 : i32
    %dma_wait3A_1012 = arith.constant 0 : i32
    %dma_wait3A_1013 = tpu.memref_slice %arg2[%add3A_1011, %dma_wait3A_1012] : memref<100000x128xf32, #tpu.memory_space<hbm>> -> memref<128x128xf32, #tpu.memory_space<hbm>>
    %dma_wait3A_1014 = arith.constant 0 : i32
    %dma_wait3A_1015 = tpu.memref_slice %arg2[%add3A_1011, %dma_wait3A_1014] : memref<100000x128xf32, #tpu.memory_space<hbm>> -> memref<128x128xf32, #tpu.memory_space<hbm>>
    tpu.wait_dma2 semaphore(%arg20 : memref<!tpu.dma_semaphore, #tpu.memory_space<semaphore_mem>>) src(%dma_wait3A_1015 : memref<128x128xf32, #tpu.memory_space<hbm>>) dst(%arg10 : memref<128x128xf32, #tpu.memory_space<vmem>>)
    %dma_start3A_1016 = arith.constant 4 : i32
    %dma_start3A_1017 = arith.constant 0 : i32
    %dma_start3A_1018 = tpu.memref_slice %arg5[%dma_start3A_1016, %dma_start3A_1017] : memref<6x128xi32, #tpu.memory_space<vmem>> -> memref<1x128xi32, #tpu.memory_space<vmem>>
    %dma_start3A_1019 = tpu.memref_squeeze %dma_start3A_1018 : memref<1x128xi32, #tpu.memory_space<vmem>> -> memref<128xi32, #tpu.memory_space<vmem>>
    %dma_start3A_1020 = arith.constant 0 : i32
    %dma_start3A_1021 = arith.constant 0 : i32
    %dma_start3A_1022 = tpu.memref_slice %arg15[%dma_start3A_1020, %dma_start3A_1021] : memref<256x128xf32, #tpu.memory_space<vmem_shared>> -> memref<256x128xf32, #tpu.memory_space<vmem_shared>>
    tpu.enqueue_indirect_dma source(%arg10 : memref<128x128xf32, #tpu.memory_space<vmem>>) target(%dma_start3A_1022 : memref<256x128xf32, #tpu.memory_space<vmem_shared>>) offsets(%dma_start3A_1019 : memref<128xi32, #tpu.memory_space<vmem>>) semaphore(%arg26 : memref<!tpu.dma_semaphore, #tpu.memory_space<semaphore_mem>>) {add = true}
    %dma_wait3A_1023 = arith.constant 2 : i32
    %dma_wait3A_1024 = arith.constant 0 : i32
    %dma_wait3A_1025 = tpu.memref_slice %arg5[%dma_wait3A_1023, %dma_wait3A_1024] : memref<6x128xi32, #tpu.memory_space<vmem>> -> memref<1x128xi32, #tpu.memory_space<vmem>>
    %dma_wait3A_1026 = tpu.memref_squeeze %dma_wait3A_1025 : memref<1x128xi32, #tpu.memory_space<vmem>> -> memref<128xi32, #tpu.memory_space<vmem>>
    %dma_wait3A_1027 = arith.constant 0 : i32
    %dma_wait3A_1028 = arith.constant 0 : i32
    %dma_wait3A_1029 = tpu.memref_slice %arg15[%dma_wait3A_1027, %dma_wait3A_1028] : memref<256x128xf32, #tpu.memory_space<vmem_shared>> -> memref<256x128xf32, #tpu.memory_space<vmem_shared>>
    tpu.wait_indirect_dma semaphore(%arg24 : memref<!tpu.dma_semaphore, #tpu.memory_space<semaphore_mem>>) src(%arg8 : memref<128x128xf32, #tpu.memory_space<vmem>>) dst(%dma_wait3A_1029 : memref<256x128xf32, #tpu.memory_space<vmem_shared>>)
    %lt3A_1030 = arith.constant 31 : i32
    %lt3A_1031 = arith.cmpi slt, %add3A, %lt3A_1030 : i32
    %or3A_1032 = arith.constant false
    %or3A_1033 = arith.ori %lt3A_1031, %or3A_1032 : i1
    %convert_element_type3A_1034 = arith.extui %or3A_1033 : i1 to i32
    %cond3A_1035 = arith.constant 0 : i32
    %cond3A_1036 = arith.cmpi ne, %convert_element_type3A_1034, %cond3A_1035 : i32
    scf.if %cond3A_1036 {
      %add3A_1603 = arith.constant 1024 : i32
      %add3A_1604 = arith.addi %mul3A_4, %add3A_1603 : i32
      %dma_start3A_1605 = arith.constant 2 : i32
      %dma_start3A_1606 = arith.constant 0 : i32
      %dma_start3A_1607 = tpu.memref_slice %arg5[%dma_start3A_1605, %dma_start3A_1606] : memref<6x128xi32, #tpu.memory_space<vmem>> -> memref<1x128xi32, #tpu.memory_space<vmem>>
      %dma_start3A_1608 = tpu.memref_squeeze %dma_start3A_1607 : memref<1x128xi32, #tpu.memory_space<vmem>> -> memref<128xi32, #tpu.memory_space<vmem>>
      %dma_start3A_1609 = tpu.memref_slice %arg3[%add3A_1604] : memref<100000xi32, #tpu.memory_space<hbm>> -> memref<128xi32, #tpu.memory_space<hbm>>
      %dma_start3A_1610 = arith.constant 0 : i32
      %dma_start3A_1611 = tpu.memref_slice %arg5[%dma_start3A_1605, %dma_start3A_1610] : memref<6x128xi32, #tpu.memory_space<vmem>> -> memref<1x128xi32, #tpu.memory_space<vmem>>
      %dma_start3A_1612 = tpu.memref_squeeze %dma_start3A_1611 : memref<1x128xi32, #tpu.memory_space<vmem>> -> memref<128xi32, #tpu.memory_space<vmem>>
      %dma_start3A_1613 = tpu.memref_slice %arg3[%add3A_1604] : memref<100000xi32, #tpu.memory_space<hbm>> -> memref<128xi32, #tpu.memory_space<hbm>>
      tpu.enqueue_dma source(%dma_start3A_1613 : memref<128xi32, #tpu.memory_space<hbm>>) target(%dma_start3A_1612 : memref<128xi32, #tpu.memory_space<vmem>>) target_semaphore(%arg18 : memref<!tpu.dma_semaphore, #tpu.memory_space<semaphore_mem>>)
      %add3A_1614 = arith.constant 1024 : i32
      %add3A_1615 = arith.addi %mul3A_4, %add3A_1614 : i32
      %dma_start3A_1616 = arith.constant 0 : i32
      %dma_start3A_1617 = tpu.memref_slice %arg2[%add3A_1615, %dma_start3A_1616] : memref<100000x128xf32, #tpu.memory_space<hbm>> -> memref<128x128xf32, #tpu.memory_space<hbm>>
      %dma_start3A_1618 = arith.constant 0 : i32
      %dma_start3A_1619 = tpu.memref_slice %arg2[%add3A_1615, %dma_start3A_1618] : memref<100000x128xf32, #tpu.memory_space<hbm>> -> memref<128x128xf32, #tpu.memory_space<hbm>>
      tpu.enqueue_dma source(%dma_start3A_1619 : memref<128x128xf32, #tpu.memory_space<hbm>>) target(%arg8 : memref<128x128xf32, #tpu.memory_space<vmem>>) target_semaphore(%arg18 : memref<!tpu.dma_semaphore, #tpu.memory_space<semaphore_mem>>)
    } else {
    }
    %add3A_1037 = arith.constant 640 : i32
    %add3A_1038 = arith.addi %mul3A_4, %add3A_1037 : i32
    %dma_wait3A_1039 = arith.constant 5 : i32
    %dma_wait3A_1040 = arith.constant 0 : i32
    %dma_wait3A_1041 = tpu.memref_slice %arg5[%dma_wait3A_1039, %dma_wait3A_1040] : memref<6x128xi32, #tpu.memory_space<vmem>> -> memref<1x128xi32, #tpu.memory_space<vmem>>
    %dma_wait3A_1042 = tpu.memref_squeeze %dma_wait3A_1041 : memref<1x128xi32, #tpu.memory_space<vmem>> -> memref<128xi32, #tpu.memory_space<vmem>>
    %dma_wait3A_1043 = tpu.memref_slice %arg3[%add3A_1038] : memref<100000xi32, #tpu.memory_space<hbm>> -> memref<128xi32, #tpu.memory_space<hbm>>
    %dma_wait3A_1044 = arith.constant 0 : i32
    %dma_wait3A_1045 = tpu.memref_slice %arg5[%dma_wait3A_1039, %dma_wait3A_1044] : memref<6x128xi32, #tpu.memory_space<vmem>> -> memref<1x128xi32, #tpu.memory_space<vmem>>
    %dma_wait3A_1046 = tpu.memref_squeeze %dma_wait3A_1045 : memref<1x128xi32, #tpu.memory_space<vmem>> -> memref<128xi32, #tpu.memory_space<vmem>>
    %dma_wait3A_1047 = tpu.memref_slice %arg3[%add3A_1038] : memref<100000xi32, #tpu.memory_space<hbm>> -> memref<128xi32, #tpu.memory_space<hbm>>
    tpu.wait_dma2 semaphore(%arg21 : memref<!tpu.dma_semaphore, #tpu.memory_space<semaphore_mem>>) src(%dma_wait3A_1047 : memref<128xi32, #tpu.memory_space<hbm>>) dst(%dma_wait3A_1046 : memref<128xi32, #tpu.memory_space<vmem>>)
    %add3A_1048 = arith.constant 640 : i32
    %add3A_1049 = arith.addi %mul3A_4, %add3A_1048 : i32
    %dma_wait3A_1050 = arith.constant 0 : i32
    %dma_wait3A_1051 = tpu.memref_slice %arg2[%add3A_1049, %dma_wait3A_1050] : memref<100000x128xf32, #tpu.memory_space<hbm>> -> memref<128x128xf32, #tpu.memory_space<hbm>>
    %dma_wait3A_1052 = arith.constant 0 : i32
    %dma_wait3A_1053 = tpu.memref_slice %arg2[%add3A_1049, %dma_wait3A_1052] : memref<100000x128xf32, #tpu.memory_space<hbm>> -> memref<128x128xf32, #tpu.memory_space<hbm>>
    tpu.wait_dma2 semaphore(%arg21 : memref<!tpu.dma_semaphore, #tpu.memory_space<semaphore_mem>>) src(%dma_wait3A_1053 : memref<128x128xf32, #tpu.memory_space<hbm>>) dst(%arg11 : memref<128x128xf32, #tpu.memory_space<vmem>>)
    %dma_start3A_1054 = arith.constant 5 : i32
    %dma_start3A_1055 = arith.constant 0 : i32
    %dma_start3A_1056 = tpu.memref_slice %arg5[%dma_start3A_1054, %dma_start3A_1055] : memref<6x128xi32, #tpu.memory_space<vmem>> -> memref<1x128xi32, #tpu.memory_space<vmem>>
    %dma_start3A_1057 = tpu.memref_squeeze %dma_start3A_1056 : memref<1x128xi32, #tpu.memory_space<vmem>> -> memref<128xi32, #tpu.memory_space<vmem>>
    %dma_start3A_1058 = arith.constant 0 : i32
    %dma_start3A_1059 = arith.constant 0 : i32
    %dma_start3A_1060 = tpu.memref_slice %arg15[%dma_start3A_1058, %dma_start3A_1059] : memref<256x128xf32, #tpu.memory_space<vmem_shared>> -> memref<256x128xf32, #tpu.memory_space<vmem_shared>>
    tpu.enqueue_indirect_dma source(%arg11 : memref<128x128xf32, #tpu.memory_space<vmem>>) target(%dma_start3A_1060 : memref<256x128xf32, #tpu.memory_space<vmem_shared>>) offsets(%dma_start3A_1057 : memref<128xi32, #tpu.memory_space<vmem>>) semaphore(%arg27 : memref<!tpu.dma_semaphore, #tpu.memory_space<semaphore_mem>>) {add = true}
    %dma_wait3A_1061 = arith.constant 3 : i32
    %dma_wait3A_1062 = arith.constant 0 : i32
    %dma_wait3A_1063 = tpu.memref_slice %arg5[%dma_wait3A_1061, %dma_wait3A_1062] : memref<6x128xi32, #tpu.memory_space<vmem>> -> memref<1x128xi32, #tpu.memory_space<vmem>>
    %dma_wait3A_1064 = tpu.memref_squeeze %dma_wait3A_1063 : memref<1x128xi32, #tpu.memory_space<vmem>> -> memref<128xi32, #tpu.memory_space<vmem>>
    %dma_wait3A_1065 = arith.constant 0 : i32
    %dma_wait3A_1066 = arith.constant 0 : i32
    %dma_wait3A_1067 = tpu.memref_slice %arg15[%dma_wait3A_1065, %dma_wait3A_1066] : memref<256x128xf32, #tpu.memory_space<vmem_shared>> -> memref<256x128xf32, #tpu.memory_space<vmem_shared>>
    tpu.wait_indirect_dma semaphore(%arg25 : memref<!tpu.dma_semaphore, #tpu.memory_space<semaphore_mem>>) src(%arg9 : memref<128x128xf32, #tpu.memory_space<vmem>>) dst(%dma_wait3A_1067 : memref<256x128xf32, #tpu.memory_space<vmem_shared>>)
    %lt3A_1068 = arith.constant 31 : i32
    %lt3A_1069 = arith.cmpi slt, %add3A, %lt3A_1068 : i32
    %or3A_1070 = arith.constant false
    %or3A_1071 = arith.ori %lt3A_1069, %or3A_1070 : i1
    %convert_element_type3A_1072 = arith.extui %or3A_1071 : i1 to i32
    %cond3A_1073 = arith.constant 0 : i32
    %cond3A_1074 = arith.cmpi ne, %convert_element_type3A_1072, %cond3A_1073 : i32
    scf.if %cond3A_1074 {
      %add3A_1603 = arith.constant 1152 : i32
      %add3A_1604 = arith.addi %mul3A_4, %add3A_1603 : i32
      %dma_start3A_1605 = arith.constant 3 : i32
      %dma_start3A_1606 = arith.constant 0 : i32
      %dma_start3A_1607 = tpu.memref_slice %arg5[%dma_start3A_1605, %dma_start3A_1606] : memref<6x128xi32, #tpu.memory_space<vmem>> -> memref<1x128xi32, #tpu.memory_space<vmem>>
      %dma_start3A_1608 = tpu.memref_squeeze %dma_start3A_1607 : memref<1x128xi32, #tpu.memory_space<vmem>> -> memref<128xi32, #tpu.memory_space<vmem>>
      %dma_start3A_1609 = tpu.memref_slice %arg3[%add3A_1604] : memref<100000xi32, #tpu.memory_space<hbm>> -> memref<128xi32, #tpu.memory_space<hbm>>
      %dma_start3A_1610 = arith.constant 0 : i32
      %dma_start3A_1611 = tpu.memref_slice %arg5[%dma_start3A_1605, %dma_start3A_1610] : memref<6x128xi32, #tpu.memory_space<vmem>> -> memref<1x128xi32, #tpu.memory_space<vmem>>
      %dma_start3A_1612 = tpu.memref_squeeze %dma_start3A_1611 : memref<1x128xi32, #tpu.memory_space<vmem>> -> memref<128xi32, #tpu.memory_space<vmem>>
      %dma_start3A_1613 = tpu.memref_slice %arg3[%add3A_1604] : memref<100000xi32, #tpu.memory_space<hbm>> -> memref<128xi32, #tpu.memory_space<hbm>>
      tpu.enqueue_dma source(%dma_start3A_1613 : memref<128xi32, #tpu.memory_space<hbm>>) target(%dma_start3A_1612 : memref<128xi32, #tpu.memory_space<vmem>>) target_semaphore(%arg19 : memref<!tpu.dma_semaphore, #tpu.memory_space<semaphore_mem>>)
      %add3A_1614 = arith.constant 1152 : i32
      %add3A_1615 = arith.addi %mul3A_4, %add3A_1614 : i32
      %dma_start3A_1616 = arith.constant 0 : i32
      %dma_start3A_1617 = tpu.memref_slice %arg2[%add3A_1615, %dma_start3A_1616] : memref<100000x128xf32, #tpu.memory_space<hbm>> -> memref<128x128xf32, #tpu.memory_space<hbm>>
      %dma_start3A_1618 = arith.constant 0 : i32
      %dma_start3A_1619 = tpu.memref_slice %arg2[%add3A_1615, %dma_start3A_1618] : memref<100000x128xf32, #tpu.memory_space<hbm>> -> memref<128x128xf32, #tpu.memory_space<hbm>>
      tpu.enqueue_dma source(%dma_start3A_1619 : memref<128x128xf32, #tpu.memory_space<hbm>>) target(%arg9 : memref<128x128xf32, #tpu.memory_space<vmem>>) target_semaphore(%arg19 : memref<!tpu.dma_semaphore, #tpu.memory_space<semaphore_mem>>)
    } else {
    }
    %lt3A_1075 = arith.constant 31 : i32
    %lt3A_1076 = arith.cmpi slt, %add3A, %lt3A_1075 : i32
    %or3A_1077 = arith.constant false
    %or3A_1078 = arith.ori %lt3A_1076, %or3A_1077 : i1
    %convert_element_type3A_1079 = arith.extui %or3A_1078 : i1 to i32
    %cond3A_1080 = arith.constant 0 : i32
    %cond3A_1081 = arith.cmpi ne, %convert_element_type3A_1079, %cond3A_1080 : i32
    scf.if %cond3A_1081 {
      %add3A_1603 = arith.constant 768 : i32
      %add3A_1604 = arith.addi %mul3A_4, %add3A_1603 : i32
      %dma_wait3A_1605 = arith.constant 0 : i32
      %dma_wait3A_1606 = arith.constant 0 : i32
      %dma_wait3A_1607 = tpu.memref_slice %arg5[%dma_wait3A_1605, %dma_wait3A_1606] : memref<6x128xi32, #tpu.memory_space<vmem>> -> memref<1x128xi32, #tpu.memory_space<vmem>>
      %dma_wait3A_1608 = tpu.memref_squeeze %dma_wait3A_1607 : memref<1x128xi32, #tpu.memory_space<vmem>> -> memref<128xi32, #tpu.memory_space<vmem>>
      %dma_wait3A_1609 = tpu.memref_slice %arg3[%add3A_1604] : memref<100000xi32, #tpu.memory_space<hbm>> -> memref<128xi32, #tpu.memory_space<hbm>>
      %dma_wait3A_1610 = arith.constant 0 : i32
      %dma_wait3A_1611 = tpu.memref_slice %arg5[%dma_wait3A_1605, %dma_wait3A_1610] : memref<6x128xi32, #tpu.memory_space<vmem>> -> memref<1x128xi32, #tpu.memory_space<vmem>>
      %dma_wait3A_1612 = tpu.memref_squeeze %dma_wait3A_1611 : memref<1x128xi32, #tpu.memory_space<vmem>> -> memref<128xi32, #tpu.memory_space<vmem>>
      %dma_wait3A_1613 = tpu.memref_slice %arg3[%add3A_1604] : memref<100000xi32, #tpu.memory_space<hbm>> -> memref<128xi32, #tpu.memory_space<hbm>>
      tpu.wait_dma2 semaphore(%arg16 : memref<!tpu.dma_semaphore, #tpu.memory_space<semaphore_mem>>) src(%dma_wait3A_1613 : memref<128xi32, #tpu.memory_space<hbm>>) dst(%dma_wait3A_1612 : memref<128xi32, #tpu.memory_space<vmem>>)
      %add3A_1614 = arith.constant 768 : i32
      %add3A_1615 = arith.addi %mul3A_4, %add3A_1614 : i32
      %dma_wait3A_1616 = arith.constant 0 : i32
      %dma_wait3A_1617 = tpu.memref_slice %arg2[%add3A_1615, %dma_wait3A_1616] : memref<100000x128xf32, #tpu.memory_space<hbm>> -> memref<128x128xf32, #tpu.memory_space<hbm>>
      %dma_wait3A_1618 = arith.constant 0 : i32
      %dma_wait3A_1619 = tpu.memref_slice %arg2[%add3A_1615, %dma_wait3A_1618] : memref<100000x128xf32, #tpu.memory_space<hbm>> -> memref<128x128xf32, #tpu.memory_space<hbm>>
      tpu.wait_dma2 semaphore(%arg16 : memref<!tpu.dma_semaphore, #tpu.memory_space<semaphore_mem>>) src(%dma_wait3A_1619 : memref<128x128xf32, #tpu.memory_space<hbm>>) dst(%arg6 : memref<128x128xf32, #tpu.memory_space<vmem>>)
    } else {
    }
    %lt3A_1082 = arith.constant 31 : i32
    %lt3A_1083 = arith.cmpi slt, %add3A, %lt3A_1082 : i32
    %or3A_1084 = arith.constant false
    %or3A_1085 = arith.ori %lt3A_1083, %or3A_1084 : i1
    %convert_element_type3A_1086 = arith.extui %or3A_1085 : i1 to i32
    %cond3A_1087 = arith.constant 0 : i32
    %cond3A_1088 = arith.cmpi ne, %convert_element_type3A_1086, %cond3A_1087 : i32
    scf.if %cond3A_1088 {
      %dma_start3A_1603 = arith.constant 0 : i32
      %dma_start3A_1604 = arith.constant 0 : i32
      %dma_start3A_1605 = tpu.memref_slice %arg5[%dma_start3A_1603, %dma_start3A_1604] : memref<6x128xi32, #tpu.memory_space<vmem>> -> memref<1x128xi32, #tpu.memory_space<vmem>>
      %dma_start3A_1606 = tpu.memref_squeeze %dma_start3A_1605 : memref<1x128xi32, #tpu.memory_space<vmem>> -> memref<128xi32, #tpu.memory_space<vmem>>
      %dma_start3A_1607 = arith.constant 0 : i32
      %dma_start3A_1608 = arith.constant 0 : i32
      %dma_start3A_1609 = tpu.memref_slice %arg15[%dma_start3A_1607, %dma_start3A_1608] : memref<256x128xf32, #tpu.memory_space<vmem_shared>> -> memref<256x128xf32, #tpu.memory_space<vmem_shared>>
      tpu.enqueue_indirect_dma source(%arg6 : memref<128x128xf32, #tpu.memory_space<vmem>>) target(%dma_start3A_1609 : memref<256x128xf32, #tpu.memory_space<vmem_shared>>) offsets(%dma_start3A_1606 : memref<128xi32, #tpu.memory_space<vmem>>) semaphore(%arg22 : memref<!tpu.dma_semaphore, #tpu.memory_space<semaphore_mem>>) {add = true}
    } else {
    }
    %dma_wait3A_1089 = arith.constant 4 : i32
    %dma_wait3A_1090 = arith.constant 0 : i32
    %dma_wait3A_1091 = tpu.memref_slice %arg5[%dma_wait3A_1089, %dma_wait3A_1090] : memref<6x128xi32, #tpu.memory_space<vmem>> -> memref<1x128xi32, #tpu.memory_space<vmem>>
    %dma_wait3A_1092 = tpu.memref_squeeze %dma_wait3A_1091 : memref<1x128xi32, #tpu.memory_space<vmem>> -> memref<128xi32, #tpu.memory_space<vmem>>
    %dma_wait3A_1093 = arith.constant 0 : i32
    %dma_wait3A_1094 = arith.constant 0 : i32
    %dma_wait3A_1095 = tpu.memref_slice %arg15[%dma_wait3A_1093, %dma_wait3A_1094] : memref<256x128xf32, #tpu.memory_space<vmem_shared>> -> memref<256x128xf32, #tpu.memory_space<vmem_shared>>
    tpu.wait_indirect_dma semaphore(%arg26 : memref<!tpu.dma_semaphore, #tpu.memory_space<semaphore_mem>>) src(%arg10 : memref<128x128xf32, #tpu.memory_space<vmem>>) dst(%dma_wait3A_1095 : memref<256x128xf32, #tpu.memory_space<vmem_shared>>)
    %lt3A_1096 = arith.constant 31 : i32
    %lt3A_1097 = arith.cmpi slt, %add3A, %lt3A_1096 : i32
    %or3A_1098 = arith.constant false
    %or3A_1099 = arith.ori %lt3A_1097, %or3A_1098 : i1
    %convert_element_type3A_1100 = arith.extui %or3A_1099 : i1 to i32
    %cond3A_1101 = arith.constant 0 : i32
    %cond3A_1102 = arith.cmpi ne, %convert_element_type3A_1100, %cond3A_1101 : i32
    scf.if %cond3A_1102 {
      %add3A_1603 = arith.constant 1280 : i32
      %add3A_1604 = arith.addi %mul3A_4, %add3A_1603 : i32
      %dma_start3A_1605 = arith.constant 4 : i32
      %dma_start3A_1606 = arith.constant 0 : i32
      %dma_start3A_1607 = tpu.memref_slice %arg5[%dma_start3A_1605, %dma_start3A_1606] : memref<6x128xi32, #tpu.memory_space<vmem>> -> memref<1x128xi32, #tpu.memory_space<vmem>>
      %dma_start3A_1608 = tpu.memref_squeeze %dma_start3A_1607 : memref<1x128xi32, #tpu.memory_space<vmem>> -> memref<128xi32, #tpu.memory_space<vmem>>
      %dma_start3A_1609 = tpu.memref_slice %arg3[%add3A_1604] : memref<100000xi32, #tpu.memory_space<hbm>> -> memref<128xi32, #tpu.memory_space<hbm>>
      %dma_start3A_1610 = arith.constant 0 : i32
      %dma_start3A_1611 = tpu.memref_slice %arg5[%dma_start3A_1605, %dma_start3A_1610] : memref<6x128xi32, #tpu.memory_space<vmem>> -> memref<1x128xi32, #tpu.memory_space<vmem>>
      %dma_start3A_1612 = tpu.memref_squeeze %dma_start3A_1611 : memref<1x128xi32, #tpu.memory_space<vmem>> -> memref<128xi32, #tpu.memory_space<vmem>>
      %dma_start3A_1613 = tpu.memref_slice %arg3[%add3A_1604] : memref<100000xi32, #tpu.memory_space<hbm>> -> memref<128xi32, #tpu.memory_space<hbm>>
      tpu.enqueue_dma source(%dma_start3A_1613 : memref<128xi32, #tpu.memory_space<hbm>>) target(%dma_start3A_1612 : memref<128xi32, #tpu.memory_space<vmem>>) target_semaphore(%arg20 : memref<!tpu.dma_semaphore, #tpu.memory_space<semaphore_mem>>)
      %add3A_1614 = arith.constant 1280 : i32
      %add3A_1615 = arith.addi %mul3A_4, %add3A_1614 : i32
      %dma_start3A_1616 = arith.constant 0 : i32
      %dma_start3A_1617 = tpu.memref_slice %arg2[%add3A_1615, %dma_start3A_1616] : memref<100000x128xf32, #tpu.memory_space<hbm>> -> memref<128x128xf32, #tpu.memory_space<hbm>>
      %dma_start3A_1618 = arith.constant 0 : i32
      %dma_start3A_1619 = tpu.memref_slice %arg2[%add3A_1615, %dma_start3A_1618] : memref<100000x128xf32, #tpu.memory_space<hbm>> -> memref<128x128xf32, #tpu.memory_space<hbm>>
      tpu.enqueue_dma source(%dma_start3A_1619 : memref<128x128xf32, #tpu.memory_space<hbm>>) target(%arg10 : memref<128x128xf32, #tpu.memory_space<vmem>>) target_semaphore(%arg20 : memref<!tpu.dma_semaphore, #tpu.memory_space<semaphore_mem>>)
    } else {
    }
    %lt3A_1103 = arith.constant 31 : i32
    %lt3A_1104 = arith.cmpi slt, %add3A, %lt3A_1103 : i32
    %or3A_1105 = arith.constant false
    %or3A_1106 = arith.ori %lt3A_1104, %or3A_1105 : i1
    %convert_element_type3A_1107 = arith.extui %or3A_1106 : i1 to i32
    %cond3A_1108 = arith.constant 0 : i32
    %cond3A_1109 = arith.cmpi ne, %convert_element_type3A_1107, %cond3A_1108 : i32
    scf.if %cond3A_1109 {
      %add3A_1603 = arith.constant 896 : i32
      %add3A_1604 = arith.addi %mul3A_4, %add3A_1603 : i32
      %dma_wait3A_1605 = arith.constant 1 : i32
      %dma_wait3A_1606 = arith.constant 0 : i32
      %dma_wait3A_1607 = tpu.memref_slice %arg5[%dma_wait3A_1605, %dma_wait3A_1606] : memref<6x128xi32, #tpu.memory_space<vmem>> -> memref<1x128xi32, #tpu.memory_space<vmem>>
      %dma_wait3A_1608 = tpu.memref_squeeze %dma_wait3A_1607 : memref<1x128xi32, #tpu.memory_space<vmem>> -> memref<128xi32, #tpu.memory_space<vmem>>
      %dma_wait3A_1609 = tpu.memref_slice %arg3[%add3A_1604] : memref<100000xi32, #tpu.memory_space<hbm>> -> memref<128xi32, #tpu.memory_space<hbm>>
      %dma_wait3A_1610 = arith.constant 0 : i32
      %dma_wait3A_1611 = tpu.memref_slice %arg5[%dma_wait3A_1605, %dma_wait3A_1610] : memref<6x128xi32, #tpu.memory_space<vmem>> -> memref<1x128xi32, #tpu.memory_space<vmem>>
      %dma_wait3A_1612 = tpu.memref_squeeze %dma_wait3A_1611 : memref<1x128xi32, #tpu.memory_space<vmem>> -> memref<128xi32, #tpu.memory_space<vmem>>
      %dma_wait3A_1613 = tpu.memref_slice %arg3[%add3A_1604] : memref<100000xi32, #tpu.memory_space<hbm>> -> memref<128xi32, #tpu.memory_space<hbm>>
      tpu.wait_dma2 semaphore(%arg17 : memref<!tpu.dma_semaphore, #tpu.memory_space<semaphore_mem>>) src(%dma_wait3A_1613 : memref<128xi32, #tpu.memory_space<hbm>>) dst(%dma_wait3A_1612 : memref<128xi32, #tpu.memory_space<vmem>>)
      %add3A_1614 = arith.constant 896 : i32
      %add3A_1615 = arith.addi %mul3A_4, %add3A_1614 : i32
      %dma_wait3A_1616 = arith.constant 0 : i32
      %dma_wait3A_1617 = tpu.memref_slice %arg2[%add3A_1615, %dma_wait3A_1616] : memref<100000x128xf32, #tpu.memory_space<hbm>> -> memref<128x128xf32, #tpu.memory_space<hbm>>
      %dma_wait3A_1618 = arith.constant 0 : i32
      %dma_wait3A_1619 = tpu.memref_slice %arg2[%add3A_1615, %dma_wait3A_1618] : memref<100000x128xf32, #tpu.memory_space<hbm>> -> memref<128x128xf32, #tpu.memory_space<hbm>>
      tpu.wait_dma2 semaphore(%arg17 : memref<!tpu.dma_semaphore, #tpu.memory_space<semaphore_mem>>) src(%dma_wait3A_1619 : memref<128x128xf32, #tpu.memory_space<hbm>>) dst(%arg7 : memref<128x128xf32, #tpu.memory_space<vmem>>)
    } else {
    }
    %lt3A_1110 = arith.constant 31 : i32
    %lt3A_1111 = arith.cmpi slt, %add3A, %lt3A_1110 : i32
    %or3A_1112 = arith.constant false
    %or3A_1113 = arith.ori %lt3A_1111, %or3A_1112 : i1
    %convert_element_type3A_1114 = arith.extui %or3A_1113 : i1 to i32
    %cond3A_1115 = arith.constant 0 : i32
    %cond3A_1116 = arith.cmpi ne, %convert_element_type3A_1114, %cond3A_1115 : i32
    scf.if %cond3A_1116 {
      %dma_start3A_1603 = arith.constant 1 : i32
      %dma_start3A_1604 = arith.constant 0 : i32
      %dma_start3A_1605 = tpu.memref_slice %arg5[%dma_start3A_1603, %dma_start3A_1604] : memref<6x128xi32, #tpu.memory_space<vmem>> -> memref<1x128xi32, #tpu.memory_space<vmem>>
      %dma_start3A_1606 = tpu.memref_squeeze %dma_start3A_1605 : memref<1x128xi32, #tpu.memory_space<vmem>> -> memref<128xi32, #tpu.memory_space<vmem>>
      %dma_start3A_1607 = arith.constant 0 : i32
      %dma_start3A_1608 = arith.constant 0 : i32
      %dma_start3A_1609 = tpu.memref_slice %arg15[%dma_start3A_1607, %dma_start3A_1608] : memref<256x128xf32, #tpu.memory_space<vmem_shared>> -> memref<256x128xf32, #tpu.memory_space<vmem_shared>>
      tpu.enqueue_indirect_dma source(%arg7 : memref<128x128xf32, #tpu.memory_space<vmem>>) target(%dma_start3A_1609 : memref<256x128xf32, #tpu.memory_space<vmem_shared>>) offsets(%dma_start3A_1606 : memref<128xi32, #tpu.memory_space<vmem>>) semaphore(%arg23 : memref<!tpu.dma_semaphore, #tpu.memory_space<semaphore_mem>>) {add = true}
    } else {
    }
    %dma_wait3A_1117 = arith.constant 5 : i32
    %dma_wait3A_1118 = arith.constant 0 : i32
    %dma_wait3A_1119 = tpu.memref_slice %arg5[%dma_wait3A_1117, %dma_wait3A_1118] : memref<6x128xi32, #tpu.memory_space<vmem>> -> memref<1x128xi32, #tpu.memory_space<vmem>>
    %dma_wait3A_1120 = tpu.memref_squeeze %dma_wait3A_1119 : memref<1x128xi32, #tpu.memory_space<vmem>> -> memref<128xi32, #tpu.memory_space<vmem>>
    %dma_wait3A_1121 = arith.constant 0 : i32
    %dma_wait3A_1122 = arith.constant 0 : i32
    %dma_wait3A_1123 = tpu.memref_slice %arg15[%dma_wait3A_1121, %dma_wait3A_1122] : memref<256x128xf32, #tpu.memory_space<vmem_shared>> -> memref<256x128xf32, #tpu.memory_space<vmem_shared>>
    tpu.wait_indirect_dma semaphore(%arg27 : memref<!tpu.dma_semaphore, #tpu.memory_space<semaphore_mem>>) src(%arg11 : memref<128x128xf32, #tpu.memory_space<vmem>>) dst(%dma_wait3A_1123 : memref<256x128xf32, #tpu.memory_space<vmem_shared>>)
    %lt3A_1124 = arith.constant 31 : i32
    %lt3A_1125 = arith.cmpi slt, %add3A, %lt3A_1124 : i32
    %or3A_1126 = arith.constant false
    %or3A_1127 = arith.ori %lt3A_1125, %or3A_1126 : i1
    %convert_element_type3A_1128 = arith.extui %or3A_1127 : i1 to i32
    %cond3A_1129 = arith.constant 0 : i32
    %cond3A_1130 = arith.cmpi ne, %convert_element_type3A_1128, %cond3A_1129 : i32
    scf.if %cond3A_1130 {
      %add3A_1603 = arith.constant 1408 : i32
      %add3A_1604 = arith.addi %mul3A_4, %add3A_1603 : i32
      %dma_start3A_1605 = arith.constant 5 : i32
      %dma_start3A_1606 = arith.constant 0 : i32
      %dma_start3A_1607 = tpu.memref_slice %arg5[%dma_start3A_1605, %dma_start3A_1606] : memref<6x128xi32, #tpu.memory_space<vmem>> -> memref<1x128xi32, #tpu.memory_space<vmem>>
      %dma_start3A_1608 = tpu.memref_squeeze %dma_start3A_1607 : memref<1x128xi32, #tpu.memory_space<vmem>> -> memref<128xi32, #tpu.memory_space<vmem>>
      %dma_start3A_1609 = tpu.memref_slice %arg3[%add3A_1604] : memref<100000xi32, #tpu.memory_space<hbm>> -> memref<128xi32, #tpu.memory_space<hbm>>
      %dma_start3A_1610 = arith.constant 0 : i32
      %dma_start3A_1611 = tpu.memref_slice %arg5[%dma_start3A_1605, %dma_start3A_1610] : memref<6x128xi32, #tpu.memory_space<vmem>> -> memref<1x128xi32, #tpu.memory_space<vmem>>
      %dma_start3A_1612 = tpu.memref_squeeze %dma_start3A_1611 : memref<1x128xi32, #tpu.memory_space<vmem>> -> memref<128xi32, #tpu.memory_space<vmem>>
      %dma_start3A_1613 = tpu.memref_slice %arg3[%add3A_1604] : memref<100000xi32, #tpu.memory_space<hbm>> -> memref<128xi32, #tpu.memory_space<hbm>>
      tpu.enqueue_dma source(%dma_start3A_1613 : memref<128xi32, #tpu.memory_space<hbm>>) target(%dma_start3A_1612 : memref<128xi32, #tpu.memory_space<vmem>>) target_semaphore(%arg21 : memref<!tpu.dma_semaphore, #tpu.memory_space<semaphore_mem>>)
      %add3A_1614 = arith.constant 1408 : i32
      %add3A_1615 = arith.addi %mul3A_4, %add3A_1614 : i32
      %dma_start3A_1616 = arith.constant 0 : i32
      %dma_start3A_1617 = tpu.memref_slice %arg2[%add3A_1615, %dma_start3A_1616] : memref<100000x128xf32, #tpu.memory_space<hbm>> -> memref<128x128xf32, #tpu.memory_space<hbm>>
      %dma_start3A_1618 = arith.constant 0 : i32
      %dma_start3A_1619 = tpu.memref_slice %arg2[%add3A_1615, %dma_start3A_1618] : memref<100000x128xf32, #tpu.memory_space<hbm>> -> memref<128x128xf32, #tpu.memory_space<hbm>>
      tpu.enqueue_dma source(%dma_start3A_1619 : memref<128x128xf32, #tpu.memory_space<hbm>>) target(%arg11 : memref<128x128xf32, #tpu.memory_space<vmem>>) target_semaphore(%arg21 : memref<!tpu.dma_semaphore, #tpu.memory_space<semaphore_mem>>)
    } else {
    }
    %lt3A_1131 = arith.constant 31 : i32
    %lt3A_1132 = arith.cmpi slt, %add3A, %lt3A_1131 : i32
    %or3A_1133 = arith.constant false
    %or3A_1134 = arith.ori %lt3A_1132, %or3A_1133 : i1
    %convert_element_type3A_1135 = arith.extui %or3A_1134 : i1 to i32
    %cond3A_1136 = arith.constant 0 : i32
    %cond3A_1137 = arith.cmpi ne, %convert_element_type3A_1135, %cond3A_1136 : i32
    scf.if %cond3A_1137 {
      %add3A_1603 = arith.constant 1024 : i32
      %add3A_1604 = arith.addi %mul3A_4, %add3A_1603 : i32
      %dma_wait3A_1605 = arith.constant 2 : i32
      %dma_wait3A_1606 = arith.constant 0 : i32
      %dma_wait3A_1607 = tpu.memref_slice %arg5[%dma_wait3A_1605, %dma_wait3A_1606] : memref<6x128xi32, #tpu.memory_space<vmem>> -> memref<1x128xi32, #tpu.memory_space<vmem>>
      %dma_wait3A_1608 = tpu.memref_squeeze %dma_wait3A_1607 : memref<1x128xi32, #tpu.memory_space<vmem>> -> memref<128xi32, #tpu.memory_space<vmem>>
      %dma_wait3A_1609 = tpu.memref_slice %arg3[%add3A_1604] : memref<100000xi32, #tpu.memory_space<hbm>> -> memref<128xi32, #tpu.memory_space<hbm>>
      %dma_wait3A_1610 = arith.constant 0 : i32
      %dma_wait3A_1611 = tpu.memref_slice %arg5[%dma_wait3A_1605, %dma_wait3A_1610] : memref<6x128xi32, #tpu.memory_space<vmem>> -> memref<1x128xi32, #tpu.memory_space<vmem>>
      %dma_wait3A_1612 = tpu.memref_squeeze %dma_wait3A_1611 : memref<1x128xi32, #tpu.memory_space<vmem>> -> memref<128xi32, #tpu.memory_space<vmem>>
      %dma_wait3A_1613 = tpu.memref_slice %arg3[%add3A_1604] : memref<100000xi32, #tpu.memory_space<hbm>> -> memref<128xi32, #tpu.memory_space<hbm>>
      tpu.wait_dma2 semaphore(%arg18 : memref<!tpu.dma_semaphore, #tpu.memory_space<semaphore_mem>>) src(%dma_wait3A_1613 : memref<128xi32, #tpu.memory_space<hbm>>) dst(%dma_wait3A_1612 : memref<128xi32, #tpu.memory_space<vmem>>)
      %add3A_1614 = arith.constant 1024 : i32
      %add3A_1615 = arith.addi %mul3A_4, %add3A_1614 : i32
      %dma_wait3A_1616 = arith.constant 0 : i32
      %dma_wait3A_1617 = tpu.memref_slice %arg2[%add3A_1615, %dma_wait3A_1616] : memref<100000x128xf32, #tpu.memory_space<hbm>> -> memref<128x128xf32, #tpu.memory_space<hbm>>
      %dma_wait3A_1618 = arith.constant 0 : i32
      %dma_wait3A_1619 = tpu.memref_slice %arg2[%add3A_1615, %dma_wait3A_1618] : memref<100000x128xf32, #tpu.memory_space<hbm>> -> memref<128x128xf32, #tpu.memory_space<hbm>>
      tpu.wait_dma2 semaphore(%arg18 : memref<!tpu.dma_semaphore, #tpu.memory_space<semaphore_mem>>) src(%dma_wait3A_1619 : memref<128x128xf32, #tpu.memory_space<hbm>>) dst(%arg8 : memref<128x128xf32, #tpu.memory_space<vmem>>)
    } else {
    }
    %lt3A_1138 = arith.constant 31 : i32
    %lt3A_1139 = arith.cmpi slt, %add3A, %lt3A_1138 : i32
    %or3A_1140 = arith.constant false
    %or3A_1141 = arith.ori %lt3A_1139, %or3A_1140 : i1
    %convert_element_type3A_1142 = arith.extui %or3A_1141 : i1 to i32
    %cond3A_1143 = arith.constant 0 : i32
    %cond3A_1144 = arith.cmpi ne, %convert_element_type3A_1142, %cond3A_1143 : i32
    scf.if %cond3A_1144 {
      %dma_start3A_1603 = arith.constant 2 : i32
      %dma_start3A_1604 = arith.constant 0 : i32
      %dma_start3A_1605 = tpu.memref_slice %arg5[%dma_start3A_1603, %dma_start3A_1604] : memref<6x128xi32, #tpu.memory_space<vmem>> -> memref<1x128xi32, #tpu.memory_space<vmem>>
      %dma_start3A_1606 = tpu.memref_squeeze %dma_start3A_1605 : memref<1x128xi32, #tpu.memory_space<vmem>> -> memref<128xi32, #tpu.memory_space<vmem>>
      %dma_start3A_1607 = arith.constant 0 : i32
      %dma_start3A_1608 = arith.constant 0 : i32
      %dma_start3A_1609 = tpu.memref_slice %arg15[%dma_start3A_1607, %dma_start3A_1608] : memref<256x128xf32, #tpu.memory_space<vmem_shared>> -> memref<256x128xf32, #tpu.memory_space<vmem_shared>>
      tpu.enqueue_indirect_dma source(%arg8 : memref<128x128xf32, #tpu.memory_space<vmem>>) target(%dma_start3A_1609 : memref<256x128xf32, #tpu.memory_space<vmem_shared>>) offsets(%dma_start3A_1606 : memref<128xi32, #tpu.memory_space<vmem>>) semaphore(%arg24 : memref<!tpu.dma_semaphore, #tpu.memory_space<semaphore_mem>>) {add = true}
    } else {
    }
    %lt3A_1145 = arith.constant 31 : i32
    %lt3A_1146 = arith.cmpi slt, %add3A, %lt3A_1145 : i32
    %or3A_1147 = arith.constant false
    %or3A_1148 = arith.ori %lt3A_1146, %or3A_1147 : i1
    %convert_element_type3A_1149 = arith.extui %or3A_1148 : i1 to i32
    %cond3A_1150 = arith.constant 0 : i32
    %cond3A_1151 = arith.cmpi ne, %convert_element_type3A_1149, %cond3A_1150 : i32
    scf.if %cond3A_1151 {
      %dma_wait3A_1603 = arith.constant 0 : i32
      %dma_wait3A_1604 = arith.constant 0 : i32
      %dma_wait3A_1605 = tpu.memref_slice %arg5[%dma_wait3A_1603, %dma_wait3A_1604] : memref<6x128xi32, #tpu.memory_space<vmem>> -> memref<1x128xi32, #tpu.memory_space<vmem>>
      %dma_wait3A_1606 = tpu.memref_squeeze %dma_wait3A_1605 : memref<1x128xi32, #tpu.memory_space<vmem>> -> memref<128xi32, #tpu.memory_space<vmem>>
      %dma_wait3A_1607 = arith.constant 0 : i32
      %dma_wait3A_1608 = arith.constant 0 : i32
      %dma_wait3A_1609 = tpu.memref_slice %arg15[%dma_wait3A_1607, %dma_wait3A_1608] : memref<256x128xf32, #tpu.memory_space<vmem_shared>> -> memref<256x128xf32, #tpu.memory_space<vmem_shared>>
      tpu.wait_indirect_dma semaphore(%arg22 : memref<!tpu.dma_semaphore, #tpu.memory_space<semaphore_mem>>) src(%arg6 : memref<128x128xf32, #tpu.memory_space<vmem>>) dst(%dma_wait3A_1609 : memref<256x128xf32, #tpu.memory_space<vmem_shared>>)
    } else {
    }
    %lt3A_1152 = arith.constant 31 : i32
    %lt3A_1153 = arith.cmpi slt, %add3A, %lt3A_1152 : i32
    %or3A_1154 = arith.constant false
    %or3A_1155 = arith.ori %lt3A_1153, %or3A_1154 : i1
    %convert_element_type3A_1156 = arith.extui %or3A_1155 : i1 to i32
    %cond3A_1157 = arith.constant 0 : i32
    %cond3A_1158 = arith.cmpi ne, %convert_element_type3A_1156, %cond3A_1157 : i32
    scf.if %cond3A_1158 {
      %add3A_1603 = arith.constant 1536 : i32
      %add3A_1604 = arith.addi %mul3A_4, %add3A_1603 : i32
      %dma_start3A_1605 = arith.constant 0 : i32
      %dma_start3A_1606 = arith.constant 0 : i32
      %dma_start3A_1607 = tpu.memref_slice %arg5[%dma_start3A_1605, %dma_start3A_1606] : memref<6x128xi32, #tpu.memory_space<vmem>> -> memref<1x128xi32, #tpu.memory_space<vmem>>
      %dma_start3A_1608 = tpu.memref_squeeze %dma_start3A_1607 : memref<1x128xi32, #tpu.memory_space<vmem>> -> memref<128xi32, #tpu.memory_space<vmem>>
      %dma_start3A_1609 = tpu.memref_slice %arg3[%add3A_1604] : memref<100000xi32, #tpu.memory_space<hbm>> -> memref<128xi32, #tpu.memory_space<hbm>>
      %dma_start3A_1610 = arith.constant 0 : i32
      %dma_start3A_1611 = tpu.memref_slice %arg5[%dma_start3A_1605, %dma_start3A_1610] : memref<6x128xi32, #tpu.memory_space<vmem>> -> memref<1x128xi32, #tpu.memory_space<vmem>>
      %dma_start3A_1612 = tpu.memref_squeeze %dma_start3A_1611 : memref<1x128xi32, #tpu.memory_space<vmem>> -> memref<128xi32, #tpu.memory_space<vmem>>
      %dma_start3A_1613 = tpu.memref_slice %arg3[%add3A_1604] : memref<100000xi32, #tpu.memory_space<hbm>> -> memref<128xi32, #tpu.memory_space<hbm>>
      tpu.enqueue_dma source(%dma_start3A_1613 : memref<128xi32, #tpu.memory_space<hbm>>) target(%dma_start3A_1612 : memref<128xi32, #tpu.memory_space<vmem>>) target_semaphore(%arg16 : memref<!tpu.dma_semaphore, #tpu.memory_space<semaphore_mem>>)
      %add3A_1614 = arith.constant 1536 : i32
      %add3A_1615 = arith.addi %mul3A_4, %add3A_1614 : i32
      %dma_start3A_1616 = arith.constant 0 : i32
      %dma_start3A_1617 = tpu.memref_slice %arg2[%add3A_1615, %dma_start3A_1616] : memref<100000x128xf32, #tpu.memory_space<hbm>> -> memref<128x128xf32, #tpu.memory_space<hbm>>
      %dma_start3A_1618 = arith.constant 0 : i32
      %dma_start3A_1619 = tpu.memref_slice %arg2[%add3A_1615, %dma_start3A_1618] : memref<100000x128xf32, #tpu.memory_space<hbm>> -> memref<128x128xf32, #tpu.memory_space<hbm>>
      tpu.enqueue_dma source(%dma_start3A_1619 : memref<128x128xf32, #tpu.memory_space<hbm>>) target(%arg6 : memref<128x128xf32, #tpu.memory_space<vmem>>) target_semaphore(%arg16 : memref<!tpu.dma_semaphore, #tpu.memory_space<semaphore_mem>>)
    } else {
    }
    %lt3A_1159 = arith.constant 31 : i32
    %lt3A_1160 = arith.cmpi slt, %add3A, %lt3A_1159 : i32
    %or3A_1161 = arith.constant false
    %or3A_1162 = arith.ori %lt3A_1160, %or3A_1161 : i1
    %convert_element_type3A_1163 = arith.extui %or3A_1162 : i1 to i32
    %cond3A_1164 = arith.constant 0 : i32
    %cond3A_1165 = arith.cmpi ne, %convert_element_type3A_1163, %cond3A_1164 : i32
    scf.if %cond3A_1165 {
      %add3A_1603 = arith.constant 1152 : i32
      %add3A_1604 = arith.addi %mul3A_4, %add3A_1603 : i32
      %dma_wait3A_1605 = arith.constant 3 : i32
      %dma_wait3A_1606 = arith.constant 0 : i32
      %dma_wait3A_1607 = tpu.memref_slice %arg5[%dma_wait3A_1605, %dma_wait3A_1606] : memref<6x128xi32, #tpu.memory_space<vmem>> -> memref<1x128xi32, #tpu.memory_space<vmem>>
      %dma_wait3A_1608 = tpu.memref_squeeze %dma_wait3A_1607 : memref<1x128xi32, #tpu.memory_space<vmem>> -> memref<128xi32, #tpu.memory_space<vmem>>
      %dma_wait3A_1609 = tpu.memref_slice %arg3[%add3A_1604] : memref<100000xi32, #tpu.memory_space<hbm>> -> memref<128xi32, #tpu.memory_space<hbm>>
      %dma_wait3A_1610 = arith.constant 0 : i32
      %dma_wait3A_1611 = tpu.memref_slice %arg5[%dma_wait3A_1605, %dma_wait3A_1610] : memref<6x128xi32, #tpu.memory_space<vmem>> -> memref<1x128xi32, #tpu.memory_space<vmem>>
      %dma_wait3A_1612 = tpu.memref_squeeze %dma_wait3A_1611 : memref<1x128xi32, #tpu.memory_space<vmem>> -> memref<128xi32, #tpu.memory_space<vmem>>
      %dma_wait3A_1613 = tpu.memref_slice %arg3[%add3A_1604] : memref<100000xi32, #tpu.memory_space<hbm>> -> memref<128xi32, #tpu.memory_space<hbm>>
      tpu.wait_dma2 semaphore(%arg19 : memref<!tpu.dma_semaphore, #tpu.memory_space<semaphore_mem>>) src(%dma_wait3A_1613 : memref<128xi32, #tpu.memory_space<hbm>>) dst(%dma_wait3A_1612 : memref<128xi32, #tpu.memory_space<vmem>>)
      %add3A_1614 = arith.constant 1152 : i32
      %add3A_1615 = arith.addi %mul3A_4, %add3A_1614 : i32
      %dma_wait3A_1616 = arith.constant 0 : i32
      %dma_wait3A_1617 = tpu.memref_slice %arg2[%add3A_1615, %dma_wait3A_1616] : memref<100000x128xf32, #tpu.memory_space<hbm>> -> memref<128x128xf32, #tpu.memory_space<hbm>>
      %dma_wait3A_1618 = arith.constant 0 : i32
      %dma_wait3A_1619 = tpu.memref_slice %arg2[%add3A_1615, %dma_wait3A_1618] : memref<100000x128xf32, #tpu.memory_space<hbm>> -> memref<128x128xf32, #tpu.memory_space<hbm>>
      tpu.wait_dma2 semaphore(%arg19 : memref<!tpu.dma_semaphore, #tpu.memory_space<semaphore_mem>>) src(%dma_wait3A_1619 : memref<128x128xf32, #tpu.memory_space<hbm>>) dst(%arg9 : memref<128x128xf32, #tpu.memory_space<vmem>>)
    } else {
    }
    %lt3A_1166 = arith.constant 31 : i32
    %lt3A_1167 = arith.cmpi slt, %add3A, %lt3A_1166 : i32
    %or3A_1168 = arith.constant false
    %or3A_1169 = arith.ori %lt3A_1167, %or3A_1168 : i1
    %convert_element_type3A_1170 = arith.extui %or3A_1169 : i1 to i32
    %cond3A_1171 = arith.constant 0 : i32
    %cond3A_1172 = arith.cmpi ne, %convert_element_type3A_1170, %cond3A_1171 : i32
    scf.if %cond3A_1172 {
      %dma_start3A_1603 = arith.constant 3 : i32
      %dma_start3A_1604 = arith.constant 0 : i32
      %dma_start3A_1605 = tpu.memref_slice %arg5[%dma_start3A_1603, %dma_start3A_1604] : memref<6x128xi32, #tpu.memory_space<vmem>> -> memref<1x128xi32, #tpu.memory_space<vmem>>
      %dma_start3A_1606 = tpu.memref_squeeze %dma_start3A_1605 : memref<1x128xi32, #tpu.memory_space<vmem>> -> memref<128xi32, #tpu.memory_space<vmem>>
      %dma_start3A_1607 = arith.constant 0 : i32
      %dma_start3A_1608 = arith.constant 0 : i32
      %dma_start3A_1609 = tpu.memref_slice %arg15[%dma_start3A_1607, %dma_start3A_1608] : memref<256x128xf32, #tpu.memory_space<vmem_shared>> -> memref<256x128xf32, #tpu.memory_space<vmem_shared>>
      tpu.enqueue_indirect_dma source(%arg9 : memref<128x128xf32, #tpu.memory_space<vmem>>) target(%dma_start3A_1609 : memref<256x128xf32, #tpu.memory_space<vmem_shared>>) offsets(%dma_start3A_1606 : memref<128xi32, #tpu.memory_space<vmem>>) semaphore(%arg25 : memref<!tpu.dma_semaphore, #tpu.memory_space<semaphore_mem>>) {add = true}
    } else {
    }
    %lt3A_1173 = arith.constant 31 : i32
    %lt3A_1174 = arith.cmpi slt, %add3A, %lt3A_1173 : i32
    %or3A_1175 = arith.constant false
    %or3A_1176 = arith.ori %lt3A_1174, %or3A_1175 : i1
    %convert_element_type3A_1177 = arith.extui %or3A_1176 : i1 to i32
    %cond3A_1178 = arith.constant 0 : i32
    %cond3A_1179 = arith.cmpi ne, %convert_element_type3A_1177, %cond3A_1178 : i32
    scf.if %cond3A_1179 {
      %dma_wait3A_1603 = arith.constant 1 : i32
      %dma_wait3A_1604 = arith.constant 0 : i32
      %dma_wait3A_1605 = tpu.memref_slice %arg5[%dma_wait3A_1603, %dma_wait3A_1604] : memref<6x128xi32, #tpu.memory_space<vmem>> -> memref<1x128xi32, #tpu.memory_space<vmem>>
      %dma_wait3A_1606 = tpu.memref_squeeze %dma_wait3A_1605 : memref<1x128xi32, #tpu.memory_space<vmem>> -> memref<128xi32, #tpu.memory_space<vmem>>
      %dma_wait3A_1607 = arith.constant 0 : i32
      %dma_wait3A_1608 = arith.constant 0 : i32
      %dma_wait3A_1609 = tpu.memref_slice %arg15[%dma_wait3A_1607, %dma_wait3A_1608] : memref<256x128xf32, #tpu.memory_space<vmem_shared>> -> memref<256x128xf32, #tpu.memory_space<vmem_shared>>
      tpu.wait_indirect_dma semaphore(%arg23 : memref<!tpu.dma_semaphore, #tpu.memory_space<semaphore_mem>>) src(%arg7 : memref<128x128xf32, #tpu.memory_space<vmem>>) dst(%dma_wait3A_1609 : memref<256x128xf32, #tpu.memory_space<vmem_shared>>)
    } else {
    }
    %lt3A_1180 = arith.constant 31 : i32
    %lt3A_1181 = arith.cmpi slt, %add3A, %lt3A_1180 : i32
    %or3A_1182 = arith.constant false
    %or3A_1183 = arith.ori %lt3A_1181, %or3A_1182 : i1
    %convert_element_type3A_1184 = arith.extui %or3A_1183 : i1 to i32
    %cond3A_1185 = arith.constant 0 : i32
    %cond3A_1186 = arith.cmpi ne, %convert_element_type3A_1184, %cond3A_1185 : i32
    scf.if %cond3A_1186 {
      %add3A_1603 = arith.constant 1664 : i32
      %add3A_1604 = arith.addi %mul3A_4, %add3A_1603 : i32
      %dma_start3A_1605 = arith.constant 1 : i32
      %dma_start3A_1606 = arith.constant 0 : i32
      %dma_start3A_1607 = tpu.memref_slice %arg5[%dma_start3A_1605, %dma_start3A_1606] : memref<6x128xi32, #tpu.memory_space<vmem>> -> memref<1x128xi32, #tpu.memory_space<vmem>>
      %dma_start3A_1608 = tpu.memref_squeeze %dma_start3A_1607 : memref<1x128xi32, #tpu.memory_space<vmem>> -> memref<128xi32, #tpu.memory_space<vmem>>
      %dma_start3A_1609 = tpu.memref_slice %arg3[%add3A_1604] : memref<100000xi32, #tpu.memory_space<hbm>> -> memref<128xi32, #tpu.memory_space<hbm>>
      %dma_start3A_1610 = arith.constant 0 : i32
      %dma_start3A_1611 = tpu.memref_slice %arg5[%dma_start3A_1605, %dma_start3A_1610] : memref<6x128xi32, #tpu.memory_space<vmem>> -> memref<1x128xi32, #tpu.memory_space<vmem>>
      %dma_start3A_1612 = tpu.memref_squeeze %dma_start3A_1611 : memref<1x128xi32, #tpu.memory_space<vmem>> -> memref<128xi32, #tpu.memory_space<vmem>>
      %dma_start3A_1613 = tpu.memref_slice %arg3[%add3A_1604] : memref<100000xi32, #tpu.memory_space<hbm>> -> memref<128xi32, #tpu.memory_space<hbm>>
      tpu.enqueue_dma source(%dma_start3A_1613 : memref<128xi32, #tpu.memory_space<hbm>>) target(%dma_start3A_1612 : memref<128xi32, #tpu.memory_space<vmem>>) target_semaphore(%arg17 : memref<!tpu.dma_semaphore, #tpu.memory_space<semaphore_mem>>)
      %add3A_1614 = arith.constant 1664 : i32
      %add3A_1615 = arith.addi %mul3A_4, %add3A_1614 : i32
      %dma_start3A_1616 = arith.constant 0 : i32
      %dma_start3A_1617 = tpu.memref_slice %arg2[%add3A_1615, %dma_start3A_1616] : memref<100000x128xf32, #tpu.memory_space<hbm>> -> memref<128x128xf32, #tpu.memory_space<hbm>>
      %dma_start3A_1618 = arith.constant 0 : i32
      %dma_start3A_1619 = tpu.memref_slice %arg2[%add3A_1615, %dma_start3A_1618] : memref<100000x128xf32, #tpu.memory_space<hbm>> -> memref<128x128xf32, #tpu.memory_space<hbm>>
      tpu.enqueue_dma source(%dma_start3A_1619 : memref<128x128xf32, #tpu.memory_space<hbm>>) target(%arg7 : memref<128x128xf32, #tpu.memory_space<vmem>>) target_semaphore(%arg17 : memref<!tpu.dma_semaphore, #tpu.memory_space<semaphore_mem>>)
    } else {
    }
    %lt3A_1187 = arith.constant 31 : i32
    %lt3A_1188 = arith.cmpi slt, %add3A, %lt3A_1187 : i32
    %or3A_1189 = arith.constant false
    %or3A_1190 = arith.ori %lt3A_1188, %or3A_1189 : i1
    %convert_element_type3A_1191 = arith.extui %or3A_1190 : i1 to i32
    %cond3A_1192 = arith.constant 0 : i32
    %cond3A_1193 = arith.cmpi ne, %convert_element_type3A_1191, %cond3A_1192 : i32
    scf.if %cond3A_1193 {
      %add3A_1603 = arith.constant 1280 : i32
      %add3A_1604 = arith.addi %mul3A_4, %add3A_1603 : i32
      %dma_wait3A_1605 = arith.constant 4 : i32
      %dma_wait3A_1606 = arith.constant 0 : i32
      %dma_wait3A_1607 = tpu.memref_slice %arg5[%dma_wait3A_1605, %dma_wait3A_1606] : memref<6x128xi32, #tpu.memory_space<vmem>> -> memref<1x128xi32, #tpu.memory_space<vmem>>
      %dma_wait3A_1608 = tpu.memref_squeeze %dma_wait3A_1607 : memref<1x128xi32, #tpu.memory_space<vmem>> -> memref<128xi32, #tpu.memory_space<vmem>>
      %dma_wait3A_1609 = tpu.memref_slice %arg3[%add3A_1604] : memref<100000xi32, #tpu.memory_space<hbm>> -> memref<128xi32, #tpu.memory_space<hbm>>
      %dma_wait3A_1610 = arith.constant 0 : i32
      %dma_wait3A_1611 = tpu.memref_slice %arg5[%dma_wait3A_1605, %dma_wait3A_1610] : memref<6x128xi32, #tpu.memory_space<vmem>> -> memref<1x128xi32, #tpu.memory_space<vmem>>
      %dma_wait3A_1612 = tpu.memref_squeeze %dma_wait3A_1611 : memref<1x128xi32, #tpu.memory_space<vmem>> -> memref<128xi32, #tpu.memory_space<vmem>>
      %dma_wait3A_1613 = tpu.memref_slice %arg3[%add3A_1604] : memref<100000xi32, #tpu.memory_space<hbm>> -> memref<128xi32, #tpu.memory_space<hbm>>
      tpu.wait_dma2 semaphore(%arg20 : memref<!tpu.dma_semaphore, #tpu.memory_space<semaphore_mem>>) src(%dma_wait3A_1613 : memref<128xi32, #tpu.memory_space<hbm>>) dst(%dma_wait3A_1612 : memref<128xi32, #tpu.memory_space<vmem>>)
      %add3A_1614 = arith.constant 1280 : i32
      %add3A_1615 = arith.addi %mul3A_4, %add3A_1614 : i32
      %dma_wait3A_1616 = arith.constant 0 : i32
      %dma_wait3A_1617 = tpu.memref_slice %arg2[%add3A_1615, %dma_wait3A_1616] : memref<100000x128xf32, #tpu.memory_space<hbm>> -> memref<128x128xf32, #tpu.memory_space<hbm>>
      %dma_wait3A_1618 = arith.constant 0 : i32
      %dma_wait3A_1619 = tpu.memref_slice %arg2[%add3A_1615, %dma_wait3A_1618] : memref<100000x128xf32, #tpu.memory_space<hbm>> -> memref<128x128xf32, #tpu.memory_space<hbm>>
      tpu.wait_dma2 semaphore(%arg20 : memref<!tpu.dma_semaphore, #tpu.memory_space<semaphore_mem>>) src(%dma_wait3A_1619 : memref<128x128xf32, #tpu.memory_space<hbm>>) dst(%arg10 : memref<128x128xf32, #tpu.memory_space<vmem>>)
    } else {
    }
    %lt3A_1194 = arith.constant 31 : i32
    %lt3A_1195 = arith.cmpi slt, %add3A, %lt3A_1194 : i32
    %or3A_1196 = arith.constant false
    %or3A_1197 = arith.ori %lt3A_1195, %or3A_1196 : i1
    %convert_element_type3A_1198 = arith.extui %or3A_1197 : i1 to i32
    %cond3A_1199 = arith.constant 0 : i32
    %cond3A_1200 = arith.cmpi ne, %convert_element_type3A_1198, %cond3A_1199 : i32
    scf.if %cond3A_1200 {
      %dma_start3A_1603 = arith.constant 4 : i32
      %dma_start3A_1604 = arith.constant 0 : i32
      %dma_start3A_1605 = tpu.memref_slice %arg5[%dma_start3A_1603, %dma_start3A_1604] : memref<6x128xi32, #tpu.memory_space<vmem>> -> memref<1x128xi32, #tpu.memory_space<vmem>>
      %dma_start3A_1606 = tpu.memref_squeeze %dma_start3A_1605 : memref<1x128xi32, #tpu.memory_space<vmem>> -> memref<128xi32, #tpu.memory_space<vmem>>
      %dma_start3A_1607 = arith.constant 0 : i32
      %dma_start3A_1608 = arith.constant 0 : i32
      %dma_start3A_1609 = tpu.memref_slice %arg15[%dma_start3A_1607, %dma_start3A_1608] : memref<256x128xf32, #tpu.memory_space<vmem_shared>> -> memref<256x128xf32, #tpu.memory_space<vmem_shared>>
      tpu.enqueue_indirect_dma source(%arg10 : memref<128x128xf32, #tpu.memory_space<vmem>>) target(%dma_start3A_1609 : memref<256x128xf32, #tpu.memory_space<vmem_shared>>) offsets(%dma_start3A_1606 : memref<128xi32, #tpu.memory_space<vmem>>) semaphore(%arg26 : memref<!tpu.dma_semaphore, #tpu.memory_space<semaphore_mem>>) {add = true}
    } else {
    }
    %lt3A_1201 = arith.constant 31 : i32
    %lt3A_1202 = arith.cmpi slt, %add3A, %lt3A_1201 : i32
    %or3A_1203 = arith.constant false
    %or3A_1204 = arith.ori %lt3A_1202, %or3A_1203 : i1
    %convert_element_type3A_1205 = arith.extui %or3A_1204 : i1 to i32
    %cond3A_1206 = arith.constant 0 : i32
    %cond3A_1207 = arith.cmpi ne, %convert_element_type3A_1205, %cond3A_1206 : i32
    scf.if %cond3A_1207 {
      %dma_wait3A_1603 = arith.constant 2 : i32
      %dma_wait3A_1604 = arith.constant 0 : i32
      %dma_wait3A_1605 = tpu.memref_slice %arg5[%dma_wait3A_1603, %dma_wait3A_1604] : memref<6x128xi32, #tpu.memory_space<vmem>> -> memref<1x128xi32, #tpu.memory_space<vmem>>
      %dma_wait3A_1606 = tpu.memref_squeeze %dma_wait3A_1605 : memref<1x128xi32, #tpu.memory_space<vmem>> -> memref<128xi32, #tpu.memory_space<vmem>>
      %dma_wait3A_1607 = arith.constant 0 : i32
      %dma_wait3A_1608 = arith.constant 0 : i32
      %dma_wait3A_1609 = tpu.memref_slice %arg15[%dma_wait3A_1607, %dma_wait3A_1608] : memref<256x128xf32, #tpu.memory_space<vmem_shared>> -> memref<256x128xf32, #tpu.memory_space<vmem_shared>>
      tpu.wait_indirect_dma semaphore(%arg24 : memref<!tpu.dma_semaphore, #tpu.memory_space<semaphore_mem>>) src(%arg8 : memref<128x128xf32, #tpu.memory_space<vmem>>) dst(%dma_wait3A_1609 : memref<256x128xf32, #tpu.memory_space<vmem_shared>>)
    } else {
    }
    %lt3A_1208 = arith.constant 31 : i32
    %lt3A_1209 = arith.cmpi slt, %add3A, %lt3A_1208 : i32
    %or3A_1210 = arith.constant false
    %or3A_1211 = arith.ori %lt3A_1209, %or3A_1210 : i1
    %convert_element_type3A_1212 = arith.extui %or3A_1211 : i1 to i32
    %cond3A_1213 = arith.constant 0 : i32
    %cond3A_1214 = arith.cmpi ne, %convert_element_type3A_1212, %cond3A_1213 : i32
    scf.if %cond3A_1214 {
      %add3A_1603 = arith.constant 1792 : i32
      %add3A_1604 = arith.addi %mul3A_4, %add3A_1603 : i32
      %dma_start3A_1605 = arith.constant 2 : i32
      %dma_start3A_1606 = arith.constant 0 : i32
      %dma_start3A_1607 = tpu.memref_slice %arg5[%dma_start3A_1605, %dma_start3A_1606] : memref<6x128xi32, #tpu.memory_space<vmem>> -> memref<1x128xi32, #tpu.memory_space<vmem>>
      %dma_start3A_1608 = tpu.memref_squeeze %dma_start3A_1607 : memref<1x128xi32, #tpu.memory_space<vmem>> -> memref<128xi32, #tpu.memory_space<vmem>>
      %dma_start3A_1609 = tpu.memref_slice %arg3[%add3A_1604] : memref<100000xi32, #tpu.memory_space<hbm>> -> memref<128xi32, #tpu.memory_space<hbm>>
      %dma_start3A_1610 = arith.constant 0 : i32
      %dma_start3A_1611 = tpu.memref_slice %arg5[%dma_start3A_1605, %dma_start3A_1610] : memref<6x128xi32, #tpu.memory_space<vmem>> -> memref<1x128xi32, #tpu.memory_space<vmem>>
      %dma_start3A_1612 = tpu.memref_squeeze %dma_start3A_1611 : memref<1x128xi32, #tpu.memory_space<vmem>> -> memref<128xi32, #tpu.memory_space<vmem>>
      %dma_start3A_1613 = tpu.memref_slice %arg3[%add3A_1604] : memref<100000xi32, #tpu.memory_space<hbm>> -> memref<128xi32, #tpu.memory_space<hbm>>
      tpu.enqueue_dma source(%dma_start3A_1613 : memref<128xi32, #tpu.memory_space<hbm>>) target(%dma_start3A_1612 : memref<128xi32, #tpu.memory_space<vmem>>) target_semaphore(%arg18 : memref<!tpu.dma_semaphore, #tpu.memory_space<semaphore_mem>>)
      %add3A_1614 = arith.constant 1792 : i32
      %add3A_1615 = arith.addi %mul3A_4, %add3A_1614 : i32
      %dma_start3A_1616 = arith.constant 0 : i32
      %dma_start3A_1617 = tpu.memref_slice %arg2[%add3A_1615, %dma_start3A_1616] : memref<100000x128xf32, #tpu.memory_space<hbm>> -> memref<128x128xf32, #tpu.memory_space<hbm>>
      %dma_start3A_1618 = arith.constant 0 : i32
      %dma_start3A_1619 = tpu.memref_slice %arg2[%add3A_1615, %dma_start3A_1618] : memref<100000x128xf32, #tpu.memory_space<hbm>> -> memref<128x128xf32, #tpu.memory_space<hbm>>
      tpu.enqueue_dma source(%dma_start3A_1619 : memref<128x128xf32, #tpu.memory_space<hbm>>) target(%arg8 : memref<128x128xf32, #tpu.memory_space<vmem>>) target_semaphore(%arg18 : memref<!tpu.dma_semaphore, #tpu.memory_space<semaphore_mem>>)
    } else {
    }
    %lt3A_1215 = arith.constant 31 : i32
    %lt3A_1216 = arith.cmpi slt, %add3A, %lt3A_1215 : i32
    %or3A_1217 = arith.constant false
    %or3A_1218 = arith.ori %lt3A_1216, %or3A_1217 : i1
    %convert_element_type3A_1219 = arith.extui %or3A_1218 : i1 to i32
    %cond3A_1220 = arith.constant 0 : i32
    %cond3A_1221 = arith.cmpi ne, %convert_element_type3A_1219, %cond3A_1220 : i32
    scf.if %cond3A_1221 {
      %add3A_1603 = arith.constant 1408 : i32
      %add3A_1604 = arith.addi %mul3A_4, %add3A_1603 : i32
      %dma_wait3A_1605 = arith.constant 5 : i32
      %dma_wait3A_1606 = arith.constant 0 : i32
      %dma_wait3A_1607 = tpu.memref_slice %arg5[%dma_wait3A_1605, %dma_wait3A_1606] : memref<6x128xi32, #tpu.memory_space<vmem>> -> memref<1x128xi32, #tpu.memory_space<vmem>>
      %dma_wait3A_1608 = tpu.memref_squeeze %dma_wait3A_1607 : memref<1x128xi32, #tpu.memory_space<vmem>> -> memref<128xi32, #tpu.memory_space<vmem>>
      %dma_wait3A_1609 = tpu.memref_slice %arg3[%add3A_1604] : memref<100000xi32, #tpu.memory_space<hbm>> -> memref<128xi32, #tpu.memory_space<hbm>>
      %dma_wait3A_1610 = arith.constant 0 : i32
      %dma_wait3A_1611 = tpu.memref_slice %arg5[%dma_wait3A_1605, %dma_wait3A_1610] : memref<6x128xi32, #tpu.memory_space<vmem>> -> memref<1x128xi32, #tpu.memory_space<vmem>>
      %dma_wait3A_1612 = tpu.memref_squeeze %dma_wait3A_1611 : memref<1x128xi32, #tpu.memory_space<vmem>> -> memref<128xi32, #tpu.memory_space<vmem>>
      %dma_wait3A_1613 = tpu.memref_slice %arg3[%add3A_1604] : memref<100000xi32, #tpu.memory_space<hbm>> -> memref<128xi32, #tpu.memory_space<hbm>>
      tpu.wait_dma2 semaphore(%arg21 : memref<!tpu.dma_semaphore, #tpu.memory_space<semaphore_mem>>) src(%dma_wait3A_1613 : memref<128xi32, #tpu.memory_space<hbm>>) dst(%dma_wait3A_1612 : memref<128xi32, #tpu.memory_space<vmem>>)
      %add3A_1614 = arith.constant 1408 : i32
      %add3A_1615 = arith.addi %mul3A_4, %add3A_1614 : i32
      %dma_wait3A_1616 = arith.constant 0 : i32
      %dma_wait3A_1617 = tpu.memref_slice %arg2[%add3A_1615, %dma_wait3A_1616] : memref<100000x128xf32, #tpu.memory_space<hbm>> -> memref<128x128xf32, #tpu.memory_space<hbm>>
      %dma_wait3A_1618 = arith.constant 0 : i32
      %dma_wait3A_1619 = tpu.memref_slice %arg2[%add3A_1615, %dma_wait3A_1618] : memref<100000x128xf32, #tpu.memory_space<hbm>> -> memref<128x128xf32, #tpu.memory_space<hbm>>
      tpu.wait_dma2 semaphore(%arg21 : memref<!tpu.dma_semaphore, #tpu.memory_space<semaphore_mem>>) src(%dma_wait3A_1619 : memref<128x128xf32, #tpu.memory_space<hbm>>) dst(%arg11 : memref<128x128xf32, #tpu.memory_space<vmem>>)
    } else {
    }
    %lt3A_1222 = arith.constant 31 : i32
    %lt3A_1223 = arith.cmpi slt, %add3A, %lt3A_1222 : i32
    %or3A_1224 = arith.constant false
    %or3A_1225 = arith.ori %lt3A_1223, %or3A_1224 : i1
    %convert_element_type3A_1226 = arith.extui %or3A_1225 : i1 to i32
    %cond3A_1227 = arith.constant 0 : i32
    %cond3A_1228 = arith.cmpi ne, %convert_element_type3A_1226, %cond3A_1227 : i32
    scf.if %cond3A_1228 {
      %dma_start3A_1603 = arith.constant 5 : i32
      %dma_start3A_1604 = arith.constant 0 : i32
      %dma_start3A_1605 = tpu.memref_slice %arg5[%dma_start3A_1603, %dma_start3A_1604] : memref<6x128xi32, #tpu.memory_space<vmem>> -> memref<1x128xi32, #tpu.memory_space<vmem>>
      %dma_start3A_1606 = tpu.memref_squeeze %dma_start3A_1605 : memref<1x128xi32, #tpu.memory_space<vmem>> -> memref<128xi32, #tpu.memory_space<vmem>>
      %dma_start3A_1607 = arith.constant 0 : i32
      %dma_start3A_1608 = arith.constant 0 : i32
      %dma_start3A_1609 = tpu.memref_slice %arg15[%dma_start3A_1607, %dma_start3A_1608] : memref<256x128xf32, #tpu.memory_space<vmem_shared>> -> memref<256x128xf32, #tpu.memory_space<vmem_shared>>
      tpu.enqueue_indirect_dma source(%arg11 : memref<128x128xf32, #tpu.memory_space<vmem>>) target(%dma_start3A_1609 : memref<256x128xf32, #tpu.memory_space<vmem_shared>>) offsets(%dma_start3A_1606 : memref<128xi32, #tpu.memory_space<vmem>>) semaphore(%arg27 : memref<!tpu.dma_semaphore, #tpu.memory_space<semaphore_mem>>) {add = true}
    } else {
    }
    %lt3A_1229 = arith.constant 31 : i32
    %lt3A_1230 = arith.cmpi slt, %add3A, %lt3A_1229 : i32
    %or3A_1231 = arith.constant false
    %or3A_1232 = arith.ori %lt3A_1230, %or3A_1231 : i1
    %convert_element_type3A_1233 = arith.extui %or3A_1232 : i1 to i32
    %cond3A_1234 = arith.constant 0 : i32
    %cond3A_1235 = arith.cmpi ne, %convert_element_type3A_1233, %cond3A_1234 : i32
    scf.if %cond3A_1235 {
      %dma_wait3A_1603 = arith.constant 3 : i32
      %dma_wait3A_1604 = arith.constant 0 : i32
      %dma_wait3A_1605 = tpu.memref_slice %arg5[%dma_wait3A_1603, %dma_wait3A_1604] : memref<6x128xi32, #tpu.memory_space<vmem>> -> memref<1x128xi32, #tpu.memory_space<vmem>>
      %dma_wait3A_1606 = tpu.memref_squeeze %dma_wait3A_1605 : memref<1x128xi32, #tpu.memory_space<vmem>> -> memref<128xi32, #tpu.memory_space<vmem>>
      %dma_wait3A_1607 = arith.constant 0 : i32
      %dma_wait3A_1608 = arith.constant 0 : i32
      %dma_wait3A_1609 = tpu.memref_slice %arg15[%dma_wait3A_1607, %dma_wait3A_1608] : memref<256x128xf32, #tpu.memory_space<vmem_shared>> -> memref<256x128xf32, #tpu.memory_space<vmem_shared>>
      tpu.wait_indirect_dma semaphore(%arg25 : memref<!tpu.dma_semaphore, #tpu.memory_space<semaphore_mem>>) src(%arg9 : memref<128x128xf32, #tpu.memory_space<vmem>>) dst(%dma_wait3A_1609 : memref<256x128xf32, #tpu.memory_space<vmem_shared>>)
    } else {
    }
    %lt3A_1236 = arith.constant 31 : i32
    %lt3A_1237 = arith.cmpi slt, %add3A, %lt3A_1236 : i32
    %or3A_1238 = arith.constant false
    %or3A_1239 = arith.ori %lt3A_1237, %or3A_1238 : i1
    %convert_element_type3A_1240 = arith.extui %or3A_1239 : i1 to i32
    %cond3A_1241 = arith.constant 0 : i32
    %cond3A_1242 = arith.cmpi ne, %convert_element_type3A_1240, %cond3A_1241 : i32
    scf.if %cond3A_1242 {
      %add3A_1603 = arith.constant 1920 : i32
      %add3A_1604 = arith.addi %mul3A_4, %add3A_1603 : i32
      %dma_start3A_1605 = arith.constant 3 : i32
      %dma_start3A_1606 = arith.constant 0 : i32
      %dma_start3A_1607 = tpu.memref_slice %arg5[%dma_start3A_1605, %dma_start3A_1606] : memref<6x128xi32, #tpu.memory_space<vmem>> -> memref<1x128xi32, #tpu.memory_space<vmem>>
      %dma_start3A_1608 = tpu.memref_squeeze %dma_start3A_1607 : memref<1x128xi32, #tpu.memory_space<vmem>> -> memref<128xi32, #tpu.memory_space<vmem>>
      %dma_start3A_1609 = tpu.memref_slice %arg3[%add3A_1604] : memref<100000xi32, #tpu.memory_space<hbm>> -> memref<128xi32, #tpu.memory_space<hbm>>
      %dma_start3A_1610 = arith.constant 0 : i32
      %dma_start3A_1611 = tpu.memref_slice %arg5[%dma_start3A_1605, %dma_start3A_1610] : memref<6x128xi32, #tpu.memory_space<vmem>> -> memref<1x128xi32, #tpu.memory_space<vmem>>
      %dma_start3A_1612 = tpu.memref_squeeze %dma_start3A_1611 : memref<1x128xi32, #tpu.memory_space<vmem>> -> memref<128xi32, #tpu.memory_space<vmem>>
      %dma_start3A_1613 = tpu.memref_slice %arg3[%add3A_1604] : memref<100000xi32, #tpu.memory_space<hbm>> -> memref<128xi32, #tpu.memory_space<hbm>>
      tpu.enqueue_dma source(%dma_start3A_1613 : memref<128xi32, #tpu.memory_space<hbm>>) target(%dma_start3A_1612 : memref<128xi32, #tpu.memory_space<vmem>>) target_semaphore(%arg19 : memref<!tpu.dma_semaphore, #tpu.memory_space<semaphore_mem>>)
      %add3A_1614 = arith.constant 1920 : i32
      %add3A_1615 = arith.addi %mul3A_4, %add3A_1614 : i32
      %dma_start3A_1616 = arith.constant 0 : i32
      %dma_start3A_1617 = tpu.memref_slice %arg2[%add3A_1615, %dma_start3A_1616] : memref<100000x128xf32, #tpu.memory_space<hbm>> -> memref<128x128xf32, #tpu.memory_space<hbm>>
      %dma_start3A_1618 = arith.constant 0 : i32
      %dma_start3A_1619 = tpu.memref_slice %arg2[%add3A_1615, %dma_start3A_1618] : memref<100000x128xf32, #tpu.memory_space<hbm>> -> memref<128x128xf32, #tpu.memory_space<hbm>>
      tpu.enqueue_dma source(%dma_start3A_1619 : memref<128x128xf32, #tpu.memory_space<hbm>>) target(%arg9 : memref<128x128xf32, #tpu.memory_space<vmem>>) target_semaphore(%arg19 : memref<!tpu.dma_semaphore, #tpu.memory_space<semaphore_mem>>)
    } else {
    }
    %lt3A_1243 = arith.constant 31 : i32
    %lt3A_1244 = arith.cmpi slt, %add3A, %lt3A_1243 : i32
    %or3A_1245 = arith.constant false
    %or3A_1246 = arith.ori %lt3A_1244, %or3A_1245 : i1
    %convert_element_type3A_1247 = arith.extui %or3A_1246 : i1 to i32
    %cond3A_1248 = arith.constant 0 : i32
    %cond3A_1249 = arith.cmpi ne, %convert_element_type3A_1247, %cond3A_1248 : i32
    scf.if %cond3A_1249 {
      %add3A_1603 = arith.constant 1536 : i32
      %add3A_1604 = arith.addi %mul3A_4, %add3A_1603 : i32
      %dma_wait3A_1605 = arith.constant 0 : i32
      %dma_wait3A_1606 = arith.constant 0 : i32
      %dma_wait3A_1607 = tpu.memref_slice %arg5[%dma_wait3A_1605, %dma_wait3A_1606] : memref<6x128xi32, #tpu.memory_space<vmem>> -> memref<1x128xi32, #tpu.memory_space<vmem>>
      %dma_wait3A_1608 = tpu.memref_squeeze %dma_wait3A_1607 : memref<1x128xi32, #tpu.memory_space<vmem>> -> memref<128xi32, #tpu.memory_space<vmem>>
      %dma_wait3A_1609 = tpu.memref_slice %arg3[%add3A_1604] : memref<100000xi32, #tpu.memory_space<hbm>> -> memref<128xi32, #tpu.memory_space<hbm>>
      %dma_wait3A_1610 = arith.constant 0 : i32
      %dma_wait3A_1611 = tpu.memref_slice %arg5[%dma_wait3A_1605, %dma_wait3A_1610] : memref<6x128xi32, #tpu.memory_space<vmem>> -> memref<1x128xi32, #tpu.memory_space<vmem>>
      %dma_wait3A_1612 = tpu.memref_squeeze %dma_wait3A_1611 : memref<1x128xi32, #tpu.memory_space<vmem>> -> memref<128xi32, #tpu.memory_space<vmem>>
      %dma_wait3A_1613 = tpu.memref_slice %arg3[%add3A_1604] : memref<100000xi32, #tpu.memory_space<hbm>> -> memref<128xi32, #tpu.memory_space<hbm>>
      tpu.wait_dma2 semaphore(%arg16 : memref<!tpu.dma_semaphore, #tpu.memory_space<semaphore_mem>>) src(%dma_wait3A_1613 : memref<128xi32, #tpu.memory_space<hbm>>) dst(%dma_wait3A_1612 : memref<128xi32, #tpu.memory_space<vmem>>)
      %add3A_1614 = arith.constant 1536 : i32
      %add3A_1615 = arith.addi %mul3A_4, %add3A_1614 : i32
      %dma_wait3A_1616 = arith.constant 0 : i32
      %dma_wait3A_1617 = tpu.memref_slice %arg2[%add3A_1615, %dma_wait3A_1616] : memref<100000x128xf32, #tpu.memory_space<hbm>> -> memref<128x128xf32, #tpu.memory_space<hbm>>
      %dma_wait3A_1618 = arith.constant 0 : i32
      %dma_wait3A_1619 = tpu.memref_slice %arg2[%add3A_1615, %dma_wait3A_1618] : memref<100000x128xf32, #tpu.memory_space<hbm>> -> memref<128x128xf32, #tpu.memory_space<hbm>>
      tpu.wait_dma2 semaphore(%arg16 : memref<!tpu.dma_semaphore, #tpu.memory_space<semaphore_mem>>) src(%dma_wait3A_1619 : memref<128x128xf32, #tpu.memory_space<hbm>>) dst(%arg6 : memref<128x128xf32, #tpu.memory_space<vmem>>)
    } else {
    }
    %lt3A_1250 = arith.constant 31 : i32
    %lt3A_1251 = arith.cmpi slt, %add3A, %lt3A_1250 : i32
    %or3A_1252 = arith.constant false
    %or3A_1253 = arith.ori %lt3A_1251, %or3A_1252 : i1
    %convert_element_type3A_1254 = arith.extui %or3A_1253 : i1 to i32
    %cond3A_1255 = arith.constant 0 : i32
    %cond3A_1256 = arith.cmpi ne, %convert_element_type3A_1254, %cond3A_1255 : i32
    scf.if %cond3A_1256 {
      %dma_start3A_1603 = arith.constant 0 : i32
      %dma_start3A_1604 = arith.constant 0 : i32
      %dma_start3A_1605 = tpu.memref_slice %arg5[%dma_start3A_1603, %dma_start3A_1604] : memref<6x128xi32, #tpu.memory_space<vmem>> -> memref<1x128xi32, #tpu.memory_space<vmem>>
      %dma_start3A_1606 = tpu.memref_squeeze %dma_start3A_1605 : memref<1x128xi32, #tpu.memory_space<vmem>> -> memref<128xi32, #tpu.memory_space<vmem>>
      %dma_start3A_1607 = arith.constant 0 : i32
      %dma_start3A_1608 = arith.constant 0 : i32
      %dma_start3A_1609 = tpu.memref_slice %arg15[%dma_start3A_1607, %dma_start3A_1608] : memref<256x128xf32, #tpu.memory_space<vmem_shared>> -> memref<256x128xf32, #tpu.memory_space<vmem_shared>>
      tpu.enqueue_indirect_dma source(%arg6 : memref<128x128xf32, #tpu.memory_space<vmem>>) target(%dma_start3A_1609 : memref<256x128xf32, #tpu.memory_space<vmem_shared>>) offsets(%dma_start3A_1606 : memref<128xi32, #tpu.memory_space<vmem>>) semaphore(%arg22 : memref<!tpu.dma_semaphore, #tpu.memory_space<semaphore_mem>>) {add = true}
    } else {
    }
    %lt3A_1257 = arith.constant 31 : i32
    %lt3A_1258 = arith.cmpi slt, %add3A, %lt3A_1257 : i32
    %or3A_1259 = arith.constant false
    %or3A_1260 = arith.ori %lt3A_1258, %or3A_1259 : i1
    %convert_element_type3A_1261 = arith.extui %or3A_1260 : i1 to i32
    %cond3A_1262 = arith.constant 0 : i32
    %cond3A_1263 = arith.cmpi ne, %convert_element_type3A_1261, %cond3A_1262 : i32
    scf.if %cond3A_1263 {
      %dma_wait3A_1603 = arith.constant 4 : i32
      %dma_wait3A_1604 = arith.constant 0 : i32
      %dma_wait3A_1605 = tpu.memref_slice %arg5[%dma_wait3A_1603, %dma_wait3A_1604] : memref<6x128xi32, #tpu.memory_space<vmem>> -> memref<1x128xi32, #tpu.memory_space<vmem>>
      %dma_wait3A_1606 = tpu.memref_squeeze %dma_wait3A_1605 : memref<1x128xi32, #tpu.memory_space<vmem>> -> memref<128xi32, #tpu.memory_space<vmem>>
      %dma_wait3A_1607 = arith.constant 0 : i32
      %dma_wait3A_1608 = arith.constant 0 : i32
      %dma_wait3A_1609 = tpu.memref_slice %arg15[%dma_wait3A_1607, %dma_wait3A_1608] : memref<256x128xf32, #tpu.memory_space<vmem_shared>> -> memref<256x128xf32, #tpu.memory_space<vmem_shared>>
      tpu.wait_indirect_dma semaphore(%arg26 : memref<!tpu.dma_semaphore, #tpu.memory_space<semaphore_mem>>) src(%arg10 : memref<128x128xf32, #tpu.memory_space<vmem>>) dst(%dma_wait3A_1609 : memref<256x128xf32, #tpu.memory_space<vmem_shared>>)
    } else {
    }
    %lt3A_1264 = arith.constant 31 : i32
    %lt3A_1265 = arith.cmpi slt, %add3A, %lt3A_1264 : i32
    %or3A_1266 = arith.constant false
    %or3A_1267 = arith.ori %lt3A_1265, %or3A_1266 : i1
    %convert_element_type3A_1268 = arith.extui %or3A_1267 : i1 to i32
    %cond3A_1269 = arith.constant 0 : i32
    %cond3A_1270 = arith.cmpi ne, %convert_element_type3A_1268, %cond3A_1269 : i32
    scf.if %cond3A_1270 {
      %add3A_1603 = arith.constant 2048 : i32
      %add3A_1604 = arith.addi %mul3A_4, %add3A_1603 : i32
      %dma_start3A_1605 = arith.constant 4 : i32
      %dma_start3A_1606 = arith.constant 0 : i32
      %dma_start3A_1607 = tpu.memref_slice %arg5[%dma_start3A_1605, %dma_start3A_1606] : memref<6x128xi32, #tpu.memory_space<vmem>> -> memref<1x128xi32, #tpu.memory_space<vmem>>
      %dma_start3A_1608 = tpu.memref_squeeze %dma_start3A_1607 : memref<1x128xi32, #tpu.memory_space<vmem>> -> memref<128xi32, #tpu.memory_space<vmem>>
      %dma_start3A_1609 = tpu.memref_slice %arg3[%add3A_1604] : memref<100000xi32, #tpu.memory_space<hbm>> -> memref<128xi32, #tpu.memory_space<hbm>>
      %dma_start3A_1610 = arith.constant 0 : i32
      %dma_start3A_1611 = tpu.memref_slice %arg5[%dma_start3A_1605, %dma_start3A_1610] : memref<6x128xi32, #tpu.memory_space<vmem>> -> memref<1x128xi32, #tpu.memory_space<vmem>>
      %dma_start3A_1612 = tpu.memref_squeeze %dma_start3A_1611 : memref<1x128xi32, #tpu.memory_space<vmem>> -> memref<128xi32, #tpu.memory_space<vmem>>
      %dma_start3A_1613 = tpu.memref_slice %arg3[%add3A_1604] : memref<100000xi32, #tpu.memory_space<hbm>> -> memref<128xi32, #tpu.memory_space<hbm>>
      tpu.enqueue_dma source(%dma_start3A_1613 : memref<128xi32, #tpu.memory_space<hbm>>) target(%dma_start3A_1612 : memref<128xi32, #tpu.memory_space<vmem>>) target_semaphore(%arg20 : memref<!tpu.dma_semaphore, #tpu.memory_space<semaphore_mem>>)
      %add3A_1614 = arith.constant 2048 : i32
      %add3A_1615 = arith.addi %mul3A_4, %add3A_1614 : i32
      %dma_start3A_1616 = arith.constant 0 : i32
      %dma_start3A_1617 = tpu.memref_slice %arg2[%add3A_1615, %dma_start3A_1616] : memref<100000x128xf32, #tpu.memory_space<hbm>> -> memref<128x128xf32, #tpu.memory_space<hbm>>
      %dma_start3A_1618 = arith.constant 0 : i32
      %dma_start3A_1619 = tpu.memref_slice %arg2[%add3A_1615, %dma_start3A_1618] : memref<100000x128xf32, #tpu.memory_space<hbm>> -> memref<128x128xf32, #tpu.memory_space<hbm>>
      tpu.enqueue_dma source(%dma_start3A_1619 : memref<128x128xf32, #tpu.memory_space<hbm>>) target(%arg10 : memref<128x128xf32, #tpu.memory_space<vmem>>) target_semaphore(%arg20 : memref<!tpu.dma_semaphore, #tpu.memory_space<semaphore_mem>>)
    } else {
    }
    %lt3A_1271 = arith.constant 31 : i32
    %lt3A_1272 = arith.cmpi slt, %add3A, %lt3A_1271 : i32
    %or3A_1273 = arith.constant false
    %or3A_1274 = arith.ori %lt3A_1272, %or3A_1273 : i1
    %convert_element_type3A_1275 = arith.extui %or3A_1274 : i1 to i32
    %cond3A_1276 = arith.constant 0 : i32
    %cond3A_1277 = arith.cmpi ne, %convert_element_type3A_1275, %cond3A_1276 : i32
    scf.if %cond3A_1277 {
      %add3A_1603 = arith.constant 1664 : i32
      %add3A_1604 = arith.addi %mul3A_4, %add3A_1603 : i32
      %dma_wait3A_1605 = arith.constant 1 : i32
      %dma_wait3A_1606 = arith.constant 0 : i32
      %dma_wait3A_1607 = tpu.memref_slice %arg5[%dma_wait3A_1605, %dma_wait3A_1606] : memref<6x128xi32, #tpu.memory_space<vmem>> -> memref<1x128xi32, #tpu.memory_space<vmem>>
      %dma_wait3A_1608 = tpu.memref_squeeze %dma_wait3A_1607 : memref<1x128xi32, #tpu.memory_space<vmem>> -> memref<128xi32, #tpu.memory_space<vmem>>
      %dma_wait3A_1609 = tpu.memref_slice %arg3[%add3A_1604] : memref<100000xi32, #tpu.memory_space<hbm>> -> memref<128xi32, #tpu.memory_space<hbm>>
      %dma_wait3A_1610 = arith.constant 0 : i32
      %dma_wait3A_1611 = tpu.memref_slice %arg5[%dma_wait3A_1605, %dma_wait3A_1610] : memref<6x128xi32, #tpu.memory_space<vmem>> -> memref<1x128xi32, #tpu.memory_space<vmem>>
      %dma_wait3A_1612 = tpu.memref_squeeze %dma_wait3A_1611 : memref<1x128xi32, #tpu.memory_space<vmem>> -> memref<128xi32, #tpu.memory_space<vmem>>
      %dma_wait3A_1613 = tpu.memref_slice %arg3[%add3A_1604] : memref<100000xi32, #tpu.memory_space<hbm>> -> memref<128xi32, #tpu.memory_space<hbm>>
      tpu.wait_dma2 semaphore(%arg17 : memref<!tpu.dma_semaphore, #tpu.memory_space<semaphore_mem>>) src(%dma_wait3A_1613 : memref<128xi32, #tpu.memory_space<hbm>>) dst(%dma_wait3A_1612 : memref<128xi32, #tpu.memory_space<vmem>>)
      %add3A_1614 = arith.constant 1664 : i32
      %add3A_1615 = arith.addi %mul3A_4, %add3A_1614 : i32
      %dma_wait3A_1616 = arith.constant 0 : i32
      %dma_wait3A_1617 = tpu.memref_slice %arg2[%add3A_1615, %dma_wait3A_1616] : memref<100000x128xf32, #tpu.memory_space<hbm>> -> memref<128x128xf32, #tpu.memory_space<hbm>>
      %dma_wait3A_1618 = arith.constant 0 : i32
      %dma_wait3A_1619 = tpu.memref_slice %arg2[%add3A_1615, %dma_wait3A_1618] : memref<100000x128xf32, #tpu.memory_space<hbm>> -> memref<128x128xf32, #tpu.memory_space<hbm>>
      tpu.wait_dma2 semaphore(%arg17 : memref<!tpu.dma_semaphore, #tpu.memory_space<semaphore_mem>>) src(%dma_wait3A_1619 : memref<128x128xf32, #tpu.memory_space<hbm>>) dst(%arg7 : memref<128x128xf32, #tpu.memory_space<vmem>>)
    } else {
    }
    %lt3A_1278 = arith.constant 31 : i32
    %lt3A_1279 = arith.cmpi slt, %add3A, %lt3A_1278 : i32
    %or3A_1280 = arith.constant false
    %or3A_1281 = arith.ori %lt3A_1279, %or3A_1280 : i1
    %convert_element_type3A_1282 = arith.extui %or3A_1281 : i1 to i32
    %cond3A_1283 = arith.constant 0 : i32
    %cond3A_1284 = arith.cmpi ne, %convert_element_type3A_1282, %cond3A_1283 : i32
    scf.if %cond3A_1284 {
      %dma_start3A_1603 = arith.constant 1 : i32
      %dma_start3A_1604 = arith.constant 0 : i32
      %dma_start3A_1605 = tpu.memref_slice %arg5[%dma_start3A_1603, %dma_start3A_1604] : memref<6x128xi32, #tpu.memory_space<vmem>> -> memref<1x128xi32, #tpu.memory_space<vmem>>
      %dma_start3A_1606 = tpu.memref_squeeze %dma_start3A_1605 : memref<1x128xi32, #tpu.memory_space<vmem>> -> memref<128xi32, #tpu.memory_space<vmem>>
      %dma_start3A_1607 = arith.constant 0 : i32
      %dma_start3A_1608 = arith.constant 0 : i32
      %dma_start3A_1609 = tpu.memref_slice %arg15[%dma_start3A_1607, %dma_start3A_1608] : memref<256x128xf32, #tpu.memory_space<vmem_shared>> -> memref<256x128xf32, #tpu.memory_space<vmem_shared>>
      tpu.enqueue_indirect_dma source(%arg7 : memref<128x128xf32, #tpu.memory_space<vmem>>) target(%dma_start3A_1609 : memref<256x128xf32, #tpu.memory_space<vmem_shared>>) offsets(%dma_start3A_1606 : memref<128xi32, #tpu.memory_space<vmem>>) semaphore(%arg23 : memref<!tpu.dma_semaphore, #tpu.memory_space<semaphore_mem>>) {add = true}
    } else {
    }
    %lt3A_1285 = arith.constant 31 : i32
    %lt3A_1286 = arith.cmpi slt, %add3A, %lt3A_1285 : i32
    %or3A_1287 = arith.constant false
    %or3A_1288 = arith.ori %lt3A_1286, %or3A_1287 : i1
    %convert_element_type3A_1289 = arith.extui %or3A_1288 : i1 to i32
    %cond3A_1290 = arith.constant 0 : i32
    %cond3A_1291 = arith.cmpi ne, %convert_element_type3A_1289, %cond3A_1290 : i32
    scf.if %cond3A_1291 {
      %dma_wait3A_1603 = arith.constant 5 : i32
      %dma_wait3A_1604 = arith.constant 0 : i32
      %dma_wait3A_1605 = tpu.memref_slice %arg5[%dma_wait3A_1603, %dma_wait3A_1604] : memref<6x128xi32, #tpu.memory_space<vmem>> -> memref<1x128xi32, #tpu.memory_space<vmem>>
      %dma_wait3A_1606 = tpu.memref_squeeze %dma_wait3A_1605 : memref<1x128xi32, #tpu.memory_space<vmem>> -> memref<128xi32, #tpu.memory_space<vmem>>
      %dma_wait3A_1607 = arith.constant 0 : i32
      %dma_wait3A_1608 = arith.constant 0 : i32
      %dma_wait3A_1609 = tpu.memref_slice %arg15[%dma_wait3A_1607, %dma_wait3A_1608] : memref<256x128xf32, #tpu.memory_space<vmem_shared>> -> memref<256x128xf32, #tpu.memory_space<vmem_shared>>
      tpu.wait_indirect_dma semaphore(%arg27 : memref<!tpu.dma_semaphore, #tpu.memory_space<semaphore_mem>>) src(%arg11 : memref<128x128xf32, #tpu.memory_space<vmem>>) dst(%dma_wait3A_1609 : memref<256x128xf32, #tpu.memory_space<vmem_shared>>)
    } else {
    }
    %lt3A_1292 = arith.constant 31 : i32
    %lt3A_1293 = arith.cmpi slt, %add3A, %lt3A_1292 : i32
    %or3A_1294 = arith.constant false
    %or3A_1295 = arith.ori %lt3A_1293, %or3A_1294 : i1
    %convert_element_type3A_1296 = arith.extui %or3A_1295 : i1 to i32
    %cond3A_1297 = arith.constant 0 : i32
    %cond3A_1298 = arith.cmpi ne, %convert_element_type3A_1296, %cond3A_1297 : i32
    scf.if %cond3A_1298 {
      %add3A_1603 = arith.constant 2176 : i32
      %add3A_1604 = arith.addi %mul3A_4, %add3A_1603 : i32
      %dma_start3A_1605 = arith.constant 5 : i32
      %dma_start3A_1606 = arith.constant 0 : i32
      %dma_start3A_1607 = tpu.memref_slice %arg5[%dma_start3A_1605, %dma_start3A_1606] : memref<6x128xi32, #tpu.memory_space<vmem>> -> memref<1x128xi32, #tpu.memory_space<vmem>>
      %dma_start3A_1608 = tpu.memref_squeeze %dma_start3A_1607 : memref<1x128xi32, #tpu.memory_space<vmem>> -> memref<128xi32, #tpu.memory_space<vmem>>
      %dma_start3A_1609 = tpu.memref_slice %arg3[%add3A_1604] : memref<100000xi32, #tpu.memory_space<hbm>> -> memref<128xi32, #tpu.memory_space<hbm>>
      %dma_start3A_1610 = arith.constant 0 : i32
      %dma_start3A_1611 = tpu.memref_slice %arg5[%dma_start3A_1605, %dma_start3A_1610] : memref<6x128xi32, #tpu.memory_space<vmem>> -> memref<1x128xi32, #tpu.memory_space<vmem>>
      %dma_start3A_1612 = tpu.memref_squeeze %dma_start3A_1611 : memref<1x128xi32, #tpu.memory_space<vmem>> -> memref<128xi32, #tpu.memory_space<vmem>>
      %dma_start3A_1613 = tpu.memref_slice %arg3[%add3A_1604] : memref<100000xi32, #tpu.memory_space<hbm>> -> memref<128xi32, #tpu.memory_space<hbm>>
      tpu.enqueue_dma source(%dma_start3A_1613 : memref<128xi32, #tpu.memory_space<hbm>>) target(%dma_start3A_1612 : memref<128xi32, #tpu.memory_space<vmem>>) target_semaphore(%arg21 : memref<!tpu.dma_semaphore, #tpu.memory_space<semaphore_mem>>)
      %add3A_1614 = arith.constant 2176 : i32
      %add3A_1615 = arith.addi %mul3A_4, %add3A_1614 : i32
      %dma_start3A_1616 = arith.constant 0 : i32
      %dma_start3A_1617 = tpu.memref_slice %arg2[%add3A_1615, %dma_start3A_1616] : memref<100000x128xf32, #tpu.memory_space<hbm>> -> memref<128x128xf32, #tpu.memory_space<hbm>>
      %dma_start3A_1618 = arith.constant 0 : i32
      %dma_start3A_1619 = tpu.memref_slice %arg2[%add3A_1615, %dma_start3A_1618] : memref<100000x128xf32, #tpu.memory_space<hbm>> -> memref<128x128xf32, #tpu.memory_space<hbm>>
      tpu.enqueue_dma source(%dma_start3A_1619 : memref<128x128xf32, #tpu.memory_space<hbm>>) target(%arg11 : memref<128x128xf32, #tpu.memory_space<vmem>>) target_semaphore(%arg21 : memref<!tpu.dma_semaphore, #tpu.memory_space<semaphore_mem>>)
    } else {
    }
    %lt3A_1299 = arith.constant 31 : i32
    %lt3A_1300 = arith.cmpi slt, %add3A, %lt3A_1299 : i32
    %or3A_1301 = arith.constant false
    %or3A_1302 = arith.ori %lt3A_1300, %or3A_1301 : i1
    %convert_element_type3A_1303 = arith.extui %or3A_1302 : i1 to i32
    %cond3A_1304 = arith.constant 0 : i32
    %cond3A_1305 = arith.cmpi ne, %convert_element_type3A_1303, %cond3A_1304 : i32
    scf.if %cond3A_1305 {
      %add3A_1603 = arith.constant 1792 : i32
      %add3A_1604 = arith.addi %mul3A_4, %add3A_1603 : i32
      %dma_wait3A_1605 = arith.constant 2 : i32
      %dma_wait3A_1606 = arith.constant 0 : i32
      %dma_wait3A_1607 = tpu.memref_slice %arg5[%dma_wait3A_1605, %dma_wait3A_1606] : memref<6x128xi32, #tpu.memory_space<vmem>> -> memref<1x128xi32, #tpu.memory_space<vmem>>
      %dma_wait3A_1608 = tpu.memref_squeeze %dma_wait3A_1607 : memref<1x128xi32, #tpu.memory_space<vmem>> -> memref<128xi32, #tpu.memory_space<vmem>>
      %dma_wait3A_1609 = tpu.memref_slice %arg3[%add3A_1604] : memref<100000xi32, #tpu.memory_space<hbm>> -> memref<128xi32, #tpu.memory_space<hbm>>
      %dma_wait3A_1610 = arith.constant 0 : i32
      %dma_wait3A_1611 = tpu.memref_slice %arg5[%dma_wait3A_1605, %dma_wait3A_1610] : memref<6x128xi32, #tpu.memory_space<vmem>> -> memref<1x128xi32, #tpu.memory_space<vmem>>
      %dma_wait3A_1612 = tpu.memref_squeeze %dma_wait3A_1611 : memref<1x128xi32, #tpu.memory_space<vmem>> -> memref<128xi32, #tpu.memory_space<vmem>>
      %dma_wait3A_1613 = tpu.memref_slice %arg3[%add3A_1604] : memref<100000xi32, #tpu.memory_space<hbm>> -> memref<128xi32, #tpu.memory_space<hbm>>
      tpu.wait_dma2 semaphore(%arg18 : memref<!tpu.dma_semaphore, #tpu.memory_space<semaphore_mem>>) src(%dma_wait3A_1613 : memref<128xi32, #tpu.memory_space<hbm>>) dst(%dma_wait3A_1612 : memref<128xi32, #tpu.memory_space<vmem>>)
      %add3A_1614 = arith.constant 1792 : i32
      %add3A_1615 = arith.addi %mul3A_4, %add3A_1614 : i32
      %dma_wait3A_1616 = arith.constant 0 : i32
      %dma_wait3A_1617 = tpu.memref_slice %arg2[%add3A_1615, %dma_wait3A_1616] : memref<100000x128xf32, #tpu.memory_space<hbm>> -> memref<128x128xf32, #tpu.memory_space<hbm>>
      %dma_wait3A_1618 = arith.constant 0 : i32
      %dma_wait3A_1619 = tpu.memref_slice %arg2[%add3A_1615, %dma_wait3A_1618] : memref<100000x128xf32, #tpu.memory_space<hbm>> -> memref<128x128xf32, #tpu.memory_space<hbm>>
      tpu.wait_dma2 semaphore(%arg18 : memref<!tpu.dma_semaphore, #tpu.memory_space<semaphore_mem>>) src(%dma_wait3A_1619 : memref<128x128xf32, #tpu.memory_space<hbm>>) dst(%arg8 : memref<128x128xf32, #tpu.memory_space<vmem>>)
    } else {
    }
    %lt3A_1306 = arith.constant 31 : i32
    %lt3A_1307 = arith.cmpi slt, %add3A, %lt3A_1306 : i32
    %or3A_1308 = arith.constant false
    %or3A_1309 = arith.ori %lt3A_1307, %or3A_1308 : i1
    %convert_element_type3A_1310 = arith.extui %or3A_1309 : i1 to i32
    %cond3A_1311 = arith.constant 0 : i32
    %cond3A_1312 = arith.cmpi ne, %convert_element_type3A_1310, %cond3A_1311 : i32
    scf.if %cond3A_1312 {
      %dma_start3A_1603 = arith.constant 2 : i32
      %dma_start3A_1604 = arith.constant 0 : i32
      %dma_start3A_1605 = tpu.memref_slice %arg5[%dma_start3A_1603, %dma_start3A_1604] : memref<6x128xi32, #tpu.memory_space<vmem>> -> memref<1x128xi32, #tpu.memory_space<vmem>>
      %dma_start3A_1606 = tpu.memref_squeeze %dma_start3A_1605 : memref<1x128xi32, #tpu.memory_space<vmem>> -> memref<128xi32, #tpu.memory_space<vmem>>
      %dma_start3A_1607 = arith.constant 0 : i32
      %dma_start3A_1608 = arith.constant 0 : i32
      %dma_start3A_1609 = tpu.memref_slice %arg15[%dma_start3A_1607, %dma_start3A_1608] : memref<256x128xf32, #tpu.memory_space<vmem_shared>> -> memref<256x128xf32, #tpu.memory_space<vmem_shared>>
      tpu.enqueue_indirect_dma source(%arg8 : memref<128x128xf32, #tpu.memory_space<vmem>>) target(%dma_start3A_1609 : memref<256x128xf32, #tpu.memory_space<vmem_shared>>) offsets(%dma_start3A_1606 : memref<128xi32, #tpu.memory_space<vmem>>) semaphore(%arg24 : memref<!tpu.dma_semaphore, #tpu.memory_space<semaphore_mem>>) {add = true}
    } else {
    }
    %lt3A_1313 = arith.constant 31 : i32
    %lt3A_1314 = arith.cmpi slt, %add3A, %lt3A_1313 : i32
    %or3A_1315 = arith.constant false
    %or3A_1316 = arith.ori %lt3A_1314, %or3A_1315 : i1
    %convert_element_type3A_1317 = arith.extui %or3A_1316 : i1 to i32
    %cond3A_1318 = arith.constant 0 : i32
    %cond3A_1319 = arith.cmpi ne, %convert_element_type3A_1317, %cond3A_1318 : i32
    scf.if %cond3A_1319 {
      %dma_wait3A_1603 = arith.constant 0 : i32
      %dma_wait3A_1604 = arith.constant 0 : i32
      %dma_wait3A_1605 = tpu.memref_slice %arg5[%dma_wait3A_1603, %dma_wait3A_1604] : memref<6x128xi32, #tpu.memory_space<vmem>> -> memref<1x128xi32, #tpu.memory_space<vmem>>
      %dma_wait3A_1606 = tpu.memref_squeeze %dma_wait3A_1605 : memref<1x128xi32, #tpu.memory_space<vmem>> -> memref<128xi32, #tpu.memory_space<vmem>>
      %dma_wait3A_1607 = arith.constant 0 : i32
      %dma_wait3A_1608 = arith.constant 0 : i32
      %dma_wait3A_1609 = tpu.memref_slice %arg15[%dma_wait3A_1607, %dma_wait3A_1608] : memref<256x128xf32, #tpu.memory_space<vmem_shared>> -> memref<256x128xf32, #tpu.memory_space<vmem_shared>>
      tpu.wait_indirect_dma semaphore(%arg22 : memref<!tpu.dma_semaphore, #tpu.memory_space<semaphore_mem>>) src(%arg6 : memref<128x128xf32, #tpu.memory_space<vmem>>) dst(%dma_wait3A_1609 : memref<256x128xf32, #tpu.memory_space<vmem_shared>>)
    } else {
    }
    %lt3A_1320 = arith.constant 31 : i32
    %lt3A_1321 = arith.cmpi slt, %add3A, %lt3A_1320 : i32
    %or3A_1322 = arith.constant false
    %or3A_1323 = arith.ori %lt3A_1321, %or3A_1322 : i1
    %convert_element_type3A_1324 = arith.extui %or3A_1323 : i1 to i32
    %cond3A_1325 = arith.constant 0 : i32
    %cond3A_1326 = arith.cmpi ne, %convert_element_type3A_1324, %cond3A_1325 : i32
    scf.if %cond3A_1326 {
      %add3A_1603 = arith.constant 2304 : i32
      %add3A_1604 = arith.addi %mul3A_4, %add3A_1603 : i32
      %dma_start3A_1605 = arith.constant 0 : i32
      %dma_start3A_1606 = arith.constant 0 : i32
      %dma_start3A_1607 = tpu.memref_slice %arg5[%dma_start3A_1605, %dma_start3A_1606] : memref<6x128xi32, #tpu.memory_space<vmem>> -> memref<1x128xi32, #tpu.memory_space<vmem>>
      %dma_start3A_1608 = tpu.memref_squeeze %dma_start3A_1607 : memref<1x128xi32, #tpu.memory_space<vmem>> -> memref<128xi32, #tpu.memory_space<vmem>>
      %dma_start3A_1609 = tpu.memref_slice %arg3[%add3A_1604] : memref<100000xi32, #tpu.memory_space<hbm>> -> memref<128xi32, #tpu.memory_space<hbm>>
      %dma_start3A_1610 = arith.constant 0 : i32
      %dma_start3A_1611 = tpu.memref_slice %arg5[%dma_start3A_1605, %dma_start3A_1610] : memref<6x128xi32, #tpu.memory_space<vmem>> -> memref<1x128xi32, #tpu.memory_space<vmem>>
      %dma_start3A_1612 = tpu.memref_squeeze %dma_start3A_1611 : memref<1x128xi32, #tpu.memory_space<vmem>> -> memref<128xi32, #tpu.memory_space<vmem>>
      %dma_start3A_1613 = tpu.memref_slice %arg3[%add3A_1604] : memref<100000xi32, #tpu.memory_space<hbm>> -> memref<128xi32, #tpu.memory_space<hbm>>
      tpu.enqueue_dma source(%dma_start3A_1613 : memref<128xi32, #tpu.memory_space<hbm>>) target(%dma_start3A_1612 : memref<128xi32, #tpu.memory_space<vmem>>) target_semaphore(%arg16 : memref<!tpu.dma_semaphore, #tpu.memory_space<semaphore_mem>>)
      %add3A_1614 = arith.constant 2304 : i32
      %add3A_1615 = arith.addi %mul3A_4, %add3A_1614 : i32
      %dma_start3A_1616 = arith.constant 0 : i32
      %dma_start3A_1617 = tpu.memref_slice %arg2[%add3A_1615, %dma_start3A_1616] : memref<100000x128xf32, #tpu.memory_space<hbm>> -> memref<128x128xf32, #tpu.memory_space<hbm>>
      %dma_start3A_1618 = arith.constant 0 : i32
      %dma_start3A_1619 = tpu.memref_slice %arg2[%add3A_1615, %dma_start3A_1618] : memref<100000x128xf32, #tpu.memory_space<hbm>> -> memref<128x128xf32, #tpu.memory_space<hbm>>
      tpu.enqueue_dma source(%dma_start3A_1619 : memref<128x128xf32, #tpu.memory_space<hbm>>) target(%arg6 : memref<128x128xf32, #tpu.memory_space<vmem>>) target_semaphore(%arg16 : memref<!tpu.dma_semaphore, #tpu.memory_space<semaphore_mem>>)
    } else {
    }
    %lt3A_1327 = arith.constant 31 : i32
    %lt3A_1328 = arith.cmpi slt, %add3A, %lt3A_1327 : i32
    %or3A_1329 = arith.constant false
    %or3A_1330 = arith.ori %lt3A_1328, %or3A_1329 : i1
    %convert_element_type3A_1331 = arith.extui %or3A_1330 : i1 to i32
    %cond3A_1332 = arith.constant 0 : i32
    %cond3A_1333 = arith.cmpi ne, %convert_element_type3A_1331, %cond3A_1332 : i32
    scf.if %cond3A_1333 {
      %add3A_1603 = arith.constant 1920 : i32
      %add3A_1604 = arith.addi %mul3A_4, %add3A_1603 : i32
      %dma_wait3A_1605 = arith.constant 3 : i32
      %dma_wait3A_1606 = arith.constant 0 : i32
      %dma_wait3A_1607 = tpu.memref_slice %arg5[%dma_wait3A_1605, %dma_wait3A_1606] : memref<6x128xi32, #tpu.memory_space<vmem>> -> memref<1x128xi32, #tpu.memory_space<vmem>>
      %dma_wait3A_1608 = tpu.memref_squeeze %dma_wait3A_1607 : memref<1x128xi32, #tpu.memory_space<vmem>> -> memref<128xi32, #tpu.memory_space<vmem>>
      %dma_wait3A_1609 = tpu.memref_slice %arg3[%add3A_1604] : memref<100000xi32, #tpu.memory_space<hbm>> -> memref<128xi32, #tpu.memory_space<hbm>>
      %dma_wait3A_1610 = arith.constant 0 : i32
      %dma_wait3A_1611 = tpu.memref_slice %arg5[%dma_wait3A_1605, %dma_wait3A_1610] : memref<6x128xi32, #tpu.memory_space<vmem>> -> memref<1x128xi32, #tpu.memory_space<vmem>>
      %dma_wait3A_1612 = tpu.memref_squeeze %dma_wait3A_1611 : memref<1x128xi32, #tpu.memory_space<vmem>> -> memref<128xi32, #tpu.memory_space<vmem>>
      %dma_wait3A_1613 = tpu.memref_slice %arg3[%add3A_1604] : memref<100000xi32, #tpu.memory_space<hbm>> -> memref<128xi32, #tpu.memory_space<hbm>>
      tpu.wait_dma2 semaphore(%arg19 : memref<!tpu.dma_semaphore, #tpu.memory_space<semaphore_mem>>) src(%dma_wait3A_1613 : memref<128xi32, #tpu.memory_space<hbm>>) dst(%dma_wait3A_1612 : memref<128xi32, #tpu.memory_space<vmem>>)
      %add3A_1614 = arith.constant 1920 : i32
      %add3A_1615 = arith.addi %mul3A_4, %add3A_1614 : i32
      %dma_wait3A_1616 = arith.constant 0 : i32
      %dma_wait3A_1617 = tpu.memref_slice %arg2[%add3A_1615, %dma_wait3A_1616] : memref<100000x128xf32, #tpu.memory_space<hbm>> -> memref<128x128xf32, #tpu.memory_space<hbm>>
      %dma_wait3A_1618 = arith.constant 0 : i32
      %dma_wait3A_1619 = tpu.memref_slice %arg2[%add3A_1615, %dma_wait3A_1618] : memref<100000x128xf32, #tpu.memory_space<hbm>> -> memref<128x128xf32, #tpu.memory_space<hbm>>
      tpu.wait_dma2 semaphore(%arg19 : memref<!tpu.dma_semaphore, #tpu.memory_space<semaphore_mem>>) src(%dma_wait3A_1619 : memref<128x128xf32, #tpu.memory_space<hbm>>) dst(%arg9 : memref<128x128xf32, #tpu.memory_space<vmem>>)
    } else {
    }
    %lt3A_1334 = arith.constant 31 : i32
    %lt3A_1335 = arith.cmpi slt, %add3A, %lt3A_1334 : i32
    %or3A_1336 = arith.constant false
    %or3A_1337 = arith.ori %lt3A_1335, %or3A_1336 : i1
    %convert_element_type3A_1338 = arith.extui %or3A_1337 : i1 to i32
    %cond3A_1339 = arith.constant 0 : i32
    %cond3A_1340 = arith.cmpi ne, %convert_element_type3A_1338, %cond3A_1339 : i32
    scf.if %cond3A_1340 {
      %dma_start3A_1603 = arith.constant 3 : i32
      %dma_start3A_1604 = arith.constant 0 : i32
      %dma_start3A_1605 = tpu.memref_slice %arg5[%dma_start3A_1603, %dma_start3A_1604] : memref<6x128xi32, #tpu.memory_space<vmem>> -> memref<1x128xi32, #tpu.memory_space<vmem>>
      %dma_start3A_1606 = tpu.memref_squeeze %dma_start3A_1605 : memref<1x128xi32, #tpu.memory_space<vmem>> -> memref<128xi32, #tpu.memory_space<vmem>>
      %dma_start3A_1607 = arith.constant 0 : i32
      %dma_start3A_1608 = arith.constant 0 : i32
      %dma_start3A_1609 = tpu.memref_slice %arg15[%dma_start3A_1607, %dma_start3A_1608] : memref<256x128xf32, #tpu.memory_space<vmem_shared>> -> memref<256x128xf32, #tpu.memory_space<vmem_shared>>
      tpu.enqueue_indirect_dma source(%arg9 : memref<128x128xf32, #tpu.memory_space<vmem>>) target(%dma_start3A_1609 : memref<256x128xf32, #tpu.memory_space<vmem_shared>>) offsets(%dma_start3A_1606 : memref<128xi32, #tpu.memory_space<vmem>>) semaphore(%arg25 : memref<!tpu.dma_semaphore, #tpu.memory_space<semaphore_mem>>) {add = true}
    } else {
    }
    %lt3A_1341 = arith.constant 31 : i32
    %lt3A_1342 = arith.cmpi slt, %add3A, %lt3A_1341 : i32
    %or3A_1343 = arith.constant false
    %or3A_1344 = arith.ori %lt3A_1342, %or3A_1343 : i1
    %convert_element_type3A_1345 = arith.extui %or3A_1344 : i1 to i32
    %cond3A_1346 = arith.constant 0 : i32
    %cond3A_1347 = arith.cmpi ne, %convert_element_type3A_1345, %cond3A_1346 : i32
    scf.if %cond3A_1347 {
      %dma_wait3A_1603 = arith.constant 1 : i32
      %dma_wait3A_1604 = arith.constant 0 : i32
      %dma_wait3A_1605 = tpu.memref_slice %arg5[%dma_wait3A_1603, %dma_wait3A_1604] : memref<6x128xi32, #tpu.memory_space<vmem>> -> memref<1x128xi32, #tpu.memory_space<vmem>>
      %dma_wait3A_1606 = tpu.memref_squeeze %dma_wait3A_1605 : memref<1x128xi32, #tpu.memory_space<vmem>> -> memref<128xi32, #tpu.memory_space<vmem>>
      %dma_wait3A_1607 = arith.constant 0 : i32
      %dma_wait3A_1608 = arith.constant 0 : i32
      %dma_wait3A_1609 = tpu.memref_slice %arg15[%dma_wait3A_1607, %dma_wait3A_1608] : memref<256x128xf32, #tpu.memory_space<vmem_shared>> -> memref<256x128xf32, #tpu.memory_space<vmem_shared>>
      tpu.wait_indirect_dma semaphore(%arg23 : memref<!tpu.dma_semaphore, #tpu.memory_space<semaphore_mem>>) src(%arg7 : memref<128x128xf32, #tpu.memory_space<vmem>>) dst(%dma_wait3A_1609 : memref<256x128xf32, #tpu.memory_space<vmem_shared>>)
    } else {
    }
    %lt3A_1348 = arith.constant 31 : i32
    %lt3A_1349 = arith.cmpi slt, %add3A, %lt3A_1348 : i32
    %or3A_1350 = arith.constant false
    %or3A_1351 = arith.ori %lt3A_1349, %or3A_1350 : i1
    %convert_element_type3A_1352 = arith.extui %or3A_1351 : i1 to i32
    %cond3A_1353 = arith.constant 0 : i32
    %cond3A_1354 = arith.cmpi ne, %convert_element_type3A_1352, %cond3A_1353 : i32
    scf.if %cond3A_1354 {
      %add3A_1603 = arith.constant 2432 : i32
      %add3A_1604 = arith.addi %mul3A_4, %add3A_1603 : i32
      %dma_start3A_1605 = arith.constant 1 : i32
      %dma_start3A_1606 = arith.constant 0 : i32
      %dma_start3A_1607 = tpu.memref_slice %arg5[%dma_start3A_1605, %dma_start3A_1606] : memref<6x128xi32, #tpu.memory_space<vmem>> -> memref<1x128xi32, #tpu.memory_space<vmem>>
      %dma_start3A_1608 = tpu.memref_squeeze %dma_start3A_1607 : memref<1x128xi32, #tpu.memory_space<vmem>> -> memref<128xi32, #tpu.memory_space<vmem>>
      %dma_start3A_1609 = tpu.memref_slice %arg3[%add3A_1604] : memref<100000xi32, #tpu.memory_space<hbm>> -> memref<128xi32, #tpu.memory_space<hbm>>
      %dma_start3A_1610 = arith.constant 0 : i32
      %dma_start3A_1611 = tpu.memref_slice %arg5[%dma_start3A_1605, %dma_start3A_1610] : memref<6x128xi32, #tpu.memory_space<vmem>> -> memref<1x128xi32, #tpu.memory_space<vmem>>
      %dma_start3A_1612 = tpu.memref_squeeze %dma_start3A_1611 : memref<1x128xi32, #tpu.memory_space<vmem>> -> memref<128xi32, #tpu.memory_space<vmem>>
      %dma_start3A_1613 = tpu.memref_slice %arg3[%add3A_1604] : memref<100000xi32, #tpu.memory_space<hbm>> -> memref<128xi32, #tpu.memory_space<hbm>>
      tpu.enqueue_dma source(%dma_start3A_1613 : memref<128xi32, #tpu.memory_space<hbm>>) target(%dma_start3A_1612 : memref<128xi32, #tpu.memory_space<vmem>>) target_semaphore(%arg17 : memref<!tpu.dma_semaphore, #tpu.memory_space<semaphore_mem>>)
      %add3A_1614 = arith.constant 2432 : i32
      %add3A_1615 = arith.addi %mul3A_4, %add3A_1614 : i32
      %dma_start3A_1616 = arith.constant 0 : i32
      %dma_start3A_1617 = tpu.memref_slice %arg2[%add3A_1615, %dma_start3A_1616] : memref<100000x128xf32, #tpu.memory_space<hbm>> -> memref<128x128xf32, #tpu.memory_space<hbm>>
      %dma_start3A_1618 = arith.constant 0 : i32
      %dma_start3A_1619 = tpu.memref_slice %arg2[%add3A_1615, %dma_start3A_1618] : memref<100000x128xf32, #tpu.memory_space<hbm>> -> memref<128x128xf32, #tpu.memory_space<hbm>>
      tpu.enqueue_dma source(%dma_start3A_1619 : memref<128x128xf32, #tpu.memory_space<hbm>>) target(%arg7 : memref<128x128xf32, #tpu.memory_space<vmem>>) target_semaphore(%arg17 : memref<!tpu.dma_semaphore, #tpu.memory_space<semaphore_mem>>)
    } else {
    }
    %lt3A_1355 = arith.constant 31 : i32
    %lt3A_1356 = arith.cmpi slt, %add3A, %lt3A_1355 : i32
    %or3A_1357 = arith.constant false
    %or3A_1358 = arith.ori %lt3A_1356, %or3A_1357 : i1
    %convert_element_type3A_1359 = arith.extui %or3A_1358 : i1 to i32
    %cond3A_1360 = arith.constant 0 : i32
    %cond3A_1361 = arith.cmpi ne, %convert_element_type3A_1359, %cond3A_1360 : i32
    scf.if %cond3A_1361 {
      %add3A_1603 = arith.constant 2048 : i32
      %add3A_1604 = arith.addi %mul3A_4, %add3A_1603 : i32
      %dma_wait3A_1605 = arith.constant 4 : i32
      %dma_wait3A_1606 = arith.constant 0 : i32
      %dma_wait3A_1607 = tpu.memref_slice %arg5[%dma_wait3A_1605, %dma_wait3A_1606] : memref<6x128xi32, #tpu.memory_space<vmem>> -> memref<1x128xi32, #tpu.memory_space<vmem>>
      %dma_wait3A_1608 = tpu.memref_squeeze %dma_wait3A_1607 : memref<1x128xi32, #tpu.memory_space<vmem>> -> memref<128xi32, #tpu.memory_space<vmem>>
      %dma_wait3A_1609 = tpu.memref_slice %arg3[%add3A_1604] : memref<100000xi32, #tpu.memory_space<hbm>> -> memref<128xi32, #tpu.memory_space<hbm>>
      %dma_wait3A_1610 = arith.constant 0 : i32
      %dma_wait3A_1611 = tpu.memref_slice %arg5[%dma_wait3A_1605, %dma_wait3A_1610] : memref<6x128xi32, #tpu.memory_space<vmem>> -> memref<1x128xi32, #tpu.memory_space<vmem>>
      %dma_wait3A_1612 = tpu.memref_squeeze %dma_wait3A_1611 : memref<1x128xi32, #tpu.memory_space<vmem>> -> memref<128xi32, #tpu.memory_space<vmem>>
      %dma_wait3A_1613 = tpu.memref_slice %arg3[%add3A_1604] : memref<100000xi32, #tpu.memory_space<hbm>> -> memref<128xi32, #tpu.memory_space<hbm>>
      tpu.wait_dma2 semaphore(%arg20 : memref<!tpu.dma_semaphore, #tpu.memory_space<semaphore_mem>>) src(%dma_wait3A_1613 : memref<128xi32, #tpu.memory_space<hbm>>) dst(%dma_wait3A_1612 : memref<128xi32, #tpu.memory_space<vmem>>)
      %add3A_1614 = arith.constant 2048 : i32
      %add3A_1615 = arith.addi %mul3A_4, %add3A_1614 : i32
      %dma_wait3A_1616 = arith.constant 0 : i32
      %dma_wait3A_1617 = tpu.memref_slice %arg2[%add3A_1615, %dma_wait3A_1616] : memref<100000x128xf32, #tpu.memory_space<hbm>> -> memref<128x128xf32, #tpu.memory_space<hbm>>
      %dma_wait3A_1618 = arith.constant 0 : i32
      %dma_wait3A_1619 = tpu.memref_slice %arg2[%add3A_1615, %dma_wait3A_1618] : memref<100000x128xf32, #tpu.memory_space<hbm>> -> memref<128x128xf32, #tpu.memory_space<hbm>>
      tpu.wait_dma2 semaphore(%arg20 : memref<!tpu.dma_semaphore, #tpu.memory_space<semaphore_mem>>) src(%dma_wait3A_1619 : memref<128x128xf32, #tpu.memory_space<hbm>>) dst(%arg10 : memref<128x128xf32, #tpu.memory_space<vmem>>)
    } else {
    }
    %lt3A_1362 = arith.constant 31 : i32
    %lt3A_1363 = arith.cmpi slt, %add3A, %lt3A_1362 : i32
    %or3A_1364 = arith.constant false
    %or3A_1365 = arith.ori %lt3A_1363, %or3A_1364 : i1
    %convert_element_type3A_1366 = arith.extui %or3A_1365 : i1 to i32
    %cond3A_1367 = arith.constant 0 : i32
    %cond3A_1368 = arith.cmpi ne, %convert_element_type3A_1366, %cond3A_1367 : i32
    scf.if %cond3A_1368 {
      %dma_start3A_1603 = arith.constant 4 : i32
      %dma_start3A_1604 = arith.constant 0 : i32
      %dma_start3A_1605 = tpu.memref_slice %arg5[%dma_start3A_1603, %dma_start3A_1604] : memref<6x128xi32, #tpu.memory_space<vmem>> -> memref<1x128xi32, #tpu.memory_space<vmem>>
      %dma_start3A_1606 = tpu.memref_squeeze %dma_start3A_1605 : memref<1x128xi32, #tpu.memory_space<vmem>> -> memref<128xi32, #tpu.memory_space<vmem>>
      %dma_start3A_1607 = arith.constant 0 : i32
      %dma_start3A_1608 = arith.constant 0 : i32
      %dma_start3A_1609 = tpu.memref_slice %arg15[%dma_start3A_1607, %dma_start3A_1608] : memref<256x128xf32, #tpu.memory_space<vmem_shared>> -> memref<256x128xf32, #tpu.memory_space<vmem_shared>>
      tpu.enqueue_indirect_dma source(%arg10 : memref<128x128xf32, #tpu.memory_space<vmem>>) target(%dma_start3A_1609 : memref<256x128xf32, #tpu.memory_space<vmem_shared>>) offsets(%dma_start3A_1606 : memref<128xi32, #tpu.memory_space<vmem>>) semaphore(%arg26 : memref<!tpu.dma_semaphore, #tpu.memory_space<semaphore_mem>>) {add = true}
    } else {
    }
    %lt3A_1369 = arith.constant 31 : i32
    %lt3A_1370 = arith.cmpi slt, %add3A, %lt3A_1369 : i32
    %or3A_1371 = arith.constant false
    %or3A_1372 = arith.ori %lt3A_1370, %or3A_1371 : i1
    %convert_element_type3A_1373 = arith.extui %or3A_1372 : i1 to i32
    %cond3A_1374 = arith.constant 0 : i32
    %cond3A_1375 = arith.cmpi ne, %convert_element_type3A_1373, %cond3A_1374 : i32
    scf.if %cond3A_1375 {
      %dma_wait3A_1603 = arith.constant 2 : i32
      %dma_wait3A_1604 = arith.constant 0 : i32
      %dma_wait3A_1605 = tpu.memref_slice %arg5[%dma_wait3A_1603, %dma_wait3A_1604] : memref<6x128xi32, #tpu.memory_space<vmem>> -> memref<1x128xi32, #tpu.memory_space<vmem>>
      %dma_wait3A_1606 = tpu.memref_squeeze %dma_wait3A_1605 : memref<1x128xi32, #tpu.memory_space<vmem>> -> memref<128xi32, #tpu.memory_space<vmem>>
      %dma_wait3A_1607 = arith.constant 0 : i32
      %dma_wait3A_1608 = arith.constant 0 : i32
      %dma_wait3A_1609 = tpu.memref_slice %arg15[%dma_wait3A_1607, %dma_wait3A_1608] : memref<256x128xf32, #tpu.memory_space<vmem_shared>> -> memref<256x128xf32, #tpu.memory_space<vmem_shared>>
      tpu.wait_indirect_dma semaphore(%arg24 : memref<!tpu.dma_semaphore, #tpu.memory_space<semaphore_mem>>) src(%arg8 : memref<128x128xf32, #tpu.memory_space<vmem>>) dst(%dma_wait3A_1609 : memref<256x128xf32, #tpu.memory_space<vmem_shared>>)
    } else {
    }
    %lt3A_1376 = arith.constant 31 : i32
    %lt3A_1377 = arith.cmpi slt, %add3A, %lt3A_1376 : i32
    %or3A_1378 = arith.constant false
    %or3A_1379 = arith.ori %lt3A_1377, %or3A_1378 : i1
    %convert_element_type3A_1380 = arith.extui %or3A_1379 : i1 to i32
    %cond3A_1381 = arith.constant 0 : i32
    %cond3A_1382 = arith.cmpi ne, %convert_element_type3A_1380, %cond3A_1381 : i32
    scf.if %cond3A_1382 {
      %add3A_1603 = arith.constant 2560 : i32
      %add3A_1604 = arith.addi %mul3A_4, %add3A_1603 : i32
      %dma_start3A_1605 = arith.constant 2 : i32
      %dma_start3A_1606 = arith.constant 0 : i32
      %dma_start3A_1607 = tpu.memref_slice %arg5[%dma_start3A_1605, %dma_start3A_1606] : memref<6x128xi32, #tpu.memory_space<vmem>> -> memref<1x128xi32, #tpu.memory_space<vmem>>
      %dma_start3A_1608 = tpu.memref_squeeze %dma_start3A_1607 : memref<1x128xi32, #tpu.memory_space<vmem>> -> memref<128xi32, #tpu.memory_space<vmem>>
      %dma_start3A_1609 = tpu.memref_slice %arg3[%add3A_1604] : memref<100000xi32, #tpu.memory_space<hbm>> -> memref<128xi32, #tpu.memory_space<hbm>>
      %dma_start3A_1610 = arith.constant 0 : i32
      %dma_start3A_1611 = tpu.memref_slice %arg5[%dma_start3A_1605, %dma_start3A_1610] : memref<6x128xi32, #tpu.memory_space<vmem>> -> memref<1x128xi32, #tpu.memory_space<vmem>>
      %dma_start3A_1612 = tpu.memref_squeeze %dma_start3A_1611 : memref<1x128xi32, #tpu.memory_space<vmem>> -> memref<128xi32, #tpu.memory_space<vmem>>
      %dma_start3A_1613 = tpu.memref_slice %arg3[%add3A_1604] : memref<100000xi32, #tpu.memory_space<hbm>> -> memref<128xi32, #tpu.memory_space<hbm>>
      tpu.enqueue_dma source(%dma_start3A_1613 : memref<128xi32, #tpu.memory_space<hbm>>) target(%dma_start3A_1612 : memref<128xi32, #tpu.memory_space<vmem>>) target_semaphore(%arg18 : memref<!tpu.dma_semaphore, #tpu.memory_space<semaphore_mem>>)
      %add3A_1614 = arith.constant 2560 : i32
      %add3A_1615 = arith.addi %mul3A_4, %add3A_1614 : i32
      %dma_start3A_1616 = arith.constant 0 : i32
      %dma_start3A_1617 = tpu.memref_slice %arg2[%add3A_1615, %dma_start3A_1616] : memref<100000x128xf32, #tpu.memory_space<hbm>> -> memref<128x128xf32, #tpu.memory_space<hbm>>
      %dma_start3A_1618 = arith.constant 0 : i32
      %dma_start3A_1619 = tpu.memref_slice %arg2[%add3A_1615, %dma_start3A_1618] : memref<100000x128xf32, #tpu.memory_space<hbm>> -> memref<128x128xf32, #tpu.memory_space<hbm>>
      tpu.enqueue_dma source(%dma_start3A_1619 : memref<128x128xf32, #tpu.memory_space<hbm>>) target(%arg8 : memref<128x128xf32, #tpu.memory_space<vmem>>) target_semaphore(%arg18 : memref<!tpu.dma_semaphore, #tpu.memory_space<semaphore_mem>>)
    } else {
    }
    %lt3A_1383 = arith.constant 31 : i32
    %lt3A_1384 = arith.cmpi slt, %add3A, %lt3A_1383 : i32
    %or3A_1385 = arith.constant false
    %or3A_1386 = arith.ori %lt3A_1384, %or3A_1385 : i1
    %convert_element_type3A_1387 = arith.extui %or3A_1386 : i1 to i32
    %cond3A_1388 = arith.constant 0 : i32
    %cond3A_1389 = arith.cmpi ne, %convert_element_type3A_1387, %cond3A_1388 : i32
    scf.if %cond3A_1389 {
      %add3A_1603 = arith.constant 2176 : i32
      %add3A_1604 = arith.addi %mul3A_4, %add3A_1603 : i32
      %dma_wait3A_1605 = arith.constant 5 : i32
      %dma_wait3A_1606 = arith.constant 0 : i32
      %dma_wait3A_1607 = tpu.memref_slice %arg5[%dma_wait3A_1605, %dma_wait3A_1606] : memref<6x128xi32, #tpu.memory_space<vmem>> -> memref<1x128xi32, #tpu.memory_space<vmem>>
      %dma_wait3A_1608 = tpu.memref_squeeze %dma_wait3A_1607 : memref<1x128xi32, #tpu.memory_space<vmem>> -> memref<128xi32, #tpu.memory_space<vmem>>
      %dma_wait3A_1609 = tpu.memref_slice %arg3[%add3A_1604] : memref<100000xi32, #tpu.memory_space<hbm>> -> memref<128xi32, #tpu.memory_space<hbm>>
      %dma_wait3A_1610 = arith.constant 0 : i32
      %dma_wait3A_1611 = tpu.memref_slice %arg5[%dma_wait3A_1605, %dma_wait3A_1610] : memref<6x128xi32, #tpu.memory_space<vmem>> -> memref<1x128xi32, #tpu.memory_space<vmem>>
      %dma_wait3A_1612 = tpu.memref_squeeze %dma_wait3A_1611 : memref<1x128xi32, #tpu.memory_space<vmem>> -> memref<128xi32, #tpu.memory_space<vmem>>
      %dma_wait3A_1613 = tpu.memref_slice %arg3[%add3A_1604] : memref<100000xi32, #tpu.memory_space<hbm>> -> memref<128xi32, #tpu.memory_space<hbm>>
      tpu.wait_dma2 semaphore(%arg21 : memref<!tpu.dma_semaphore, #tpu.memory_space<semaphore_mem>>) src(%dma_wait3A_1613 : memref<128xi32, #tpu.memory_space<hbm>>) dst(%dma_wait3A_1612 : memref<128xi32, #tpu.memory_space<vmem>>)
      %add3A_1614 = arith.constant 2176 : i32
      %add3A_1615 = arith.addi %mul3A_4, %add3A_1614 : i32
      %dma_wait3A_1616 = arith.constant 0 : i32
      %dma_wait3A_1617 = tpu.memref_slice %arg2[%add3A_1615, %dma_wait3A_1616] : memref<100000x128xf32, #tpu.memory_space<hbm>> -> memref<128x128xf32, #tpu.memory_space<hbm>>
      %dma_wait3A_1618 = arith.constant 0 : i32
      %dma_wait3A_1619 = tpu.memref_slice %arg2[%add3A_1615, %dma_wait3A_1618] : memref<100000x128xf32, #tpu.memory_space<hbm>> -> memref<128x128xf32, #tpu.memory_space<hbm>>
      tpu.wait_dma2 semaphore(%arg21 : memref<!tpu.dma_semaphore, #tpu.memory_space<semaphore_mem>>) src(%dma_wait3A_1619 : memref<128x128xf32, #tpu.memory_space<hbm>>) dst(%arg11 : memref<128x128xf32, #tpu.memory_space<vmem>>)
    } else {
    }
    %lt3A_1390 = arith.constant 31 : i32
    %lt3A_1391 = arith.cmpi slt, %add3A, %lt3A_1390 : i32
    %or3A_1392 = arith.constant false
    %or3A_1393 = arith.ori %lt3A_1391, %or3A_1392 : i1
    %convert_element_type3A_1394 = arith.extui %or3A_1393 : i1 to i32
    %cond3A_1395 = arith.constant 0 : i32
    %cond3A_1396 = arith.cmpi ne, %convert_element_type3A_1394, %cond3A_1395 : i32
    scf.if %cond3A_1396 {
      %dma_start3A_1603 = arith.constant 5 : i32
      %dma_start3A_1604 = arith.constant 0 : i32
      %dma_start3A_1605 = tpu.memref_slice %arg5[%dma_start3A_1603, %dma_start3A_1604] : memref<6x128xi32, #tpu.memory_space<vmem>> -> memref<1x128xi32, #tpu.memory_space<vmem>>
      %dma_start3A_1606 = tpu.memref_squeeze %dma_start3A_1605 : memref<1x128xi32, #tpu.memory_space<vmem>> -> memref<128xi32, #tpu.memory_space<vmem>>
      %dma_start3A_1607 = arith.constant 0 : i32
      %dma_start3A_1608 = arith.constant 0 : i32
      %dma_start3A_1609 = tpu.memref_slice %arg15[%dma_start3A_1607, %dma_start3A_1608] : memref<256x128xf32, #tpu.memory_space<vmem_shared>> -> memref<256x128xf32, #tpu.memory_space<vmem_shared>>
      tpu.enqueue_indirect_dma source(%arg11 : memref<128x128xf32, #tpu.memory_space<vmem>>) target(%dma_start3A_1609 : memref<256x128xf32, #tpu.memory_space<vmem_shared>>) offsets(%dma_start3A_1606 : memref<128xi32, #tpu.memory_space<vmem>>) semaphore(%arg27 : memref<!tpu.dma_semaphore, #tpu.memory_space<semaphore_mem>>) {add = true}
    } else {
    }
    %lt3A_1397 = arith.constant 31 : i32
    %lt3A_1398 = arith.cmpi slt, %add3A, %lt3A_1397 : i32
    %or3A_1399 = arith.constant false
    %or3A_1400 = arith.ori %lt3A_1398, %or3A_1399 : i1
    %convert_element_type3A_1401 = arith.extui %or3A_1400 : i1 to i32
    %cond3A_1402 = arith.constant 0 : i32
    %cond3A_1403 = arith.cmpi ne, %convert_element_type3A_1401, %cond3A_1402 : i32
    scf.if %cond3A_1403 {
      %dma_wait3A_1603 = arith.constant 3 : i32
      %dma_wait3A_1604 = arith.constant 0 : i32
      %dma_wait3A_1605 = tpu.memref_slice %arg5[%dma_wait3A_1603, %dma_wait3A_1604] : memref<6x128xi32, #tpu.memory_space<vmem>> -> memref<1x128xi32, #tpu.memory_space<vmem>>
      %dma_wait3A_1606 = tpu.memref_squeeze %dma_wait3A_1605 : memref<1x128xi32, #tpu.memory_space<vmem>> -> memref<128xi32, #tpu.memory_space<vmem>>
      %dma_wait3A_1607 = arith.constant 0 : i32
      %dma_wait3A_1608 = arith.constant 0 : i32
      %dma_wait3A_1609 = tpu.memref_slice %arg15[%dma_wait3A_1607, %dma_wait3A_1608] : memref<256x128xf32, #tpu.memory_space<vmem_shared>> -> memref<256x128xf32, #tpu.memory_space<vmem_shared>>
      tpu.wait_indirect_dma semaphore(%arg25 : memref<!tpu.dma_semaphore, #tpu.memory_space<semaphore_mem>>) src(%arg9 : memref<128x128xf32, #tpu.memory_space<vmem>>) dst(%dma_wait3A_1609 : memref<256x128xf32, #tpu.memory_space<vmem_shared>>)
    } else {
    }
    %lt3A_1404 = arith.constant 31 : i32
    %lt3A_1405 = arith.cmpi slt, %add3A, %lt3A_1404 : i32
    %or3A_1406 = arith.constant false
    %or3A_1407 = arith.ori %lt3A_1405, %or3A_1406 : i1
    %convert_element_type3A_1408 = arith.extui %or3A_1407 : i1 to i32
    %cond3A_1409 = arith.constant 0 : i32
    %cond3A_1410 = arith.cmpi ne, %convert_element_type3A_1408, %cond3A_1409 : i32
    scf.if %cond3A_1410 {
      %add3A_1603 = arith.constant 2688 : i32
      %add3A_1604 = arith.addi %mul3A_4, %add3A_1603 : i32
      %dma_start3A_1605 = arith.constant 3 : i32
      %dma_start3A_1606 = arith.constant 0 : i32
      %dma_start3A_1607 = tpu.memref_slice %arg5[%dma_start3A_1605, %dma_start3A_1606] : memref<6x128xi32, #tpu.memory_space<vmem>> -> memref<1x128xi32, #tpu.memory_space<vmem>>
      %dma_start3A_1608 = tpu.memref_squeeze %dma_start3A_1607 : memref<1x128xi32, #tpu.memory_space<vmem>> -> memref<128xi32, #tpu.memory_space<vmem>>
      %dma_start3A_1609 = tpu.memref_slice %arg3[%add3A_1604] : memref<100000xi32, #tpu.memory_space<hbm>> -> memref<128xi32, #tpu.memory_space<hbm>>
      %dma_start3A_1610 = arith.constant 0 : i32
      %dma_start3A_1611 = tpu.memref_slice %arg5[%dma_start3A_1605, %dma_start3A_1610] : memref<6x128xi32, #tpu.memory_space<vmem>> -> memref<1x128xi32, #tpu.memory_space<vmem>>
      %dma_start3A_1612 = tpu.memref_squeeze %dma_start3A_1611 : memref<1x128xi32, #tpu.memory_space<vmem>> -> memref<128xi32, #tpu.memory_space<vmem>>
      %dma_start3A_1613 = tpu.memref_slice %arg3[%add3A_1604] : memref<100000xi32, #tpu.memory_space<hbm>> -> memref<128xi32, #tpu.memory_space<hbm>>
      tpu.enqueue_dma source(%dma_start3A_1613 : memref<128xi32, #tpu.memory_space<hbm>>) target(%dma_start3A_1612 : memref<128xi32, #tpu.memory_space<vmem>>) target_semaphore(%arg19 : memref<!tpu.dma_semaphore, #tpu.memory_space<semaphore_mem>>)
      %add3A_1614 = arith.constant 2688 : i32
      %add3A_1615 = arith.addi %mul3A_4, %add3A_1614 : i32
      %dma_start3A_1616 = arith.constant 0 : i32
      %dma_start3A_1617 = tpu.memref_slice %arg2[%add3A_1615, %dma_start3A_1616] : memref<100000x128xf32, #tpu.memory_space<hbm>> -> memref<128x128xf32, #tpu.memory_space<hbm>>
      %dma_start3A_1618 = arith.constant 0 : i32
      %dma_start3A_1619 = tpu.memref_slice %arg2[%add3A_1615, %dma_start3A_1618] : memref<100000x128xf32, #tpu.memory_space<hbm>> -> memref<128x128xf32, #tpu.memory_space<hbm>>
      tpu.enqueue_dma source(%dma_start3A_1619 : memref<128x128xf32, #tpu.memory_space<hbm>>) target(%arg9 : memref<128x128xf32, #tpu.memory_space<vmem>>) target_semaphore(%arg19 : memref<!tpu.dma_semaphore, #tpu.memory_space<semaphore_mem>>)
    } else {
    }
    %lt3A_1411 = arith.constant 31 : i32
    %lt3A_1412 = arith.cmpi slt, %add3A, %lt3A_1411 : i32
    %or3A_1413 = arith.constant false
    %or3A_1414 = arith.ori %lt3A_1412, %or3A_1413 : i1
    %convert_element_type3A_1415 = arith.extui %or3A_1414 : i1 to i32
    %cond3A_1416 = arith.constant 0 : i32
    %cond3A_1417 = arith.cmpi ne, %convert_element_type3A_1415, %cond3A_1416 : i32
    scf.if %cond3A_1417 {
      %add3A_1603 = arith.constant 2304 : i32
      %add3A_1604 = arith.addi %mul3A_4, %add3A_1603 : i32
      %dma_wait3A_1605 = arith.constant 0 : i32
      %dma_wait3A_1606 = arith.constant 0 : i32
      %dma_wait3A_1607 = tpu.memref_slice %arg5[%dma_wait3A_1605, %dma_wait3A_1606] : memref<6x128xi32, #tpu.memory_space<vmem>> -> memref<1x128xi32, #tpu.memory_space<vmem>>
      %dma_wait3A_1608 = tpu.memref_squeeze %dma_wait3A_1607 : memref<1x128xi32, #tpu.memory_space<vmem>> -> memref<128xi32, #tpu.memory_space<vmem>>
      %dma_wait3A_1609 = tpu.memref_slice %arg3[%add3A_1604] : memref<100000xi32, #tpu.memory_space<hbm>> -> memref<128xi32, #tpu.memory_space<hbm>>
      %dma_wait3A_1610 = arith.constant 0 : i32
      %dma_wait3A_1611 = tpu.memref_slice %arg5[%dma_wait3A_1605, %dma_wait3A_1610] : memref<6x128xi32, #tpu.memory_space<vmem>> -> memref<1x128xi32, #tpu.memory_space<vmem>>
      %dma_wait3A_1612 = tpu.memref_squeeze %dma_wait3A_1611 : memref<1x128xi32, #tpu.memory_space<vmem>> -> memref<128xi32, #tpu.memory_space<vmem>>
      %dma_wait3A_1613 = tpu.memref_slice %arg3[%add3A_1604] : memref<100000xi32, #tpu.memory_space<hbm>> -> memref<128xi32, #tpu.memory_space<hbm>>
      tpu.wait_dma2 semaphore(%arg16 : memref<!tpu.dma_semaphore, #tpu.memory_space<semaphore_mem>>) src(%dma_wait3A_1613 : memref<128xi32, #tpu.memory_space<hbm>>) dst(%dma_wait3A_1612 : memref<128xi32, #tpu.memory_space<vmem>>)
      %add3A_1614 = arith.constant 2304 : i32
      %add3A_1615 = arith.addi %mul3A_4, %add3A_1614 : i32
      %dma_wait3A_1616 = arith.constant 0 : i32
      %dma_wait3A_1617 = tpu.memref_slice %arg2[%add3A_1615, %dma_wait3A_1616] : memref<100000x128xf32, #tpu.memory_space<hbm>> -> memref<128x128xf32, #tpu.memory_space<hbm>>
      %dma_wait3A_1618 = arith.constant 0 : i32
      %dma_wait3A_1619 = tpu.memref_slice %arg2[%add3A_1615, %dma_wait3A_1618] : memref<100000x128xf32, #tpu.memory_space<hbm>> -> memref<128x128xf32, #tpu.memory_space<hbm>>
      tpu.wait_dma2 semaphore(%arg16 : memref<!tpu.dma_semaphore, #tpu.memory_space<semaphore_mem>>) src(%dma_wait3A_1619 : memref<128x128xf32, #tpu.memory_space<hbm>>) dst(%arg6 : memref<128x128xf32, #tpu.memory_space<vmem>>)
    } else {
    }
    %lt3A_1418 = arith.constant 31 : i32
    %lt3A_1419 = arith.cmpi slt, %add3A, %lt3A_1418 : i32
    %or3A_1420 = arith.constant false
    %or3A_1421 = arith.ori %lt3A_1419, %or3A_1420 : i1
    %convert_element_type3A_1422 = arith.extui %or3A_1421 : i1 to i32
    %cond3A_1423 = arith.constant 0 : i32
    %cond3A_1424 = arith.cmpi ne, %convert_element_type3A_1422, %cond3A_1423 : i32
    scf.if %cond3A_1424 {
      %dma_start3A_1603 = arith.constant 0 : i32
      %dma_start3A_1604 = arith.constant 0 : i32
      %dma_start3A_1605 = tpu.memref_slice %arg5[%dma_start3A_1603, %dma_start3A_1604] : memref<6x128xi32, #tpu.memory_space<vmem>> -> memref<1x128xi32, #tpu.memory_space<vmem>>
      %dma_start3A_1606 = tpu.memref_squeeze %dma_start3A_1605 : memref<1x128xi32, #tpu.memory_space<vmem>> -> memref<128xi32, #tpu.memory_space<vmem>>
      %dma_start3A_1607 = arith.constant 0 : i32
      %dma_start3A_1608 = arith.constant 0 : i32
      %dma_start3A_1609 = tpu.memref_slice %arg15[%dma_start3A_1607, %dma_start3A_1608] : memref<256x128xf32, #tpu.memory_space<vmem_shared>> -> memref<256x128xf32, #tpu.memory_space<vmem_shared>>
      tpu.enqueue_indirect_dma source(%arg6 : memref<128x128xf32, #tpu.memory_space<vmem>>) target(%dma_start3A_1609 : memref<256x128xf32, #tpu.memory_space<vmem_shared>>) offsets(%dma_start3A_1606 : memref<128xi32, #tpu.memory_space<vmem>>) semaphore(%arg22 : memref<!tpu.dma_semaphore, #tpu.memory_space<semaphore_mem>>) {add = true}
    } else {
    }
    %lt3A_1425 = arith.constant 31 : i32
    %lt3A_1426 = arith.cmpi slt, %add3A, %lt3A_1425 : i32
    %or3A_1427 = arith.constant false
    %or3A_1428 = arith.ori %lt3A_1426, %or3A_1427 : i1
    %convert_element_type3A_1429 = arith.extui %or3A_1428 : i1 to i32
    %cond3A_1430 = arith.constant 0 : i32
    %cond3A_1431 = arith.cmpi ne, %convert_element_type3A_1429, %cond3A_1430 : i32
    scf.if %cond3A_1431 {
      %dma_wait3A_1603 = arith.constant 4 : i32
      %dma_wait3A_1604 = arith.constant 0 : i32
      %dma_wait3A_1605 = tpu.memref_slice %arg5[%dma_wait3A_1603, %dma_wait3A_1604] : memref<6x128xi32, #tpu.memory_space<vmem>> -> memref<1x128xi32, #tpu.memory_space<vmem>>
      %dma_wait3A_1606 = tpu.memref_squeeze %dma_wait3A_1605 : memref<1x128xi32, #tpu.memory_space<vmem>> -> memref<128xi32, #tpu.memory_space<vmem>>
      %dma_wait3A_1607 = arith.constant 0 : i32
      %dma_wait3A_1608 = arith.constant 0 : i32
      %dma_wait3A_1609 = tpu.memref_slice %arg15[%dma_wait3A_1607, %dma_wait3A_1608] : memref<256x128xf32, #tpu.memory_space<vmem_shared>> -> memref<256x128xf32, #tpu.memory_space<vmem_shared>>
      tpu.wait_indirect_dma semaphore(%arg26 : memref<!tpu.dma_semaphore, #tpu.memory_space<semaphore_mem>>) src(%arg10 : memref<128x128xf32, #tpu.memory_space<vmem>>) dst(%dma_wait3A_1609 : memref<256x128xf32, #tpu.memory_space<vmem_shared>>)
    } else {
    }
    %lt3A_1432 = arith.constant 31 : i32
    %lt3A_1433 = arith.cmpi slt, %add3A, %lt3A_1432 : i32
    %or3A_1434 = arith.constant false
    %or3A_1435 = arith.ori %lt3A_1433, %or3A_1434 : i1
    %convert_element_type3A_1436 = arith.extui %or3A_1435 : i1 to i32
    %cond3A_1437 = arith.constant 0 : i32
    %cond3A_1438 = arith.cmpi ne, %convert_element_type3A_1436, %cond3A_1437 : i32
    scf.if %cond3A_1438 {
      %add3A_1603 = arith.constant 2816 : i32
      %add3A_1604 = arith.addi %mul3A_4, %add3A_1603 : i32
      %dma_start3A_1605 = arith.constant 4 : i32
      %dma_start3A_1606 = arith.constant 0 : i32
      %dma_start3A_1607 = tpu.memref_slice %arg5[%dma_start3A_1605, %dma_start3A_1606] : memref<6x128xi32, #tpu.memory_space<vmem>> -> memref<1x128xi32, #tpu.memory_space<vmem>>
      %dma_start3A_1608 = tpu.memref_squeeze %dma_start3A_1607 : memref<1x128xi32, #tpu.memory_space<vmem>> -> memref<128xi32, #tpu.memory_space<vmem>>
      %dma_start3A_1609 = tpu.memref_slice %arg3[%add3A_1604] : memref<100000xi32, #tpu.memory_space<hbm>> -> memref<128xi32, #tpu.memory_space<hbm>>
      %dma_start3A_1610 = arith.constant 0 : i32
      %dma_start3A_1611 = tpu.memref_slice %arg5[%dma_start3A_1605, %dma_start3A_1610] : memref<6x128xi32, #tpu.memory_space<vmem>> -> memref<1x128xi32, #tpu.memory_space<vmem>>
      %dma_start3A_1612 = tpu.memref_squeeze %dma_start3A_1611 : memref<1x128xi32, #tpu.memory_space<vmem>> -> memref<128xi32, #tpu.memory_space<vmem>>
      %dma_start3A_1613 = tpu.memref_slice %arg3[%add3A_1604] : memref<100000xi32, #tpu.memory_space<hbm>> -> memref<128xi32, #tpu.memory_space<hbm>>
      tpu.enqueue_dma source(%dma_start3A_1613 : memref<128xi32, #tpu.memory_space<hbm>>) target(%dma_start3A_1612 : memref<128xi32, #tpu.memory_space<vmem>>) target_semaphore(%arg20 : memref<!tpu.dma_semaphore, #tpu.memory_space<semaphore_mem>>)
      %add3A_1614 = arith.constant 2816 : i32
      %add3A_1615 = arith.addi %mul3A_4, %add3A_1614 : i32
      %dma_start3A_1616 = arith.constant 0 : i32
      %dma_start3A_1617 = tpu.memref_slice %arg2[%add3A_1615, %dma_start3A_1616] : memref<100000x128xf32, #tpu.memory_space<hbm>> -> memref<128x128xf32, #tpu.memory_space<hbm>>
      %dma_start3A_1618 = arith.constant 0 : i32
      %dma_start3A_1619 = tpu.memref_slice %arg2[%add3A_1615, %dma_start3A_1618] : memref<100000x128xf32, #tpu.memory_space<hbm>> -> memref<128x128xf32, #tpu.memory_space<hbm>>
      tpu.enqueue_dma source(%dma_start3A_1619 : memref<128x128xf32, #tpu.memory_space<hbm>>) target(%arg10 : memref<128x128xf32, #tpu.memory_space<vmem>>) target_semaphore(%arg20 : memref<!tpu.dma_semaphore, #tpu.memory_space<semaphore_mem>>)
    } else {
    }
    %lt3A_1439 = arith.constant 31 : i32
    %lt3A_1440 = arith.cmpi slt, %add3A, %lt3A_1439 : i32
    %or3A_1441 = arith.constant false
    %or3A_1442 = arith.ori %lt3A_1440, %or3A_1441 : i1
    %convert_element_type3A_1443 = arith.extui %or3A_1442 : i1 to i32
    %cond3A_1444 = arith.constant 0 : i32
    %cond3A_1445 = arith.cmpi ne, %convert_element_type3A_1443, %cond3A_1444 : i32
    scf.if %cond3A_1445 {
      %add3A_1603 = arith.constant 2432 : i32
      %add3A_1604 = arith.addi %mul3A_4, %add3A_1603 : i32
      %dma_wait3A_1605 = arith.constant 1 : i32
      %dma_wait3A_1606 = arith.constant 0 : i32
      %dma_wait3A_1607 = tpu.memref_slice %arg5[%dma_wait3A_1605, %dma_wait3A_1606] : memref<6x128xi32, #tpu.memory_space<vmem>> -> memref<1x128xi32, #tpu.memory_space<vmem>>
      %dma_wait3A_1608 = tpu.memref_squeeze %dma_wait3A_1607 : memref<1x128xi32, #tpu.memory_space<vmem>> -> memref<128xi32, #tpu.memory_space<vmem>>
      %dma_wait3A_1609 = tpu.memref_slice %arg3[%add3A_1604] : memref<100000xi32, #tpu.memory_space<hbm>> -> memref<128xi32, #tpu.memory_space<hbm>>
      %dma_wait3A_1610 = arith.constant 0 : i32
      %dma_wait3A_1611 = tpu.memref_slice %arg5[%dma_wait3A_1605, %dma_wait3A_1610] : memref<6x128xi32, #tpu.memory_space<vmem>> -> memref<1x128xi32, #tpu.memory_space<vmem>>
      %dma_wait3A_1612 = tpu.memref_squeeze %dma_wait3A_1611 : memref<1x128xi32, #tpu.memory_space<vmem>> -> memref<128xi32, #tpu.memory_space<vmem>>
      %dma_wait3A_1613 = tpu.memref_slice %arg3[%add3A_1604] : memref<100000xi32, #tpu.memory_space<hbm>> -> memref<128xi32, #tpu.memory_space<hbm>>
      tpu.wait_dma2 semaphore(%arg17 : memref<!tpu.dma_semaphore, #tpu.memory_space<semaphore_mem>>) src(%dma_wait3A_1613 : memref<128xi32, #tpu.memory_space<hbm>>) dst(%dma_wait3A_1612 : memref<128xi32, #tpu.memory_space<vmem>>)
      %add3A_1614 = arith.constant 2432 : i32
      %add3A_1615 = arith.addi %mul3A_4, %add3A_1614 : i32
      %dma_wait3A_1616 = arith.constant 0 : i32
      %dma_wait3A_1617 = tpu.memref_slice %arg2[%add3A_1615, %dma_wait3A_1616] : memref<100000x128xf32, #tpu.memory_space<hbm>> -> memref<128x128xf32, #tpu.memory_space<hbm>>
      %dma_wait3A_1618 = arith.constant 0 : i32
      %dma_wait3A_1619 = tpu.memref_slice %arg2[%add3A_1615, %dma_wait3A_1618] : memref<100000x128xf32, #tpu.memory_space<hbm>> -> memref<128x128xf32, #tpu.memory_space<hbm>>
      tpu.wait_dma2 semaphore(%arg17 : memref<!tpu.dma_semaphore, #tpu.memory_space<semaphore_mem>>) src(%dma_wait3A_1619 : memref<128x128xf32, #tpu.memory_space<hbm>>) dst(%arg7 : memref<128x128xf32, #tpu.memory_space<vmem>>)
    } else {
    }
    %lt3A_1446 = arith.constant 31 : i32
    %lt3A_1447 = arith.cmpi slt, %add3A, %lt3A_1446 : i32
    %or3A_1448 = arith.constant false
    %or3A_1449 = arith.ori %lt3A_1447, %or3A_1448 : i1
    %convert_element_type3A_1450 = arith.extui %or3A_1449 : i1 to i32
    %cond3A_1451 = arith.constant 0 : i32
    %cond3A_1452 = arith.cmpi ne, %convert_element_type3A_1450, %cond3A_1451 : i32
    scf.if %cond3A_1452 {
      %dma_start3A_1603 = arith.constant 1 : i32
      %dma_start3A_1604 = arith.constant 0 : i32
      %dma_start3A_1605 = tpu.memref_slice %arg5[%dma_start3A_1603, %dma_start3A_1604] : memref<6x128xi32, #tpu.memory_space<vmem>> -> memref<1x128xi32, #tpu.memory_space<vmem>>
      %dma_start3A_1606 = tpu.memref_squeeze %dma_start3A_1605 : memref<1x128xi32, #tpu.memory_space<vmem>> -> memref<128xi32, #tpu.memory_space<vmem>>
      %dma_start3A_1607 = arith.constant 0 : i32
      %dma_start3A_1608 = arith.constant 0 : i32
      %dma_start3A_1609 = tpu.memref_slice %arg15[%dma_start3A_1607, %dma_start3A_1608] : memref<256x128xf32, #tpu.memory_space<vmem_shared>> -> memref<256x128xf32, #tpu.memory_space<vmem_shared>>
      tpu.enqueue_indirect_dma source(%arg7 : memref<128x128xf32, #tpu.memory_space<vmem>>) target(%dma_start3A_1609 : memref<256x128xf32, #tpu.memory_space<vmem_shared>>) offsets(%dma_start3A_1606 : memref<128xi32, #tpu.memory_space<vmem>>) semaphore(%arg23 : memref<!tpu.dma_semaphore, #tpu.memory_space<semaphore_mem>>) {add = true}
    } else {
    }
    %lt3A_1453 = arith.constant 31 : i32
    %lt3A_1454 = arith.cmpi slt, %add3A, %lt3A_1453 : i32
    %or3A_1455 = arith.constant false
    %or3A_1456 = arith.ori %lt3A_1454, %or3A_1455 : i1
    %convert_element_type3A_1457 = arith.extui %or3A_1456 : i1 to i32
    %cond3A_1458 = arith.constant 0 : i32
    %cond3A_1459 = arith.cmpi ne, %convert_element_type3A_1457, %cond3A_1458 : i32
    scf.if %cond3A_1459 {
      %dma_wait3A_1603 = arith.constant 5 : i32
      %dma_wait3A_1604 = arith.constant 0 : i32
      %dma_wait3A_1605 = tpu.memref_slice %arg5[%dma_wait3A_1603, %dma_wait3A_1604] : memref<6x128xi32, #tpu.memory_space<vmem>> -> memref<1x128xi32, #tpu.memory_space<vmem>>
      %dma_wait3A_1606 = tpu.memref_squeeze %dma_wait3A_1605 : memref<1x128xi32, #tpu.memory_space<vmem>> -> memref<128xi32, #tpu.memory_space<vmem>>
      %dma_wait3A_1607 = arith.constant 0 : i32
      %dma_wait3A_1608 = arith.constant 0 : i32
      %dma_wait3A_1609 = tpu.memref_slice %arg15[%dma_wait3A_1607, %dma_wait3A_1608] : memref<256x128xf32, #tpu.memory_space<vmem_shared>> -> memref<256x128xf32, #tpu.memory_space<vmem_shared>>
      tpu.wait_indirect_dma semaphore(%arg27 : memref<!tpu.dma_semaphore, #tpu.memory_space<semaphore_mem>>) src(%arg11 : memref<128x128xf32, #tpu.memory_space<vmem>>) dst(%dma_wait3A_1609 : memref<256x128xf32, #tpu.memory_space<vmem_shared>>)
    } else {
    }
    %lt3A_1460 = arith.constant 31 : i32
    %lt3A_1461 = arith.cmpi slt, %add3A, %lt3A_1460 : i32
    %or3A_1462 = arith.constant false
    %or3A_1463 = arith.ori %lt3A_1461, %or3A_1462 : i1
    %convert_element_type3A_1464 = arith.extui %or3A_1463 : i1 to i32
    %cond3A_1465 = arith.constant 0 : i32
    %cond3A_1466 = arith.cmpi ne, %convert_element_type3A_1464, %cond3A_1465 : i32
    scf.if %cond3A_1466 {
      %add3A_1603 = arith.constant 2944 : i32
      %add3A_1604 = arith.addi %mul3A_4, %add3A_1603 : i32
      %dma_start3A_1605 = arith.constant 5 : i32
      %dma_start3A_1606 = arith.constant 0 : i32
      %dma_start3A_1607 = tpu.memref_slice %arg5[%dma_start3A_1605, %dma_start3A_1606] : memref<6x128xi32, #tpu.memory_space<vmem>> -> memref<1x128xi32, #tpu.memory_space<vmem>>
      %dma_start3A_1608 = tpu.memref_squeeze %dma_start3A_1607 : memref<1x128xi32, #tpu.memory_space<vmem>> -> memref<128xi32, #tpu.memory_space<vmem>>
      %dma_start3A_1609 = tpu.memref_slice %arg3[%add3A_1604] : memref<100000xi32, #tpu.memory_space<hbm>> -> memref<128xi32, #tpu.memory_space<hbm>>
      %dma_start3A_1610 = arith.constant 0 : i32
      %dma_start3A_1611 = tpu.memref_slice %arg5[%dma_start3A_1605, %dma_start3A_1610] : memref<6x128xi32, #tpu.memory_space<vmem>> -> memref<1x128xi32, #tpu.memory_space<vmem>>
      %dma_start3A_1612 = tpu.memref_squeeze %dma_start3A_1611 : memref<1x128xi32, #tpu.memory_space<vmem>> -> memref<128xi32, #tpu.memory_space<vmem>>
      %dma_start3A_1613 = tpu.memref_slice %arg3[%add3A_1604] : memref<100000xi32, #tpu.memory_space<hbm>> -> memref<128xi32, #tpu.memory_space<hbm>>
      tpu.enqueue_dma source(%dma_start3A_1613 : memref<128xi32, #tpu.memory_space<hbm>>) target(%dma_start3A_1612 : memref<128xi32, #tpu.memory_space<vmem>>) target_semaphore(%arg21 : memref<!tpu.dma_semaphore, #tpu.memory_space<semaphore_mem>>)
      %add3A_1614 = arith.constant 2944 : i32
      %add3A_1615 = arith.addi %mul3A_4, %add3A_1614 : i32
      %dma_start3A_1616 = arith.constant 0 : i32
      %dma_start3A_1617 = tpu.memref_slice %arg2[%add3A_1615, %dma_start3A_1616] : memref<100000x128xf32, #tpu.memory_space<hbm>> -> memref<128x128xf32, #tpu.memory_space<hbm>>
      %dma_start3A_1618 = arith.constant 0 : i32
      %dma_start3A_1619 = tpu.memref_slice %arg2[%add3A_1615, %dma_start3A_1618] : memref<100000x128xf32, #tpu.memory_space<hbm>> -> memref<128x128xf32, #tpu.memory_space<hbm>>
      tpu.enqueue_dma source(%dma_start3A_1619 : memref<128x128xf32, #tpu.memory_space<hbm>>) target(%arg11 : memref<128x128xf32, #tpu.memory_space<vmem>>) target_semaphore(%arg21 : memref<!tpu.dma_semaphore, #tpu.memory_space<semaphore_mem>>)
    } else {
    }
    %lt3A_1467 = arith.constant 31 : i32
    %lt3A_1468 = arith.cmpi slt, %add3A, %lt3A_1467 : i32
    %or3A_1469 = arith.constant false
    %or3A_1470 = arith.ori %lt3A_1468, %or3A_1469 : i1
    %convert_element_type3A_1471 = arith.extui %or3A_1470 : i1 to i32
    %cond3A_1472 = arith.constant 0 : i32
    %cond3A_1473 = arith.cmpi ne, %convert_element_type3A_1471, %cond3A_1472 : i32
    scf.if %cond3A_1473 {
      %add3A_1603 = arith.constant 2560 : i32
      %add3A_1604 = arith.addi %mul3A_4, %add3A_1603 : i32
      %dma_wait3A_1605 = arith.constant 2 : i32
      %dma_wait3A_1606 = arith.constant 0 : i32
      %dma_wait3A_1607 = tpu.memref_slice %arg5[%dma_wait3A_1605, %dma_wait3A_1606] : memref<6x128xi32, #tpu.memory_space<vmem>> -> memref<1x128xi32, #tpu.memory_space<vmem>>
      %dma_wait3A_1608 = tpu.memref_squeeze %dma_wait3A_1607 : memref<1x128xi32, #tpu.memory_space<vmem>> -> memref<128xi32, #tpu.memory_space<vmem>>
      %dma_wait3A_1609 = tpu.memref_slice %arg3[%add3A_1604] : memref<100000xi32, #tpu.memory_space<hbm>> -> memref<128xi32, #tpu.memory_space<hbm>>
      %dma_wait3A_1610 = arith.constant 0 : i32
      %dma_wait3A_1611 = tpu.memref_slice %arg5[%dma_wait3A_1605, %dma_wait3A_1610] : memref<6x128xi32, #tpu.memory_space<vmem>> -> memref<1x128xi32, #tpu.memory_space<vmem>>
      %dma_wait3A_1612 = tpu.memref_squeeze %dma_wait3A_1611 : memref<1x128xi32, #tpu.memory_space<vmem>> -> memref<128xi32, #tpu.memory_space<vmem>>
      %dma_wait3A_1613 = tpu.memref_slice %arg3[%add3A_1604] : memref<100000xi32, #tpu.memory_space<hbm>> -> memref<128xi32, #tpu.memory_space<hbm>>
      tpu.wait_dma2 semaphore(%arg18 : memref<!tpu.dma_semaphore, #tpu.memory_space<semaphore_mem>>) src(%dma_wait3A_1613 : memref<128xi32, #tpu.memory_space<hbm>>) dst(%dma_wait3A_1612 : memref<128xi32, #tpu.memory_space<vmem>>)
      %add3A_1614 = arith.constant 2560 : i32
      %add3A_1615 = arith.addi %mul3A_4, %add3A_1614 : i32
      %dma_wait3A_1616 = arith.constant 0 : i32
      %dma_wait3A_1617 = tpu.memref_slice %arg2[%add3A_1615, %dma_wait3A_1616] : memref<100000x128xf32, #tpu.memory_space<hbm>> -> memref<128x128xf32, #tpu.memory_space<hbm>>
      %dma_wait3A_1618 = arith.constant 0 : i32
      %dma_wait3A_1619 = tpu.memref_slice %arg2[%add3A_1615, %dma_wait3A_1618] : memref<100000x128xf32, #tpu.memory_space<hbm>> -> memref<128x128xf32, #tpu.memory_space<hbm>>
      tpu.wait_dma2 semaphore(%arg18 : memref<!tpu.dma_semaphore, #tpu.memory_space<semaphore_mem>>) src(%dma_wait3A_1619 : memref<128x128xf32, #tpu.memory_space<hbm>>) dst(%arg8 : memref<128x128xf32, #tpu.memory_space<vmem>>)
    } else {
    }
    %lt3A_1474 = arith.constant 31 : i32
    %lt3A_1475 = arith.cmpi slt, %add3A, %lt3A_1474 : i32
    %or3A_1476 = arith.constant false
    %or3A_1477 = arith.ori %lt3A_1475, %or3A_1476 : i1
    %convert_element_type3A_1478 = arith.extui %or3A_1477 : i1 to i32
    %cond3A_1479 = arith.constant 0 : i32
    %cond3A_1480 = arith.cmpi ne, %convert_element_type3A_1478, %cond3A_1479 : i32
    scf.if %cond3A_1480 {
      %dma_start3A_1603 = arith.constant 2 : i32
      %dma_start3A_1604 = arith.constant 0 : i32
      %dma_start3A_1605 = tpu.memref_slice %arg5[%dma_start3A_1603, %dma_start3A_1604] : memref<6x128xi32, #tpu.memory_space<vmem>> -> memref<1x128xi32, #tpu.memory_space<vmem>>
      %dma_start3A_1606 = tpu.memref_squeeze %dma_start3A_1605 : memref<1x128xi32, #tpu.memory_space<vmem>> -> memref<128xi32, #tpu.memory_space<vmem>>
      %dma_start3A_1607 = arith.constant 0 : i32
      %dma_start3A_1608 = arith.constant 0 : i32
      %dma_start3A_1609 = tpu.memref_slice %arg15[%dma_start3A_1607, %dma_start3A_1608] : memref<256x128xf32, #tpu.memory_space<vmem_shared>> -> memref<256x128xf32, #tpu.memory_space<vmem_shared>>
      tpu.enqueue_indirect_dma source(%arg8 : memref<128x128xf32, #tpu.memory_space<vmem>>) target(%dma_start3A_1609 : memref<256x128xf32, #tpu.memory_space<vmem_shared>>) offsets(%dma_start3A_1606 : memref<128xi32, #tpu.memory_space<vmem>>) semaphore(%arg24 : memref<!tpu.dma_semaphore, #tpu.memory_space<semaphore_mem>>) {add = true}
    } else {
    }
    %lt3A_1481 = arith.constant 31 : i32
    %lt3A_1482 = arith.cmpi slt, %add3A, %lt3A_1481 : i32
    %or3A_1483 = arith.constant false
    %or3A_1484 = arith.ori %lt3A_1482, %or3A_1483 : i1
    %convert_element_type3A_1485 = arith.extui %or3A_1484 : i1 to i32
    %cond3A_1486 = arith.constant 0 : i32
    %cond3A_1487 = arith.cmpi ne, %convert_element_type3A_1485, %cond3A_1486 : i32
    scf.if %cond3A_1487 {
      %dma_wait3A_1603 = arith.constant 0 : i32
      %dma_wait3A_1604 = arith.constant 0 : i32
      %dma_wait3A_1605 = tpu.memref_slice %arg5[%dma_wait3A_1603, %dma_wait3A_1604] : memref<6x128xi32, #tpu.memory_space<vmem>> -> memref<1x128xi32, #tpu.memory_space<vmem>>
      %dma_wait3A_1606 = tpu.memref_squeeze %dma_wait3A_1605 : memref<1x128xi32, #tpu.memory_space<vmem>> -> memref<128xi32, #tpu.memory_space<vmem>>
      %dma_wait3A_1607 = arith.constant 0 : i32
      %dma_wait3A_1608 = arith.constant 0 : i32
      %dma_wait3A_1609 = tpu.memref_slice %arg15[%dma_wait3A_1607, %dma_wait3A_1608] : memref<256x128xf32, #tpu.memory_space<vmem_shared>> -> memref<256x128xf32, #tpu.memory_space<vmem_shared>>
      tpu.wait_indirect_dma semaphore(%arg22 : memref<!tpu.dma_semaphore, #tpu.memory_space<semaphore_mem>>) src(%arg6 : memref<128x128xf32, #tpu.memory_space<vmem>>) dst(%dma_wait3A_1609 : memref<256x128xf32, #tpu.memory_space<vmem_shared>>)
    } else {
    }
    %lt3A_1488 = arith.constant 31 : i32
    %lt3A_1489 = arith.cmpi slt, %add3A, %lt3A_1488 : i32
    %or3A_1490 = arith.constant false
    %or3A_1491 = arith.ori %lt3A_1489, %or3A_1490 : i1
    %convert_element_type3A_1492 = arith.extui %or3A_1491 : i1 to i32
    %cond3A_1493 = arith.constant 0 : i32
    %cond3A_1494 = arith.cmpi ne, %convert_element_type3A_1492, %cond3A_1493 : i32
    scf.if %cond3A_1494 {
      %add3A_1603 = arith.constant 3072 : i32
      %add3A_1604 = arith.addi %mul3A_4, %add3A_1603 : i32
      %dma_start3A_1605 = arith.constant 0 : i32
      %dma_start3A_1606 = arith.constant 0 : i32
      %dma_start3A_1607 = tpu.memref_slice %arg5[%dma_start3A_1605, %dma_start3A_1606] : memref<6x128xi32, #tpu.memory_space<vmem>> -> memref<1x128xi32, #tpu.memory_space<vmem>>
      %dma_start3A_1608 = tpu.memref_squeeze %dma_start3A_1607 : memref<1x128xi32, #tpu.memory_space<vmem>> -> memref<128xi32, #tpu.memory_space<vmem>>
      %dma_start3A_1609 = tpu.memref_slice %arg3[%add3A_1604] : memref<100000xi32, #tpu.memory_space<hbm>> -> memref<128xi32, #tpu.memory_space<hbm>>
      %dma_start3A_1610 = arith.constant 0 : i32
      %dma_start3A_1611 = tpu.memref_slice %arg5[%dma_start3A_1605, %dma_start3A_1610] : memref<6x128xi32, #tpu.memory_space<vmem>> -> memref<1x128xi32, #tpu.memory_space<vmem>>
      %dma_start3A_1612 = tpu.memref_squeeze %dma_start3A_1611 : memref<1x128xi32, #tpu.memory_space<vmem>> -> memref<128xi32, #tpu.memory_space<vmem>>
      %dma_start3A_1613 = tpu.memref_slice %arg3[%add3A_1604] : memref<100000xi32, #tpu.memory_space<hbm>> -> memref<128xi32, #tpu.memory_space<hbm>>
      tpu.enqueue_dma source(%dma_start3A_1613 : memref<128xi32, #tpu.memory_space<hbm>>) target(%dma_start3A_1612 : memref<128xi32, #tpu.memory_space<vmem>>) target_semaphore(%arg16 : memref<!tpu.dma_semaphore, #tpu.memory_space<semaphore_mem>>)
      %add3A_1614 = arith.constant 3072 : i32
      %add3A_1615 = arith.addi %mul3A_4, %add3A_1614 : i32
      %dma_start3A_1616 = arith.constant 0 : i32
      %dma_start3A_1617 = tpu.memref_slice %arg2[%add3A_1615, %dma_start3A_1616] : memref<100000x128xf32, #tpu.memory_space<hbm>> -> memref<128x128xf32, #tpu.memory_space<hbm>>
      %dma_start3A_1618 = arith.constant 0 : i32
      %dma_start3A_1619 = tpu.memref_slice %arg2[%add3A_1615, %dma_start3A_1618] : memref<100000x128xf32, #tpu.memory_space<hbm>> -> memref<128x128xf32, #tpu.memory_space<hbm>>
      tpu.enqueue_dma source(%dma_start3A_1619 : memref<128x128xf32, #tpu.memory_space<hbm>>) target(%arg6 : memref<128x128xf32, #tpu.memory_space<vmem>>) target_semaphore(%arg16 : memref<!tpu.dma_semaphore, #tpu.memory_space<semaphore_mem>>)
    } else {
    }
    %lt3A_1495 = arith.constant 31 : i32
    %lt3A_1496 = arith.cmpi slt, %add3A, %lt3A_1495 : i32
    %or3A_1497 = arith.constant false
    %or3A_1498 = arith.ori %lt3A_1496, %or3A_1497 : i1
    %convert_element_type3A_1499 = arith.extui %or3A_1498 : i1 to i32
    %cond3A_1500 = arith.constant 0 : i32
    %cond3A_1501 = arith.cmpi ne, %convert_element_type3A_1499, %cond3A_1500 : i32
    scf.if %cond3A_1501 {
      %add3A_1603 = arith.constant 2688 : i32
      %add3A_1604 = arith.addi %mul3A_4, %add3A_1603 : i32
      %dma_wait3A_1605 = arith.constant 3 : i32
      %dma_wait3A_1606 = arith.constant 0 : i32
      %dma_wait3A_1607 = tpu.memref_slice %arg5[%dma_wait3A_1605, %dma_wait3A_1606] : memref<6x128xi32, #tpu.memory_space<vmem>> -> memref<1x128xi32, #tpu.memory_space<vmem>>
      %dma_wait3A_1608 = tpu.memref_squeeze %dma_wait3A_1607 : memref<1x128xi32, #tpu.memory_space<vmem>> -> memref<128xi32, #tpu.memory_space<vmem>>
      %dma_wait3A_1609 = tpu.memref_slice %arg3[%add3A_1604] : memref<100000xi32, #tpu.memory_space<hbm>> -> memref<128xi32, #tpu.memory_space<hbm>>
      %dma_wait3A_1610 = arith.constant 0 : i32
      %dma_wait3A_1611 = tpu.memref_slice %arg5[%dma_wait3A_1605, %dma_wait3A_1610] : memref<6x128xi32, #tpu.memory_space<vmem>> -> memref<1x128xi32, #tpu.memory_space<vmem>>
      %dma_wait3A_1612 = tpu.memref_squeeze %dma_wait3A_1611 : memref<1x128xi32, #tpu.memory_space<vmem>> -> memref<128xi32, #tpu.memory_space<vmem>>
      %dma_wait3A_1613 = tpu.memref_slice %arg3[%add3A_1604] : memref<100000xi32, #tpu.memory_space<hbm>> -> memref<128xi32, #tpu.memory_space<hbm>>
      tpu.wait_dma2 semaphore(%arg19 : memref<!tpu.dma_semaphore, #tpu.memory_space<semaphore_mem>>) src(%dma_wait3A_1613 : memref<128xi32, #tpu.memory_space<hbm>>) dst(%dma_wait3A_1612 : memref<128xi32, #tpu.memory_space<vmem>>)
      %add3A_1614 = arith.constant 2688 : i32
      %add3A_1615 = arith.addi %mul3A_4, %add3A_1614 : i32
      %dma_wait3A_1616 = arith.constant 0 : i32
      %dma_wait3A_1617 = tpu.memref_slice %arg2[%add3A_1615, %dma_wait3A_1616] : memref<100000x128xf32, #tpu.memory_space<hbm>> -> memref<128x128xf32, #tpu.memory_space<hbm>>
      %dma_wait3A_1618 = arith.constant 0 : i32
      %dma_wait3A_1619 = tpu.memref_slice %arg2[%add3A_1615, %dma_wait3A_1618] : memref<100000x128xf32, #tpu.memory_space<hbm>> -> memref<128x128xf32, #tpu.memory_space<hbm>>
      tpu.wait_dma2 semaphore(%arg19 : memref<!tpu.dma_semaphore, #tpu.memory_space<semaphore_mem>>) src(%dma_wait3A_1619 : memref<128x128xf32, #tpu.memory_space<hbm>>) dst(%arg9 : memref<128x128xf32, #tpu.memory_space<vmem>>)
    } else {
    }
    %lt3A_1502 = arith.constant 31 : i32
    %lt3A_1503 = arith.cmpi slt, %add3A, %lt3A_1502 : i32
    %or3A_1504 = arith.constant false
    %or3A_1505 = arith.ori %lt3A_1503, %or3A_1504 : i1
    %convert_element_type3A_1506 = arith.extui %or3A_1505 : i1 to i32
    %cond3A_1507 = arith.constant 0 : i32
    %cond3A_1508 = arith.cmpi ne, %convert_element_type3A_1506, %cond3A_1507 : i32
    scf.if %cond3A_1508 {
      %dma_start3A_1603 = arith.constant 3 : i32
      %dma_start3A_1604 = arith.constant 0 : i32
      %dma_start3A_1605 = tpu.memref_slice %arg5[%dma_start3A_1603, %dma_start3A_1604] : memref<6x128xi32, #tpu.memory_space<vmem>> -> memref<1x128xi32, #tpu.memory_space<vmem>>
      %dma_start3A_1606 = tpu.memref_squeeze %dma_start3A_1605 : memref<1x128xi32, #tpu.memory_space<vmem>> -> memref<128xi32, #tpu.memory_space<vmem>>
      %dma_start3A_1607 = arith.constant 0 : i32
      %dma_start3A_1608 = arith.constant 0 : i32
      %dma_start3A_1609 = tpu.memref_slice %arg15[%dma_start3A_1607, %dma_start3A_1608] : memref<256x128xf32, #tpu.memory_space<vmem_shared>> -> memref<256x128xf32, #tpu.memory_space<vmem_shared>>
      tpu.enqueue_indirect_dma source(%arg9 : memref<128x128xf32, #tpu.memory_space<vmem>>) target(%dma_start3A_1609 : memref<256x128xf32, #tpu.memory_space<vmem_shared>>) offsets(%dma_start3A_1606 : memref<128xi32, #tpu.memory_space<vmem>>) semaphore(%arg25 : memref<!tpu.dma_semaphore, #tpu.memory_space<semaphore_mem>>) {add = true}
    } else {
    }
    %lt3A_1509 = arith.constant 31 : i32
    %lt3A_1510 = arith.cmpi slt, %add3A, %lt3A_1509 : i32
    %or3A_1511 = arith.constant false
    %or3A_1512 = arith.ori %lt3A_1510, %or3A_1511 : i1
    %convert_element_type3A_1513 = arith.extui %or3A_1512 : i1 to i32
    %cond3A_1514 = arith.constant 0 : i32
    %cond3A_1515 = arith.cmpi ne, %convert_element_type3A_1513, %cond3A_1514 : i32
    scf.if %cond3A_1515 {
      %add3A_1603 = arith.constant 2816 : i32
      %add3A_1604 = arith.addi %mul3A_4, %add3A_1603 : i32
      %dma_wait3A_1605 = arith.constant 4 : i32
      %dma_wait3A_1606 = arith.constant 0 : i32
      %dma_wait3A_1607 = tpu.memref_slice %arg5[%dma_wait3A_1605, %dma_wait3A_1606] : memref<6x128xi32, #tpu.memory_space<vmem>> -> memref<1x128xi32, #tpu.memory_space<vmem>>
      %dma_wait3A_1608 = tpu.memref_squeeze %dma_wait3A_1607 : memref<1x128xi32, #tpu.memory_space<vmem>> -> memref<128xi32, #tpu.memory_space<vmem>>
      %dma_wait3A_1609 = tpu.memref_slice %arg3[%add3A_1604] : memref<100000xi32, #tpu.memory_space<hbm>> -> memref<128xi32, #tpu.memory_space<hbm>>
      %dma_wait3A_1610 = arith.constant 0 : i32
      %dma_wait3A_1611 = tpu.memref_slice %arg5[%dma_wait3A_1605, %dma_wait3A_1610] : memref<6x128xi32, #tpu.memory_space<vmem>> -> memref<1x128xi32, #tpu.memory_space<vmem>>
      %dma_wait3A_1612 = tpu.memref_squeeze %dma_wait3A_1611 : memref<1x128xi32, #tpu.memory_space<vmem>> -> memref<128xi32, #tpu.memory_space<vmem>>
      %dma_wait3A_1613 = tpu.memref_slice %arg3[%add3A_1604] : memref<100000xi32, #tpu.memory_space<hbm>> -> memref<128xi32, #tpu.memory_space<hbm>>
      tpu.wait_dma2 semaphore(%arg20 : memref<!tpu.dma_semaphore, #tpu.memory_space<semaphore_mem>>) src(%dma_wait3A_1613 : memref<128xi32, #tpu.memory_space<hbm>>) dst(%dma_wait3A_1612 : memref<128xi32, #tpu.memory_space<vmem>>)
      %add3A_1614 = arith.constant 2816 : i32
      %add3A_1615 = arith.addi %mul3A_4, %add3A_1614 : i32
      %dma_wait3A_1616 = arith.constant 0 : i32
      %dma_wait3A_1617 = tpu.memref_slice %arg2[%add3A_1615, %dma_wait3A_1616] : memref<100000x128xf32, #tpu.memory_space<hbm>> -> memref<128x128xf32, #tpu.memory_space<hbm>>
      %dma_wait3A_1618 = arith.constant 0 : i32
      %dma_wait3A_1619 = tpu.memref_slice %arg2[%add3A_1615, %dma_wait3A_1618] : memref<100000x128xf32, #tpu.memory_space<hbm>> -> memref<128x128xf32, #tpu.memory_space<hbm>>
      tpu.wait_dma2 semaphore(%arg20 : memref<!tpu.dma_semaphore, #tpu.memory_space<semaphore_mem>>) src(%dma_wait3A_1619 : memref<128x128xf32, #tpu.memory_space<hbm>>) dst(%arg10 : memref<128x128xf32, #tpu.memory_space<vmem>>)
    } else {
    }
    %lt3A_1516 = arith.constant 31 : i32
    %lt3A_1517 = arith.cmpi slt, %add3A, %lt3A_1516 : i32
    %or3A_1518 = arith.constant false
    %or3A_1519 = arith.ori %lt3A_1517, %or3A_1518 : i1
    %convert_element_type3A_1520 = arith.extui %or3A_1519 : i1 to i32
    %cond3A_1521 = arith.constant 0 : i32
    %cond3A_1522 = arith.cmpi ne, %convert_element_type3A_1520, %cond3A_1521 : i32
    scf.if %cond3A_1522 {
      %dma_start3A_1603 = arith.constant 4 : i32
      %dma_start3A_1604 = arith.constant 0 : i32
      %dma_start3A_1605 = tpu.memref_slice %arg5[%dma_start3A_1603, %dma_start3A_1604] : memref<6x128xi32, #tpu.memory_space<vmem>> -> memref<1x128xi32, #tpu.memory_space<vmem>>
      %dma_start3A_1606 = tpu.memref_squeeze %dma_start3A_1605 : memref<1x128xi32, #tpu.memory_space<vmem>> -> memref<128xi32, #tpu.memory_space<vmem>>
      %dma_start3A_1607 = arith.constant 0 : i32
      %dma_start3A_1608 = arith.constant 0 : i32
      %dma_start3A_1609 = tpu.memref_slice %arg15[%dma_start3A_1607, %dma_start3A_1608] : memref<256x128xf32, #tpu.memory_space<vmem_shared>> -> memref<256x128xf32, #tpu.memory_space<vmem_shared>>
      tpu.enqueue_indirect_dma source(%arg10 : memref<128x128xf32, #tpu.memory_space<vmem>>) target(%dma_start3A_1609 : memref<256x128xf32, #tpu.memory_space<vmem_shared>>) offsets(%dma_start3A_1606 : memref<128xi32, #tpu.memory_space<vmem>>) semaphore(%arg26 : memref<!tpu.dma_semaphore, #tpu.memory_space<semaphore_mem>>) {add = true}
    } else {
    }
    %lt3A_1523 = arith.constant 31 : i32
    %lt3A_1524 = arith.cmpi slt, %add3A, %lt3A_1523 : i32
    %or3A_1525 = arith.constant false
    %or3A_1526 = arith.ori %lt3A_1524, %or3A_1525 : i1
    %convert_element_type3A_1527 = arith.extui %or3A_1526 : i1 to i32
    %cond3A_1528 = arith.constant 0 : i32
    %cond3A_1529 = arith.cmpi ne, %convert_element_type3A_1527, %cond3A_1528 : i32
    scf.if %cond3A_1529 {
      %add3A_1603 = arith.constant 2944 : i32
      %add3A_1604 = arith.addi %mul3A_4, %add3A_1603 : i32
      %dma_wait3A_1605 = arith.constant 5 : i32
      %dma_wait3A_1606 = arith.constant 0 : i32
      %dma_wait3A_1607 = tpu.memref_slice %arg5[%dma_wait3A_1605, %dma_wait3A_1606] : memref<6x128xi32, #tpu.memory_space<vmem>> -> memref<1x128xi32, #tpu.memory_space<vmem>>
      %dma_wait3A_1608 = tpu.memref_squeeze %dma_wait3A_1607 : memref<1x128xi32, #tpu.memory_space<vmem>> -> memref<128xi32, #tpu.memory_space<vmem>>
      %dma_wait3A_1609 = tpu.memref_slice %arg3[%add3A_1604] : memref<100000xi32, #tpu.memory_space<hbm>> -> memref<128xi32, #tpu.memory_space<hbm>>
      %dma_wait3A_1610 = arith.constant 0 : i32
      %dma_wait3A_1611 = tpu.memref_slice %arg5[%dma_wait3A_1605, %dma_wait3A_1610] : memref<6x128xi32, #tpu.memory_space<vmem>> -> memref<1x128xi32, #tpu.memory_space<vmem>>
      %dma_wait3A_1612 = tpu.memref_squeeze %dma_wait3A_1611 : memref<1x128xi32, #tpu.memory_space<vmem>> -> memref<128xi32, #tpu.memory_space<vmem>>
      %dma_wait3A_1613 = tpu.memref_slice %arg3[%add3A_1604] : memref<100000xi32, #tpu.memory_space<hbm>> -> memref<128xi32, #tpu.memory_space<hbm>>
      tpu.wait_dma2 semaphore(%arg21 : memref<!tpu.dma_semaphore, #tpu.memory_space<semaphore_mem>>) src(%dma_wait3A_1613 : memref<128xi32, #tpu.memory_space<hbm>>) dst(%dma_wait3A_1612 : memref<128xi32, #tpu.memory_space<vmem>>)
      %add3A_1614 = arith.constant 2944 : i32
      %add3A_1615 = arith.addi %mul3A_4, %add3A_1614 : i32
      %dma_wait3A_1616 = arith.constant 0 : i32
      %dma_wait3A_1617 = tpu.memref_slice %arg2[%add3A_1615, %dma_wait3A_1616] : memref<100000x128xf32, #tpu.memory_space<hbm>> -> memref<128x128xf32, #tpu.memory_space<hbm>>
      %dma_wait3A_1618 = arith.constant 0 : i32
      %dma_wait3A_1619 = tpu.memref_slice %arg2[%add3A_1615, %dma_wait3A_1618] : memref<100000x128xf32, #tpu.memory_space<hbm>> -> memref<128x128xf32, #tpu.memory_space<hbm>>
      tpu.wait_dma2 semaphore(%arg21 : memref<!tpu.dma_semaphore, #tpu.memory_space<semaphore_mem>>) src(%dma_wait3A_1619 : memref<128x128xf32, #tpu.memory_space<hbm>>) dst(%arg11 : memref<128x128xf32, #tpu.memory_space<vmem>>)
    } else {
    }
    %lt3A_1530 = arith.constant 31 : i32
    %lt3A_1531 = arith.cmpi slt, %add3A, %lt3A_1530 : i32
    %or3A_1532 = arith.constant false
    %or3A_1533 = arith.ori %lt3A_1531, %or3A_1532 : i1
    %convert_element_type3A_1534 = arith.extui %or3A_1533 : i1 to i32
    %cond3A_1535 = arith.constant 0 : i32
    %cond3A_1536 = arith.cmpi ne, %convert_element_type3A_1534, %cond3A_1535 : i32
    scf.if %cond3A_1536 {
      %dma_start3A_1603 = arith.constant 5 : i32
      %dma_start3A_1604 = arith.constant 0 : i32
      %dma_start3A_1605 = tpu.memref_slice %arg5[%dma_start3A_1603, %dma_start3A_1604] : memref<6x128xi32, #tpu.memory_space<vmem>> -> memref<1x128xi32, #tpu.memory_space<vmem>>
      %dma_start3A_1606 = tpu.memref_squeeze %dma_start3A_1605 : memref<1x128xi32, #tpu.memory_space<vmem>> -> memref<128xi32, #tpu.memory_space<vmem>>
      %dma_start3A_1607 = arith.constant 0 : i32
      %dma_start3A_1608 = arith.constant 0 : i32
      %dma_start3A_1609 = tpu.memref_slice %arg15[%dma_start3A_1607, %dma_start3A_1608] : memref<256x128xf32, #tpu.memory_space<vmem_shared>> -> memref<256x128xf32, #tpu.memory_space<vmem_shared>>
      tpu.enqueue_indirect_dma source(%arg11 : memref<128x128xf32, #tpu.memory_space<vmem>>) target(%dma_start3A_1609 : memref<256x128xf32, #tpu.memory_space<vmem_shared>>) offsets(%dma_start3A_1606 : memref<128xi32, #tpu.memory_space<vmem>>) semaphore(%arg27 : memref<!tpu.dma_semaphore, #tpu.memory_space<semaphore_mem>>) {add = true}
    } else {
    }
    %lt3A_1537 = arith.constant 31 : i32
    %lt3A_1538 = arith.cmpi slt, %add3A, %lt3A_1537 : i32
    %or3A_1539 = arith.constant false
    %or3A_1540 = arith.ori %lt3A_1538, %or3A_1539 : i1
    %convert_element_type3A_1541 = arith.extui %or3A_1540 : i1 to i32
    %cond3A_1542 = arith.constant 0 : i32
    %cond3A_1543 = arith.cmpi ne, %convert_element_type3A_1541, %cond3A_1542 : i32
    scf.if %cond3A_1543 {
      %add3A_1603 = arith.constant 3072 : i32
      %add3A_1604 = arith.addi %mul3A_4, %add3A_1603 : i32
      %dma_wait3A_1605 = arith.constant 0 : i32
      %dma_wait3A_1606 = arith.constant 0 : i32
      %dma_wait3A_1607 = tpu.memref_slice %arg5[%dma_wait3A_1605, %dma_wait3A_1606] : memref<6x128xi32, #tpu.memory_space<vmem>> -> memref<1x128xi32, #tpu.memory_space<vmem>>
      %dma_wait3A_1608 = tpu.memref_squeeze %dma_wait3A_1607 : memref<1x128xi32, #tpu.memory_space<vmem>> -> memref<128xi32, #tpu.memory_space<vmem>>
      %dma_wait3A_1609 = tpu.memref_slice %arg3[%add3A_1604] : memref<100000xi32, #tpu.memory_space<hbm>> -> memref<128xi32, #tpu.memory_space<hbm>>
      %dma_wait3A_1610 = arith.constant 0 : i32
      %dma_wait3A_1611 = tpu.memref_slice %arg5[%dma_wait3A_1605, %dma_wait3A_1610] : memref<6x128xi32, #tpu.memory_space<vmem>> -> memref<1x128xi32, #tpu.memory_space<vmem>>
      %dma_wait3A_1612 = tpu.memref_squeeze %dma_wait3A_1611 : memref<1x128xi32, #tpu.memory_space<vmem>> -> memref<128xi32, #tpu.memory_space<vmem>>
      %dma_wait3A_1613 = tpu.memref_slice %arg3[%add3A_1604] : memref<100000xi32, #tpu.memory_space<hbm>> -> memref<128xi32, #tpu.memory_space<hbm>>
      tpu.wait_dma2 semaphore(%arg16 : memref<!tpu.dma_semaphore, #tpu.memory_space<semaphore_mem>>) src(%dma_wait3A_1613 : memref<128xi32, #tpu.memory_space<hbm>>) dst(%dma_wait3A_1612 : memref<128xi32, #tpu.memory_space<vmem>>)
      %add3A_1614 = arith.constant 3072 : i32
      %add3A_1615 = arith.addi %mul3A_4, %add3A_1614 : i32
      %dma_wait3A_1616 = arith.constant 0 : i32
      %dma_wait3A_1617 = tpu.memref_slice %arg2[%add3A_1615, %dma_wait3A_1616] : memref<100000x128xf32, #tpu.memory_space<hbm>> -> memref<128x128xf32, #tpu.memory_space<hbm>>
      %dma_wait3A_1618 = arith.constant 0 : i32
      %dma_wait3A_1619 = tpu.memref_slice %arg2[%add3A_1615, %dma_wait3A_1618] : memref<100000x128xf32, #tpu.memory_space<hbm>> -> memref<128x128xf32, #tpu.memory_space<hbm>>
      tpu.wait_dma2 semaphore(%arg16 : memref<!tpu.dma_semaphore, #tpu.memory_space<semaphore_mem>>) src(%dma_wait3A_1619 : memref<128x128xf32, #tpu.memory_space<hbm>>) dst(%arg6 : memref<128x128xf32, #tpu.memory_space<vmem>>)
    } else {
    }
    %lt3A_1544 = arith.constant 31 : i32
    %lt3A_1545 = arith.cmpi slt, %add3A, %lt3A_1544 : i32
    %or3A_1546 = arith.constant false
    %or3A_1547 = arith.ori %lt3A_1545, %or3A_1546 : i1
    %convert_element_type3A_1548 = arith.extui %or3A_1547 : i1 to i32
    %cond3A_1549 = arith.constant 0 : i32
    %cond3A_1550 = arith.cmpi ne, %convert_element_type3A_1548, %cond3A_1549 : i32
    scf.if %cond3A_1550 {
      %dma_start3A_1603 = arith.constant 0 : i32
      %dma_start3A_1604 = arith.constant 0 : i32
      %dma_start3A_1605 = tpu.memref_slice %arg5[%dma_start3A_1603, %dma_start3A_1604] : memref<6x128xi32, #tpu.memory_space<vmem>> -> memref<1x128xi32, #tpu.memory_space<vmem>>
      %dma_start3A_1606 = tpu.memref_squeeze %dma_start3A_1605 : memref<1x128xi32, #tpu.memory_space<vmem>> -> memref<128xi32, #tpu.memory_space<vmem>>
      %dma_start3A_1607 = arith.constant 0 : i32
      %dma_start3A_1608 = arith.constant 0 : i32
      %dma_start3A_1609 = tpu.memref_slice %arg15[%dma_start3A_1607, %dma_start3A_1608] : memref<256x128xf32, #tpu.memory_space<vmem_shared>> -> memref<256x128xf32, #tpu.memory_space<vmem_shared>>
      tpu.enqueue_indirect_dma source(%arg6 : memref<128x128xf32, #tpu.memory_space<vmem>>) target(%dma_start3A_1609 : memref<256x128xf32, #tpu.memory_space<vmem_shared>>) offsets(%dma_start3A_1606 : memref<128xi32, #tpu.memory_space<vmem>>) semaphore(%arg22 : memref<!tpu.dma_semaphore, #tpu.memory_space<semaphore_mem>>) {add = true}
    } else {
    }
    %lt3A_1551 = arith.constant 31 : i32
    %lt3A_1552 = arith.cmpi slt, %add3A, %lt3A_1551 : i32
    %or3A_1553 = arith.constant false
    %or3A_1554 = arith.ori %lt3A_1552, %or3A_1553 : i1
    %convert_element_type3A_1555 = arith.extui %or3A_1554 : i1 to i32
    %cond3A_1556 = arith.constant 0 : i32
    %cond3A_1557 = arith.cmpi ne, %convert_element_type3A_1555, %cond3A_1556 : i32
    scf.if %cond3A_1557 {
      %dma_wait3A_1603 = arith.constant 1 : i32
      %dma_wait3A_1604 = arith.constant 0 : i32
      %dma_wait3A_1605 = tpu.memref_slice %arg5[%dma_wait3A_1603, %dma_wait3A_1604] : memref<6x128xi32, #tpu.memory_space<vmem>> -> memref<1x128xi32, #tpu.memory_space<vmem>>
      %dma_wait3A_1606 = tpu.memref_squeeze %dma_wait3A_1605 : memref<1x128xi32, #tpu.memory_space<vmem>> -> memref<128xi32, #tpu.memory_space<vmem>>
      %dma_wait3A_1607 = arith.constant 0 : i32
      %dma_wait3A_1608 = arith.constant 0 : i32
      %dma_wait3A_1609 = tpu.memref_slice %arg15[%dma_wait3A_1607, %dma_wait3A_1608] : memref<256x128xf32, #tpu.memory_space<vmem_shared>> -> memref<256x128xf32, #tpu.memory_space<vmem_shared>>
      tpu.wait_indirect_dma semaphore(%arg23 : memref<!tpu.dma_semaphore, #tpu.memory_space<semaphore_mem>>) src(%arg7 : memref<128x128xf32, #tpu.memory_space<vmem>>) dst(%dma_wait3A_1609 : memref<256x128xf32, #tpu.memory_space<vmem_shared>>)
    } else {
    }
    %lt3A_1558 = arith.constant 31 : i32
    %lt3A_1559 = arith.cmpi slt, %add3A, %lt3A_1558 : i32
    %or3A_1560 = arith.constant false
    %or3A_1561 = arith.ori %lt3A_1559, %or3A_1560 : i1
    %convert_element_type3A_1562 = arith.extui %or3A_1561 : i1 to i32
    %cond3A_1563 = arith.constant 0 : i32
    %cond3A_1564 = arith.cmpi ne, %convert_element_type3A_1562, %cond3A_1563 : i32
    scf.if %cond3A_1564 {
      %dma_wait3A_1603 = arith.constant 2 : i32
      %dma_wait3A_1604 = arith.constant 0 : i32
      %dma_wait3A_1605 = tpu.memref_slice %arg5[%dma_wait3A_1603, %dma_wait3A_1604] : memref<6x128xi32, #tpu.memory_space<vmem>> -> memref<1x128xi32, #tpu.memory_space<vmem>>
      %dma_wait3A_1606 = tpu.memref_squeeze %dma_wait3A_1605 : memref<1x128xi32, #tpu.memory_space<vmem>> -> memref<128xi32, #tpu.memory_space<vmem>>
      %dma_wait3A_1607 = arith.constant 0 : i32
      %dma_wait3A_1608 = arith.constant 0 : i32
      %dma_wait3A_1609 = tpu.memref_slice %arg15[%dma_wait3A_1607, %dma_wait3A_1608] : memref<256x128xf32, #tpu.memory_space<vmem_shared>> -> memref<256x128xf32, #tpu.memory_space<vmem_shared>>
      tpu.wait_indirect_dma semaphore(%arg24 : memref<!tpu.dma_semaphore, #tpu.memory_space<semaphore_mem>>) src(%arg8 : memref<128x128xf32, #tpu.memory_space<vmem>>) dst(%dma_wait3A_1609 : memref<256x128xf32, #tpu.memory_space<vmem_shared>>)
    } else {
    }
    %lt3A_1565 = arith.constant 31 : i32
    %lt3A_1566 = arith.cmpi slt, %add3A, %lt3A_1565 : i32
    %or3A_1567 = arith.constant false
    %or3A_1568 = arith.ori %lt3A_1566, %or3A_1567 : i1
    %convert_element_type3A_1569 = arith.extui %or3A_1568 : i1 to i32
    %cond3A_1570 = arith.constant 0 : i32
    %cond3A_1571 = arith.cmpi ne, %convert_element_type3A_1569, %cond3A_1570 : i32
    scf.if %cond3A_1571 {
      %dma_wait3A_1603 = arith.constant 3 : i32
      %dma_wait3A_1604 = arith.constant 0 : i32
      %dma_wait3A_1605 = tpu.memref_slice %arg5[%dma_wait3A_1603, %dma_wait3A_1604] : memref<6x128xi32, #tpu.memory_space<vmem>> -> memref<1x128xi32, #tpu.memory_space<vmem>>
      %dma_wait3A_1606 = tpu.memref_squeeze %dma_wait3A_1605 : memref<1x128xi32, #tpu.memory_space<vmem>> -> memref<128xi32, #tpu.memory_space<vmem>>
      %dma_wait3A_1607 = arith.constant 0 : i32
      %dma_wait3A_1608 = arith.constant 0 : i32
      %dma_wait3A_1609 = tpu.memref_slice %arg15[%dma_wait3A_1607, %dma_wait3A_1608] : memref<256x128xf32, #tpu.memory_space<vmem_shared>> -> memref<256x128xf32, #tpu.memory_space<vmem_shared>>
      tpu.wait_indirect_dma semaphore(%arg25 : memref<!tpu.dma_semaphore, #tpu.memory_space<semaphore_mem>>) src(%arg9 : memref<128x128xf32, #tpu.memory_space<vmem>>) dst(%dma_wait3A_1609 : memref<256x128xf32, #tpu.memory_space<vmem_shared>>)
    } else {
    }
    %lt3A_1572 = arith.constant 31 : i32
    %lt3A_1573 = arith.cmpi slt, %add3A, %lt3A_1572 : i32
    %or3A_1574 = arith.constant false
    %or3A_1575 = arith.ori %lt3A_1573, %or3A_1574 : i1
    %convert_element_type3A_1576 = arith.extui %or3A_1575 : i1 to i32
    %cond3A_1577 = arith.constant 0 : i32
    %cond3A_1578 = arith.cmpi ne, %convert_element_type3A_1576, %cond3A_1577 : i32
    scf.if %cond3A_1578 {
      %dma_wait3A_1603 = arith.constant 4 : i32
      %dma_wait3A_1604 = arith.constant 0 : i32
      %dma_wait3A_1605 = tpu.memref_slice %arg5[%dma_wait3A_1603, %dma_wait3A_1604] : memref<6x128xi32, #tpu.memory_space<vmem>> -> memref<1x128xi32, #tpu.memory_space<vmem>>
      %dma_wait3A_1606 = tpu.memref_squeeze %dma_wait3A_1605 : memref<1x128xi32, #tpu.memory_space<vmem>> -> memref<128xi32, #tpu.memory_space<vmem>>
      %dma_wait3A_1607 = arith.constant 0 : i32
      %dma_wait3A_1608 = arith.constant 0 : i32
      %dma_wait3A_1609 = tpu.memref_slice %arg15[%dma_wait3A_1607, %dma_wait3A_1608] : memref<256x128xf32, #tpu.memory_space<vmem_shared>> -> memref<256x128xf32, #tpu.memory_space<vmem_shared>>
      tpu.wait_indirect_dma semaphore(%arg26 : memref<!tpu.dma_semaphore, #tpu.memory_space<semaphore_mem>>) src(%arg10 : memref<128x128xf32, #tpu.memory_space<vmem>>) dst(%dma_wait3A_1609 : memref<256x128xf32, #tpu.memory_space<vmem_shared>>)
    } else {
    }
    %lt3A_1579 = arith.constant 31 : i32
    %lt3A_1580 = arith.cmpi slt, %add3A, %lt3A_1579 : i32
    %or3A_1581 = arith.constant false
    %or3A_1582 = arith.ori %lt3A_1580, %or3A_1581 : i1
    %convert_element_type3A_1583 = arith.extui %or3A_1582 : i1 to i32
    %cond3A_1584 = arith.constant 0 : i32
    %cond3A_1585 = arith.cmpi ne, %convert_element_type3A_1583, %cond3A_1584 : i32
    scf.if %cond3A_1585 {
      %dma_wait3A_1603 = arith.constant 5 : i32
      %dma_wait3A_1604 = arith.constant 0 : i32
      %dma_wait3A_1605 = tpu.memref_slice %arg5[%dma_wait3A_1603, %dma_wait3A_1604] : memref<6x128xi32, #tpu.memory_space<vmem>> -> memref<1x128xi32, #tpu.memory_space<vmem>>
      %dma_wait3A_1606 = tpu.memref_squeeze %dma_wait3A_1605 : memref<1x128xi32, #tpu.memory_space<vmem>> -> memref<128xi32, #tpu.memory_space<vmem>>
      %dma_wait3A_1607 = arith.constant 0 : i32
      %dma_wait3A_1608 = arith.constant 0 : i32
      %dma_wait3A_1609 = tpu.memref_slice %arg15[%dma_wait3A_1607, %dma_wait3A_1608] : memref<256x128xf32, #tpu.memory_space<vmem_shared>> -> memref<256x128xf32, #tpu.memory_space<vmem_shared>>
      tpu.wait_indirect_dma semaphore(%arg27 : memref<!tpu.dma_semaphore, #tpu.memory_space<semaphore_mem>>) src(%arg11 : memref<128x128xf32, #tpu.memory_space<vmem>>) dst(%dma_wait3A_1609 : memref<256x128xf32, #tpu.memory_space<vmem_shared>>)
    } else {
    }
    %lt3A_1586 = arith.constant 31 : i32
    %lt3A_1587 = arith.cmpi slt, %add3A, %lt3A_1586 : i32
    %or3A_1588 = arith.constant false
    %or3A_1589 = arith.ori %lt3A_1587, %or3A_1588 : i1
    %convert_element_type3A_1590 = arith.extui %or3A_1589 : i1 to i32
    %cond3A_1591 = arith.constant 0 : i32
    %cond3A_1592 = arith.cmpi ne, %convert_element_type3A_1590, %cond3A_1591 : i32
    scf.if %cond3A_1592 {
      %dma_wait3A_1603 = arith.constant 0 : i32
      %dma_wait3A_1604 = arith.constant 0 : i32
      %dma_wait3A_1605 = tpu.memref_slice %arg5[%dma_wait3A_1603, %dma_wait3A_1604] : memref<6x128xi32, #tpu.memory_space<vmem>> -> memref<1x128xi32, #tpu.memory_space<vmem>>
      %dma_wait3A_1606 = tpu.memref_squeeze %dma_wait3A_1605 : memref<1x128xi32, #tpu.memory_space<vmem>> -> memref<128xi32, #tpu.memory_space<vmem>>
      %dma_wait3A_1607 = arith.constant 0 : i32
      %dma_wait3A_1608 = arith.constant 0 : i32
      %dma_wait3A_1609 = tpu.memref_slice %arg15[%dma_wait3A_1607, %dma_wait3A_1608] : memref<256x128xf32, #tpu.memory_space<vmem_shared>> -> memref<256x128xf32, #tpu.memory_space<vmem_shared>>
      tpu.wait_indirect_dma semaphore(%arg22 : memref<!tpu.dma_semaphore, #tpu.memory_space<semaphore_mem>>) src(%arg6 : memref<128x128xf32, #tpu.memory_space<vmem>>) dst(%dma_wait3A_1609 : memref<256x128xf32, #tpu.memory_space<vmem_shared>>)
    } else {
    }
    %eq3A_1593 = arith.constant 31 : i32
    %eq3A_1594 = arith.cmpi eq, %add3A, %eq3A_1593 : i32
    %convert_element_type3A_1595 = arith.extui %eq3A_1594 : i1 to i32
    %cond3A_1596 = arith.constant 0 : i32
    %cond3A_1597 = arith.cmpi ne, %convert_element_type3A_1595, %cond3A_1596 : i32
    scf.if %cond3A_1597 {
      %dma_wait3A_1603 = arith.constant 99968 : i32
      %dma_wait3A_1604 = tpu.memref_slice %arg3[%dma_wait3A_1603] : memref<100000xi32, #tpu.memory_space<hbm>> -> memref<32xi32, #tpu.memory_space<hbm>>
      %dma_wait3A_1605 = arith.constant 99968 : i32
      %dma_wait3A_1606 = tpu.memref_slice %arg3[%dma_wait3A_1605] : memref<100000xi32, #tpu.memory_space<hbm>> -> memref<32xi32, #tpu.memory_space<hbm>>
      tpu.wait_dma2 semaphore(%arg28 : memref<!tpu.dma_semaphore, #tpu.memory_space<semaphore_mem>>) src(%dma_wait3A_1606 : memref<32xi32, #tpu.memory_space<hbm>>) dst(%arg12 : memref<32xi32, #tpu.memory_space<vmem>>)
      %dma_wait3A_1607 = arith.constant 99968 : i32
      %dma_wait3A_1608 = arith.constant 0 : i32
      %dma_wait3A_1609 = tpu.memref_slice %arg2[%dma_wait3A_1607, %dma_wait3A_1608] : memref<100000x128xf32, #tpu.memory_space<hbm>> -> memref<32x128xf32, #tpu.memory_space<hbm>>
      %dma_wait3A_1610 = arith.constant 99968 : i32
      %dma_wait3A_1611 = arith.constant 0 : i32
      %dma_wait3A_1612 = tpu.memref_slice %arg2[%dma_wait3A_1610, %dma_wait3A_1611] : memref<100000x128xf32, #tpu.memory_space<hbm>> -> memref<32x128xf32, #tpu.memory_space<hbm>>
      tpu.wait_dma2 semaphore(%arg28 : memref<!tpu.dma_semaphore, #tpu.memory_space<semaphore_mem>>) src(%dma_wait3A_1612 : memref<32x128xf32, #tpu.memory_space<hbm>>) dst(%arg13 : memref<32x128xf32, #tpu.memory_space<vmem>>)
      "tpu.region"() ({
        %run_scoped3A = tpu.sem_alloc : memref<!tpu.dma_semaphore, #tpu.memory_space<semaphore_mem>>
        %dma_start3A_1613 = arith.constant 0 : i32
        %dma_start3A_1614 = arith.constant 0 : i32
        %dma_start3A_1615 = tpu.memref_slice %arg15[%dma_start3A_1613, %dma_start3A_1614] : memref<256x128xf32, #tpu.memory_space<vmem_shared>> -> memref<256x128xf32, #tpu.memory_space<vmem_shared>>
        tpu.enqueue_indirect_dma source(%arg13 : memref<32x128xf32, #tpu.memory_space<vmem>>) target(%dma_start3A_1615 : memref<256x128xf32, #tpu.memory_space<vmem_shared>>) offsets(%arg12 : memref<32xi32, #tpu.memory_space<vmem>>) semaphore(%run_scoped3A : memref<!tpu.dma_semaphore, #tpu.memory_space<semaphore_mem>>) {add = true}
        %dma_wait3A_1616 = arith.constant 0 : i32
        %dma_wait3A_1617 = arith.constant 0 : i32
        %dma_wait3A_1618 = tpu.memref_slice %arg15[%dma_wait3A_1616, %dma_wait3A_1617] : memref<256x128xf32, #tpu.memory_space<vmem_shared>> -> memref<256x128xf32, #tpu.memory_space<vmem_shared>>
        tpu.wait_indirect_dma semaphore(%run_scoped3A : memref<!tpu.dma_semaphore, #tpu.memory_space<semaphore_mem>>) src(%arg13 : memref<32x128xf32, #tpu.memory_space<vmem>>) dst(%dma_wait3A_1618 : memref<256x128xf32, #tpu.memory_space<vmem_shared>>)
        tpu.yield
      }) : () -> ()
    } else {
    }
    %barrier3A_1598 = arith.constant 0 : index
    tpu.barrier barrier_id(%barrier3A_1598)
    %mul3A_1599 = arith.constant 16 : i32
    %mul3A_1600 = arith.muli %arg1, %mul3A_1599 : i32
    %mul3A_1601 = arith.constant 16 : i32
    %mul3A_1602 = arith.muli %arg1, %mul3A_1601 : i32
    "tpu.region"() ({
      %run_scoped3A = tpu.sem_alloc : memref<!tpu.dma_semaphore, #tpu.memory_space<semaphore_mem>>
      %dma_start3A_1603 = arith.constant 0 : i32
      %dma_start3A_1604 = tpu.memref_slice %arg4[%arg0, %mul3A_1602, %dma_start3A_1603] : memref<2x256x128xf32, #tpu.memory_space<hbm>> -> memref<1x16x128xf32, #tpu.memory_space<hbm>>
      %dma_start3A_1605 = tpu.memref_squeeze %dma_start3A_1604 : memref<1x16x128xf32, #tpu.memory_space<hbm>> -> memref<16x128xf32, #tpu.memory_space<hbm>>
      %dma_start3A_1606 = arith.constant 0 : i32
      %dma_start3A_1607 = tpu.memref_slice %arg15[%mul3A_1600, %dma_start3A_1606] : memref<256x128xf32, #tpu.memory_space<vmem_shared>> -> memref<16x128xf32, #tpu.memory_space<vmem_shared>>
      tpu.enqueue_dma source(%dma_start3A_1607 : memref<16x128xf32, #tpu.memory_space<vmem_shared>>) target(%dma_start3A_1605 : memref<16x128xf32, #tpu.memory_space<hbm>>) target_semaphore(%run_scoped3A : memref<!tpu.dma_semaphore, #tpu.memory_space<semaphore_mem>>)
      %dma_wait3A_1608 = arith.constant 0 : i32
      %dma_wait3A_1609 = tpu.memref_slice %arg4[%arg0, %mul3A_1602, %dma_wait3A_1608] : memref<2x256x128xf32, #tpu.memory_space<hbm>> -> memref<1x16x128xf32, #tpu.memory_space<hbm>>
      %dma_wait3A_1610 = tpu.memref_squeeze %dma_wait3A_1609 : memref<1x16x128xf32, #tpu.memory_space<hbm>> -> memref<16x128xf32, #tpu.memory_space<hbm>>
      %dma_wait3A_1611 = arith.constant 0 : i32
      %dma_wait3A_1612 = tpu.memref_slice %arg15[%mul3A_1600, %dma_wait3A_1611] : memref<256x128xf32, #tpu.memory_space<vmem_shared>> -> memref<16x128xf32, #tpu.memory_space<vmem_shared>>
      tpu.wait_dma2 semaphore(%run_scoped3A : memref<!tpu.dma_semaphore, #tpu.memory_space<semaphore_mem>>) src(%dma_wait3A_1612 : memref<16x128xf32, #tpu.memory_space<vmem_shared>>) dst(%dma_wait3A_1610 : memref<16x128xf32, #tpu.memory_space<hbm>>)
      tpu.yield
    }) : () -> ()
    return
  }
}

module attributes {stable_mosaic.version = 14 : i64} {
  func.func @_combine_body(%arg0: memref<2x256x128xf32, #tpu.memory_space<vmem>>, %arg1: memref<256x128xf32, #tpu.memory_space<vmem>>) attributes {dimension_semantics = [], scalar_prefetch = 0 : i64, scratch_operands = 0 : i64, tpu.core_type = #tpu.core_type<tc>} {
    %get3A = arith.constant 0 : index
    %get3A_0 = arith.constant 0 : index
    %get3A_1 = arith.constant 0 : index
    %get3A_2 = vector.load %arg0[%get3A, %get3A_0, %get3A_1] : memref<2x256x128xf32, #tpu.memory_space<vmem>>, vector<1x256x128xf32>
    %get3A_3 = vector.shape_cast %get3A_2 : vector<1x256x128xf32> to vector<256x128xf32>
    %get3A_4 = arith.constant 1 : index
    %get3A_5 = arith.constant 0 : index
    %get3A_6 = arith.constant 0 : index
    %get3A_7 = vector.load %arg0[%get3A_4, %get3A_5, %get3A_6] : memref<2x256x128xf32, #tpu.memory_space<vmem>>, vector<1x256x128xf32>
    %get3A_8 = vector.shape_cast %get3A_7 : vector<1x256x128xf32> to vector<256x128xf32>
    %add3A = arith.addf %get3A_3, %get3A_8 : vector<256x128xf32>
    %swap3A = arith.constant 0 : index
    %swap3A_9 = arith.constant 0 : index
    %swap3A_10 = vector.load %arg1[%swap3A, %swap3A_9] : memref<256x128xf32, #tpu.memory_space<vmem>>, vector<256x128xf32>
    tpu.vector_store %arg1[%swap3A, %swap3A_9], %add3A {strides = array<i32>} : memref<256x128xf32, #tpu.memory_space<vmem>>, vector<256x128xf32>,
    return
  }
}

</mosaic_0001>

<sc_bundles>
// kernel: kernel.4.cloned.1.call-start
scs
__scs_entry_jumppad:
0x0: {  	(pc) =	sbr.rel $0x88, $3  }
0x1: {  	(tag) =	ssettag $0x0;
	lr =	simm.s32 $0x1  }
0x2: {  	[smem:$0x3F9F] =	sst lr;
	_ =	strace $0xD0000000  }
0x3: {  	_ = 	snop  }
0x4: {  	_ = 	snop  }
0x5: {  	_ = 	snop  }
0x6: {  	_ = 	snop  }
0x7: {  	_ = 	snop  }
__scs_overlays_trampoline_lowered:
0x8: {  	[smem:$0x3FAE] =	sst s0  }
0x9: {  	[smem:$0x3FAF] =	sst s1  }
0xa: {  	[smem:$0x3FB0] =	sst s2  }
0xb: {  	[smem:$0x3FB1] =	sst s3  }
0xc: {  	[smem:$0x3FB2] =	sst s4  }
0xd: {  	[smem:$0x3FB3] =	sst s5  }
0xe: {  	[smem:$0x3FB4] =	sst s6  }
0xf: {  	[smem:$0x3FB5] =	sst s7  }
0x10: {  	[smem:$0x3FB6] =	sst s8  }
0x11: {  	[smem:$0x3FB7] =	sst s9;
	s0 =	simm.s32 @!p0 $0x0  }
0x12: {  	s1 =	sld [smem:$0x3F9D];
	s0 =	simm.s32 @p0 $0x1  }
0x13: {  	[smem:$0x3FB8] =	sst s0;
	s0 =	simm.s32 @!p1 $0x0  }
0x14: {  	s2 =	sld [smem:$0x3F9C];
	s0 =	simm.s32 @p1 $0x1  }
0x15: {  	[smem:$0x3FB9] =	sst s0;
	s0 =	simm.s32 @!p2 $0x0  }
0x16: {  	s3 =	sld [smem:$0x3FDB];
	s0 =	simm.s32 @p2 $0x1  }
0x17: {  	s4 =	simm.s32 $0x1BF5;
	[smem:$0x3FBB] =	sst s0  }
0x18: {  	s0 =	sld [smem:$0x3F9E];
	_ =	swait.ge [sflag:s4], $0x0  }
0x19: {  	s7 =	sld [smem:$0x3F9F]  }
0x1a: {  	s8 =	sadd.s32 $0xFFFFE003, lr  }
0x1b: {  	s9 =	sadd.s32 $0xFFFFFEF7, lr;
	s5 =	simm.s32 $0xFFFFFFFF;
	p2 =	slt.u32 s8, $0xFFFFF086  }
0x1c: {  	p1 =	slt.u32 s9, $0xF7A;
	s5 =	simm.s32 @!p2 $0x0  }
0x1d: {  	s5 =	simm.s32 @p1 $0x1;
	p0 =	seq.s32 s7, s2  }
0x1e: {  	s7 =	smul.u32 @!p0 $0xF7A, s2;
	p2 =	seq.s32 @!p0 s5, $0x0  }
0x1f: {  	s9 =	smul.u32 $0xF7A, s1;
	s8 =	simm.s32 @!p0 $0x1BF5;
	p2 =	por !p2, p0  }
0x20: {  	[sflag:s8] =	ssyncset.s32 @!p0 $0xFFFFF086;
	s6 =	sadd.s32 @!p0 s3, s7;
	s7 =	simm.s32 @!p0 $0x108  }
0x21: {  	s3 =	sadd.s32 s3, s9;
	s6 =	sadd.s32 @!p0 $0x88, s6;
	s7 =	simm.s32 @p2 $0x1082  }
0x22: {  	[simem:s7], [sflag:s8] =	dma.local @!p0 [hbm:s6], $0xF7A  }
0x23: {  	s9 =	sor.u32 $0xD0000000, s2;
	s6 =	simm.s32 $0x108;
	_ =	swait.ge @!p0 [sflag:s8], $0x0  }
0x24: {  	s3 =	sadd.s32 $0x88, s3;
	s6 =	simm.s32 @!p1 $0x1082;
	[sflag:s4] =	ssyncset.s32 $0xFFFFF086  }
0x25: {  	[simem:s6], [sflag:s4] =	dma.local [hbm:s3], $0xF7A  }
0x26: {  	[smem:$0x3F9F] =	sst s1;
	(tag) =	ssettag s2;
	_ =	strace s9  }
0x27: {  	s1 =	sld [smem:$0x3FAF]  }
0x28: {  	s2 =	sld [smem:$0x3FB0]  }
0x29: {  	s4 =	sld [smem:$0x3FB2]  }
0x2a: {  	p0 =	seq.s32 s5, $0x0;
	s5 =	sld [smem:$0x3FB3]  }
0x2b: {  	s6 =	sld [smem:$0x3FB4]  }
0x2c: {  	s7 =	sld [smem:$0x3FB5]  }
0x2d: {  	s3 =	simm.s32 $0x108;
	s8 =	sld [smem:$0x3FB6]  }
0x2e: {  	s3 =	simm.s32 @!p0 $0x1082;
	s9 =	sld [smem:$0x3FB7]  }
0x2f: {  	lr =	sadd.s32 s0, s3;
	s0 =	sld [smem:$0x3FAE]  }
0x30: {  	s3 =	sld [smem:$0x3FB1]  }
0x31: {  	[smem:$0x3FBA] =	sst s10  }
0x32: {  	s10 =	sld [smem:$0x3FB8];
	_ =	sdelay $0x3  }
0x33: {  	p0 =	seq.s32 s10, $0x1;
	s10 =	sld [smem:$0x3FBA];
	_ =	sdelay $0x3  }
0x34: {  	[smem:$0x3FBA] =	sst s10  }
0x35: {  	s10 =	sld [smem:$0x3FB9];
	_ =	sdelay $0x3  }
0x36: {  	p1 =	seq.s32 s10, $0x1;
	s10 =	sld [smem:$0x3FBA];
	_ =	sdelay $0x3  }
0x37: {  	[smem:$0x3FBA] =	sst s10  }
0x38: {  	s10 =	sld [smem:$0x3FBB]  }
0x39: {  	_ = 	snop;
	(pc) =	sbr.ind lr, $3  }
0x3a: {  	_ = 	snop  }
0x3b: {  	_ = 	snop  }
0x3c: {  	p2 =	seq.s32 s10, $0x1;
	s10 =	sld [smem:$0x3FBA]  }
0x3d: {  	_ =	shalt  }
0x3e: {  	_ =	shalt  }
0x3f: {  	_ =	shalt  }
0x40: {  	_ =	shalt  }
0x41: {  	_ =	shalt  }
0x42: {  	_ =	shalt  }
0x43: {  	_ =	shalt  }
0x44: {  	_ =	shalt  }
0x45: {  	_ =	shalt  }
0x46: {  	_ =	shalt  }
0x47: {  	_ =	shalt  }
0x48: {  	_ =	shalt  }
0x49: {  	_ =	shalt  }
0x4a: {  	_ =	shalt  }
0x4b: {  	_ =	shalt  }
0x4c: {  	_ =	shalt  }
0x4d: {  	_ =	shalt  }
0x4e: {  	_ =	shalt  }
0x4f: {  	_ =	shalt  }
0x50: {  	_ =	shalt  }
0x51: {  	_ =	shalt  }
0x52: {  	_ =	shalt  }
0x53: {  	_ =	shalt  }
0x54: {  	_ =	shalt  }
0x55: {  	_ =	shalt  }
0x56: {  	_ =	shalt  }
0x57: {  	_ =	shalt  }
0x58: {  	_ =	shalt  }
0x59: {  	_ =	shalt  }
0x5a: {  	_ =	shalt  }
0x5b: {  	_ =	shalt  }
0x5c: {  	_ =	shalt  }
0x5d: {  	_ =	shalt  }
0x5e: {  	_ =	shalt  }
0x5f: {  	_ =	shalt  }
0x60: {  	_ =	shalt  }
0x61: {  	_ =	shalt  }
0x62: {  	_ =	shalt  }
0x63: {  	_ =	shalt  }
0x64: {  	_ =	shalt  }
0x65: {  	_ =	shalt  }
0x66: {  	_ =	shalt  }
0x67: {  	_ =	shalt  }
0x68: {  	_ =	shalt  }
0x69: {  	_ =	shalt  }
0x6a: {  	_ =	shalt  }
0x6b: {  	_ =	shalt  }
0x6c: {  	_ =	shalt  }
0x6d: {  	_ =	shalt  }
0x6e: {  	_ =	shalt  }
0x6f: {  	_ =	shalt  }
0x70: {  	_ =	shalt  }
0x71: {  	_ =	shalt  }
0x72: {  	_ =	shalt  }
0x73: {  	_ =	shalt  }
0x74: {  	_ =	shalt  }
0x75: {  	_ =	shalt  }
0x76: {  	_ =	shalt  }
0x77: {  	_ =	shalt  }
0x78: {  	_ =	shalt  }
0x79: {  	_ =	shalt  }
0x7a: {  	_ =	shalt  }
0x7b: {  	_ =	shalt  }
0x7c: {  	_ =	shalt  }
0x7d: {  	_ =	shalt  }
0x7e: {  	_ =	shalt  }
0x7f: {  	_ =	shalt  }
0x80: {  	_ =	shalt  }
0x81: {  	_ =	shalt  }
0x82: {  	_ =	shalt  }
0x83: {  	_ =	shalt  }
0x84: {  	_ =	shalt  }
0x85: {  	_ =	shalt  }
0x86: {  	_ =	shalt  }
0x87: {  	_ =	shalt  }
.Lfunc_end0:
.L_simem_size_0:
called_computation_lowered:
.L_overlay_start_0:
0x88: {  	s2 =	sld [smem:$0x3FD9]  }
0x89: {  	s3 =	sld [smem:$0x3FFE];
	_ =	sdelay $0x1  }
0x8a: {  	s1 =	srdreg.scid  }
0x8b: {  	s0 =	sand.u32 $0x1, s1  }
0x8c: {  	s17 =	sshll.u32 s0, $0xA;
	s2 =	sadd.s32 s3, s2  }
0x8d: {  	s2 =	sadd.s32 s2, s17  }
0x8e: {  	[smem:$0x3FC6] =	sst s2  }
0x8f: {  	_ = 	snop  }
0x90: {  	s2 =	sld [smem:$0x3FC9]  }
0x91: {  	s18 =	sld [smem:$0x3FC8];
	(tm) =	ssettm $0x1  }
0x92: {  	s4 =	sld [smem:$0x3FFB];
	_ =	sdelay $0x3  }
0x93: {  	_ =	strace s4  }
0x94: {  	s4 =	sld [smem:$0x3FFC];
	_ =	sdelay $0x3  }
0x95: {  	_ =	strace s4  }
0x96: {  	s4 =	sld [smem:$0x3FFD];
	_ =	sdelay $0x3  }
0x97: {  	_ =	strace s4  }
0x98: {  	_ =	strace $0x8FFFFFFF  }
0x99: {  	s19 =	sld [smem:$0x3FDB];
	_ =	sdelay $0x1  }
0x9a: {  	s5 =	simm.s32 $_scs_section_size  }
0x9b: {  	s6 =	simm.s32 $_size__tile_overlayer_lowered;
	s7 =	simm.s32 $_tile_overlayer_lowered  }
0x9c: {  	s22 =	simm.s32 $0x1BFF;
	s21 =	sshll.u32 s7, $0x1;
	s4 =	sadd.s32 s5, s19  }
0x9d: {  	s8 =	simm.s32 $0x0;
	s20 =	sshll.u32 s6, $0x1;
	s6 =	sadd.s32 s21, s4  }
0x9e: {  	[timem:s8], [sflag:s22] =	dma.local [hbm:s6], s20  }
0x9f: {  	_ =	swait.ge [sflag:s22], s20  }
0xa0: {  	s5 =	ssub.s32 $0x0, s20;
	[sflag:s22] =	ssyncset.done $0x0  }
0xa1: {  	[sflag:s22] =	ssyncadd.s32 s5;
	_ =	sdelay $0x1  }
0xa2: {  	s23 =	simm.s32 $0x1B8B  }
0xa3: {  	_ =	swait.ge [sflag:s23], $0x1  }
0xa4: {  	[sflag:s23] =	ssyncset.done $0x0  }
0xa5: {  	s25 =	simm.s32 $0x1B8E;
	s24 =	sld [smem:$0x3FFE];
	[sflag:s23] =	ssyncadd.s32 $0xFFFFFFFF  }
0xa6: {  	s26 =	simm.s32 $execute0_lowered;
	[smem:$0x3FD2] =	sst s25  }
0xa7: {  	s6 =	sshll.u32 s26, $0x1;
	_ =	strace $0x80000046;
	[dreg:$0x1] =	wrdreg $0xFFFFFFFF  }
0xa8: {  	s28 =	simm.s32 $_size_execute0_lowered;
	s4 =	sadd.s32 s4, s6;
	[dreg:$0x0] =	wrdreg $0x0  }
0xa9: {  	s6 =	sshll.u32 s28, $0x1;
	[dreg:$0x2] =	wrdreg s4  }
0xaa: {  	[dreg:$0x3] =	wrdreg s6  }
0xab: {  	[dreg:$0x4] =	wrdreg $0xC0  }
0xac: {  	_ =	task [dreg:s8], $0x5FFFF  }
0xad: {  	[dreg:$0x1] =	wrdreg $0xFFFFFFFF  }
0xae: {  	[dreg:$0x0] =	wrdreg $0x60  }
0xaf: {  	[dreg:$0x2] =	wrdreg s2  }
0xb0: {  	[dreg:$0x3] =	wrdreg s18  }
0xb1: {  	[dreg:$0x4] =	wrdreg s24  }
0xb2: {  	[dreg:$0x5] =	wrdreg $0x19C800  }
0xb3: {  	[dreg:$0x6] =	wrdreg $0x9  }
0xb4: {  	_ =	task.clear_ibuf [dreg:s8], $0x7FFFF;
	_ =	strace $0x90000046  }
0xb5: {  	s29 =	simm.s32 $0x9;
	_ =	strace $0x80000048  }
0xb6: {  	_ =	swait.ge [sflag:s29], $0x1  }
0xb7: {  	[sflag:s29] =	ssyncadd.s32 $0xFFFFFFFF  }
0xb8: {  	_ =	strace $0x90000048  }
0xb9: {  	_ =	sfence  }
0xba: {  	s30 =	sld [smem:$0x0];
	_ =	sdelay $0x2  }
0xbb: {  	s31 =	sshll.u32 s1, $0xD;
	s1 =	sshrl.u32 s1, $0x2  }
0xbc: {  	s3 =	sand.u32 $0x4000, s31;
	s1 =	sadd.s32 s1, s30  }
0xbd: {  	s0 =	sor.u32 s3, s0;
	s1 =	sshll.u32 s1, $0x11  }
0xbe: {  	s0 =	sor.u32 s1, s0  }
0xbf: {  	s0 =	sadd.s32 $0x8F2B, s0  }
0xc0: {  	[sflag:s0] =	ssyncadd.remote.s32 $0x1  }
0xc1: {  	_ =	sfence.sel $0xFFFF  }
0xc2: {  	[dreg:$0x0] =	wrdreg $0xFFFFFFFF;
	(pc) =	sbr.abs _section_cstart, $3  }
0xc3: {  	[dreg:$0x1] =	wrdreg $0xFFFFFFFF  }
0xc4: {  	_ =	task.clear_ibuf [dreg:s8], $0x2FFFF;
	_ =	strace $0x9FFFFFFF  }
0xc5: {  	(tm) =	ssettm $0x7FFFFFFF  }
tec
execute0_lowered:
.L_overlay_start_1:
0x0: {  	(tag) =	ssettag $0x1  }
0x1: {  	s0 =	rddreg [dreg:$0x0]  }
0x2: {  	s4 =	rddreg [dreg:$0x1]  }
0x3: {  	s1 =	rddreg [dreg:$0x2];
	s3 =	srdreg.scid  }
0x4: {  	s7 =	stileid.u32;
	s2 =	rddreg [dreg:$0x3];
	s5 =	sand.u32 $0x1, s3  }
0x5: {  	s6 =	sshll.u32 s7, $0x1;
	s3 =	simm.s32 $0x0;
	s7 =	sshll.u32 s7, $0x8  }
0x6: {  	s13 =	sor.u32 s5, s6;
	[smem:$0x7FF] =	sst s3;
	s12 =	sadd.s32 s7, s1  }
0x7: {  	s15 =	ssub.s32 $0x2, s5;
	s5 =	sshll.u32 s5, $0xC;
	s6 =	smul.u32 $0xC80, s13  }
0x8: {  	_ =	strace $0x80000047;
	s16 =	sshrl.u32 s15, $0x1;
	s9 =	smul.u32 $0xC800, s13  }
0x9: {  	s5 =	sadd.s32 s5, s12;
	p0 =	sne.s32 s13, $0x1F;
	p1 =	seq.s32 s13, $0x1F  }
0xa: {  	s1 =	ssub.s32 s15, s16;
	s8 =	sshrl.u32 s6, $0x3;
	s18 =	sadd.s32 $0x80, s6  }
0xb: {  	s19 =	sadd.s32 s0, s9;
	s21 =	sadd.s32 $0x100, s6;
	s23 =	sadd.s32 $0x180, s6  }
0xc: {  	s9 =	sadd.s32 $0x280, s6;
	s10 =	sadd.s32 $0x300, s6;
	s12 =	sadd.s32 $0x400, s6  }
0xd: {  	s13 =	sadd.s32 $0x480, s6;
	s17 =	sadd.s32 s4, s8;
	[dreg:$0x6] =	wrdreg s19  }
0xe: {  	s20 =	sshrl.u32 s18, $0x3;
	s7 =	sshll.u32 s18, $0x4;
	s22 =	sshrl.u32 s21, $0x3  }
0xf: {  	s24 =	sshrl.u32 s23, $0x3;
	s25 =	sshrl.u32 s9, $0x3;
	s14 =	sshrl.u32 s10, $0x3  }
0x10: {  	s15 =	sshrl.u32 s12, $0x3;
	[dreg:$0x5] =	wrdreg s17;
	s8 =	sadd.s32 s4, s20  }
0x11: {  	s16 =	sshrl.u32 s13, $0x3;
	s7 =	sadd.s32 s0, s7;
	[dreg:$0x7] =	wrdreg s8  }
0x12: {  	s26 =	sadd.s32 s4, s14;
	s15 =	sadd.s32 s4, s15;
	[dreg:$0x8] =	wrdreg s7  }
0x13: {  	s17 =	sadd.s32 s4, s16;
	s16 =	sadd.s32 $0x600, s6;
	[dreg:$0xe] =	wrdreg s26  }
0x14: {  	s7 =	sshll.u32 s21, $0x4;
	s8 =	sadd.s32 s4, s22;
	[dreg:$0x10] =	wrdreg s15  }
0x15: {  	[dreg:$0x11] =	wrdreg s17;
	s15 =	sadd.s32 $0x580, s6;
	s19 =	sshrl.u32 s16, $0x3  }
0x16: {  	[dreg:$0x9] =	wrdreg s8;
	s7 =	sadd.s32 s0, s7;
	s8 =	sadd.s32 $0x200, s6  }
0x17: {  	s18 =	sshrl.u32 s15, $0x3;
	s20 =	sadd.s32 s4, s19;
	[dreg:$0xa] =	wrdreg s7  }
0x18: {  	s19 =	sadd.s32 $0x780, s6;
	s7 =	sadd.s32 s4, s24;
	[dreg:$0x14] =	wrdreg s20  }
0x19: {  	s11 =	sshrl.u32 s8, $0x3;
	s18 =	sadd.s32 s4, s18;
	[dreg:$0xb] =	wrdreg s7  }
0x1a: {  	s22 =	sshrl.u32 s19, $0x3;
	s11 =	sadd.s32 s4, s11;
	[dreg:$0x13] =	wrdreg s18  }
0x1b: {  	s7 =	sshll.u32 s23, $0x4;
	[dreg:$0xc] =	wrdreg s11;
	s11 =	sadd.s32 s4, s25  }
0x1c: {  	s18 =	sadd.s32 $0x700, s6;
	[dreg:$0xd] =	wrdreg s11;
	s11 =	sadd.s32 $0x380, s6  }
0x1d: {  	s23 =	sadd.s32 s4, s22;
	s22 =	sadd.s32 $0x900, s6;
	s28 =	sshrl.u32 s11, $0x3  }
0x1e: {  	s21 =	sshrl.u32 s18, $0x3;
	[dreg:$0x17] =	wrdreg s23;
	s14 =	sadd.s32 s4, s28  }
0x1f: {  	s25 =	sshrl.u32 s22, $0x3;
	[dreg:$0xf] =	wrdreg s14;
	s14 =	sadd.s32 $0x500, s6  }
0x20: {  	s7 =	sadd.s32 s0, s7;
	s21 =	sadd.s32 s4, s21;
	s17 =	sshrl.u32 s14, $0x3  }
0x21: {  	s26 =	sadd.s32 s4, s25;
	[smem:$0x7E6] =	sst s7;
	s17 =	sadd.s32 s4, s17  }
0x22: {  	s25 =	sadd.s32 $0xA80, s6;
	[dreg:$0x12] =	wrdreg s17;
	s17 =	sadd.s32 $0x680, s6  }
0x23: {  	[dreg:$0x16] =	wrdreg s21;
	s21 =	sadd.s32 $0x880, s6;
	s20 =	sshrl.u32 s17, $0x3  }
0x24: {  	[dreg:$0x1a] =	wrdreg s26;
	s24 =	sshrl.u32 s21, $0x3;
	s20 =	sadd.s32 s4, s20  }
0x25: {  	s24 =	sadd.s32 s4, s24;
	[dreg:$0x15] =	wrdreg s20;
	s20 =	sadd.s32 $0x800, s6  }
0x26: {  	[dreg:$0x19] =	wrdreg s24;
	s24 =	sadd.s32 $0xA00, s6;
	s23 =	sshrl.u32 s20, $0x3  }
0x27: {  	s29 =	sshrl.u32 s25, $0x3;
	s28 =	sshrl.u32 s24, $0x3;
	s23 =	sadd.s32 s4, s23  }
0x28: {  	s28 =	sadd.s32 s4, s28;
	[dreg:$0x18] =	wrdreg s23;
	s23 =	sadd.s32 $0x980, s6  }
0x29: {  	[dreg:$0x1c] =	wrdreg s28;
	s28 =	sadd.s32 s4, s29;
	s26 =	sshrl.u32 s23, $0x3  }
0x2a: {  	s8 =	sshll.u32 s8, $0x4;
	[dreg:$0x1d] =	wrdreg s28;
	s26 =	sadd.s32 s4, s26  }
0x2b: {  	s7 =	sshll.u32 s9, $0x4;
	[dreg:$0x1b] =	wrdreg s26;
	s26 =	sadd.s32 $0xB00, s6  }
0x2c: {  	s28 =	sadd.s32 $0xB80, s6;
	s6 =	sadd.s32 $0xC00, s6;
	s29 =	sshrl.u32 s26, $0x3  }
0x2d: {  	s30 =	sshrl.u32 s28, $0x3;
	s31 =	sshrl.u32 s6, $0x3;
	s29 =	sadd.s32 s4, s29  }
0x2e: {  	s6 =	sshll.u32 s6, $0x4;
	[dreg:$0x1e] =	wrdreg s29;
	s29 =	sadd.s32 s4, s30  }
0x2f: {  	s30 =	simm.s32 $0x400;
	[dreg:$0x1f] =	wrdreg s29;
	s29 =	sadd.s32 s4, s31  }
0x30: {  	s4 =	sadd.s32 $0x30D0, s4;
	s31 =	simm.s32 $0x80;
	[smem:$0x7E4] =	sst s29  }
0x31: {  	[smem:$0x7E5] =	sst s4;
	s4 =	sadd.s32 s0, s8;
	s8 =	sshll.u32 s10, $0x4  }
0x32: {  	s10 =	sshll.u32 s11, $0x4;
	s11 =	sshll.u32 s12, $0x4;
	s12 =	sshll.u32 s13, $0x4  }
0x33: {  	s29 =	smax.u32 s1, $0x1;
	s1 =	simm.s32 $0x4400;
	[smem:$0x7E7] =	sst s4  }
0x34: {  	s4 =	sadd.s32 s0, s7;
	s9 =	sadd.s32 s0, s8;
	s13 =	sadd.s32 s0, s12  }
0x35: {  	s7 =	sshll.u32 s14, $0x4;
	s8 =	sshll.u32 s15, $0x4;
	s12 =	sshll.u32 s18, $0x4  }
0x36: {  	s15 =	sshll.u32 s20, $0x4;
	s20 =	sshll.u32 s24, $0x4;
	[smem:$0x7E8] =	sst s4  }
0x37: {  	s24 =	sshll.u32 s28, $0x4;
	s28 =	sadd.s32 $0x600, s5;
	[smem:$0x7E9] =	sst s9  }
0x38: {  	s5 =	simm.s32 $0x200;
	s4 =	sadd.s32 s0, s10;
	[smem:$0x7EC] =	sst s13  }
0x39: {  	s9 =	sshll.u32 s16, $0x4;
	s13 =	sshll.u32 s19, $0x4;
	s16 =	sshll.u32 s21, $0x4  }
0x3a: {  	s19 =	sshll.u32 s23, $0x4;
	s21 =	sshll.u32 s25, $0x4;
	s23 =	sshll.u32 s26, $0x4  }
0x3b: {  	s25 =	sadd.s32 s0, s6;
	s26 =	stileid.u32;
	[smem:$0x7FD] =	sst s28  }
0x3c: {  	s6 =	simm.s32 $0x10400;
	[smem:$0x7EA] =	sst s4;
	s4 =	sadd.s32 s0, s11  }
0x3d: {  	s10 =	sadd.s32 s0, s9;
	s11 =	sshll.u32 s17, $0x4;
	[smem:$0x7FB] =	sst s25  }
0x3e: {  	s14 =	sadd.s32 s0, s13;
	s17 =	sshll.u32 s22, $0x4;
	[smem:$0x7EB] =	sst s4  }
0x3f: {  	s22 =	sadd.s32 s0, s21;
	s21 =	simm.s32 $0x8400;
	[smem:$0x7EF] =	sst s10  }
0x40: {  	s9 =	simm.s32 $0x14400;
	s13 =	simm.s32 $0x9;
	[smem:$0x7F2] =	sst s14  }
0x41: {  	s4 =	sadd.s32 s0, s7;
	s18 =	sadd.s32 s0, s17;
	[smem:$0x7F8] =	sst s22  }
0x42: {  	s22 =	simm.s32 $0xE;
	s7 =	simm.s32 $0x2;
	[smem:$0x7ED] =	sst s4  }
0x43: {  	s10 =	simm.s32 $0x3;
	s4 =	sadd.s32 s0, s8;
	[smem:$0x7F5] =	sst s18  }
0x44: {  	s14 =	simm.s32 $0x6;
	[smem:$0x7EE] =	sst s4;
	s4 =	sadd.s32 s0, s11  }
0x45: {  	s8 =	simm.s32 $0x280;
	[smem:$0x7F0] =	sst s4;
	s4 =	sadd.s32 s0, s12  }
0x46: {  	s18 =	simm.s32 $0x4;
	[smem:$0x7F1] =	sst s4;
	s4 =	sadd.s32 s0, s15  }
0x47: {  	s11 =	simm.s32 $0x7;
	[smem:$0x7F3] =	sst s4;
	s4 =	sadd.s32 s0, s16  }
0x48: {  	s12 =	simm.s32 $0x5;
	[smem:$0x7F4] =	sst s4;
	s4 =	sadd.s32 s0, s19  }
0x49: {  	s15 =	simm.s32 $0xB;
	[smem:$0x7F6] =	sst s4;
	s4 =	sadd.s32 s0, s20  }
.Ltmp0:
0x4a: {  	[smem:$0x7F7] =	sst s4;
	s4 =	sadd.s32 s0, s23;
	(pc) =	sbr.rel .LBB2_1-.Ltmp0, $4  }
0x4b: {  	s16 =	simm.s32 $0xC;
	[smem:$0x7F9] =	sst s4;
	s4 =	sadd.s32 s0, s24  }
0x4c: {  	s20 =	simm.s32 $0x100;
	s0 =	sadd.s32 $0x186800, s0;
	[smem:$0x7FA] =	sst s4  }
0x4d: {  	s24 =	simm.s32 $0x180;
	s4 =	sshll.u32 s26, $0xB;
	[smem:$0x7FC] =	sst s0  }
0x4e: {  	v0 =	vimm.f32 $0.0e+00;
	s0 =	simm.s32 $0xA;
	s26 =	sadd.s32 s4, s2;
	s4 =	simm.s32 $0x1  }
.LBB2_3:
0x4f: {  	_ =	swait.ge [sflag:s14], $0x80  }
0x50: {  	[sflag:s14] =	ssyncset.done $0x0  }
0x51: {  	[sflag:s14] =	ssyncadd.s32 $0xFFFFFF80  }
0x52: {  	_ =	swait.ge [sflag:s14], $0x4000  }
0x53: {  	[sflag:s14] =	ssyncset.done $0x0  }
0x54: {  	[sflag:s14] =	ssyncadd.s32 $0xFFFFC000  }
0x55: {  	[spmem:s2] =	stream.indirect.scatter.add.f32 [tilespmem:s9], [sflag:$0xC], $0x80, s8, s31, $0xb8;
	[tilespmem:$0x1A480] =	vst v63  }
0x56: {  	_ =	swait.ge [sflag:s0], $0x4000  }
0x57: {  	[sflag:s0] =	ssyncset.done $0x0  }
0x58: {  	[sflag:s0] =	ssyncadd.s32 $0xFFFFC000  }
0x59: {  	_ =	swait.ge [sflag:s15], $0x4000  }
0x5a: {  	[sflag:s15] =	ssyncset.done $0x0  }
0x5b: {  	[sflag:s15] =	ssyncadd.s32 $0xFFFFC000  }
0x5c: {  	_ =	swait.ge [sflag:s16], $0x4000  }
0x5d: {  	[sflag:s16] =	ssyncset.done $0x0  }
0x5e: {  	s1 =	simm.s32 $0xD;
	[sflag:s16] =	ssyncadd.s32 $0xFFFFC000  }
0x5f: {  	_ =	swait.ge [sflag:s1], $0x20  }
0x60: {  	[sflag:s1] =	ssyncset.done $0x0  }
0x61: {  	[sflag:s1] =	ssyncadd.s32 $0xFFFFFFE0  }
0x62: {  	_ =	swait.ge [sflag:s1], $0x1000  }
0x63: {  	s28 =	simm.s32 $0x20;
	[sflag:s1] =	ssyncset.done $0x0  }
0x64: {  	s17 =	simm.s32 $0x18400;
	s19 =	simm.s32 $0x18480;
	[sflag:s1] =	ssyncadd.s32 $0xFFFFF000  }
0x65: {  	[spmem:s2] =	stream.indirect.scatter.add.f32 [tilespmem:s19], [sflag:$0xE], $0x80, s17, s28, $0xb8;
	[tilespmem:$0x1A480] =	vst v63  }
0x66: {  	_ =	swait.ge [sflag:s22], $0x1000  }
0x67: {  	[sflag:s22] =	ssyncset.done $0x0  }
0x68: {  	s1 =	simm.s32 $0x4400;
	[sflag:s22] =	ssyncadd.s32 $0xFFFFF000  }
.LBB2_4:
0x69: {  	[bflag:$0x0] =	sbarrier.arrive $0xFFFF  }
0x6a: {  	s17 =	stileid.u32;
	s29 =	sadd.s32 $0xFFFFFFFF, s29;
	s28 =	sld [smem:$0x7FD]  }
0x6b: {  	s17 =	sshll.u32 s17, $0x6;
	p2 =	sne.s32 s29, $0x0  }
.Ltmp1:
0x6c: {  	s25 =	sshrl.u32 s23, $0x3;
	s17 =	sor.u32 $0x1C0E, s17;
	(pc) =	sbr.rel @!p2 .LBB2_5-.Ltmp1, $4  }
0x6d: {  	[hbm:s28], [sflag:s17] =	dma.local [spmem:s25], $0x100  }
0x6e: {  	_ =	swait.ge [sflag:s22], $0x100  }
0x6f: {  	[sflag:s22] =	ssyncset.done $0x0  }
0x70: {  	s26 =	smov.u32 s23;
	[sflag:s22] =	ssyncadd.s32 $0xFFFFFF00  }
.LBB2_1:
0x71: {  	s17 =	rddreg [dreg:$0x5]  }
0x72: {  	s28 =	rddreg [dreg:$0x6]  }
0x73: {  	[tilespmem:s3], [sflag:$0x1] =	stream.linear.gather [hbm4b:s17+s3], $0x80, $0x38;
	[tilespmem:$0x1A480] =	vst v63  }
0x74: {  	s19 =	rddreg [dreg:$0x7]  }
0x75: {  	[tilespmem:s30], [sflag:$0x1] =	stream.linear.gather [hbm4b:s28+s3], $0x4000, $0x38;
	[tilespmem:$0x1A480] =	vst v63  }
0x76: {  	s23 =	rddreg [dreg:$0x8]  }
0x77: {  	[tilespmem:s31], [sflag:$0x2] =	stream.linear.gather [hbm4b:s19+s3], $0x80, $0x38;
	[tilespmem:$0x1A480] =	vst v63  }
0x78: {  	s25 =	rddreg [dreg:$0x9]  }
0x79: {  	[tilespmem:s1], [sflag:$0x2] =	stream.linear.gather [hbm4b:s23+s3], $0x4000, $0x38;
	[tilespmem:$0x1A480] =	vst v63  }
0x7a: {  	s17 =	sld [smem:$0x7E5]  }
0x7b: {  	[tilespmem:s20], [sflag:$0x3] =	stream.linear.gather [hbm4b:s25+s3], $0x80, $0x38;
	[tilespmem:$0x1A480] =	vst v63  }
0x7c: {  	s28 =	rddreg [dreg:$0xa]  }
0x7d: {  	[tilespmem:s21], [sflag:$0x3] =	stream.linear.gather [hbm4b:s28+s3], $0x4000, $0x38;
	[tilespmem:$0x1A480] =	vst v63  }
0x7e: {  	s25 =	simm.s32 @!p0 $0x0;
	s28 =	simm.s32 @!p0 $0x18400  }
0x7f: {  	[tilespmem:s28], [sflag:$0xD] =	stream.linear.gather @!p0 [hbm4b:s17+s25], $0x20, $0x38;
	[tilespmem:$0x1A480] =	vst v63  }
0x80: {  	s17 =	sld [smem:$0x7FC];
	_ =	sdelay $0x1  }
0x81: {  	s28 =	simm.s32 @!p0 $0x18480  }
0x82: {  	[tilespmem:s28], [sflag:$0xD] =	stream.linear.gather @!p0 [hbm4b:s17+s25], $0x1000, $0x38;
	[tilespmem:$0x1A480] =	vst v63  }
0x83: {  	[tilespmem:$0x19480] =	vst v0  }
0x84: {  	[tilespmem:$0x19490] =	vst v0  }
0x85: {  	[tilespmem:$0x194A0] =	vst v0  }
0x86: {  	[tilespmem:$0x194B0] =	vst v0  }
0x87: {  	[tilespmem:$0x194C0] =	vst v0  }
0x88: {  	[tilespmem:$0x194D0] =	vst v0  }
0x89: {  	[tilespmem:$0x194E0] =	vst v0  }
0x8a: {  	[tilespmem:$0x194F0] =	vst v0  }
0x8b: {  	[tilespmem:$0x19500] =	vst v0  }
0x8c: {  	[tilespmem:$0x19510] =	vst v0  }
0x8d: {  	[tilespmem:$0x19520] =	vst v0  }
0x8e: {  	[tilespmem:$0x19530] =	vst v0  }
0x8f: {  	[tilespmem:$0x19540] =	vst v0  }
0x90: {  	[tilespmem:$0x19550] =	vst v0  }
0x91: {  	[tilespmem:$0x19560] =	vst v0  }
0x92: {  	[tilespmem:$0x19570] =	vst v0  }
0x93: {  	[tilespmem:$0x19580] =	vst v0  }
0x94: {  	[tilespmem:$0x19590] =	vst v0  }
0x95: {  	[tilespmem:$0x195A0] =	vst v0  }
0x96: {  	[tilespmem:$0x195B0] =	vst v0  }
0x97: {  	[tilespmem:$0x195C0] =	vst v0  }
0x98: {  	[tilespmem:$0x195D0] =	vst v0  }
0x99: {  	[tilespmem:$0x195E0] =	vst v0  }
0x9a: {  	[tilespmem:$0x195F0] =	vst v0  }
0x9b: {  	[tilespmem:$0x19600] =	vst v0  }
0x9c: {  	[tilespmem:$0x19610] =	vst v0  }
0x9d: {  	[tilespmem:$0x19620] =	vst v0  }
0x9e: {  	[tilespmem:$0x19630] =	vst v0  }
0x9f: {  	[tilespmem:$0x19640] =	vst v0  }
0xa0: {  	[tilespmem:$0x19650] =	vst v0  }
0xa1: {  	[tilespmem:$0x19660] =	vst v0  }
0xa2: {  	[tilespmem:$0x19670] =	vst v0  }
0xa3: {  	[tilespmem:$0x19680] =	vst v0  }
0xa4: {  	[tilespmem:$0x19690] =	vst v0  }
0xa5: {  	[tilespmem:$0x196A0] =	vst v0  }
0xa6: {  	[tilespmem:$0x196B0] =	vst v0  }
0xa7: {  	[tilespmem:$0x196C0] =	vst v0  }
0xa8: {  	[tilespmem:$0x196D0] =	vst v0  }
0xa9: {  	[tilespmem:$0x196E0] =	vst v0  }
0xaa: {  	[tilespmem:$0x196F0] =	vst v0  }
0xab: {  	[tilespmem:$0x19700] =	vst v0  }
0xac: {  	[tilespmem:$0x19710] =	vst v0  }
0xad: {  	[tilespmem:$0x19720] =	vst v0  }
0xae: {  	[tilespmem:$0x19730] =	vst v0  }
0xaf: {  	[tilespmem:$0x19740] =	vst v0  }
0xb0: {  	[tilespmem:$0x19750] =	vst v0  }
0xb1: {  	[tilespmem:$0x19760] =	vst v0  }
0xb2: {  	[tilespmem:$0x19770] =	vst v0  }
0xb3: {  	[tilespmem:$0x19780] =	vst v0  }
0xb4: {  	[tilespmem:$0x19790] =	vst v0  }
0xb5: {  	[tilespmem:$0x197A0] =	vst v0  }
0xb6: {  	[tilespmem:$0x197B0] =	vst v0  }
0xb7: {  	[tilespmem:$0x197C0] =	vst v0  }
0xb8: {  	[tilespmem:$0x197D0] =	vst v0  }
0xb9: {  	[tilespmem:$0x197E0] =	vst v0  }
0xba: {  	[tilespmem:$0x197F0] =	vst v0  }
0xbb: {  	[tilespmem:$0x19800] =	vst v0  }
0xbc: {  	[tilespmem:$0x19810] =	vst v0  }
0xbd: {  	[tilespmem:$0x19820] =	vst v0  }
0xbe: {  	[tilespmem:$0x19830] =	vst v0  }
0xbf: {  	[tilespmem:$0x19840] =	vst v0  }
0xc0: {  	[tilespmem:$0x19850] =	vst v0  }
0xc1: {  	[tilespmem:$0x19860] =	vst v0  }
0xc2: {  	[tilespmem:$0x19870] =	vst v0  }
0xc3: {  	[tilespmem:$0x19880] =	vst v0  }
0xc4: {  	[tilespmem:$0x19890] =	vst v0  }
0xc5: {  	[tilespmem:$0x198A0] =	vst v0  }
0xc6: {  	[tilespmem:$0x198B0] =	vst v0  }
0xc7: {  	[tilespmem:$0x198C0] =	vst v0  }
0xc8: {  	[tilespmem:$0x198D0] =	vst v0  }
0xc9: {  	[tilespmem:$0x198E0] =	vst v0  }
0xca: {  	[tilespmem:$0x198F0] =	vst v0  }
0xcb: {  	[tilespmem:$0x19900] =	vst v0  }
0xcc: {  	[tilespmem:$0x19910] =	vst v0  }
0xcd: {  	[tilespmem:$0x19920] =	vst v0  }
0xce: {  	[tilespmem:$0x19930] =	vst v0  }
0xcf: {  	[tilespmem:$0x19940] =	vst v0  }
0xd0: {  	[tilespmem:$0x19950] =	vst v0  }
0xd1: {  	[tilespmem:$0x19960] =	vst v0  }
0xd2: {  	[tilespmem:$0x19970] =	vst v0  }
0xd3: {  	[tilespmem:$0x19980] =	vst v0  }
0xd4: {  	[tilespmem:$0x19990] =	vst v0  }
0xd5: {  	[tilespmem:$0x199A0] =	vst v0  }
0xd6: {  	[tilespmem:$0x199B0] =	vst v0  }
0xd7: {  	[tilespmem:$0x199C0] =	vst v0  }
0xd8: {  	[tilespmem:$0x199D0] =	vst v0  }
0xd9: {  	[tilespmem:$0x199E0] =	vst v0  }
0xda: {  	[tilespmem:$0x199F0] =	vst v0  }
0xdb: {  	[tilespmem:$0x19A00] =	vst v0  }
0xdc: {  	[tilespmem:$0x19A10] =	vst v0  }
0xdd: {  	[tilespmem:$0x19A20] =	vst v0  }
0xde: {  	[tilespmem:$0x19A30] =	vst v0  }
0xdf: {  	[tilespmem:$0x19A40] =	vst v0  }
0xe0: {  	[tilespmem:$0x19A50] =	vst v0  }
0xe1: {  	[tilespmem:$0x19A60] =	vst v0  }
0xe2: {  	[tilespmem:$0x19A70] =	vst v0  }
0xe3: {  	[tilespmem:$0x19A80] =	vst v0  }
0xe4: {  	[tilespmem:$0x19A90] =	vst v0  }
0xe5: {  	[tilespmem:$0x19AA0] =	vst v0  }
0xe6: {  	[tilespmem:$0x19AB0] =	vst v0  }
0xe7: {  	[tilespmem:$0x19AC0] =	vst v0  }
0xe8: {  	[tilespmem:$0x19AD0] =	vst v0  }
0xe9: {  	[tilespmem:$0x19AE0] =	vst v0  }
0xea: {  	[tilespmem:$0x19AF0] =	vst v0  }
0xeb: {  	[tilespmem:$0x19B00] =	vst v0  }
0xec: {  	[tilespmem:$0x19B10] =	vst v0  }
0xed: {  	[tilespmem:$0x19B20] =	vst v0  }
0xee: {  	[tilespmem:$0x19B30] =	vst v0  }
0xef: {  	[tilespmem:$0x19B40] =	vst v0  }
0xf0: {  	[tilespmem:$0x19B50] =	vst v0  }
0xf1: {  	[tilespmem:$0x19B60] =	vst v0  }
0xf2: {  	[tilespmem:$0x19B70] =	vst v0  }
0xf3: {  	[tilespmem:$0x19B80] =	vst v0  }
0xf4: {  	[tilespmem:$0x19B90] =	vst v0  }
0xf5: {  	[tilespmem:$0x19BA0] =	vst v0  }
0xf6: {  	[tilespmem:$0x19BB0] =	vst v0  }
0xf7: {  	[tilespmem:$0x19BC0] =	vst v0  }
0xf8: {  	[tilespmem:$0x19BD0] =	vst v0  }
0xf9: {  	[tilespmem:$0x19BE0] =	vst v0  }
0xfa: {  	[tilespmem:$0x19BF0] =	vst v0  }
0xfb: {  	[tilespmem:$0x19C00] =	vst v0  }
0xfc: {  	[tilespmem:$0x19C10] =	vst v0  }
0xfd: {  	[tilespmem:$0x19C20] =	vst v0  }
0xfe: {  	[tilespmem:$0x19C30] =	vst v0  }
0xff: {  	[tilespmem:$0x19C40] =	vst v0  }
0x100: {  	[tilespmem:$0x19C50] =	vst v0  }
0x101: {  	[tilespmem:$0x19C60] =	vst v0  }
0x102: {  	s1 =	simm.s32 $0x19480;
	[tilespmem:$0x19C70] =	vst v0  }
0x103: {  	[spmem:s26] =	stream.linear.scatter [tilespmem:s1], [sflag:$0xE], $0x800, $0x38;
	[tilespmem:$0x1A480] =	vst v63  }
0x104: {  	_ =	swait.ge [sflag:s22], $0x800  }
0x105: {  	[sflag:s22] =	ssyncset.done $0x0  }
0x106: {  	[sflag:s22] =	ssyncadd.s32 $0xFFFFF800  }
0x107: {  	[bflag:$0x0] =	sbarrier.arrive $0xFFFF  }
0x108: {  	s25 =	rddreg [dreg:$0xb]  }
0x109: {  	s23 =	smov.u32 s26;
	s26 =	sld [smem:$0x7E6]  }
0x10a: {  	[tilespmem:s24], [sflag:$0x4] =	stream.linear.gather [hbm4b:s25+s3], $0x80, $0x38;
	[tilespmem:$0x1A480] =	vst v63  }
0x10b: {  	s1 =	simm.s32 $0xC400  }
0x10c: {  	[tilespmem:s1], [sflag:$0x4] =	stream.linear.gather [hbm4b:s26+s3], $0x4000, $0x38;
	[tilespmem:$0x1A480] =	vst v63  }
0x10d: {  	_ =	swait.ge [sflag:s4], $0x80  }
0x10e: {  	[sflag:s4] =	ssyncset.done $0x0  }
0x10f: {  	[sflag:s4] =	ssyncadd.s32 $0xFFFFFF80  }
0x110: {  	_ =	swait.ge [sflag:s4], $0x4000  }
0x111: {  	[sflag:s4] =	ssyncset.done $0x0  }
0x112: {  	s28 =	rddreg [dreg:$0xc];
	[sflag:s4] =	ssyncadd.s32 $0xFFFFC000  }
0x113: {  	[spmem:s2] =	stream.indirect.scatter.add.f32 [tilespmem:s30], [sflag:$0x7], $0x80, s3, s31, $0xb8;
	[tilespmem:$0x1A480] =	vst v63  }
0x114: {  	s25 =	sld [smem:$0x7E7]  }
0x115: {  	[tilespmem:s5], [sflag:$0x5] =	stream.linear.gather [hbm4b:s28+s3], $0x80, $0x38;
	[tilespmem:$0x1A480] =	vst v63  }
0x116: {  	_ = 	snop  }
0x117: {  	[tilespmem:s6], [sflag:$0x5] =	stream.linear.gather [hbm4b:s25+s3], $0x4000, $0x38;
	[tilespmem:$0x1A480] =	vst v63  }
0x118: {  	_ =	swait.ge [sflag:s7], $0x80  }
0x119: {  	[sflag:s7] =	ssyncset.done $0x0  }
0x11a: {  	[sflag:s7] =	ssyncadd.s32 $0xFFFFFF80  }
0x11b: {  	_ =	swait.ge [sflag:s7], $0x4000  }
0x11c: {  	[sflag:s7] =	ssyncset.done $0x0  }
0x11d: {  	s19 =	simm.s32 $0x4400;
	s26 =	rddreg [dreg:$0xd];
	[sflag:s7] =	ssyncadd.s32 $0xFFFFC000  }
0x11e: {  	[spmem:s2] =	stream.indirect.scatter.add.f32 [tilespmem:s19], [sflag:$0x8], $0x80, s31, s31, $0xb8;
	[tilespmem:$0x1A480] =	vst v63  }
0x11f: {  	s28 =	sld [smem:$0x7E8]  }
0x120: {  	[tilespmem:s8], [sflag:$0x6] =	stream.linear.gather [hbm4b:s26+s3], $0x80, $0x38;
	[tilespmem:$0x1A480] =	vst v63  }
0x121: {  	_ = 	snop  }
0x122: {  	[tilespmem:s9], [sflag:$0x6] =	stream.linear.gather [hbm4b:s28+s3], $0x4000, $0x38;
	[tilespmem:$0x1A480] =	vst v63  }
0x123: {  	_ =	swait.ge [sflag:s10], $0x80  }
0x124: {  	[sflag:s10] =	ssyncset.done $0x0  }
0x125: {  	[sflag:s10] =	ssyncadd.s32 $0xFFFFFF80  }
0x126: {  	_ =	swait.ge [sflag:s10], $0x4000  }
0x127: {  	[sflag:s10] =	ssyncset.done $0x0  }
0x128: {  	[sflag:s10] =	ssyncadd.s32 $0xFFFFC000  }
0x129: {  	[spmem:s2] =	stream.indirect.scatter.add.f32 [tilespmem:s21], [sflag:$0x9], $0x80, s20, s31, $0xb8;
	[tilespmem:$0x1A480] =	vst v63  }
0x12a: {  	_ =	swait.ge [sflag:s11], $0x4000  }
0x12b: {  	[sflag:s11] =	ssyncset.done $0x0  }
0x12c: {  	s25 =	simm.s32 @p1 $0x4;
	[sflag:s11] =	ssyncadd.s32 $0xFFFFC000  }
0x12d: {  	_ =	swait.ge @p1 [sflag:s25], $0x80  }
0x12e: {  	[sflag:s25] =	ssyncset.done @p1 $0x0  }
0x12f: {  	[sflag:s25] =	ssyncadd.s32 @p1 $0xFFFFFF80  }
0x130: {  	_ =	swait.ge @p1 [sflag:s25], $0x4000  }
0x131: {  	s17 =	simm.s32 @p1 $0xC400;
	[sflag:s25] =	ssyncset.done @p1 $0x0  }
0x132: {  	s28 =	simm.s32 @p1 $0x180;
	[sflag:s25] =	ssyncadd.s32 @p1 $0xFFFFC000;
	s25 =	simm.s32 @p1 $0x80  }
0x133: {  	[spmem:s2] =	stream.indirect.scatter.add.f32 @p1 [tilespmem:s17], [sflag:$0xA], $0x80, s28, s25, $0xb8;
	[tilespmem:$0x1A480] =	vst v63  }
0x134: {  	s17 =	simm.s32 @p1 $0x8  }
0x135: {  	_ =	swait.ge @p1 [sflag:s17], $0x4000  }
0x136: {  	[sflag:s17] =	ssyncset.done @p1 $0x0;
	s25 =	rddreg [dreg:$0xe]  }
0x137: {  	s26 =	sld [smem:$0x7E9];
	[sflag:s17] =	ssyncadd.s32 @p1 $0xFFFFC000;
	s17 =	simm.s32 @!p1 $0x0  }
0x138: {  	[tilespmem:s17], [sflag:$0x1] =	stream.linear.gather @!p1 [hbm4b:s25+s17], $0x80, $0x38;
	[tilespmem:$0x1A480] =	vst v63  }
0x139: {  	s25 =	simm.s32 @!p1 $0x400  }
0x13a: {  	[tilespmem:s25], [sflag:$0x1] =	stream.linear.gather @!p1 [hbm4b:s26+s17], $0x4000, $0x38;
	[tilespmem:$0x1A480] =	vst v63  }
0x13b: {  	s25 =	simm.s32 @!p1 $0x4  }
0x13c: {  	_ =	swait.ge @!p1 [sflag:s25], $0x80  }
0x13d: {  	[sflag:s25] =	ssyncset.done @!p1 $0x0  }
0x13e: {  	[sflag:s25] =	ssyncadd.s32 @!p1 $0xFFFFFF80  }
0x13f: {  	_ =	swait.ge @!p1 [sflag:s25], $0x4000  }
0x140: {  	s28 =	simm.s32 @!p1 $0x180;
	[sflag:s25] =	ssyncset.done @!p1 $0x0  }
0x141: {  	s26 =	simm.s32 @!p1 $0xC400;
	[sflag:s25] =	ssyncadd.s32 @!p1 $0xFFFFC000;
	s25 =	simm.s32 @!p1 $0x80  }
0x142: {  	[spmem:s2] =	stream.indirect.scatter.add.f32 @!p1 [tilespmem:s26], [sflag:$0xA], $0x80, s28, s25, $0xb8;
	[tilespmem:$0x1A480] =	vst v63  }
0x143: {  	s26 =	simm.s32 @!p1 $0x8  }
0x144: {  	_ =	swait.ge @!p1 [sflag:s26], $0x4000  }
0x145: {  	[sflag:s26] =	ssyncset.done @!p1 $0x0  }
0x146: {  	[sflag:s26] =	ssyncadd.s32 @!p1 $0xFFFFC000;
	s26 =	rddreg [dreg:$0xf]  }
0x147: {  	[tilespmem:s25], [sflag:$0x2] =	stream.linear.gather @!p1 [hbm4b:s26+s17], $0x80, $0x38;
	[tilespmem:$0x1A480] =	vst v63  }
0x148: {  	s26 =	sld [smem:$0x7EA];
	_ =	sdelay $0x1  }
0x149: {  	s25 =	simm.s32 @!p1 $0x4400  }
0x14a: {  	[tilespmem:s25], [sflag:$0x2] =	stream.linear.gather @!p1 [hbm4b:s26+s17], $0x4000, $0x38;
	[tilespmem:$0x1A480] =	vst v63  }
0x14b: {  	_ =	swait.ge [sflag:s12], $0x80  }
0x14c: {  	[sflag:s12] =	ssyncset.done $0x0  }
0x14d: {  	[sflag:s12] =	ssyncadd.s32 $0xFFFFFF80  }
0x14e: {  	_ =	swait.ge [sflag:s12], $0x4000  }
0x14f: {  	[sflag:s12] =	ssyncset.done $0x0  }
.Ltmp2:
0x150: {  	[sflag:s12] =	ssyncadd.s32 $0xFFFFC000;
	(pc) =	sbr.rel @p1 .LBB2_3-.Ltmp2, $4  }
0x151: {  	[spmem:s2] =	stream.indirect.scatter.add.f32 [tilespmem:s6], [sflag:$0xB], $0x80, s5, s31, $0xb8;
	[tilespmem:$0x1A480] =	vst v63  }
0x152: {  	_ =	swait.ge [sflag:s13], $0x4000  }
0x153: {  	[sflag:s13] =	ssyncset.done $0x0  }
0x154: {  	[sflag:s13] =	ssyncadd.s32 $0xFFFFC000  }
0x155: {  	s17 =	rddreg [dreg:$0x10]  }
0x156: {  	s28 =	sld [smem:$0x7EB]  }
0x157: {  	[tilespmem:s20], [sflag:$0x3] =	stream.linear.gather [hbm4b:s17+s3], $0x80, $0x38;
	[tilespmem:$0x1A480] =	vst v63  }
0x158: {  	_ = 	snop  }
0x159: {  	[tilespmem:s21], [sflag:$0x3] =	stream.linear.gather [hbm4b:s28+s3], $0x4000, $0x38;
	[tilespmem:$0x1A480] =	vst v63  }
0x15a: {  	_ =	swait.ge [sflag:s14], $0x80  }
0x15b: {  	[sflag:s14] =	ssyncset.done $0x0  }
0x15c: {  	[sflag:s14] =	ssyncadd.s32 $0xFFFFFF80  }
0x15d: {  	_ =	swait.ge [sflag:s14], $0x4000  }
0x15e: {  	[sflag:s14] =	ssyncset.done $0x0  }
0x15f: {  	[sflag:s14] =	ssyncadd.s32 $0xFFFFC000  }
0x160: {  	[spmem:s2] =	stream.indirect.scatter.add.f32 [tilespmem:s9], [sflag:$0xC], $0x80, s8, s31, $0xb8;
	[tilespmem:$0x1A480] =	vst v63  }
0x161: {  	_ =	swait.ge [sflag:s0], $0x4000  }
0x162: {  	[sflag:s0] =	ssyncset.done $0x0;
	s25 =	rddreg [dreg:$0x11]  }
0x163: {  	s26 =	sld [smem:$0x7EC];
	[sflag:s0] =	ssyncadd.s32 $0xFFFFC000  }
0x164: {  	[tilespmem:s24], [sflag:$0x4] =	stream.linear.gather [hbm4b:s25+s3], $0x80, $0x38;
	[tilespmem:$0x1A480] =	vst v63  }
0x165: {  	_ = 	snop  }
0x166: {  	[tilespmem:s1], [sflag:$0x4] =	stream.linear.gather [hbm4b:s26+s3], $0x4000, $0x38;
	[tilespmem:$0x1A480] =	vst v63  }
0x167: {  	_ =	swait.ge [sflag:s4], $0x80  }
0x168: {  	[sflag:s4] =	ssyncset.done $0x0  }
0x169: {  	[sflag:s4] =	ssyncadd.s32 $0xFFFFFF80  }
0x16a: {  	_ =	swait.ge [sflag:s4], $0x4000  }
0x16b: {  	[sflag:s4] =	ssyncset.done $0x0  }
0x16c: {  	[sflag:s4] =	ssyncadd.s32 $0xFFFFC000  }
0x16d: {  	[spmem:s2] =	stream.indirect.scatter.add.f32 [tilespmem:s30], [sflag:$0x7], $0x80, s3, s31, $0xb8;
	[tilespmem:$0x1A480] =	vst v63  }
0x16e: {  	_ =	swait.ge [sflag:s15], $0x4000  }
0x16f: {  	[sflag:s15] =	ssyncset.done $0x0;
	s28 =	rddreg [dreg:$0x12]  }
0x170: {  	s25 =	sld [smem:$0x7ED];
	[sflag:s15] =	ssyncadd.s32 $0xFFFFC000  }
0x171: {  	[tilespmem:s5], [sflag:$0x5] =	stream.linear.gather [hbm4b:s28+s3], $0x80, $0x38;
	[tilespmem:$0x1A480] =	vst v63  }
0x172: {  	_ = 	snop  }
0x173: {  	[tilespmem:s6], [sflag:$0x5] =	stream.linear.gather [hbm4b:s25+s3], $0x4000, $0x38;
	[tilespmem:$0x1A480] =	vst v63  }
0x174: {  	_ =	swait.ge [sflag:s7], $0x80  }
0x175: {  	[sflag:s7] =	ssyncset.done $0x0  }
0x176: {  	[sflag:s7] =	ssyncadd.s32 $0xFFFFFF80  }
0x177: {  	_ =	swait.ge [sflag:s7], $0x4000  }
0x178: {  	[sflag:s7] =	ssyncset.done $0x0  }
0x179: {  	[sflag:s7] =	ssyncadd.s32 $0xFFFFC000  }
0x17a: {  	[spmem:s2] =	stream.indirect.scatter.add.f32 [tilespmem:s19], [sflag:$0x8], $0x80, s31, s31, $0xb8;
	[tilespmem:$0x1A480] =	vst v63  }
0x17b: {  	_ =	swait.ge [sflag:s16], $0x4000  }
0x17c: {  	[sflag:s16] =	ssyncset.done $0x0;
	s26 =	rddreg [dreg:$0x13]  }
0x17d: {  	s28 =	sld [smem:$0x7EE];
	[sflag:s16] =	ssyncadd.s32 $0xFFFFC000  }
0x17e: {  	[tilespmem:s8], [sflag:$0x6] =	stream.linear.gather [hbm4b:s26+s3], $0x80, $0x38;
	[tilespmem:$0x1A480] =	vst v63  }
0x17f: {  	_ = 	snop  }
0x180: {  	[tilespmem:s9], [sflag:$0x6] =	stream.linear.gather [hbm4b:s28+s3], $0x4000, $0x38;
	[tilespmem:$0x1A480] =	vst v63  }
0x181: {  	_ =	swait.ge [sflag:s10], $0x80  }
0x182: {  	[sflag:s10] =	ssyncset.done $0x0  }
0x183: {  	[sflag:s10] =	ssyncadd.s32 $0xFFFFFF80  }
0x184: {  	_ =	swait.ge [sflag:s10], $0x4000  }
0x185: {  	[sflag:s10] =	ssyncset.done $0x0  }
0x186: {  	[sflag:s10] =	ssyncadd.s32 $0xFFFFC000  }
0x187: {  	[spmem:s2] =	stream.indirect.scatter.add.f32 [tilespmem:s21], [sflag:$0x9], $0x80, s20, s31, $0xb8;
	[tilespmem:$0x1A480] =	vst v63  }
0x188: {  	_ =	swait.ge [sflag:s11], $0x4000  }
0x189: {  	[sflag:s11] =	ssyncset.done $0x0;
	s25 =	rddreg [dreg:$0x14]  }
0x18a: {  	s26 =	sld [smem:$0x7EF];
	[sflag:s11] =	ssyncadd.s32 $0xFFFFC000  }
0x18b: {  	[tilespmem:s3], [sflag:$0x1] =	stream.linear.gather [hbm4b:s25+s3], $0x80, $0x38;
	[tilespmem:$0x1A480] =	vst v63  }
0x18c: {  	_ = 	snop  }
0x18d: {  	[tilespmem:s30], [sflag:$0x1] =	stream.linear.gather [hbm4b:s26+s3], $0x4000, $0x38;
	[tilespmem:$0x1A480] =	vst v63  }
0x18e: {  	_ =	swait.ge [sflag:s18], $0x80  }
0x18f: {  	[sflag:s18] =	ssyncset.done $0x0  }
0x190: {  	[sflag:s18] =	ssyncadd.s32 $0xFFFFFF80  }
0x191: {  	_ =	swait.ge [sflag:s18], $0x4000  }
0x192: {  	[sflag:s18] =	ssyncset.done $0x0  }
0x193: {  	s25 =	simm.s32 $0x8;
	[sflag:s18] =	ssyncadd.s32 $0xFFFFC000  }
0x194: {  	[spmem:s2] =	stream.indirect.scatter.add.f32 [tilespmem:s1], [sflag:$0xA], $0x80, s24, s31, $0xb8;
	[tilespmem:$0x1A480] =	vst v63  }
0x195: {  	_ =	swait.ge [sflag:s25], $0x4000  }
0x196: {  	[sflag:s25] =	ssyncset.done $0x0;
	s28 =	rddreg [dreg:$0x15]  }
0x197: {  	s26 =	sld [smem:$0x7F0];
	[sflag:s25] =	ssyncadd.s32 $0xFFFFC000  }
0x198: {  	[tilespmem:s31], [sflag:$0x2] =	stream.linear.gather [hbm4b:s28+s3], $0x80, $0x38;
	[tilespmem:$0x1A480] =	vst v63  }
0x199: {  	_ = 	snop  }
0x19a: {  	[tilespmem:s19], [sflag:$0x2] =	stream.linear.gather [hbm4b:s26+s3], $0x4000, $0x38;
	[tilespmem:$0x1A480] =	vst v63  }
0x19b: {  	_ =	swait.ge [sflag:s12], $0x80  }
0x19c: {  	[sflag:s12] =	ssyncset.done $0x0  }
0x19d: {  	[sflag:s12] =	ssyncadd.s32 $0xFFFFFF80  }
0x19e: {  	_ =	swait.ge [sflag:s12], $0x4000  }
0x19f: {  	[sflag:s12] =	ssyncset.done $0x0  }
0x1a0: {  	[sflag:s12] =	ssyncadd.s32 $0xFFFFC000  }
0x1a1: {  	[spmem:s2] =	stream.indirect.scatter.add.f32 [tilespmem:s6], [sflag:$0xB], $0x80, s5, s31, $0xb8;
	[tilespmem:$0x1A480] =	vst v63  }
0x1a2: {  	_ =	swait.ge [sflag:s13], $0x4000  }
0x1a3: {  	[sflag:s13] =	ssyncset.done $0x0;
	s28 =	rddreg [dreg:$0x16]  }
0x1a4: {  	s26 =	sld [smem:$0x7F1];
	[sflag:s13] =	ssyncadd.s32 $0xFFFFC000  }
0x1a5: {  	[tilespmem:s20], [sflag:$0x3] =	stream.linear.gather [hbm4b:s28+s3], $0x80, $0x38;
	[tilespmem:$0x1A480] =	vst v63  }
0x1a6: {  	_ = 	snop  }
0x1a7: {  	[tilespmem:s21], [sflag:$0x3] =	stream.linear.gather [hbm4b:s26+s3], $0x4000, $0x38;
	[tilespmem:$0x1A480] =	vst v63  }
0x1a8: {  	_ =	swait.ge [sflag:s14], $0x80  }
0x1a9: {  	[sflag:s14] =	ssyncset.done $0x0  }
0x1aa: {  	[sflag:s14] =	ssyncadd.s32 $0xFFFFFF80  }
0x1ab: {  	_ =	swait.ge [sflag:s14], $0x4000  }
0x1ac: {  	[sflag:s14] =	ssyncset.done $0x0  }
0x1ad: {  	[sflag:s14] =	ssyncadd.s32 $0xFFFFC000  }
0x1ae: {  	[spmem:s2] =	stream.indirect.scatter.add.f32 [tilespmem:s9], [sflag:$0xC], $0x80, s8, s31, $0xb8;
	[tilespmem:$0x1A480] =	vst v63  }
0x1af: {  	_ =	swait.ge [sflag:s0], $0x4000  }
0x1b0: {  	[sflag:s0] =	ssyncset.done $0x0;
	s28 =	rddreg [dreg:$0x17]  }
0x1b1: {  	s26 =	sld [smem:$0x7F2];
	[sflag:s0] =	ssyncadd.s32 $0xFFFFC000  }
0x1b2: {  	[tilespmem:s24], [sflag:$0x4] =	stream.linear.gather [hbm4b:s28+s3], $0x80, $0x38;
	[tilespmem:$0x1A480] =	vst v63  }
0x1b3: {  	_ = 	snop  }
0x1b4: {  	[tilespmem:s1], [sflag:$0x4] =	stream.linear.gather [hbm4b:s26+s3], $0x4000, $0x38;
	[tilespmem:$0x1A480] =	vst v63  }
0x1b5: {  	_ =	swait.ge [sflag:s4], $0x80  }
0x1b6: {  	[sflag:s4] =	ssyncset.done $0x0  }
0x1b7: {  	[sflag:s4] =	ssyncadd.s32 $0xFFFFFF80  }
0x1b8: {  	_ =	swait.ge [sflag:s4], $0x4000  }
0x1b9: {  	[sflag:s4] =	ssyncset.done $0x0  }
0x1ba: {  	[sflag:s4] =	ssyncadd.s32 $0xFFFFC000  }
0x1bb: {  	[spmem:s2] =	stream.indirect.scatter.add.f32 [tilespmem:s30], [sflag:$0x7], $0x80, s3, s31, $0xb8;
	[tilespmem:$0x1A480] =	vst v63  }
0x1bc: {  	_ =	swait.ge [sflag:s15], $0x4000  }
0x1bd: {  	[sflag:s15] =	ssyncset.done $0x0;
	s28 =	rddreg [dreg:$0x18]  }
0x1be: {  	s26 =	sld [smem:$0x7F3];
	[sflag:s15] =	ssyncadd.s32 $0xFFFFC000  }
0x1bf: {  	[tilespmem:s5], [sflag:$0x5] =	stream.linear.gather [hbm4b:s28+s3], $0x80, $0x38;
	[tilespmem:$0x1A480] =	vst v63  }
0x1c0: {  	_ = 	snop  }
0x1c1: {  	[tilespmem:s6], [sflag:$0x5] =	stream.linear.gather [hbm4b:s26+s3], $0x4000, $0x38;
	[tilespmem:$0x1A480] =	vst v63  }
0x1c2: {  	_ =	swait.ge [sflag:s7], $0x80  }
0x1c3: {  	[sflag:s7] =	ssyncset.done $0x0  }
0x1c4: {  	[sflag:s7] =	ssyncadd.s32 $0xFFFFFF80  }
0x1c5: {  	_ =	swait.ge [sflag:s7], $0x4000  }
0x1c6: {  	[sflag:s7] =	ssyncset.done $0x0  }
0x1c7: {  	[sflag:s7] =	ssyncadd.s32 $0xFFFFC000  }
0x1c8: {  	[spmem:s2] =	stream.indirect.scatter.add.f32 [tilespmem:s19], [sflag:$0x8], $0x80, s31, s31, $0xb8;
	[tilespmem:$0x1A480] =	vst v63  }
0x1c9: {  	_ =	swait.ge [sflag:s16], $0x4000  }
0x1ca: {  	[sflag:s16] =	ssyncset.done $0x0;
	s28 =	rddreg [dreg:$0x19]  }
0x1cb: {  	s26 =	sld [smem:$0x7F4];
	[sflag:s16] =	ssyncadd.s32 $0xFFFFC000  }
0x1cc: {  	[tilespmem:s8], [sflag:$0x6] =	stream.linear.gather [hbm4b:s28+s3], $0x80, $0x38;
	[tilespmem:$0x1A480] =	vst v63  }
0x1cd: {  	_ = 	snop  }
0x1ce: {  	[tilespmem:s9], [sflag:$0x6] =	stream.linear.gather [hbm4b:s26+s3], $0x4000, $0x38;
	[tilespmem:$0x1A480] =	vst v63  }
0x1cf: {  	_ =	swait.ge [sflag:s10], $0x80  }
0x1d0: {  	[sflag:s10] =	ssyncset.done $0x0  }
0x1d1: {  	[sflag:s10] =	ssyncadd.s32 $0xFFFFFF80  }
0x1d2: {  	_ =	swait.ge [sflag:s10], $0x4000  }
0x1d3: {  	[sflag:s10] =	ssyncset.done $0x0  }
0x1d4: {  	[sflag:s10] =	ssyncadd.s32 $0xFFFFC000  }
0x1d5: {  	[spmem:s2] =	stream.indirect.scatter.add.f32 [tilespmem:s21], [sflag:$0x9], $0x80, s20, s31, $0xb8;
	[tilespmem:$0x1A480] =	vst v63  }
0x1d6: {  	_ =	swait.ge [sflag:s11], $0x4000  }
0x1d7: {  	[sflag:s11] =	ssyncset.done $0x0;
	s28 =	rddreg [dreg:$0x1a]  }
0x1d8: {  	s26 =	sld [smem:$0x7F5];
	[sflag:s11] =	ssyncadd.s32 $0xFFFFC000  }
0x1d9: {  	[tilespmem:s3], [sflag:$0x1] =	stream.linear.gather [hbm4b:s28+s3], $0x80, $0x38;
	[tilespmem:$0x1A480] =	vst v63  }
0x1da: {  	_ = 	snop  }
0x1db: {  	[tilespmem:s30], [sflag:$0x1] =	stream.linear.gather [hbm4b:s26+s3], $0x4000, $0x38;
	[tilespmem:$0x1A480] =	vst v63  }
0x1dc: {  	_ =	swait.ge [sflag:s18], $0x80  }
0x1dd: {  	[sflag:s18] =	ssyncset.done $0x0  }
0x1de: {  	[sflag:s18] =	ssyncadd.s32 $0xFFFFFF80  }
0x1df: {  	_ =	swait.ge [sflag:s18], $0x4000  }
0x1e0: {  	[sflag:s18] =	ssyncset.done $0x0  }
0x1e1: {  	[sflag:s18] =	ssyncadd.s32 $0xFFFFC000  }
0x1e2: {  	[spmem:s2] =	stream.indirect.scatter.add.f32 [tilespmem:s1], [sflag:$0xA], $0x80, s24, s31, $0xb8;
	[tilespmem:$0x1A480] =	vst v63  }
0x1e3: {  	_ =	swait.ge [sflag:s25], $0x4000  }
0x1e4: {  	[sflag:s25] =	ssyncset.done $0x0;
	s28 =	rddreg [dreg:$0x1b]  }
0x1e5: {  	s26 =	sld [smem:$0x7F6];
	[sflag:s25] =	ssyncadd.s32 $0xFFFFC000  }
0x1e6: {  	[tilespmem:s31], [sflag:$0x2] =	stream.linear.gather [hbm4b:s28+s3], $0x80, $0x38;
	[tilespmem:$0x1A480] =	vst v63  }
0x1e7: {  	_ = 	snop  }
0x1e8: {  	[tilespmem:s19], [sflag:$0x2] =	stream.linear.gather [hbm4b:s26+s3], $0x4000, $0x38;
	[tilespmem:$0x1A480] =	vst v63  }
0x1e9: {  	_ =	swait.ge [sflag:s12], $0x80  }
0x1ea: {  	[sflag:s12] =	ssyncset.done $0x0  }
0x1eb: {  	[sflag:s12] =	ssyncadd.s32 $0xFFFFFF80  }
0x1ec: {  	_ =	swait.ge [sflag:s12], $0x4000  }
0x1ed: {  	[sflag:s12] =	ssyncset.done $0x0  }
0x1ee: {  	[sflag:s12] =	ssyncadd.s32 $0xFFFFC000  }
0x1ef: {  	[spmem:s2] =	stream.indirect.scatter.add.f32 [tilespmem:s6], [sflag:$0xB], $0x80, s5, s31, $0xb8;
	[tilespmem:$0x1A480] =	vst v63  }
0x1f0: {  	_ =	swait.ge [sflag:s13], $0x4000  }
0x1f1: {  	[sflag:s13] =	ssyncset.done $0x0;
	s28 =	rddreg [dreg:$0x1c]  }
0x1f2: {  	s26 =	sld [smem:$0x7F7];
	[sflag:s13] =	ssyncadd.s32 $0xFFFFC000  }
0x1f3: {  	[tilespmem:s20], [sflag:$0x3] =	stream.linear.gather [hbm4b:s28+s3], $0x80, $0x38;
	[tilespmem:$0x1A480] =	vst v63  }
0x1f4: {  	_ = 	snop  }
0x1f5: {  	[tilespmem:s21], [sflag:$0x3] =	stream.linear.gather [hbm4b:s26+s3], $0x4000, $0x38;
	[tilespmem:$0x1A480] =	vst v63  }
0x1f6: {  	_ =	swait.ge [sflag:s14], $0x80  }
0x1f7: {  	[sflag:s14] =	ssyncset.done $0x0  }
0x1f8: {  	[sflag:s14] =	ssyncadd.s32 $0xFFFFFF80  }
0x1f9: {  	_ =	swait.ge [sflag:s14], $0x4000  }
0x1fa: {  	[sflag:s14] =	ssyncset.done $0x0  }
0x1fb: {  	[sflag:s14] =	ssyncadd.s32 $0xFFFFC000  }
0x1fc: {  	[spmem:s2] =	stream.indirect.scatter.add.f32 [tilespmem:s9], [sflag:$0xC], $0x80, s8, s31, $0xb8;
	[tilespmem:$0x1A480] =	vst v63  }
0x1fd: {  	_ =	swait.ge [sflag:s0], $0x4000  }
0x1fe: {  	[sflag:s0] =	ssyncset.done $0x0;
	s28 =	rddreg [dreg:$0x1d]  }
0x1ff: {  	s26 =	sld [smem:$0x7F8];
	[sflag:s0] =	ssyncadd.s32 $0xFFFFC000  }
0x200: {  	[tilespmem:s24], [sflag:$0x4] =	stream.linear.gather [hbm4b:s28+s3], $0x80, $0x38;
	[tilespmem:$0x1A480] =	vst v63  }
0x201: {  	_ = 	snop  }
0x202: {  	[tilespmem:s1], [sflag:$0x4] =	stream.linear.gather [hbm4b:s26+s3], $0x4000, $0x38;
	[tilespmem:$0x1A480] =	vst v63  }
0x203: {  	_ =	swait.ge [sflag:s4], $0x80  }
0x204: {  	[sflag:s4] =	ssyncset.done $0x0  }
0x205: {  	[sflag:s4] =	ssyncadd.s32 $0xFFFFFF80  }
0x206: {  	_ =	swait.ge [sflag:s4], $0x4000  }
0x207: {  	[sflag:s4] =	ssyncset.done $0x0  }
0x208: {  	[sflag:s4] =	ssyncadd.s32 $0xFFFFC000  }
0x209: {  	[spmem:s2] =	stream.indirect.scatter.add.f32 [tilespmem:s30], [sflag:$0x7], $0x80, s3, s31, $0xb8;
	[tilespmem:$0x1A480] =	vst v63  }
0x20a: {  	_ =	swait.ge [sflag:s15], $0x4000  }
0x20b: {  	[sflag:s15] =	ssyncset.done $0x0;
	s28 =	rddreg [dreg:$0x1e]  }
0x20c: {  	s26 =	sld [smem:$0x7F9];
	[sflag:s15] =	ssyncadd.s32 $0xFFFFC000  }
0x20d: {  	[tilespmem:s5], [sflag:$0x5] =	stream.linear.gather [hbm4b:s28+s3], $0x80, $0x38;
	[tilespmem:$0x1A480] =	vst v63  }
0x20e: {  	_ = 	snop  }
0x20f: {  	[tilespmem:s6], [sflag:$0x5] =	stream.linear.gather [hbm4b:s26+s3], $0x4000, $0x38;
	[tilespmem:$0x1A480] =	vst v63  }
0x210: {  	_ =	swait.ge [sflag:s7], $0x80  }
0x211: {  	[sflag:s7] =	ssyncset.done $0x0  }
0x212: {  	[sflag:s7] =	ssyncadd.s32 $0xFFFFFF80  }
0x213: {  	_ =	swait.ge [sflag:s7], $0x4000  }
0x214: {  	[sflag:s7] =	ssyncset.done $0x0  }
0x215: {  	[sflag:s7] =	ssyncadd.s32 $0xFFFFC000  }
0x216: {  	[spmem:s2] =	stream.indirect.scatter.add.f32 [tilespmem:s19], [sflag:$0x8], $0x80, s31, s31, $0xb8;
	[tilespmem:$0x1A480] =	vst v63  }
0x217: {  	_ =	swait.ge [sflag:s16], $0x4000  }
0x218: {  	[sflag:s16] =	ssyncset.done $0x0;
	s28 =	rddreg [dreg:$0x1f]  }
0x219: {  	s19 =	sld [smem:$0x7FA];
	[sflag:s16] =	ssyncadd.s32 $0xFFFFC000  }
0x21a: {  	[tilespmem:s8], [sflag:$0x6] =	stream.linear.gather [hbm4b:s28+s3], $0x80, $0x38;
	[tilespmem:$0x1A480] =	vst v63  }
0x21b: {  	_ = 	snop  }
0x21c: {  	[tilespmem:s9], [sflag:$0x6] =	stream.linear.gather [hbm4b:s19+s3], $0x4000, $0x38;
	[tilespmem:$0x1A480] =	vst v63  }
0x21d: {  	_ =	swait.ge [sflag:s10], $0x80  }
0x21e: {  	[sflag:s10] =	ssyncset.done $0x0  }
0x21f: {  	[sflag:s10] =	ssyncadd.s32 $0xFFFFFF80  }
0x220: {  	_ =	swait.ge [sflag:s10], $0x4000  }
0x221: {  	[sflag:s10] =	ssyncset.done $0x0  }
0x222: {  	[sflag:s10] =	ssyncadd.s32 $0xFFFFC000  }
0x223: {  	[spmem:s2] =	stream.indirect.scatter.add.f32 [tilespmem:s21], [sflag:$0x9], $0x80, s20, s31, $0xb8;
	[tilespmem:$0x1A480] =	vst v63  }
0x224: {  	_ =	swait.ge [sflag:s11], $0x4000  }
0x225: {  	s26 =	sld [smem:$0x7E4]  }
0x226: {  	[sflag:s11] =	ssyncset.done $0x0  }
0x227: {  	s28 =	sld [smem:$0x7FB];
	[sflag:s11] =	ssyncadd.s32 $0xFFFFC000  }
0x228: {  	[tilespmem:s3], [sflag:$0x1] =	stream.linear.gather [hbm4b:s26+s3], $0x80, $0x38;
	[tilespmem:$0x1A480] =	vst v63  }
0x229: {  	_ = 	snop  }
0x22a: {  	[tilespmem:s30], [sflag:$0x1] =	stream.linear.gather [hbm4b:s28+s3], $0x4000, $0x38;
	[tilespmem:$0x1A480] =	vst v63  }
0x22b: {  	_ =	swait.ge [sflag:s18], $0x80  }
0x22c: {  	[sflag:s18] =	ssyncset.done $0x0  }
0x22d: {  	[sflag:s18] =	ssyncadd.s32 $0xFFFFFF80  }
0x22e: {  	_ =	swait.ge [sflag:s18], $0x4000  }
0x22f: {  	[sflag:s18] =	ssyncset.done $0x0  }
0x230: {  	[sflag:s18] =	ssyncadd.s32 $0xFFFFC000  }
0x231: {  	[spmem:s2] =	stream.indirect.scatter.add.f32 [tilespmem:s1], [sflag:$0xA], $0x80, s24, s31, $0xb8;
	[tilespmem:$0x1A480] =	vst v63  }
0x232: {  	_ =	swait.ge [sflag:s12], $0x80  }
0x233: {  	[sflag:s12] =	ssyncset.done $0x0  }
0x234: {  	[sflag:s12] =	ssyncadd.s32 $0xFFFFFF80  }
0x235: {  	_ =	swait.ge [sflag:s12], $0x4000  }
0x236: {  	[sflag:s12] =	ssyncset.done $0x0  }
0x237: {  	[sflag:s12] =	ssyncadd.s32 $0xFFFFC000  }
0x238: {  	[spmem:s2] =	stream.indirect.scatter.add.f32 [tilespmem:s6], [sflag:$0xB], $0x80, s5, s31, $0xb8;
	[tilespmem:$0x1A480] =	vst v63  }
0x239: {  	_ =	swait.ge [sflag:s14], $0x80  }
0x23a: {  	[sflag:s14] =	ssyncset.done $0x0  }
0x23b: {  	[sflag:s14] =	ssyncadd.s32 $0xFFFFFF80  }
0x23c: {  	_ =	swait.ge [sflag:s14], $0x4000  }
0x23d: {  	[sflag:s14] =	ssyncset.done $0x0  }
0x23e: {  	[sflag:s14] =	ssyncadd.s32 $0xFFFFC000  }
0x23f: {  	[spmem:s2] =	stream.indirect.scatter.add.f32 [tilespmem:s9], [sflag:$0xC], $0x80, s8, s31, $0xb8;
	[tilespmem:$0x1A480] =	vst v63  }
0x240: {  	_ =	swait.ge [sflag:s4], $0x80  }
0x241: {  	[sflag:s4] =	ssyncset.done $0x0  }
0x242: {  	[sflag:s4] =	ssyncadd.s32 $0xFFFFFF80  }
0x243: {  	_ =	swait.ge [sflag:s4], $0x4000  }
0x244: {  	[sflag:s4] =	ssyncset.done $0x0  }
0x245: {  	[sflag:s4] =	ssyncadd.s32 $0xFFFFC000  }
0x246: {  	[spmem:s2] =	stream.indirect.scatter.add.f32 [tilespmem:s30], [sflag:$0x7], $0x80, s3, s31, $0xb8;
	[tilespmem:$0x1A480] =	vst v63  }
0x247: {  	_ =	swait.ge [sflag:s25], $0x4000  }
0x248: {  	[sflag:s25] =	ssyncset.done $0x0  }
0x249: {  	[sflag:s25] =	ssyncadd.s32 $0xFFFFC000  }
0x24a: {  	_ =	swait.ge [sflag:s13], $0x4000  }
0x24b: {  	[sflag:s13] =	ssyncset.done $0x0  }
0x24c: {  	[sflag:s13] =	ssyncadd.s32 $0xFFFFC000  }
0x24d: {  	_ =	swait.ge [sflag:s0], $0x4000  }
0x24e: {  	[sflag:s0] =	ssyncset.done $0x0  }
0x24f: {  	[sflag:s0] =	ssyncadd.s32 $0xFFFFC000  }
0x250: {  	_ =	swait.ge [sflag:s15], $0x4000  }
0x251: {  	[sflag:s15] =	ssyncset.done $0x0  }
0x252: {  	[sflag:s15] =	ssyncadd.s32 $0xFFFFC000  }
0x253: {  	_ =	swait.ge [sflag:s16], $0x4000  }
.Ltmp3:
0x254: {  	[sflag:s16] =	ssyncset.done $0x0;
	(pc) =	sbr.rel .LBB2_4-.Ltmp3, $4  }
0x255: {  	[sflag:s16] =	ssyncadd.s32 $0xFFFFC000  }
0x256: {  	_ =	swait.ge [sflag:s11], $0x4000  }
0x257: {  	[sflag:s11] =	ssyncset.done $0x0  }
0x258: {  	s1 =	simm.s32 $0x4400;
	[sflag:s11] =	ssyncadd.s32 $0xFFFFC000  }
.LBB2_5:
0x259: {  	_ =	sfence.sel $0x180000  }
0x25a: {  	[bflag:$0x0] =	sbarrier.arrive $0xFFFF  }
0x25b: {  	_ =	strace $0x90000047  }
0x25c: {  	s0 =	stileid.u32;
	[bflag:$0x2] =	sbarrier.arrive $0xFFFF  }
0x25d: {  	p0 =	sne.s32 s0, $0x0;
	s0 =	rddreg [dreg:$0x4]  }
0x25e: {  	s0 =	sadd.s32 @!p0 $0x100000, s0  }
0x25f: {  	[sflag:s0] =	ssyncadd.tile.s32 @!p0 $0x1;
	_ =	shalt  }
.Lfunc_end2:
_tile_overlayer_lowered:
.L_overlay_start_2:
0x260: {  	(tag) =	ssettag $0x2  }
0x261: {  	s0 =	rddreg [dreg:$0x0];
	s2 =	stileid.u32  }
0x262: {  	s1 =	rddreg [dreg:$0x1];
	p0 =	sne.s32 s2, $0x0  }
0x263: {  	s3 =	rddreg [dreg:$0x2];
	[bflag:$0x3] =	sbarrier.arrive $0xFFFF;
	s2 =	simm.s32 @!p0 $0x1C0E  }
0x264: {  	[timem:s3], [sflag:s2] =	dma.local @!p0 [hbm:s0], s1  }
0x265: {  	s0 =	simm.s32 @!p0 $0xE  }
0x266: {  	_ =	swait.ge @!p0 [sflag:s0], s1  }
0x267: {  	s1 =	ssub.s32 @!p0 $0x0, s1;
	[sflag:s0] =	ssyncset.done @!p0 $0x0  }
0x268: {  	[sflag:s0] =	ssyncadd.s32 @!p0 s1  }
0x269: {  	[bflag:$0x3] =	sbarrier.arrive $0xFFFF  }
0x26a: {  	_ =	shalt  }

</sc_bundles>
